<compile_context>
chip_gen: v7x
topology: tpu7x:2x2x1
jax: 0.10.2.dev20260603
libtpu: 0.0.44.dev20260713+nightly
codegen_flags: <defaults>
</compile_context>

<pallas_src>
import functools

import jax
import jax.numpy as jnp
from jax import lax
from jax.experimental import pallas as pl
from jax.experimental.pallas import tpu as pltpu
from jax.experimental.pallas import tpu_sc as plsc

N_NODES = 10000
N_PAD = 10240
N_EDGES = 320000
N_GRAPHS = 64
BN_EPS = 1e-5

NT = 16
K_EDGE = 128
G_CH = 16
RPT = N_PAD // NT
ROW_CH = 128
N_RCH = RPT // ROW_CH


def _nch(per):
    n = -(-per // K_EDGE)
    return n + (-n) % G_CH


def _sc_phases(table_init, table_gather, out, src3, dst3, t,
               srcb, dstb, rows, acc, gsems, s, nch):
    row0 = s * RPT

    def stage(k, carry):
        r = row0 + k * ROW_CH
        pltpu.sync_copy(table_init.at[pl.ds(r, ROW_CH)],
                        acc.at[pl.ds(r, ROW_CH)])
        return carry
    lax.fori_loop(0, N_RCH, stage, 0)
    plsc.subcore_barrier()

    def fire_g(l, b):
        pltpu.async_copy(table_gather.at[srcb.at[l]], rows[b], gsems[b])

    def wait_g(b):
        pltpu.make_async_copy(table_gather.at[srcb.at[0]], rows[b],
                              gsems[b]).wait()

    def scat(l, b):
        pltpu.sync_copy(rows[b], acc.at[dstb.at[l]], add=True)

    def group(g, carry):
        pltpu.sync_copy(src3.at[t, pl.ds(g * G_CH, G_CH)], srcb)
        pltpu.sync_copy(dst3.at[t, pl.ds(g * G_CH, G_CH)], dstb)
        fire_g(0, 0)

        def duo(i, c2):
            l0 = 2 * i
            wait_g(0)
            fire_g(l0 + 1, 1)
            scat(l0, 0)
            wait_g(1)
            fire_g(l0 + 2, 0)
            scat(l0 + 1, 1)
            return c2
        lax.fori_loop(0, G_CH // 2 - 1, duo, 0)
        wait_g(0)
        fire_g(G_CH - 1, 1)
        scat(G_CH - 2, 0)
        wait_g(1)
        scat(G_CH - 1, 1)
        return carry
    lax.fori_loop(0, nch // G_CH, group, 0)
    plsc.subcore_barrier()

    def wout(k, carry):
        r = row0 + k * ROW_CH
        pltpu.sync_copy(acc.at[pl.ds(r, ROW_CH)], out.at[pl.ds(r, ROW_CH)])
        return carry
    lax.fori_loop(0, N_RCH, wout, 0)


def _make_sc_aggr_edgesplit(n, d, e):
    per_tile = e // (2 * NT)
    nch = _nch(per_tile)

    mesh = plsc.VectorSubcoreMesh(core_axis_name="c", subcore_axis_name="s")

    @functools.partial(
        pl.kernel,
        out_type=(jax.ShapeDtypeStruct((n, d), jnp.float32),
                  jax.ShapeDtypeStruct((n, d), jnp.float32)),
        mesh=mesh,
        scratch_types=[
            pltpu.VMEM((G_CH, K_EDGE), jnp.int32),
            pltpu.VMEM((G_CH, K_EDGE), jnp.int32),
            [pltpu.VMEM((K_EDGE, d), jnp.float32)] * 2,
            pltpu.VMEM_SHARED((N_PAD, d), jnp.float32),
            [pltpu.SemaphoreType.DMA] * 2,
        ],
    )
    def aggr(table, zeros, src3, dst3, out_a, out_b,
             srcb, dstb, rows, acc, gsems):
        c = lax.axis_index("c")
        s = lax.axis_index("s")
        wid = c * NT + s

        @pl.when(c == 0)
        def _():
            _sc_phases(table, table, out_a, src3, dst3, wid,
                       srcb, dstb, rows, acc, gsems, s, nch)

        @pl.when(c == 1)
        def _():
            _sc_phases(zeros, table, out_b, src3, dst3, wid,
                       srcb, dstb, rows, acc, gsems, s, nch)

    return aggr


def _make_sc_aggr_featsplit(n, d, e):
    per_tile = e // NT
    nch = _nch(per_tile)

    mesh = plsc.VectorSubcoreMesh(core_axis_name="c", subcore_axis_name="s")

    @functools.partial(
        pl.kernel,
        out_type=(jax.ShapeDtypeStruct((n, d), jnp.float32),
                  jax.ShapeDtypeStruct((n, d), jnp.float32)),
        mesh=mesh,
        scratch_types=[
            pltpu.VMEM((G_CH, K_EDGE), jnp.int32),
            pltpu.VMEM((G_CH, K_EDGE), jnp.int32),
            [pltpu.VMEM((K_EDGE, d), jnp.float32)] * 2,
            pltpu.VMEM_SHARED((N_PAD, d), jnp.float32),
            [pltpu.SemaphoreType.DMA] * 2,
        ],
    )
    def aggr(tlo, thi, src3, dst3, out_lo, out_hi,
             srcb, dstb, rows, acc, gsems):
        c = lax.axis_index("c")
        s = lax.axis_index("s")

        @pl.when(c == 0)
        def _():
            _sc_phases(tlo, tlo, out_lo, src3, dst3, s,
                       srcb, dstb, rows, acc, gsems, s, nch)

        @pl.when(c == 1)
        def _():
            _sc_phases(thi, thi, out_hi, src3, dst3, s,
                       srcb, dstb, rows, acc, gsems, s, nch)

    return aggr


_R = 512


def _mlp0_body(za, zb, w1, b1, w2, b2, olo, ohi):
    z = za[...] + zb[...]
    t = jnp.dot(z, w1[...], preferred_element_type=jnp.float32) + b1[...]
    t = jnp.maximum(t, 0.0)
    h = jnp.dot(t, w2[...], preferred_element_type=jnp.float32) + b2[...]
    h = jnp.maximum(h, 0.0)
    olo[...] = h[:, :128]
    ohi[...] = h[:, 128:]


def _tc_mlp0(z_a, z_b, w1, b1, w2, b2):
    n = z_a.shape[0]
    grid = n // _R
    return pl.pallas_call(
        _mlp0_body,
        grid=(grid,),
        in_specs=[
            pl.BlockSpec((_R, 128), lambda i: (i, 0)),
            pl.BlockSpec((_R, 128), lambda i: (i, 0)),
            pl.BlockSpec((128, 256), lambda i: (0, 0)),
            pl.BlockSpec((1, 256), lambda i: (0, 0)),
            pl.BlockSpec((256, 256), lambda i: (0, 0)),
            pl.BlockSpec((1, 256), lambda i: (0, 0)),
        ],
        out_specs=[
            pl.BlockSpec((_R, 128), lambda i: (i, 0)),
            pl.BlockSpec((_R, 128), lambda i: (i, 0)),
        ],
        out_shape=[
            jax.ShapeDtypeStruct((n, 128), jnp.float32),
            jax.ShapeDtypeStruct((n, 128), jnp.float32),
        ],
    )(z_a, z_b, w1, b1, w2, b2)


def _mlp1_pool_body(x, h1lo, h1hi, z1lo, z1hi, bvec, w1lo, w1hi, b1, w2, b2,
                    l0w, l1w, l2w, bsum, out, p0, p1, p2):
    i = pl.program_id(0)
    nb = pl.num_programs(0)

    @pl.when(i == 0)
    def _():
        p0[...] = jnp.zeros_like(p0)
        p1[...] = jnp.zeros_like(p1)
        p2[...] = jnp.zeros_like(p2)

    t = (jnp.dot(z1lo[...], w1lo[...], preferred_element_type=jnp.float32)
         + jnp.dot(z1hi[...], w1hi[...], preferred_element_type=jnp.float32)
         + b1[...])
    t = jnp.maximum(t, 0.0)
    h2 = jnp.dot(t, w2[...], preferred_element_type=jnp.float32) + b2[...]
    h2 = jnp.maximum(h2, 0.0)

    b = bvec[0, 0, :]
    pm = (b[None, :] == lax.broadcasted_iota(jnp.int32, (N_GRAPHS, _R), 0)
          ).astype(jnp.float32)
    h1 = jnp.concatenate([h1lo[...], h1hi[...]], axis=1)
    p0[...] += jnp.dot(pm, x[...], preferred_element_type=jnp.float32)
    p1[...] += jnp.dot(pm, h1, preferred_element_type=jnp.float32)
    p2[...] += jnp.dot(pm, h2, preferred_element_type=jnp.float32)

    @pl.when(i == nb - 1)
    def _():
        out[...] = (
            jnp.dot(p0[...], l0w[...], preferred_element_type=jnp.float32)
            + jnp.dot(p1[...], l1w[...], preferred_element_type=jnp.float32)
            + jnp.dot(p2[...], l2w[...], preferred_element_type=jnp.float32)
            + bsum[...])


def _tc_mlp1_pool(x, h1lo, h1hi, z1lo, z1hi, batch3, w1lo, w1hi, b1, w2, b2,
                  l0w, l1w, l2w, bsum):
    n = x.shape[0]
    grid = n // _R
    return pl.pallas_call(
        _mlp1_pool_body,
        grid=(grid,),
        in_specs=[
            pl.BlockSpec((_R, 128), lambda i: (i, 0)),
            pl.BlockSpec((_R, 128), lambda i: (i, 0)),
            pl.BlockSpec((_R, 128), lambda i: (i, 0)),
            pl.BlockSpec((_R, 128), lambda i: (i, 0)),
            pl.BlockSpec((_R, 128), lambda i: (i, 0)),
            pl.BlockSpec((1, 1, _R), lambda i: (i, 0, 0)),
            pl.BlockSpec((128, 256), lambda i: (0, 0)),
            pl.BlockSpec((128, 256), lambda i: (0, 0)),
            pl.BlockSpec((1, 256), lambda i: (0, 0)),
            pl.BlockSpec((256, 256), lambda i: (0, 0)),
            pl.BlockSpec((1, 256), lambda i: (0, 0)),
            pl.BlockSpec((128, 128), lambda i: (0, 0)),
            pl.BlockSpec((256, 128), lambda i: (0, 0)),
            pl.BlockSpec((256, 128), lambda i: (0, 0)),
            pl.BlockSpec((1, 128), lambda i: (0, 0)),
        ],
        out_specs=pl.BlockSpec((N_GRAPHS, 128), lambda i: (0, 0)),
        out_shape=jax.ShapeDtypeStruct((N_GRAPHS, 128), jnp.float32),
        scratch_shapes=[
            pltpu.VMEM((N_GRAPHS, 128), jnp.float32),
            pltpu.VMEM((N_GRAPHS, 256), jnp.float32),
            pltpu.VMEM((N_GRAPHS, 256), jnp.float32),
        ],
        compiler_params=pltpu.CompilerParams(
            dimension_semantics=("arbitrary",)),
    )(x, h1lo, h1hi, z1lo, z1hi, batch3, w1lo, w1hi, b1, w2, b2,
      l0w, l1w, l2w, bsum)


def _prep_edges(edge_index, n_parts):
    src = edge_index[0]
    dst = edge_index[1]
    per = N_EDGES // n_parts
    nch = _nch(per)
    padn = nch * K_EDGE - per
    pad_src = jnp.broadcast_to(
        (jnp.arange(padn, dtype=jnp.int32) * 37) % N_NODES, (n_parts, padn))
    pad_dst = jnp.broadcast_to(
        N_NODES + (jnp.arange(padn, dtype=jnp.int32) % NT), (n_parts, padn))
    src2 = jnp.concatenate([src.reshape(n_parts, per), pad_src], axis=1)
    dst2 = jnp.concatenate([dst.reshape(n_parts, per), pad_dst], axis=1)
    return (src2.reshape(n_parts, nch, K_EDGE),
            dst2.reshape(n_parts, nch, K_EDGE))


def kernel(x, edge_index, batch,
           c0_W1, c0_b1, c0_g1, c0_be1, c0_W2, c0_b2, bn0_g, bn0_b,
           c1_W1, c1_b1, c1_g1, c1_be1, c1_W2, c1_b2, bn1_g, bn1_b,
           l0_W, l0_b, l1_W, l1_b, l2_W, l2_b):
    s = 1.0 / jnp.sqrt(1.0 + BN_EPS)

    a = s * c0_g1
    w1a = c0_W1 * a[None, :]
    b1a = (c0_b1 * a + c0_be1)[None, :]
    a = s * bn0_g
    w2a = c0_W2 * a[None, :]
    b2a = (c0_b2 * a + bn0_b)[None, :]

    a = s * c1_g1
    w1b = c1_W1 * a[None, :]
    b1b = (c1_b1 * a + c1_be1)[None, :]
    a = s * bn1_g
    w2b = c1_W2 * a[None, :]
    b2b = (c1_b2 * a + bn1_b)[None, :]

    bsum = (l0_b + l1_b + l2_b)[None, :]

    src32, dst32 = _prep_edges(edge_index, 2 * NT)
    src16, dst16 = _prep_edges(edge_index, NT)

    npad = N_PAD - N_NODES
    x_pad = jnp.concatenate([x, jnp.zeros((npad, x.shape[1]), jnp.float32)])
    zeros_tab = jnp.zeros((N_PAD, 128), jnp.float32)
    batch3 = jnp.concatenate(
        [batch, jnp.full((npad,), N_GRAPHS, jnp.int32)]).reshape(
            N_PAD // _R, 1, _R)

    aggr0 = _make_sc_aggr_edgesplit(N_PAD, 128, N_EDGES)
    z0_a, z0_b = aggr0(x_pad, zeros_tab, src32, dst32)

    h1_lo, h1_hi = _tc_mlp0(z0_a, z0_b, w1a, b1a, w2a, b2a)

    aggr1 = _make_sc_aggr_featsplit(N_PAD, 128, N_EDGES)
    z1_lo, z1_hi = aggr1(h1_lo, h1_hi, src16, dst16)

    return _tc_mlp1_pool(x_pad, h1_lo, h1_hi, z1_lo, z1_hi, batch3,
                         w1b[:128], w1b[128:], b1b, w2b, b2b,
                         l0_W, l1_W, l2_W, bsum)

# --- scband reference (transcript-rebuilt; emitter-appended) ---
"""Pipeline reference for scband-gin-31336081391976 (READ-ONLY COPY).

The authoritative reference and input builder live on the scoring server;
editing this copy changes nothing except your own understanding.
"""

import jax, jax.numpy as jnp
import numpy as np

N = 10000
E = 320000
F = 128
H = 256
C = 128
G = 64
BN_EPS = 1e-5


def setup_inputs(seed: int = 0) -> dict:
    key = jax.random.key(seed)
    ks = jax.random.split(key, 16)
    inp = {}
    inp["x"] = jax.random.normal(ks[0], (N, F), dtype=jnp.float32)
    inp["edge_index"] = jax.random.randint(ks[1], (2, E), 0, N, dtype=jnp.int32)
    inp["batch"] = jnp.sort(jax.random.randint(ks[2], (N,), 0, G, dtype=jnp.int32))

    def lin(k, i, o):
        return jax.random.normal(k, (i, o), dtype=jnp.float32) * (1.0 / np.sqrt(i))

    # GINConv 0: MLP(F -> H -> H) with internal BatchNorm, plus outer BatchNorm bn0
    inp["c0_W1"] = lin(ks[3], F, H); inp["c0_b1"] = jnp.zeros((H,), jnp.float32)
    inp["c0_g1"] = jnp.ones((H,), jnp.float32); inp["c0_be1"] = jnp.zeros((H,), jnp.float32)
    inp["c0_W2"] = lin(ks[4], H, H); inp["c0_b2"] = jnp.zeros((H,), jnp.float32)
    inp["bn0_g"] = jnp.ones((H,), jnp.float32); inp["bn0_b"] = jnp.zeros((H,), jnp.float32)
    # GINConv 1: MLP(H -> H -> H), plus outer BatchNorm bn1
    inp["c1_W1"] = lin(ks[5], H, H); inp["c1_b1"] = jnp.zeros((H,), jnp.float32)
    inp["c1_g1"] = jnp.ones((H,), jnp.float32); inp["c1_be1"] = jnp.zeros((H,), jnp.float32)
    inp["c1_W2"] = lin(ks[6], H, H); inp["c1_b2"] = jnp.zeros((H,), jnp.float32)
    inp["bn1_g"] = jnp.ones((H,), jnp.float32); inp["bn1_b"] = jnp.zeros((H,), jnp.float32)
    # Readout linears (one per layer representation)
    inp["l0_W"] = lin(ks[7], F, C); inp["l0_b"] = jnp.zeros((C,), jnp.float32)
    inp["l1_W"] = lin(ks[8], H, C); inp["l1_b"] = jnp.zeros((C,), jnp.float32)
    inp["l2_W"] = lin(ks[9], H, C); inp["l2_b"] = jnp.zeros((C,), jnp.float32)
    return inp


def _bn_eval(h, g, b):
    # BatchNorm1d in eval mode with running_mean=0, running_var=1
    return h / jnp.sqrt(1.0 + BN_EPS) * g + b


def reference(x, edge_index, batch,
              c0_W1, c0_b1, c0_g1, c0_be1, c0_W2, c0_b2, bn0_g, bn0_b,
              c1_W1, c1_b1, c1_g1, c1_be1, c1_W2, c1_b2, bn1_g, bn1_b,
              l0_W, l0_b, l1_W, l1_b, l2_W, l2_b):
    src = edge_index[0]
    dst = edge_index[1]

    def gin_conv(h, W1, b1, g1, be1, W2, b2):
        # GINConv with eps=0 (train_eps=False): MLP((1+eps)*x + sum_{j in N(i)} x_j)
        aggr = jax.ops.segment_sum(h[src], dst, num_segments=N)
        z = h + aggr
        z = z @ W1 + b1
        z = _bn_eval(z, g1, be1)
        z = jax.nn.relu(z)
        return z @ W2 + b2

    h_list = [x]
    h = gin_conv(h_list[-1], c0_W1, c0_b1, c0_g1, c0_be1, c0_W2, c0_b2)
    h_list.append(jax.nn.relu(_bn_eval(h, bn0_g, bn0_b)))
    h = gin_conv(h_list[-1], c1_W1, c1_b1, c1_g1, c1_be1, c1_W2, c1_b2)
    h_list.append(jax.nn.relu(_bn_eval(h, bn1_g, bn1_b)))

    lins = [(l0_W, l0_b), (l1_W, l1_b), (l2_W, l2_b)]
    out = jnp.zeros((G, C), jnp.float32)
    for hi, (W, b) in zip(h_list, lins):
        pooled = jax.ops.segment_sum(hi, batch, num_segments=G)  # global_add_pool
        out = out + (pooled @ W + b)  # dropout is identity in eval mode
    return out

if __name__ == "__main__":
    import jax
    _d = setup_inputs()
    print(jax.jit(kernel)(*tuple(_d.values())))

</pallas_src>

<mosaic_0001>
#map = affine_map<(d0, d1) -> (0, 0)>
#map1 = affine_map<(d0, d1) -> (0, 0, 0)>
module attributes {stable_mosaic.version = 14 : i64} {
  func.func @aggr(%arg0: i32, %arg1: i32, %arg2: memref<10240x128xf32, #tpu.memory_space<hbm>>, %arg3: memref<10240x128xf32, #tpu.memory_space<hbm>>, %arg4: memref<32x80x128xi32, #tpu.memory_space<hbm>>, %arg5: memref<32x80x128xi32, #tpu.memory_space<hbm>>, %arg6: memref<10240x128xf32, #tpu.memory_space<hbm>>, %arg7: memref<10240x128xf32, #tpu.memory_space<hbm>>, %arg8: memref<16x128xi32, #tpu.memory_space<vmem>>, %arg9: memref<16x128xi32, #tpu.memory_space<vmem>>, %arg10: memref<128x128xf32, #tpu.memory_space<vmem>>, %arg11: memref<128x128xf32, #tpu.memory_space<vmem>>, %arg12: memref<10240x128xf32, #tpu.memory_space<vmem_shared>>, %arg13: memref<!tpu.dma_semaphore, #tpu.memory_space<semaphore_mem>>, %arg14: memref<!tpu.dma_semaphore, #tpu.memory_space<semaphore_mem>>) attributes {dimension_semantics = [#tpu.dimension_semantics<core_parallel>, #tpu.dimension_semantics<subcore_parallel>], iteration_bounds = array<i64: 2, 16>, scalar_prefetch = 0 : i64, scratch_operands = 7 : i64, tpu.core_type = #tpu.core_type<sc_vector_subcore>, window_params = [{transform_indices = #map}, {transform_indices = #map}, {transform_indices = #map1}, {transform_indices = #map1}, {transform_indices = #map}, {transform_indices = #map}]} {
    %mul3A = arith.constant 16 : i32
    %mul3A_0 = arith.muli %arg0, %mul3A : i32
    %add3A = arith.addi %mul3A_0, %arg1 : i32
    %eq3A = arith.constant 0 : i32
    %eq3A_1 = arith.cmpi eq, %arg0, %eq3A : i32
    %convert_element_type3A = arith.extui %eq3A_1 : i1 to i32
    %cond3A = arith.constant 0 : i32
    %cond3A_2 = arith.cmpi ne, %convert_element_type3A, %cond3A : i32
    scf.if %cond3A_2 {
      %mul3A_8 = arith.constant 640 : i32
      %mul3A_9 = arith.muli %arg1, %mul3A_8 : i32
      %scan3A = arith.constant 0 : i32
      %scan3A_10 = arith.constant 0 : i32
      %scan3A_11 = arith.constant 5 : i32
      %scan3A_12 = arith.addi %scan3A_10, %scan3A_11 : i32
      %scan3A_13 = arith.constant 1 : i32
      scf.for %scan3A_28 = %scan3A_10 to %scan3A_12 step %scan3A_13  : i32 {
        %mul3A_29 = arith.constant 128 : i32
        %mul3A_30 = arith.muli %scan3A_28, %mul3A_29 : i32
        %add3A_31 = arith.addi %mul3A_9, %mul3A_30 : i32
        "tpu.region"() ({
          %run_scoped3A = tpu.sem_alloc : memref<!tpu.dma_semaphore, #tpu.memory_space<semaphore_mem>>
          %dma_start3A = arith.constant 0 : i32
          %dma_start3A_32 = tpu.memref_slice %arg12[%add3A_31, %dma_start3A] : memref<10240x128xf32, #tpu.memory_space<vmem_shared>> -> memref<128x128xf32, #tpu.memory_space<vmem_shared>>
          %dma_start3A_33 = arith.constant 0 : i32
          %dma_start3A_34 = tpu.memref_slice %arg2[%add3A_31, %dma_start3A_33] : memref<10240x128xf32, #tpu.memory_space<hbm>> -> memref<128x128xf32, #tpu.memory_space<hbm>>
          tpu.enqueue_dma source(%dma_start3A_34 : memref<128x128xf32, #tpu.memory_space<hbm>>) target(%dma_start3A_32 : memref<128x128xf32, #tpu.memory_space<vmem_shared>>) target_semaphore(%run_scoped3A : memref<!tpu.dma_semaphore, #tpu.memory_space<semaphore_mem>>)
          %dma_wait3A = arith.constant 0 : i32
          %dma_wait3A_35 = tpu.memref_slice %arg12[%add3A_31, %dma_wait3A] : memref<10240x128xf32, #tpu.memory_space<vmem_shared>> -> memref<128x128xf32, #tpu.memory_space<vmem_shared>>
          %dma_wait3A_36 = arith.constant 0 : i32
          %dma_wait3A_37 = tpu.memref_slice %arg2[%add3A_31, %dma_wait3A_36] : memref<10240x128xf32, #tpu.memory_space<hbm>> -> memref<128x128xf32, #tpu.memory_space<hbm>>
          tpu.wait_dma2 semaphore(%run_scoped3A : memref<!tpu.dma_semaphore, #tpu.memory_space<semaphore_mem>>) src(%dma_wait3A_37 : memref<128x128xf32, #tpu.memory_space<hbm>>) dst(%dma_wait3A_35 : memref<128x128xf32, #tpu.memory_space<vmem_shared>>)
          tpu.yield
        }) : () -> ()
      }
      %scan3A_14 = arith.constant 5 : i32
      %barrier3A = arith.constant 0 : index
      tpu.barrier barrier_id(%barrier3A)
      %scan3A_15 = arith.constant 0 : i32
      %scan3A_16 = arith.constant 0 : i32
      %scan3A_17 = arith.constant 5 : i32
      %scan3A_18 = arith.addi %scan3A_16, %scan3A_17 : i32
      %scan3A_19 = arith.constant 1 : i32
      scf.for %scan3A_28 = %scan3A_16 to %scan3A_18 step %scan3A_19  : i32 {
        %mul3A_29 = arith.constant 16 : i32
        %mul3A_30 = arith.muli %scan3A_28, %mul3A_29 : i32
        "tpu.region"() ({
          %run_scoped3A_66 = tpu.sem_alloc : memref<!tpu.dma_semaphore, #tpu.memory_space<semaphore_mem>>
          %dma_start3A_67 = arith.constant 0 : i32
          %dma_start3A_68 = tpu.memref_slice %arg4[%add3A, %mul3A_30, %dma_start3A_67] : memref<32x80x128xi32, #tpu.memory_space<hbm>> -> memref<1x16x128xi32, #tpu.memory_space<hbm>>
          %dma_start3A_69 = tpu.memref_squeeze %dma_start3A_68 : memref<1x16x128xi32, #tpu.memory_space<hbm>> -> memref<16x128xi32, #tpu.memory_space<hbm>>
          %dma_start3A_70 = arith.constant 0 : i32
          %dma_start3A_71 = tpu.memref_slice %arg4[%add3A, %mul3A_30, %dma_start3A_70] : memref<32x80x128xi32, #tpu.memory_space<hbm>> -> memref<1x16x128xi32, #tpu.memory_space<hbm>>
          %dma_start3A_72 = tpu.memref_squeeze %dma_start3A_71 : memref<1x16x128xi32, #tpu.memory_space<hbm>> -> memref<16x128xi32, #tpu.memory_space<hbm>>
          tpu.enqueue_dma source(%dma_start3A_72 : memref<16x128xi32, #tpu.memory_space<hbm>>) target(%arg8 : memref<16x128xi32, #tpu.memory_space<vmem>>) target_semaphore(%run_scoped3A_66 : memref<!tpu.dma_semaphore, #tpu.memory_space<semaphore_mem>>)
          %dma_wait3A_73 = arith.constant 0 : i32
          %dma_wait3A_74 = tpu.memref_slice %arg4[%add3A, %mul3A_30, %dma_wait3A_73] : memref<32x80x128xi32, #tpu.memory_space<hbm>> -> memref<1x16x128xi32, #tpu.memory_space<hbm>>
          %dma_wait3A_75 = tpu.memref_squeeze %dma_wait3A_74 : memref<1x16x128xi32, #tpu.memory_space<hbm>> -> memref<16x128xi32, #tpu.memory_space<hbm>>
          %dma_wait3A_76 = arith.constant 0 : i32
          %dma_wait3A_77 = tpu.memref_slice %arg4[%add3A, %mul3A_30, %dma_wait3A_76] : memref<32x80x128xi32, #tpu.memory_space<hbm>> -> memref<1x16x128xi32, #tpu.memory_space<hbm>>
          %dma_wait3A_78 = tpu.memref_squeeze %dma_wait3A_77 : memref<1x16x128xi32, #tpu.memory_space<hbm>> -> memref<16x128xi32, #tpu.memory_space<hbm>>
          tpu.wait_dma2 semaphore(%run_scoped3A_66 : memref<!tpu.dma_semaphore, #tpu.memory_space<semaphore_mem>>) src(%dma_wait3A_78 : memref<16x128xi32, #tpu.memory_space<hbm>>) dst(%arg8 : memref<16x128xi32, #tpu.memory_space<vmem>>)
          tpu.yield
        }) : () -> ()
        %mul3A_31 = arith.constant 16 : i32
        %mul3A_32 = arith.muli %scan3A_28, %mul3A_31 : i32
        "tpu.region"() ({
          %run_scoped3A_66 = tpu.sem_alloc : memref<!tpu.dma_semaphore, #tpu.memory_space<semaphore_mem>>
          %dma_start3A_67 = arith.constant 0 : i32
          %dma_start3A_68 = tpu.memref_slice %arg5[%add3A, %mul3A_32, %dma_start3A_67] : memref<32x80x128xi32, #tpu.memory_space<hbm>> -> memref<1x16x128xi32, #tpu.memory_space<hbm>>
          %dma_start3A_69 = tpu.memref_squeeze %dma_start3A_68 : memref<1x16x128xi32, #tpu.memory_space<hbm>> -> memref<16x128xi32, #tpu.memory_space<hbm>>
          %dma_start3A_70 = arith.constant 0 : i32
          %dma_start3A_71 = tpu.memref_slice %arg5[%add3A, %mul3A_32, %dma_start3A_70] : memref<32x80x128xi32, #tpu.memory_space<hbm>> -> memref<1x16x128xi32, #tpu.memory_space<hbm>>
          %dma_start3A_72 = tpu.memref_squeeze %dma_start3A_71 : memref<1x16x128xi32, #tpu.memory_space<hbm>> -> memref<16x128xi32, #tpu.memory_space<hbm>>
          tpu.enqueue_dma source(%dma_start3A_72 : memref<16x128xi32, #tpu.memory_space<hbm>>) target(%arg9 : memref<16x128xi32, #tpu.memory_space<vmem>>) target_semaphore(%run_scoped3A_66 : memref<!tpu.dma_semaphore, #tpu.memory_space<semaphore_mem>>)
          %dma_wait3A_73 = arith.constant 0 : i32
          %dma_wait3A_74 = tpu.memref_slice %arg5[%add3A, %mul3A_32, %dma_wait3A_73] : memref<32x80x128xi32, #tpu.memory_space<hbm>> -> memref<1x16x128xi32, #tpu.memory_space<hbm>>
          %dma_wait3A_75 = tpu.memref_squeeze %dma_wait3A_74 : memref<1x16x128xi32, #tpu.memory_space<hbm>> -> memref<16x128xi32, #tpu.memory_space<hbm>>
          %dma_wait3A_76 = arith.constant 0 : i32
          %dma_wait3A_77 = tpu.memref_slice %arg5[%add3A, %mul3A_32, %dma_wait3A_76] : memref<32x80x128xi32, #tpu.memory_space<hbm>> -> memref<1x16x128xi32, #tpu.memory_space<hbm>>
          %dma_wait3A_78 = tpu.memref_squeeze %dma_wait3A_77 : memref<1x16x128xi32, #tpu.memory_space<hbm>> -> memref<16x128xi32, #tpu.memory_space<hbm>>
          tpu.wait_dma2 semaphore(%run_scoped3A_66 : memref<!tpu.dma_semaphore, #tpu.memory_space<semaphore_mem>>) src(%dma_wait3A_78 : memref<16x128xi32, #tpu.memory_space<hbm>>) dst(%arg9 : memref<16x128xi32, #tpu.memory_space<vmem>>)
          tpu.yield
        }) : () -> ()
        %dma_start3A = arith.constant 0 : i32
        %dma_start3A_33 = arith.constant 0 : i32
        %dma_start3A_34 = tpu.memref_slice %arg8[%dma_start3A, %dma_start3A_33] : memref<16x128xi32, #tpu.memory_space<vmem>> -> memref<1x128xi32, #tpu.memory_space<vmem>>
        %dma_start3A_35 = tpu.memref_squeeze %dma_start3A_34 : memref<1x128xi32, #tpu.memory_space<vmem>> -> memref<128xi32, #tpu.memory_space<vmem>>
        %dma_start3A_36 = arith.constant 0 : i32
        %dma_start3A_37 = arith.constant 0 : i32
        %dma_start3A_38 = tpu.memref_slice %arg2[%dma_start3A_36, %dma_start3A_37] : memref<10240x128xf32, #tpu.memory_space<hbm>> -> memref<10240x128xf32, #tpu.memory_space<hbm>>
        tpu.enqueue_indirect_dma source(%dma_start3A_38 : memref<10240x128xf32, #tpu.memory_space<hbm>>) target(%arg10 : memref<128x128xf32, #tpu.memory_space<vmem>>) offsets(%dma_start3A_35 : memref<128xi32, #tpu.memory_space<vmem>>) semaphore(%arg13 : memref<!tpu.dma_semaphore, #tpu.memory_space<semaphore_mem>>)
        %scan3A_39 = arith.constant 0 : i32
        %scan3A_40 = arith.constant 0 : i32
        %scan3A_41 = arith.constant 7 : i32
        %scan3A_42 = arith.addi %scan3A_40, %scan3A_41 : i32
        %scan3A_43 = arith.constant 1 : i32
        scf.for %scan3A_66 = %scan3A_40 to %scan3A_42 step %scan3A_43  : i32 {
          %mul3A_67 = arith.constant 2 : i32
          %mul3A_68 = arith.muli %mul3A_67, %scan3A_66 : i32
          %dma_wait3A_69 = arith.constant 0 : i32
          %dma_wait3A_70 = arith.constant 0 : i32
          %dma_wait3A_71 = tpu.memref_slice %arg8[%dma_wait3A_69, %dma_wait3A_70] : memref<16x128xi32, #tpu.memory_space<vmem>> -> memref<1x128xi32, #tpu.memory_space<vmem>>
          %dma_wait3A_72 = tpu.memref_squeeze %dma_wait3A_71 : memref<1x128xi32, #tpu.memory_space<vmem>> -> memref<128xi32, #tpu.memory_space<vmem>>
          %dma_wait3A_73 = arith.constant 0 : i32
          %dma_wait3A_74 = arith.constant 0 : i32
          %dma_wait3A_75 = tpu.memref_slice %arg2[%dma_wait3A_73, %dma_wait3A_74] : memref<10240x128xf32, #tpu.memory_space<hbm>> -> memref<10240x128xf32, #tpu.memory_space<hbm>>
          tpu.wait_indirect_dma semaphore(%arg13 : memref<!tpu.dma_semaphore, #tpu.memory_space<semaphore_mem>>) src(%dma_wait3A_75 : memref<10240x128xf32, #tpu.memory_space<hbm>>) dst(%arg10 : memref<128x128xf32, #tpu.memory_space<vmem>>)
          %add3A_76 = arith.constant 1 : i32
          %add3A_77 = arith.addi %mul3A_68, %add3A_76 : i32
          %dma_start3A_78 = arith.constant 0 : i32
          %dma_start3A_79 = tpu.memref_slice %arg8[%add3A_77, %dma_start3A_78] : memref<16x128xi32, #tpu.memory_space<vmem>> -> memref<1x128xi32, #tpu.memory_space<vmem>>
          %dma_start3A_80 = tpu.memref_squeeze %dma_start3A_79 : memref<1x128xi32, #tpu.memory_space<vmem>> -> memref<128xi32, #tpu.memory_space<vmem>>
          %dma_start3A_81 = arith.constant 0 : i32
          %dma_start3A_82 = arith.constant 0 : i32
          %dma_start3A_83 = tpu.memref_slice %arg2[%dma_start3A_81, %dma_start3A_82] : memref<10240x128xf32, #tpu.memory_space<hbm>> -> memref<10240x128xf32, #tpu.memory_space<hbm>>
          tpu.enqueue_indirect_dma source(%dma_start3A_83 : memref<10240x128xf32, #tpu.memory_space<hbm>>) target(%arg11 : memref<128x128xf32, #tpu.memory_space<vmem>>) offsets(%dma_start3A_80 : memref<128xi32, #tpu.memory_space<vmem>>) semaphore(%arg14 : memref<!tpu.dma_semaphore, #tpu.memory_space<semaphore_mem>>)
          "tpu.region"() ({
            %run_scoped3A_101 = tpu.sem_alloc : memref<!tpu.dma_semaphore, #tpu.memory_space<semaphore_mem>>
            %dma_start3A_102 = arith.constant 0 : i32
            %dma_start3A_103 = tpu.memref_slice %arg9[%mul3A_68, %dma_start3A_102] : memref<16x128xi32, #tpu.memory_space<vmem>> -> memref<1x128xi32, #tpu.memory_space<vmem>>
            %dma_start3A_104 = tpu.memref_squeeze %dma_start3A_103 : memref<1x128xi32, #tpu.memory_space<vmem>> -> memref<128xi32, #tpu.memory_space<vmem>>
            %dma_start3A_105 = arith.constant 0 : i32
            %dma_start3A_106 = arith.constant 0 : i32
            %dma_start3A_107 = tpu.memref_slice %arg12[%dma_start3A_105, %dma_start3A_106] : memref<10240x128xf32, #tpu.memory_space<vmem_shared>> -> memref<10240x128xf32, #tpu.memory_space<vmem_shared>>
            tpu.enqueue_indirect_dma source(%arg10 : memref<128x128xf32, #tpu.memory_space<vmem>>) target(%dma_start3A_107 : memref<10240x128xf32, #tpu.memory_space<vmem_shared>>) offsets(%dma_start3A_104 : memref<128xi32, #tpu.memory_space<vmem>>) semaphore(%run_scoped3A_101 : memref<!tpu.dma_semaphore, #tpu.memory_space<semaphore_mem>>) {add = true}
            %dma_wait3A_108 = arith.constant 0 : i32
            %dma_wait3A_109 = tpu.memref_slice %arg9[%mul3A_68, %dma_wait3A_108] : memref<16x128xi32, #tpu.memory_space<vmem>> -> memref<1x128xi32, #tpu.memory_space<vmem>>
            %dma_wait3A_110 = tpu.memref_squeeze %dma_wait3A_109 : memref<1x128xi32, #tpu.memory_space<vmem>> -> memref<128xi32, #tpu.memory_space<vmem>>
            %dma_wait3A_111 = arith.constant 0 : i32
            %dma_wait3A_112 = arith.constant 0 : i32
            %dma_wait3A_113 = tpu.memref_slice %arg12[%dma_wait3A_111, %dma_wait3A_112] : memref<10240x128xf32, #tpu.memory_space<vmem_shared>> -> memref<10240x128xf32, #tpu.memory_space<vmem_shared>>
            tpu.wait_indirect_dma semaphore(%run_scoped3A_101 : memref<!tpu.dma_semaphore, #tpu.memory_space<semaphore_mem>>) src(%arg10 : memref<128x128xf32, #tpu.memory_space<vmem>>) dst(%dma_wait3A_113 : memref<10240x128xf32, #tpu.memory_space<vmem_shared>>)
            tpu.yield
          }) : () -> ()
          %dma_wait3A_84 = arith.constant 0 : i32
          %dma_wait3A_85 = arith.constant 0 : i32
          %dma_wait3A_86 = tpu.memref_slice %arg8[%dma_wait3A_84, %dma_wait3A_85] : memref<16x128xi32, #tpu.memory_space<vmem>> -> memref<1x128xi32, #tpu.memory_space<vmem>>
          %dma_wait3A_87 = tpu.memref_squeeze %dma_wait3A_86 : memref<1x128xi32, #tpu.memory_space<vmem>> -> memref<128xi32, #tpu.memory_space<vmem>>
          %dma_wait3A_88 = arith.constant 0 : i32
          %dma_wait3A_89 = arith.constant 0 : i32
          %dma_wait3A_90 = tpu.memref_slice %arg2[%dma_wait3A_88, %dma_wait3A_89] : memref<10240x128xf32, #tpu.memory_space<hbm>> -> memref<10240x128xf32, #tpu.memory_space<hbm>>
          tpu.wait_indirect_dma semaphore(%arg14 : memref<!tpu.dma_semaphore, #tpu.memory_space<semaphore_mem>>) src(%dma_wait3A_90 : memref<10240x128xf32, #tpu.memory_space<hbm>>) dst(%arg11 : memref<128x128xf32, #tpu.memory_space<vmem>>)
          %add3A_91 = arith.constant 2 : i32
          %add3A_92 = arith.addi %mul3A_68, %add3A_91 : i32
          %dma_start3A_93 = arith.constant 0 : i32
          %dma_start3A_94 = tpu.memref_slice %arg8[%add3A_92, %dma_start3A_93] : memref<16x128xi32, #tpu.memory_space<vmem>> -> memref<1x128xi32, #tpu.memory_space<vmem>>
          %dma_start3A_95 = tpu.memref_squeeze %dma_start3A_94 : memref<1x128xi32, #tpu.memory_space<vmem>> -> memref<128xi32, #tpu.memory_space<vmem>>
          %dma_start3A_96 = arith.constant 0 : i32
          %dma_start3A_97 = arith.constant 0 : i32
          %dma_start3A_98 = tpu.memref_slice %arg2[%dma_start3A_96, %dma_start3A_97] : memref<10240x128xf32, #tpu.memory_space<hbm>> -> memref<10240x128xf32, #tpu.memory_space<hbm>>
          tpu.enqueue_indirect_dma source(%dma_start3A_98 : memref<10240x128xf32, #tpu.memory_space<hbm>>) target(%arg10 : memref<128x128xf32, #tpu.memory_space<vmem>>) offsets(%dma_start3A_95 : memref<128xi32, #tpu.memory_space<vmem>>) semaphore(%arg13 : memref<!tpu.dma_semaphore, #tpu.memory_space<semaphore_mem>>)
          %add3A_99 = arith.constant 1 : i32
          %add3A_100 = arith.addi %mul3A_68, %add3A_99 : i32
          "tpu.region"() ({
            %run_scoped3A_101 = tpu.sem_alloc : memref<!tpu.dma_semaphore, #tpu.memory_space<semaphore_mem>>
            %dma_start3A_102 = arith.constant 0 : i32
            %dma_start3A_103 = tpu.memref_slice %arg9[%add3A_100, %dma_start3A_102] : memref<16x128xi32, #tpu.memory_space<vmem>> -> memref<1x128xi32, #tpu.memory_space<vmem>>
            %dma_start3A_104 = tpu.memref_squeeze %dma_start3A_103 : memref<1x128xi32, #tpu.memory_space<vmem>> -> memref<128xi32, #tpu.memory_space<vmem>>
            %dma_start3A_105 = arith.constant 0 : i32
            %dma_start3A_106 = arith.constant 0 : i32
            %dma_start3A_107 = tpu.memref_slice %arg12[%dma_start3A_105, %dma_start3A_106] : memref<10240x128xf32, #tpu.memory_space<vmem_shared>> -> memref<10240x128xf32, #tpu.memory_space<vmem_shared>>
            tpu.enqueue_indirect_dma source(%arg11 : memref<128x128xf32, #tpu.memory_space<vmem>>) target(%dma_start3A_107 : memref<10240x128xf32, #tpu.memory_space<vmem_shared>>) offsets(%dma_start3A_104 : memref<128xi32, #tpu.memory_space<vmem>>) semaphore(%run_scoped3A_101 : memref<!tpu.dma_semaphore, #tpu.memory_space<semaphore_mem>>) {add = true}
            %dma_wait3A_108 = arith.constant 0 : i32
            %dma_wait3A_109 = tpu.memref_slice %arg9[%add3A_100, %dma_wait3A_108] : memref<16x128xi32, #tpu.memory_space<vmem>> -> memref<1x128xi32, #tpu.memory_space<vmem>>
            %dma_wait3A_110 = tpu.memref_squeeze %dma_wait3A_109 : memref<1x128xi32, #tpu.memory_space<vmem>> -> memref<128xi32, #tpu.memory_space<vmem>>
            %dma_wait3A_111 = arith.constant 0 : i32
            %dma_wait3A_112 = arith.constant 0 : i32
            %dma_wait3A_113 = tpu.memref_slice %arg12[%dma_wait3A_111, %dma_wait3A_112] : memref<10240x128xf32, #tpu.memory_space<vmem_shared>> -> memref<10240x128xf32, #tpu.memory_space<vmem_shared>>
            tpu.wait_indirect_dma semaphore(%run_scoped3A_101 : memref<!tpu.dma_semaphore, #tpu.memory_space<semaphore_mem>>) src(%arg11 : memref<128x128xf32, #tpu.memory_space<vmem>>) dst(%dma_wait3A_113 : memref<10240x128xf32, #tpu.memory_space<vmem_shared>>)
            tpu.yield
          }) : () -> ()
        }
        %scan3A_44 = arith.constant 7 : i32
        %dma_wait3A = arith.constant 0 : i32
        %dma_wait3A_45 = arith.constant 0 : i32
        %dma_wait3A_46 = tpu.memref_slice %arg8[%dma_wait3A, %dma_wait3A_45] : memref<16x128xi32, #tpu.memory_space<vmem>> -> memref<1x128xi32, #tpu.memory_space<vmem>>
        %dma_wait3A_47 = tpu.memref_squeeze %dma_wait3A_46 : memref<1x128xi32, #tpu.memory_space<vmem>> -> memref<128xi32, #tpu.memory_space<vmem>>
        %dma_wait3A_48 = arith.constant 0 : i32
        %dma_wait3A_49 = arith.constant 0 : i32
        %dma_wait3A_50 = tpu.memref_slice %arg2[%dma_wait3A_48, %dma_wait3A_49] : memref<10240x128xf32, #tpu.memory_space<hbm>> -> memref<10240x128xf32, #tpu.memory_space<hbm>>
        tpu.wait_indirect_dma semaphore(%arg13 : memref<!tpu.dma_semaphore, #tpu.memory_space<semaphore_mem>>) src(%dma_wait3A_50 : memref<10240x128xf32, #tpu.memory_space<hbm>>) dst(%arg10 : memref<128x128xf32, #tpu.memory_space<vmem>>)
        %dma_start3A_51 = arith.constant 15 : i32
        %dma_start3A_52 = arith.constant 0 : i32
        %dma_start3A_53 = tpu.memref_slice %arg8[%dma_start3A_51, %dma_start3A_52] : memref<16x128xi32, #tpu.memory_space<vmem>> -> memref<1x128xi32, #tpu.memory_space<vmem>>
        %dma_start3A_54 = tpu.memref_squeeze %dma_start3A_53 : memref<1x128xi32, #tpu.memory_space<vmem>> -> memref<128xi32, #tpu.memory_space<vmem>>
        %dma_start3A_55 = arith.constant 0 : i32
        %dma_start3A_56 = arith.constant 0 : i32
        %dma_start3A_57 = tpu.memref_slice %arg2[%dma_start3A_55, %dma_start3A_56] : memref<10240x128xf32, #tpu.memory_space<hbm>> -> memref<10240x128xf32, #tpu.memory_space<hbm>>
        tpu.enqueue_indirect_dma source(%dma_start3A_57 : memref<10240x128xf32, #tpu.memory_space<hbm>>) target(%arg11 : memref<128x128xf32, #tpu.memory_space<vmem>>) offsets(%dma_start3A_54 : memref<128xi32, #tpu.memory_space<vmem>>) semaphore(%arg14 : memref<!tpu.dma_semaphore, #tpu.memory_space<semaphore_mem>>)
        %run_scoped3A = arith.constant 14 : i32
        "tpu.region"() ({
          %run_scoped3A_66 = tpu.sem_alloc : memref<!tpu.dma_semaphore, #tpu.memory_space<semaphore_mem>>
          %dma_start3A_67 = arith.constant 0 : i32
          %dma_start3A_68 = tpu.memref_slice %arg9[%run_scoped3A, %dma_start3A_67] : memref<16x128xi32, #tpu.memory_space<vmem>> -> memref<1x128xi32, #tpu.memory_space<vmem>>
          %dma_start3A_69 = tpu.memref_squeeze %dma_start3A_68 : memref<1x128xi32, #tpu.memory_space<vmem>> -> memref<128xi32, #tpu.memory_space<vmem>>
          %dma_start3A_70 = arith.constant 0 : i32
          %dma_start3A_71 = arith.constant 0 : i32
          %dma_start3A_72 = tpu.memref_slice %arg12[%dma_start3A_70, %dma_start3A_71] : memref<10240x128xf32, #tpu.memory_space<vmem_shared>> -> memref<10240x128xf32, #tpu.memory_space<vmem_shared>>
          tpu.enqueue_indirect_dma source(%arg10 : memref<128x128xf32, #tpu.memory_space<vmem>>) target(%dma_start3A_72 : memref<10240x128xf32, #tpu.memory_space<vmem_shared>>) offsets(%dma_start3A_69 : memref<128xi32, #tpu.memory_space<vmem>>) semaphore(%run_scoped3A_66 : memref<!tpu.dma_semaphore, #tpu.memory_space<semaphore_mem>>) {add = true}
          %dma_wait3A_73 = arith.constant 0 : i32
          %dma_wait3A_74 = tpu.memref_slice %arg9[%run_scoped3A, %dma_wait3A_73] : memref<16x128xi32, #tpu.memory_space<vmem>> -> memref<1x128xi32, #tpu.memory_space<vmem>>
          %dma_wait3A_75 = tpu.memref_squeeze %dma_wait3A_74 : memref<1x128xi32, #tpu.memory_space<vmem>> -> memref<128xi32, #tpu.memory_space<vmem>>
          %dma_wait3A_76 = arith.constant 0 : i32
          %dma_wait3A_77 = arith.constant 0 : i32
          %dma_wait3A_78 = tpu.memref_slice %arg12[%dma_wait3A_76, %dma_wait3A_77] : memref<10240x128xf32, #tpu.memory_space<vmem_shared>> -> memref<10240x128xf32, #tpu.memory_space<vmem_shared>>
          tpu.wait_indirect_dma semaphore(%run_scoped3A_66 : memref<!tpu.dma_semaphore, #tpu.memory_space<semaphore_mem>>) src(%arg10 : memref<128x128xf32, #tpu.memory_space<vmem>>) dst(%dma_wait3A_78 : memref<10240x128xf32, #tpu.memory_space<vmem_shared>>)
          tpu.yield
        }) : () -> ()
        %dma_wait3A_58 = arith.constant 0 : i32
        %dma_wait3A_59 = arith.constant 0 : i32
        %dma_wait3A_60 = tpu.memref_slice %arg8[%dma_wait3A_58, %dma_wait3A_59] : memref<16x128xi32, #tpu.memory_space<vmem>> -> memref<1x128xi32, #tpu.memory_space<vmem>>
        %dma_wait3A_61 = tpu.memref_squeeze %dma_wait3A_60 : memref<1x128xi32, #tpu.memory_space<vmem>> -> memref<128xi32, #tpu.memory_space<vmem>>
        %dma_wait3A_62 = arith.constant 0 : i32
        %dma_wait3A_63 = arith.constant 0 : i32
        %dma_wait3A_64 = tpu.memref_slice %arg2[%dma_wait3A_62, %dma_wait3A_63] : memref<10240x128xf32, #tpu.memory_space<hbm>> -> memref<10240x128xf32, #tpu.memory_space<hbm>>
        tpu.wait_indirect_dma semaphore(%arg14 : memref<!tpu.dma_semaphore, #tpu.memory_space<semaphore_mem>>) src(%dma_wait3A_64 : memref<10240x128xf32, #tpu.memory_space<hbm>>) dst(%arg11 : memref<128x128xf32, #tpu.memory_space<vmem>>)
        %run_scoped3A_65 = arith.constant 15 : i32
        "tpu.region"() ({
          %run_scoped3A_66 = tpu.sem_alloc : memref<!tpu.dma_semaphore, #tpu.memory_space<semaphore_mem>>
          %dma_start3A_67 = arith.constant 0 : i32
          %dma_start3A_68 = tpu.memref_slice %arg9[%run_scoped3A_65, %dma_start3A_67] : memref<16x128xi32, #tpu.memory_space<vmem>> -> memref<1x128xi32, #tpu.memory_space<vmem>>
          %dma_start3A_69 = tpu.memref_squeeze %dma_start3A_68 : memref<1x128xi32, #tpu.memory_space<vmem>> -> memref<128xi32, #tpu.memory_space<vmem>>
          %dma_start3A_70 = arith.constant 0 : i32
          %dma_start3A_71 = arith.constant 0 : i32
          %dma_start3A_72 = tpu.memref_slice %arg12[%dma_start3A_70, %dma_start3A_71] : memref<10240x128xf32, #tpu.memory_space<vmem_shared>> -> memref<10240x128xf32, #tpu.memory_space<vmem_shared>>
          tpu.enqueue_indirect_dma source(%arg11 : memref<128x128xf32, #tpu.memory_space<vmem>>) target(%dma_start3A_72 : memref<10240x128xf32, #tpu.memory_space<vmem_shared>>) offsets(%dma_start3A_69 : memref<128xi32, #tpu.memory_space<vmem>>) semaphore(%run_scoped3A_66 : memref<!tpu.dma_semaphore, #tpu.memory_space<semaphore_mem>>) {add = true}
          %dma_wait3A_73 = arith.constant 0 : i32
          %dma_wait3A_74 = tpu.memref_slice %arg9[%run_scoped3A_65, %dma_wait3A_73] : memref<16x128xi32, #tpu.memory_space<vmem>> -> memref<1x128xi32, #tpu.memory_space<vmem>>
          %dma_wait3A_75 = tpu.memref_squeeze %dma_wait3A_74 : memref<1x128xi32, #tpu.memory_space<vmem>> -> memref<128xi32, #tpu.memory_space<vmem>>
          %dma_wait3A_76 = arith.constant 0 : i32
          %dma_wait3A_77 = arith.constant 0 : i32
          %dma_wait3A_78 = tpu.memref_slice %arg12[%dma_wait3A_76, %dma_wait3A_77] : memref<10240x128xf32, #tpu.memory_space<vmem_shared>> -> memref<10240x128xf32, #tpu.memory_space<vmem_shared>>
          tpu.wait_indirect_dma semaphore(%run_scoped3A_66 : memref<!tpu.dma_semaphore, #tpu.memory_space<semaphore_mem>>) src(%arg11 : memref<128x128xf32, #tpu.memory_space<vmem>>) dst(%dma_wait3A_78 : memref<10240x128xf32, #tpu.memory_space<vmem_shared>>)
          tpu.yield
        }) : () -> ()
      }
      %scan3A_20 = arith.constant 5 : i32
      %barrier3A_21 = arith.constant 0 : index
      tpu.barrier barrier_id(%barrier3A_21)
      %scan3A_22 = arith.constant 0 : i32
      %scan3A_23 = arith.constant 0 : i32
      %scan3A_24 = arith.constant 5 : i32
      %scan3A_25 = arith.addi %scan3A_23, %scan3A_24 : i32
      %scan3A_26 = arith.constant 1 : i32
      scf.for %scan3A_28 = %scan3A_23 to %scan3A_25 step %scan3A_26  : i32 {
        %mul3A_29 = arith.constant 128 : i32
        %mul3A_30 = arith.muli %scan3A_28, %mul3A_29 : i32
        %add3A_31 = arith.addi %mul3A_9, %mul3A_30 : i32
        "tpu.region"() ({
          %run_scoped3A = tpu.sem_alloc : memref<!tpu.dma_semaphore, #tpu.memory_space<semaphore_mem>>
          %dma_start3A = arith.constant 0 : i32
          %dma_start3A_32 = tpu.memref_slice %arg6[%add3A_31, %dma_start3A] : memref<10240x128xf32, #tpu.memory_space<hbm>> -> memref<128x128xf32, #tpu.memory_space<hbm>>
          %dma_start3A_33 = arith.constant 0 : i32
          %dma_start3A_34 = tpu.memref_slice %arg12[%add3A_31, %dma_start3A_33] : memref<10240x128xf32, #tpu.memory_space<vmem_shared>> -> memref<128x128xf32, #tpu.memory_space<vmem_shared>>
          tpu.enqueue_dma source(%dma_start3A_34 : memref<128x128xf32, #tpu.memory_space<vmem_shared>>) target(%dma_start3A_32 : memref<128x128xf32, #tpu.memory_space<hbm>>) target_semaphore(%run_scoped3A : memref<!tpu.dma_semaphore, #tpu.memory_space<semaphore_mem>>)
          %dma_wait3A = arith.constant 0 : i32
          %dma_wait3A_35 = tpu.memref_slice %arg6[%add3A_31, %dma_wait3A] : memref<10240x128xf32, #tpu.memory_space<hbm>> -> memref<128x128xf32, #tpu.memory_space<hbm>>
          %dma_wait3A_36 = arith.constant 0 : i32
          %dma_wait3A_37 = tpu.memref_slice %arg12[%add3A_31, %dma_wait3A_36] : memref<10240x128xf32, #tpu.memory_space<vmem_shared>> -> memref<128x128xf32, #tpu.memory_space<vmem_shared>>
          tpu.wait_dma2 semaphore(%run_scoped3A : memref<!tpu.dma_semaphore, #tpu.memory_space<semaphore_mem>>) src(%dma_wait3A_37 : memref<128x128xf32, #tpu.memory_space<vmem_shared>>) dst(%dma_wait3A_35 : memref<128x128xf32, #tpu.memory_space<hbm>>)
          tpu.yield
        }) : () -> ()
      }
      %scan3A_27 = arith.constant 5 : i32
    } else {
    }
    %eq3A_3 = arith.constant 1 : i32
    %eq3A_4 = arith.cmpi eq, %arg0, %eq3A_3 : i32
    %convert_element_type3A_5 = arith.extui %eq3A_4 : i1 to i32
    %cond3A_6 = arith.constant 0 : i32
    %cond3A_7 = arith.cmpi ne, %convert_element_type3A_5, %cond3A_6 : i32
    scf.if %cond3A_7 {
      %mul3A_8 = arith.constant 640 : i32
      %mul3A_9 = arith.muli %arg1, %mul3A_8 : i32
      %scan3A = arith.constant 0 : i32
      %scan3A_10 = arith.constant 0 : i32
      %scan3A_11 = arith.constant 5 : i32
      %scan3A_12 = arith.addi %scan3A_10, %scan3A_11 : i32
      %scan3A_13 = arith.constant 1 : i32
      scf.for %scan3A_28 = %scan3A_10 to %scan3A_12 step %scan3A_13  : i32 {
        %mul3A_29 = arith.constant 128 : i32
        %mul3A_30 = arith.muli %scan3A_28, %mul3A_29 : i32
        %add3A_31 = arith.addi %mul3A_9, %mul3A_30 : i32
        "tpu.region"() ({
          %run_scoped3A = tpu.sem_alloc : memref<!tpu.dma_semaphore, #tpu.memory_space<semaphore_mem>>
          %dma_start3A = arith.constant 0 : i32
          %dma_start3A_32 = tpu.memref_slice %arg12[%add3A_31, %dma_start3A] : memref<10240x128xf32, #tpu.memory_space<vmem_shared>> -> memref<128x128xf32, #tpu.memory_space<vmem_shared>>
          %dma_start3A_33 = arith.constant 0 : i32
          %dma_start3A_34 = tpu.memref_slice %arg3[%add3A_31, %dma_start3A_33] : memref<10240x128xf32, #tpu.memory_space<hbm>> -> memref<128x128xf32, #tpu.memory_space<hbm>>
          tpu.enqueue_dma source(%dma_start3A_34 : memref<128x128xf32, #tpu.memory_space<hbm>>) target(%dma_start3A_32 : memref<128x128xf32, #tpu.memory_space<vmem_shared>>) target_semaphore(%run_scoped3A : memref<!tpu.dma_semaphore, #tpu.memory_space<semaphore_mem>>)
          %dma_wait3A = arith.constant 0 : i32
          %dma_wait3A_35 = tpu.memref_slice %arg12[%add3A_31, %dma_wait3A] : memref<10240x128xf32, #tpu.memory_space<vmem_shared>> -> memref<128x128xf32, #tpu.memory_space<vmem_shared>>
          %dma_wait3A_36 = arith.constant 0 : i32
          %dma_wait3A_37 = tpu.memref_slice %arg3[%add3A_31, %dma_wait3A_36] : memref<10240x128xf32, #tpu.memory_space<hbm>> -> memref<128x128xf32, #tpu.memory_space<hbm>>
          tpu.wait_dma2 semaphore(%run_scoped3A : memref<!tpu.dma_semaphore, #tpu.memory_space<semaphore_mem>>) src(%dma_wait3A_37 : memref<128x128xf32, #tpu.memory_space<hbm>>) dst(%dma_wait3A_35 : memref<128x128xf32, #tpu.memory_space<vmem_shared>>)
          tpu.yield
        }) : () -> ()
      }
      %scan3A_14 = arith.constant 5 : i32
      %barrier3A = arith.constant 0 : index
      tpu.barrier barrier_id(%barrier3A)
      %scan3A_15 = arith.constant 0 : i32
      %scan3A_16 = arith.constant 0 : i32
      %scan3A_17 = arith.constant 5 : i32
      %scan3A_18 = arith.addi %scan3A_16, %scan3A_17 : i32
      %scan3A_19 = arith.constant 1 : i32
      scf.for %scan3A_28 = %scan3A_16 to %scan3A_18 step %scan3A_19  : i32 {
        %mul3A_29 = arith.constant 16 : i32
        %mul3A_30 = arith.muli %scan3A_28, %mul3A_29 : i32
        "tpu.region"() ({
          %run_scoped3A_66 = tpu.sem_alloc : memref<!tpu.dma_semaphore, #tpu.memory_space<semaphore_mem>>
          %dma_start3A_67 = arith.constant 0 : i32
          %dma_start3A_68 = tpu.memref_slice %arg4[%add3A, %mul3A_30, %dma_start3A_67] : memref<32x80x128xi32, #tpu.memory_space<hbm>> -> memref<1x16x128xi32, #tpu.memory_space<hbm>>
          %dma_start3A_69 = tpu.memref_squeeze %dma_start3A_68 : memref<1x16x128xi32, #tpu.memory_space<hbm>> -> memref<16x128xi32, #tpu.memory_space<hbm>>
          %dma_start3A_70 = arith.constant 0 : i32
          %dma_start3A_71 = tpu.memref_slice %arg4[%add3A, %mul3A_30, %dma_start3A_70] : memref<32x80x128xi32, #tpu.memory_space<hbm>> -> memref<1x16x128xi32, #tpu.memory_space<hbm>>
          %dma_start3A_72 = tpu.memref_squeeze %dma_start3A_71 : memref<1x16x128xi32, #tpu.memory_space<hbm>> -> memref<16x128xi32, #tpu.memory_space<hbm>>
          tpu.enqueue_dma source(%dma_start3A_72 : memref<16x128xi32, #tpu.memory_space<hbm>>) target(%arg8 : memref<16x128xi32, #tpu.memory_space<vmem>>) target_semaphore(%run_scoped3A_66 : memref<!tpu.dma_semaphore, #tpu.memory_space<semaphore_mem>>)
          %dma_wait3A_73 = arith.constant 0 : i32
          %dma_wait3A_74 = tpu.memref_slice %arg4[%add3A, %mul3A_30, %dma_wait3A_73] : memref<32x80x128xi32, #tpu.memory_space<hbm>> -> memref<1x16x128xi32, #tpu.memory_space<hbm>>
          %dma_wait3A_75 = tpu.memref_squeeze %dma_wait3A_74 : memref<1x16x128xi32, #tpu.memory_space<hbm>> -> memref<16x128xi32, #tpu.memory_space<hbm>>
          %dma_wait3A_76 = arith.constant 0 : i32
          %dma_wait3A_77 = tpu.memref_slice %arg4[%add3A, %mul3A_30, %dma_wait3A_76] : memref<32x80x128xi32, #tpu.memory_space<hbm>> -> memref<1x16x128xi32, #tpu.memory_space<hbm>>
          %dma_wait3A_78 = tpu.memref_squeeze %dma_wait3A_77 : memref<1x16x128xi32, #tpu.memory_space<hbm>> -> memref<16x128xi32, #tpu.memory_space<hbm>>
          tpu.wait_dma2 semaphore(%run_scoped3A_66 : memref<!tpu.dma_semaphore, #tpu.memory_space<semaphore_mem>>) src(%dma_wait3A_78 : memref<16x128xi32, #tpu.memory_space<hbm>>) dst(%arg8 : memref<16x128xi32, #tpu.memory_space<vmem>>)
          tpu.yield
        }) : () -> ()
        %mul3A_31 = arith.constant 16 : i32
        %mul3A_32 = arith.muli %scan3A_28, %mul3A_31 : i32
        "tpu.region"() ({
          %run_scoped3A_66 = tpu.sem_alloc : memref<!tpu.dma_semaphore, #tpu.memory_space<semaphore_mem>>
          %dma_start3A_67 = arith.constant 0 : i32
          %dma_start3A_68 = tpu.memref_slice %arg5[%add3A, %mul3A_32, %dma_start3A_67] : memref<32x80x128xi32, #tpu.memory_space<hbm>> -> memref<1x16x128xi32, #tpu.memory_space<hbm>>
          %dma_start3A_69 = tpu.memref_squeeze %dma_start3A_68 : memref<1x16x128xi32, #tpu.memory_space<hbm>> -> memref<16x128xi32, #tpu.memory_space<hbm>>
          %dma_start3A_70 = arith.constant 0 : i32
          %dma_start3A_71 = tpu.memref_slice %arg5[%add3A, %mul3A_32, %dma_start3A_70] : memref<32x80x128xi32, #tpu.memory_space<hbm>> -> memref<1x16x128xi32, #tpu.memory_space<hbm>>
          %dma_start3A_72 = tpu.memref_squeeze %dma_start3A_71 : memref<1x16x128xi32, #tpu.memory_space<hbm>> -> memref<16x128xi32, #tpu.memory_space<hbm>>
          tpu.enqueue_dma source(%dma_start3A_72 : memref<16x128xi32, #tpu.memory_space<hbm>>) target(%arg9 : memref<16x128xi32, #tpu.memory_space<vmem>>) target_semaphore(%run_scoped3A_66 : memref<!tpu.dma_semaphore, #tpu.memory_space<semaphore_mem>>)
          %dma_wait3A_73 = arith.constant 0 : i32
          %dma_wait3A_74 = tpu.memref_slice %arg5[%add3A, %mul3A_32, %dma_wait3A_73] : memref<32x80x128xi32, #tpu.memory_space<hbm>> -> memref<1x16x128xi32, #tpu.memory_space<hbm>>
          %dma_wait3A_75 = tpu.memref_squeeze %dma_wait3A_74 : memref<1x16x128xi32, #tpu.memory_space<hbm>> -> memref<16x128xi32, #tpu.memory_space<hbm>>
          %dma_wait3A_76 = arith.constant 0 : i32
          %dma_wait3A_77 = tpu.memref_slice %arg5[%add3A, %mul3A_32, %dma_wait3A_76] : memref<32x80x128xi32, #tpu.memory_space<hbm>> -> memref<1x16x128xi32, #tpu.memory_space<hbm>>
          %dma_wait3A_78 = tpu.memref_squeeze %dma_wait3A_77 : memref<1x16x128xi32, #tpu.memory_space<hbm>> -> memref<16x128xi32, #tpu.memory_space<hbm>>
          tpu.wait_dma2 semaphore(%run_scoped3A_66 : memref<!tpu.dma_semaphore, #tpu.memory_space<semaphore_mem>>) src(%dma_wait3A_78 : memref<16x128xi32, #tpu.memory_space<hbm>>) dst(%arg9 : memref<16x128xi32, #tpu.memory_space<vmem>>)
          tpu.yield
        }) : () -> ()
        %dma_start3A = arith.constant 0 : i32
        %dma_start3A_33 = arith.constant 0 : i32
        %dma_start3A_34 = tpu.memref_slice %arg8[%dma_start3A, %dma_start3A_33] : memref<16x128xi32, #tpu.memory_space<vmem>> -> memref<1x128xi32, #tpu.memory_space<vmem>>
        %dma_start3A_35 = tpu.memref_squeeze %dma_start3A_34 : memref<1x128xi32, #tpu.memory_space<vmem>> -> memref<128xi32, #tpu.memory_space<vmem>>
        %dma_start3A_36 = arith.constant 0 : i32
        %dma_start3A_37 = arith.constant 0 : i32
        %dma_start3A_38 = tpu.memref_slice %arg2[%dma_start3A_36, %dma_start3A_37] : memref<10240x128xf32, #tpu.memory_space<hbm>> -> memref<10240x128xf32, #tpu.memory_space<hbm>>
        tpu.enqueue_indirect_dma source(%dma_start3A_38 : memref<10240x128xf32, #tpu.memory_space<hbm>>) target(%arg10 : memref<128x128xf32, #tpu.memory_space<vmem>>) offsets(%dma_start3A_35 : memref<128xi32, #tpu.memory_space<vmem>>) semaphore(%arg13 : memref<!tpu.dma_semaphore, #tpu.memory_space<semaphore_mem>>)
        %scan3A_39 = arith.constant 0 : i32
        %scan3A_40 = arith.constant 0 : i32
        %scan3A_41 = arith.constant 7 : i32
        %scan3A_42 = arith.addi %scan3A_40, %scan3A_41 : i32
        %scan3A_43 = arith.constant 1 : i32
        scf.for %scan3A_66 = %scan3A_40 to %scan3A_42 step %scan3A_43  : i32 {
          %mul3A_67 = arith.constant 2 : i32
          %mul3A_68 = arith.muli %mul3A_67, %scan3A_66 : i32
          %dma_wait3A_69 = arith.constant 0 : i32
          %dma_wait3A_70 = arith.constant 0 : i32
          %dma_wait3A_71 = tpu.memref_slice %arg8[%dma_wait3A_69, %dma_wait3A_70] : memref<16x128xi32, #tpu.memory_space<vmem>> -> memref<1x128xi32, #tpu.memory_space<vmem>>
          %dma_wait3A_72 = tpu.memref_squeeze %dma_wait3A_71 : memref<1x128xi32, #tpu.memory_space<vmem>> -> memref<128xi32, #tpu.memory_space<vmem>>
          %dma_wait3A_73 = arith.constant 0 : i32
          %dma_wait3A_74 = arith.constant 0 : i32
          %dma_wait3A_75 = tpu.memref_slice %arg2[%dma_wait3A_73, %dma_wait3A_74] : memref<10240x128xf32, #tpu.memory_space<hbm>> -> memref<10240x128xf32, #tpu.memory_space<hbm>>
          tpu.wait_indirect_dma semaphore(%arg13 : memref<!tpu.dma_semaphore, #tpu.memory_space<semaphore_mem>>) src(%dma_wait3A_75 : memref<10240x128xf32, #tpu.memory_space<hbm>>) dst(%arg10 : memref<128x128xf32, #tpu.memory_space<vmem>>)
          %add3A_76 = arith.constant 1 : i32
          %add3A_77 = arith.addi %mul3A_68, %add3A_76 : i32
          %dma_start3A_78 = arith.constant 0 : i32
          %dma_start3A_79 = tpu.memref_slice %arg8[%add3A_77, %dma_start3A_78] : memref<16x128xi32, #tpu.memory_space<vmem>> -> memref<1x128xi32, #tpu.memory_space<vmem>>
          %dma_start3A_80 = tpu.memref_squeeze %dma_start3A_79 : memref<1x128xi32, #tpu.memory_space<vmem>> -> memref<128xi32, #tpu.memory_space<vmem>>
          %dma_start3A_81 = arith.constant 0 : i32
          %dma_start3A_82 = arith.constant 0 : i32
          %dma_start3A_83 = tpu.memref_slice %arg2[%dma_start3A_81, %dma_start3A_82] : memref<10240x128xf32, #tpu.memory_space<hbm>> -> memref<10240x128xf32, #tpu.memory_space<hbm>>
          tpu.enqueue_indirect_dma source(%dma_start3A_83 : memref<10240x128xf32, #tpu.memory_space<hbm>>) target(%arg11 : memref<128x128xf32, #tpu.memory_space<vmem>>) offsets(%dma_start3A_80 : memref<128xi32, #tpu.memory_space<vmem>>) semaphore(%arg14 : memref<!tpu.dma_semaphore, #tpu.memory_space<semaphore_mem>>)
          "tpu.region"() ({
            %run_scoped3A_101 = tpu.sem_alloc : memref<!tpu.dma_semaphore, #tpu.memory_space<semaphore_mem>>
            %dma_start3A_102 = arith.constant 0 : i32
            %dma_start3A_103 = tpu.memref_slice %arg9[%mul3A_68, %dma_start3A_102] : memref<16x128xi32, #tpu.memory_space<vmem>> -> memref<1x128xi32, #tpu.memory_space<vmem>>
            %dma_start3A_104 = tpu.memref_squeeze %dma_start3A_103 : memref<1x128xi32, #tpu.memory_space<vmem>> -> memref<128xi32, #tpu.memory_space<vmem>>
            %dma_start3A_105 = arith.constant 0 : i32
            %dma_start3A_106 = arith.constant 0 : i32
            %dma_start3A_107 = tpu.memref_slice %arg12[%dma_start3A_105, %dma_start3A_106] : memref<10240x128xf32, #tpu.memory_space<vmem_shared>> -> memref<10240x128xf32, #tpu.memory_space<vmem_shared>>
            tpu.enqueue_indirect_dma source(%arg10 : memref<128x128xf32, #tpu.memory_space<vmem>>) target(%dma_start3A_107 : memref<10240x128xf32, #tpu.memory_space<vmem_shared>>) offsets(%dma_start3A_104 : memref<128xi32, #tpu.memory_space<vmem>>) semaphore(%run_scoped3A_101 : memref<!tpu.dma_semaphore, #tpu.memory_space<semaphore_mem>>) {add = true}
            %dma_wait3A_108 = arith.constant 0 : i32
            %dma_wait3A_109 = tpu.memref_slice %arg9[%mul3A_68, %dma_wait3A_108] : memref<16x128xi32, #tpu.memory_space<vmem>> -> memref<1x128xi32, #tpu.memory_space<vmem>>
            %dma_wait3A_110 = tpu.memref_squeeze %dma_wait3A_109 : memref<1x128xi32, #tpu.memory_space<vmem>> -> memref<128xi32, #tpu.memory_space<vmem>>
            %dma_wait3A_111 = arith.constant 0 : i32
            %dma_wait3A_112 = arith.constant 0 : i32
            %dma_wait3A_113 = tpu.memref_slice %arg12[%dma_wait3A_111, %dma_wait3A_112] : memref<10240x128xf32, #tpu.memory_space<vmem_shared>> -> memref<10240x128xf32, #tpu.memory_space<vmem_shared>>
            tpu.wait_indirect_dma semaphore(%run_scoped3A_101 : memref<!tpu.dma_semaphore, #tpu.memory_space<semaphore_mem>>) src(%arg10 : memref<128x128xf32, #tpu.memory_space<vmem>>) dst(%dma_wait3A_113 : memref<10240x128xf32, #tpu.memory_space<vmem_shared>>)
            tpu.yield
          }) : () -> ()
          %dma_wait3A_84 = arith.constant 0 : i32
          %dma_wait3A_85 = arith.constant 0 : i32
          %dma_wait3A_86 = tpu.memref_slice %arg8[%dma_wait3A_84, %dma_wait3A_85] : memref<16x128xi32, #tpu.memory_space<vmem>> -> memref<1x128xi32, #tpu.memory_space<vmem>>
          %dma_wait3A_87 = tpu.memref_squeeze %dma_wait3A_86 : memref<1x128xi32, #tpu.memory_space<vmem>> -> memref<128xi32, #tpu.memory_space<vmem>>
          %dma_wait3A_88 = arith.constant 0 : i32
          %dma_wait3A_89 = arith.constant 0 : i32
          %dma_wait3A_90 = tpu.memref_slice %arg2[%dma_wait3A_88, %dma_wait3A_89] : memref<10240x128xf32, #tpu.memory_space<hbm>> -> memref<10240x128xf32, #tpu.memory_space<hbm>>
          tpu.wait_indirect_dma semaphore(%arg14 : memref<!tpu.dma_semaphore, #tpu.memory_space<semaphore_mem>>) src(%dma_wait3A_90 : memref<10240x128xf32, #tpu.memory_space<hbm>>) dst(%arg11 : memref<128x128xf32, #tpu.memory_space<vmem>>)
          %add3A_91 = arith.constant 2 : i32
          %add3A_92 = arith.addi %mul3A_68, %add3A_91 : i32
          %dma_start3A_93 = arith.constant 0 : i32
          %dma_start3A_94 = tpu.memref_slice %arg8[%add3A_92, %dma_start3A_93] : memref<16x128xi32, #tpu.memory_space<vmem>> -> memref<1x128xi32, #tpu.memory_space<vmem>>
          %dma_start3A_95 = tpu.memref_squeeze %dma_start3A_94 : memref<1x128xi32, #tpu.memory_space<vmem>> -> memref<128xi32, #tpu.memory_space<vmem>>
          %dma_start3A_96 = arith.constant 0 : i32
          %dma_start3A_97 = arith.constant 0 : i32
          %dma_start3A_98 = tpu.memref_slice %arg2[%dma_start3A_96, %dma_start3A_97] : memref<10240x128xf32, #tpu.memory_space<hbm>> -> memref<10240x128xf32, #tpu.memory_space<hbm>>
          tpu.enqueue_indirect_dma source(%dma_start3A_98 : memref<10240x128xf32, #tpu.memory_space<hbm>>) target(%arg10 : memref<128x128xf32, #tpu.memory_space<vmem>>) offsets(%dma_start3A_95 : memref<128xi32, #tpu.memory_space<vmem>>) semaphore(%arg13 : memref<!tpu.dma_semaphore, #tpu.memory_space<semaphore_mem>>)
          %add3A_99 = arith.constant 1 : i32
          %add3A_100 = arith.addi %mul3A_68, %add3A_99 : i32
          "tpu.region"() ({
            %run_scoped3A_101 = tpu.sem_alloc : memref<!tpu.dma_semaphore, #tpu.memory_space<semaphore_mem>>
            %dma_start3A_102 = arith.constant 0 : i32
            %dma_start3A_103 = tpu.memref_slice %arg9[%add3A_100, %dma_start3A_102] : memref<16x128xi32, #tpu.memory_space<vmem>> -> memref<1x128xi32, #tpu.memory_space<vmem>>
            %dma_start3A_104 = tpu.memref_squeeze %dma_start3A_103 : memref<1x128xi32, #tpu.memory_space<vmem>> -> memref<128xi32, #tpu.memory_space<vmem>>
            %dma_start3A_105 = arith.constant 0 : i32
            %dma_start3A_106 = arith.constant 0 : i32
            %dma_start3A_107 = tpu.memref_slice %arg12[%dma_start3A_105, %dma_start3A_106] : memref<10240x128xf32, #tpu.memory_space<vmem_shared>> -> memref<10240x128xf32, #tpu.memory_space<vmem_shared>>
            tpu.enqueue_indirect_dma source(%arg11 : memref<128x128xf32, #tpu.memory_space<vmem>>) target(%dma_start3A_107 : memref<10240x128xf32, #tpu.memory_space<vmem_shared>>) offsets(%dma_start3A_104 : memref<128xi32, #tpu.memory_space<vmem>>) semaphore(%run_scoped3A_101 : memref<!tpu.dma_semaphore, #tpu.memory_space<semaphore_mem>>) {add = true}
            %dma_wait3A_108 = arith.constant 0 : i32
            %dma_wait3A_109 = tpu.memref_slice %arg9[%add3A_100, %dma_wait3A_108] : memref<16x128xi32, #tpu.memory_space<vmem>> -> memref<1x128xi32, #tpu.memory_space<vmem>>
            %dma_wait3A_110 = tpu.memref_squeeze %dma_wait3A_109 : memref<1x128xi32, #tpu.memory_space<vmem>> -> memref<128xi32, #tpu.memory_space<vmem>>
            %dma_wait3A_111 = arith.constant 0 : i32
            %dma_wait3A_112 = arith.constant 0 : i32
            %dma_wait3A_113 = tpu.memref_slice %arg12[%dma_wait3A_111, %dma_wait3A_112] : memref<10240x128xf32, #tpu.memory_space<vmem_shared>> -> memref<10240x128xf32, #tpu.memory_space<vmem_shared>>
            tpu.wait_indirect_dma semaphore(%run_scoped3A_101 : memref<!tpu.dma_semaphore, #tpu.memory_space<semaphore_mem>>) src(%arg11 : memref<128x128xf32, #tpu.memory_space<vmem>>) dst(%dma_wait3A_113 : memref<10240x128xf32, #tpu.memory_space<vmem_shared>>)
            tpu.yield
          }) : () -> ()
        }
        %scan3A_44 = arith.constant 7 : i32
        %dma_wait3A = arith.constant 0 : i32
        %dma_wait3A_45 = arith.constant 0 : i32
        %dma_wait3A_46 = tpu.memref_slice %arg8[%dma_wait3A, %dma_wait3A_45] : memref<16x128xi32, #tpu.memory_space<vmem>> -> memref<1x128xi32, #tpu.memory_space<vmem>>
        %dma_wait3A_47 = tpu.memref_squeeze %dma_wait3A_46 : memref<1x128xi32, #tpu.memory_space<vmem>> -> memref<128xi32, #tpu.memory_space<vmem>>
        %dma_wait3A_48 = arith.constant 0 : i32
        %dma_wait3A_49 = arith.constant 0 : i32
        %dma_wait3A_50 = tpu.memref_slice %arg2[%dma_wait3A_48, %dma_wait3A_49] : memref<10240x128xf32, #tpu.memory_space<hbm>> -> memref<10240x128xf32, #tpu.memory_space<hbm>>
        tpu.wait_indirect_dma semaphore(%arg13 : memref<!tpu.dma_semaphore, #tpu.memory_space<semaphore_mem>>) src(%dma_wait3A_50 : memref<10240x128xf32, #tpu.memory_space<hbm>>) dst(%arg10 : memref<128x128xf32, #tpu.memory_space<vmem>>)
        %dma_start3A_51 = arith.constant 15 : i32
        %dma_start3A_52 = arith.constant 0 : i32
        %dma_start3A_53 = tpu.memref_slice %arg8[%dma_start3A_51, %dma_start3A_52] : memref<16x128xi32, #tpu.memory_space<vmem>> -> memref<1x128xi32, #tpu.memory_space<vmem>>
        %dma_start3A_54 = tpu.memref_squeeze %dma_start3A_53 : memref<1x128xi32, #tpu.memory_space<vmem>> -> memref<128xi32, #tpu.memory_space<vmem>>
        %dma_start3A_55 = arith.constant 0 : i32
        %dma_start3A_56 = arith.constant 0 : i32
        %dma_start3A_57 = tpu.memref_slice %arg2[%dma_start3A_55, %dma_start3A_56] : memref<10240x128xf32, #tpu.memory_space<hbm>> -> memref<10240x128xf32, #tpu.memory_space<hbm>>
        tpu.enqueue_indirect_dma source(%dma_start3A_57 : memref<10240x128xf32, #tpu.memory_space<hbm>>) target(%arg11 : memref<128x128xf32, #tpu.memory_space<vmem>>) offsets(%dma_start3A_54 : memref<128xi32, #tpu.memory_space<vmem>>) semaphore(%arg14 : memref<!tpu.dma_semaphore, #tpu.memory_space<semaphore_mem>>)
        %run_scoped3A = arith.constant 14 : i32
        "tpu.region"() ({
          %run_scoped3A_66 = tpu.sem_alloc : memref<!tpu.dma_semaphore, #tpu.memory_space<semaphore_mem>>
          %dma_start3A_67 = arith.constant 0 : i32
          %dma_start3A_68 = tpu.memref_slice %arg9[%run_scoped3A, %dma_start3A_67] : memref<16x128xi32, #tpu.memory_space<vmem>> -> memref<1x128xi32, #tpu.memory_space<vmem>>
          %dma_start3A_69 = tpu.memref_squeeze %dma_start3A_68 : memref<1x128xi32, #tpu.memory_space<vmem>> -> memref<128xi32, #tpu.memory_space<vmem>>
          %dma_start3A_70 = arith.constant 0 : i32
          %dma_start3A_71 = arith.constant 0 : i32
          %dma_start3A_72 = tpu.memref_slice %arg12[%dma_start3A_70, %dma_start3A_71] : memref<10240x128xf32, #tpu.memory_space<vmem_shared>> -> memref<10240x128xf32, #tpu.memory_space<vmem_shared>>
          tpu.enqueue_indirect_dma source(%arg10 : memref<128x128xf32, #tpu.memory_space<vmem>>) target(%dma_start3A_72 : memref<10240x128xf32, #tpu.memory_space<vmem_shared>>) offsets(%dma_start3A_69 : memref<128xi32, #tpu.memory_space<vmem>>) semaphore(%run_scoped3A_66 : memref<!tpu.dma_semaphore, #tpu.memory_space<semaphore_mem>>) {add = true}
          %dma_wait3A_73 = arith.constant 0 : i32
          %dma_wait3A_74 = tpu.memref_slice %arg9[%run_scoped3A, %dma_wait3A_73] : memref<16x128xi32, #tpu.memory_space<vmem>> -> memref<1x128xi32, #tpu.memory_space<vmem>>
          %dma_wait3A_75 = tpu.memref_squeeze %dma_wait3A_74 : memref<1x128xi32, #tpu.memory_space<vmem>> -> memref<128xi32, #tpu.memory_space<vmem>>
          %dma_wait3A_76 = arith.constant 0 : i32
          %dma_wait3A_77 = arith.constant 0 : i32
          %dma_wait3A_78 = tpu.memref_slice %arg12[%dma_wait3A_76, %dma_wait3A_77] : memref<10240x128xf32, #tpu.memory_space<vmem_shared>> -> memref<10240x128xf32, #tpu.memory_space<vmem_shared>>
          tpu.wait_indirect_dma semaphore(%run_scoped3A_66 : memref<!tpu.dma_semaphore, #tpu.memory_space<semaphore_mem>>) src(%arg10 : memref<128x128xf32, #tpu.memory_space<vmem>>) dst(%dma_wait3A_78 : memref<10240x128xf32, #tpu.memory_space<vmem_shared>>)
          tpu.yield
        }) : () -> ()
        %dma_wait3A_58 = arith.constant 0 : i32
        %dma_wait3A_59 = arith.constant 0 : i32
        %dma_wait3A_60 = tpu.memref_slice %arg8[%dma_wait3A_58, %dma_wait3A_59] : memref<16x128xi32, #tpu.memory_space<vmem>> -> memref<1x128xi32, #tpu.memory_space<vmem>>
        %dma_wait3A_61 = tpu.memref_squeeze %dma_wait3A_60 : memref<1x128xi32, #tpu.memory_space<vmem>> -> memref<128xi32, #tpu.memory_space<vmem>>
        %dma_wait3A_62 = arith.constant 0 : i32
        %dma_wait3A_63 = arith.constant 0 : i32
        %dma_wait3A_64 = tpu.memref_slice %arg2[%dma_wait3A_62, %dma_wait3A_63] : memref<10240x128xf32, #tpu.memory_space<hbm>> -> memref<10240x128xf32, #tpu.memory_space<hbm>>
        tpu.wait_indirect_dma semaphore(%arg14 : memref<!tpu.dma_semaphore, #tpu.memory_space<semaphore_mem>>) src(%dma_wait3A_64 : memref<10240x128xf32, #tpu.memory_space<hbm>>) dst(%arg11 : memref<128x128xf32, #tpu.memory_space<vmem>>)
        %run_scoped3A_65 = arith.constant 15 : i32
        "tpu.region"() ({
          %run_scoped3A_66 = tpu.sem_alloc : memref<!tpu.dma_semaphore, #tpu.memory_space<semaphore_mem>>
          %dma_start3A_67 = arith.constant 0 : i32
          %dma_start3A_68 = tpu.memref_slice %arg9[%run_scoped3A_65, %dma_start3A_67] : memref<16x128xi32, #tpu.memory_space<vmem>> -> memref<1x128xi32, #tpu.memory_space<vmem>>
          %dma_start3A_69 = tpu.memref_squeeze %dma_start3A_68 : memref<1x128xi32, #tpu.memory_space<vmem>> -> memref<128xi32, #tpu.memory_space<vmem>>
          %dma_start3A_70 = arith.constant 0 : i32
          %dma_start3A_71 = arith.constant 0 : i32
          %dma_start3A_72 = tpu.memref_slice %arg12[%dma_start3A_70, %dma_start3A_71] : memref<10240x128xf32, #tpu.memory_space<vmem_shared>> -> memref<10240x128xf32, #tpu.memory_space<vmem_shared>>
          tpu.enqueue_indirect_dma source(%arg11 : memref<128x128xf32, #tpu.memory_space<vmem>>) target(%dma_start3A_72 : memref<10240x128xf32, #tpu.memory_space<vmem_shared>>) offsets(%dma_start3A_69 : memref<128xi32, #tpu.memory_space<vmem>>) semaphore(%run_scoped3A_66 : memref<!tpu.dma_semaphore, #tpu.memory_space<semaphore_mem>>) {add = true}
          %dma_wait3A_73 = arith.constant 0 : i32
          %dma_wait3A_74 = tpu.memref_slice %arg9[%run_scoped3A_65, %dma_wait3A_73] : memref<16x128xi32, #tpu.memory_space<vmem>> -> memref<1x128xi32, #tpu.memory_space<vmem>>
          %dma_wait3A_75 = tpu.memref_squeeze %dma_wait3A_74 : memref<1x128xi32, #tpu.memory_space<vmem>> -> memref<128xi32, #tpu.memory_space<vmem>>
          %dma_wait3A_76 = arith.constant 0 : i32
          %dma_wait3A_77 = arith.constant 0 : i32
          %dma_wait3A_78 = tpu.memref_slice %arg12[%dma_wait3A_76, %dma_wait3A_77] : memref<10240x128xf32, #tpu.memory_space<vmem_shared>> -> memref<10240x128xf32, #tpu.memory_space<vmem_shared>>
          tpu.wait_indirect_dma semaphore(%run_scoped3A_66 : memref<!tpu.dma_semaphore, #tpu.memory_space<semaphore_mem>>) src(%arg11 : memref<128x128xf32, #tpu.memory_space<vmem>>) dst(%dma_wait3A_78 : memref<10240x128xf32, #tpu.memory_space<vmem_shared>>)
          tpu.yield
        }) : () -> ()
      }
      %scan3A_20 = arith.constant 5 : i32
      %barrier3A_21 = arith.constant 0 : index
      tpu.barrier barrier_id(%barrier3A_21)
      %scan3A_22 = arith.constant 0 : i32
      %scan3A_23 = arith.constant 0 : i32
      %scan3A_24 = arith.constant 5 : i32
      %scan3A_25 = arith.addi %scan3A_23, %scan3A_24 : i32
      %scan3A_26 = arith.constant 1 : i32
      scf.for %scan3A_28 = %scan3A_23 to %scan3A_25 step %scan3A_26  : i32 {
        %mul3A_29 = arith.constant 128 : i32
        %mul3A_30 = arith.muli %scan3A_28, %mul3A_29 : i32
        %add3A_31 = arith.addi %mul3A_9, %mul3A_30 : i32
        "tpu.region"() ({
          %run_scoped3A = tpu.sem_alloc : memref<!tpu.dma_semaphore, #tpu.memory_space<semaphore_mem>>
          %dma_start3A = arith.constant 0 : i32
          %dma_start3A_32 = tpu.memref_slice %arg7[%add3A_31, %dma_start3A] : memref<10240x128xf32, #tpu.memory_space<hbm>> -> memref<128x128xf32, #tpu.memory_space<hbm>>
          %dma_start3A_33 = arith.constant 0 : i32
          %dma_start3A_34 = tpu.memref_slice %arg12[%add3A_31, %dma_start3A_33] : memref<10240x128xf32, #tpu.memory_space<vmem_shared>> -> memref<128x128xf32, #tpu.memory_space<vmem_shared>>
          tpu.enqueue_dma source(%dma_start3A_34 : memref<128x128xf32, #tpu.memory_space<vmem_shared>>) target(%dma_start3A_32 : memref<128x128xf32, #tpu.memory_space<hbm>>) target_semaphore(%run_scoped3A : memref<!tpu.dma_semaphore, #tpu.memory_space<semaphore_mem>>)
          %dma_wait3A = arith.constant 0 : i32
          %dma_wait3A_35 = tpu.memref_slice %arg7[%add3A_31, %dma_wait3A] : memref<10240x128xf32, #tpu.memory_space<hbm>> -> memref<128x128xf32, #tpu.memory_space<hbm>>
          %dma_wait3A_36 = arith.constant 0 : i32
          %dma_wait3A_37 = tpu.memref_slice %arg12[%add3A_31, %dma_wait3A_36] : memref<10240x128xf32, #tpu.memory_space<vmem_shared>> -> memref<128x128xf32, #tpu.memory_space<vmem_shared>>
          tpu.wait_dma2 semaphore(%run_scoped3A : memref<!tpu.dma_semaphore, #tpu.memory_space<semaphore_mem>>) src(%dma_wait3A_37 : memref<128x128xf32, #tpu.memory_space<vmem_shared>>) dst(%dma_wait3A_35 : memref<128x128xf32, #tpu.memory_space<hbm>>)
          tpu.yield
        }) : () -> ()
      }
      %scan3A_27 = arith.constant 5 : i32
    } else {
    }
    return
  }
}

#map = affine_map<(d0, d1) -> (0, 0)>
#map1 = affine_map<(d0, d1) -> (0, 0, 0)>
module attributes {stable_mosaic.version = 14 : i64} {
  func.func @aggr(%arg0: i32, %arg1: i32, %arg2: memref<10240x128xf32, #tpu.memory_space<hbm>>, %arg3: memref<10240x128xf32, #tpu.memory_space<hbm>>, %arg4: memref<16x160x128xi32, #tpu.memory_space<hbm>>, %arg5: memref<16x160x128xi32, #tpu.memory_space<hbm>>, %arg6: memref<10240x128xf32, #tpu.memory_space<hbm>>, %arg7: memref<10240x128xf32, #tpu.memory_space<hbm>>, %arg8: memref<16x128xi32, #tpu.memory_space<vmem>>, %arg9: memref<16x128xi32, #tpu.memory_space<vmem>>, %arg10: memref<128x128xf32, #tpu.memory_space<vmem>>, %arg11: memref<128x128xf32, #tpu.memory_space<vmem>>, %arg12: memref<10240x128xf32, #tpu.memory_space<vmem_shared>>, %arg13: memref<!tpu.dma_semaphore, #tpu.memory_space<semaphore_mem>>, %arg14: memref<!tpu.dma_semaphore, #tpu.memory_space<semaphore_mem>>) attributes {dimension_semantics = [#tpu.dimension_semantics<core_parallel>, #tpu.dimension_semantics<subcore_parallel>], iteration_bounds = array<i64: 2, 16>, scalar_prefetch = 0 : i64, scratch_operands = 7 : i64, tpu.core_type = #tpu.core_type<sc_vector_subcore>, window_params = [{transform_indices = #map}, {transform_indices = #map}, {transform_indices = #map1}, {transform_indices = #map1}, {transform_indices = #map}, {transform_indices = #map}]} {
    %eq3A = arith.constant 0 : i32
    %eq3A_0 = arith.cmpi eq, %arg0, %eq3A : i32
    %convert_element_type3A = arith.extui %eq3A_0 : i1 to i32
    %cond3A = arith.constant 0 : i32
    %cond3A_1 = arith.cmpi ne, %convert_element_type3A, %cond3A : i32
    scf.if %cond3A_1 {
      %mul3A = arith.constant 640 : i32
      %mul3A_7 = arith.muli %arg1, %mul3A : i32
      %scan3A = arith.constant 0 : i32
      %scan3A_8 = arith.constant 0 : i32
      %scan3A_9 = arith.constant 5 : i32
      %scan3A_10 = arith.addi %scan3A_8, %scan3A_9 : i32
      %scan3A_11 = arith.constant 1 : i32
      scf.for %scan3A_26 = %scan3A_8 to %scan3A_10 step %scan3A_11  : i32 {
        %mul3A_27 = arith.constant 128 : i32
        %mul3A_28 = arith.muli %scan3A_26, %mul3A_27 : i32
        %add3A = arith.addi %mul3A_7, %mul3A_28 : i32
        "tpu.region"() ({
          %run_scoped3A = tpu.sem_alloc : memref<!tpu.dma_semaphore, #tpu.memory_space<semaphore_mem>>
          %dma_start3A = arith.constant 0 : i32
          %dma_start3A_29 = tpu.memref_slice %arg12[%add3A, %dma_start3A] : memref<10240x128xf32, #tpu.memory_space<vmem_shared>> -> memref<128x128xf32, #tpu.memory_space<vmem_shared>>
          %dma_start3A_30 = arith.constant 0 : i32
          %dma_start3A_31 = tpu.memref_slice %arg2[%add3A, %dma_start3A_30] : memref<10240x128xf32, #tpu.memory_space<hbm>> -> memref<128x128xf32, #tpu.memory_space<hbm>>
          tpu.enqueue_dma source(%dma_start3A_31 : memref<128x128xf32, #tpu.memory_space<hbm>>) target(%dma_start3A_29 : memref<128x128xf32, #tpu.memory_space<vmem_shared>>) target_semaphore(%run_scoped3A : memref<!tpu.dma_semaphore, #tpu.memory_space<semaphore_mem>>)
          %dma_wait3A = arith.constant 0 : i32
          %dma_wait3A_32 = tpu.memref_slice %arg12[%add3A, %dma_wait3A] : memref<10240x128xf32, #tpu.memory_space<vmem_shared>> -> memref<128x128xf32, #tpu.memory_space<vmem_shared>>
          %dma_wait3A_33 = arith.constant 0 : i32
          %dma_wait3A_34 = tpu.memref_slice %arg2[%add3A, %dma_wait3A_33] : memref<10240x128xf32, #tpu.memory_space<hbm>> -> memref<128x128xf32, #tpu.memory_space<hbm>>
          tpu.wait_dma2 semaphore(%run_scoped3A : memref<!tpu.dma_semaphore, #tpu.memory_space<semaphore_mem>>) src(%dma_wait3A_34 : memref<128x128xf32, #tpu.memory_space<hbm>>) dst(%dma_wait3A_32 : memref<128x128xf32, #tpu.memory_space<vmem_shared>>)
          tpu.yield
        }) : () -> ()
      }
      %scan3A_12 = arith.constant 5 : i32
      %barrier3A = arith.constant 0 : index
      tpu.barrier barrier_id(%barrier3A)
      %scan3A_13 = arith.constant 0 : i32
      %scan3A_14 = arith.constant 0 : i32
      %scan3A_15 = arith.constant 10 : i32
      %scan3A_16 = arith.addi %scan3A_14, %scan3A_15 : i32
      %scan3A_17 = arith.constant 1 : i32
      scf.for %scan3A_26 = %scan3A_14 to %scan3A_16 step %scan3A_17  : i32 {
        %mul3A_27 = arith.constant 16 : i32
        %mul3A_28 = arith.muli %scan3A_26, %mul3A_27 : i32
        "tpu.region"() ({
          %run_scoped3A_64 = tpu.sem_alloc : memref<!tpu.dma_semaphore, #tpu.memory_space<semaphore_mem>>
          %dma_start3A_65 = arith.constant 0 : i32
          %dma_start3A_66 = tpu.memref_slice %arg4[%arg1, %mul3A_28, %dma_start3A_65] : memref<16x160x128xi32, #tpu.memory_space<hbm>> -> memref<1x16x128xi32, #tpu.memory_space<hbm>>
          %dma_start3A_67 = tpu.memref_squeeze %dma_start3A_66 : memref<1x16x128xi32, #tpu.memory_space<hbm>> -> memref<16x128xi32, #tpu.memory_space<hbm>>
          %dma_start3A_68 = arith.constant 0 : i32
          %dma_start3A_69 = tpu.memref_slice %arg4[%arg1, %mul3A_28, %dma_start3A_68] : memref<16x160x128xi32, #tpu.memory_space<hbm>> -> memref<1x16x128xi32, #tpu.memory_space<hbm>>
          %dma_start3A_70 = tpu.memref_squeeze %dma_start3A_69 : memref<1x16x128xi32, #tpu.memory_space<hbm>> -> memref<16x128xi32, #tpu.memory_space<hbm>>
          tpu.enqueue_dma source(%dma_start3A_70 : memref<16x128xi32, #tpu.memory_space<hbm>>) target(%arg8 : memref<16x128xi32, #tpu.memory_space<vmem>>) target_semaphore(%run_scoped3A_64 : memref<!tpu.dma_semaphore, #tpu.memory_space<semaphore_mem>>)
          %dma_wait3A_71 = arith.constant 0 : i32
          %dma_wait3A_72 = tpu.memref_slice %arg4[%arg1, %mul3A_28, %dma_wait3A_71] : memref<16x160x128xi32, #tpu.memory_space<hbm>> -> memref<1x16x128xi32, #tpu.memory_space<hbm>>
          %dma_wait3A_73 = tpu.memref_squeeze %dma_wait3A_72 : memref<1x16x128xi32, #tpu.memory_space<hbm>> -> memref<16x128xi32, #tpu.memory_space<hbm>>
          %dma_wait3A_74 = arith.constant 0 : i32
          %dma_wait3A_75 = tpu.memref_slice %arg4[%arg1, %mul3A_28, %dma_wait3A_74] : memref<16x160x128xi32, #tpu.memory_space<hbm>> -> memref<1x16x128xi32, #tpu.memory_space<hbm>>
          %dma_wait3A_76 = tpu.memref_squeeze %dma_wait3A_75 : memref<1x16x128xi32, #tpu.memory_space<hbm>> -> memref<16x128xi32, #tpu.memory_space<hbm>>
          tpu.wait_dma2 semaphore(%run_scoped3A_64 : memref<!tpu.dma_semaphore, #tpu.memory_space<semaphore_mem>>) src(%dma_wait3A_76 : memref<16x128xi32, #tpu.memory_space<hbm>>) dst(%arg8 : memref<16x128xi32, #tpu.memory_space<vmem>>)
          tpu.yield
        }) : () -> ()
        %mul3A_29 = arith.constant 16 : i32
        %mul3A_30 = arith.muli %scan3A_26, %mul3A_29 : i32
        "tpu.region"() ({
          %run_scoped3A_64 = tpu.sem_alloc : memref<!tpu.dma_semaphore, #tpu.memory_space<semaphore_mem>>
          %dma_start3A_65 = arith.constant 0 : i32
          %dma_start3A_66 = tpu.memref_slice %arg5[%arg1, %mul3A_30, %dma_start3A_65] : memref<16x160x128xi32, #tpu.memory_space<hbm>> -> memref<1x16x128xi32, #tpu.memory_space<hbm>>
          %dma_start3A_67 = tpu.memref_squeeze %dma_start3A_66 : memref<1x16x128xi32, #tpu.memory_space<hbm>> -> memref<16x128xi32, #tpu.memory_space<hbm>>
          %dma_start3A_68 = arith.constant 0 : i32
          %dma_start3A_69 = tpu.memref_slice %arg5[%arg1, %mul3A_30, %dma_start3A_68] : memref<16x160x128xi32, #tpu.memory_space<hbm>> -> memref<1x16x128xi32, #tpu.memory_space<hbm>>
          %dma_start3A_70 = tpu.memref_squeeze %dma_start3A_69 : memref<1x16x128xi32, #tpu.memory_space<hbm>> -> memref<16x128xi32, #tpu.memory_space<hbm>>
          tpu.enqueue_dma source(%dma_start3A_70 : memref<16x128xi32, #tpu.memory_space<hbm>>) target(%arg9 : memref<16x128xi32, #tpu.memory_space<vmem>>) target_semaphore(%run_scoped3A_64 : memref<!tpu.dma_semaphore, #tpu.memory_space<semaphore_mem>>)
          %dma_wait3A_71 = arith.constant 0 : i32
          %dma_wait3A_72 = tpu.memref_slice %arg5[%arg1, %mul3A_30, %dma_wait3A_71] : memref<16x160x128xi32, #tpu.memory_space<hbm>> -> memref<1x16x128xi32, #tpu.memory_space<hbm>>
          %dma_wait3A_73 = tpu.memref_squeeze %dma_wait3A_72 : memref<1x16x128xi32, #tpu.memory_space<hbm>> -> memref<16x128xi32, #tpu.memory_space<hbm>>
          %dma_wait3A_74 = arith.constant 0 : i32
          %dma_wait3A_75 = tpu.memref_slice %arg5[%arg1, %mul3A_30, %dma_wait3A_74] : memref<16x160x128xi32, #tpu.memory_space<hbm>> -> memref<1x16x128xi32, #tpu.memory_space<hbm>>
          %dma_wait3A_76 = tpu.memref_squeeze %dma_wait3A_75 : memref<1x16x128xi32, #tpu.memory_space<hbm>> -> memref<16x128xi32, #tpu.memory_space<hbm>>
          tpu.wait_dma2 semaphore(%run_scoped3A_64 : memref<!tpu.dma_semaphore, #tpu.memory_space<semaphore_mem>>) src(%dma_wait3A_76 : memref<16x128xi32, #tpu.memory_space<hbm>>) dst(%arg9 : memref<16x128xi32, #tpu.memory_space<vmem>>)
          tpu.yield
        }) : () -> ()
        %dma_start3A = arith.constant 0 : i32
        %dma_start3A_31 = arith.constant 0 : i32
        %dma_start3A_32 = tpu.memref_slice %arg8[%dma_start3A, %dma_start3A_31] : memref<16x128xi32, #tpu.memory_space<vmem>> -> memref<1x128xi32, #tpu.memory_space<vmem>>
        %dma_start3A_33 = tpu.memref_squeeze %dma_start3A_32 : memref<1x128xi32, #tpu.memory_space<vmem>> -> memref<128xi32, #tpu.memory_space<vmem>>
        %dma_start3A_34 = arith.constant 0 : i32
        %dma_start3A_35 = arith.constant 0 : i32
        %dma_start3A_36 = tpu.memref_slice %arg2[%dma_start3A_34, %dma_start3A_35] : memref<10240x128xf32, #tpu.memory_space<hbm>> -> memref<10240x128xf32, #tpu.memory_space<hbm>>
        tpu.enqueue_indirect_dma source(%dma_start3A_36 : memref<10240x128xf32, #tpu.memory_space<hbm>>) target(%arg10 : memref<128x128xf32, #tpu.memory_space<vmem>>) offsets(%dma_start3A_33 : memref<128xi32, #tpu.memory_space<vmem>>) semaphore(%arg13 : memref<!tpu.dma_semaphore, #tpu.memory_space<semaphore_mem>>)
        %scan3A_37 = arith.constant 0 : i32
        %scan3A_38 = arith.constant 0 : i32
        %scan3A_39 = arith.constant 7 : i32
        %scan3A_40 = arith.addi %scan3A_38, %scan3A_39 : i32
        %scan3A_41 = arith.constant 1 : i32
        scf.for %scan3A_64 = %scan3A_38 to %scan3A_40 step %scan3A_41  : i32 {
          %mul3A_65 = arith.constant 2 : i32
          %mul3A_66 = arith.muli %mul3A_65, %scan3A_64 : i32
          %dma_wait3A_67 = arith.constant 0 : i32
          %dma_wait3A_68 = arith.constant 0 : i32
          %dma_wait3A_69 = tpu.memref_slice %arg8[%dma_wait3A_67, %dma_wait3A_68] : memref<16x128xi32, #tpu.memory_space<vmem>> -> memref<1x128xi32, #tpu.memory_space<vmem>>
          %dma_wait3A_70 = tpu.memref_squeeze %dma_wait3A_69 : memref<1x128xi32, #tpu.memory_space<vmem>> -> memref<128xi32, #tpu.memory_space<vmem>>
          %dma_wait3A_71 = arith.constant 0 : i32
          %dma_wait3A_72 = arith.constant 0 : i32
          %dma_wait3A_73 = tpu.memref_slice %arg2[%dma_wait3A_71, %dma_wait3A_72] : memref<10240x128xf32, #tpu.memory_space<hbm>> -> memref<10240x128xf32, #tpu.memory_space<hbm>>
          tpu.wait_indirect_dma semaphore(%arg13 : memref<!tpu.dma_semaphore, #tpu.memory_space<semaphore_mem>>) src(%dma_wait3A_73 : memref<10240x128xf32, #tpu.memory_space<hbm>>) dst(%arg10 : memref<128x128xf32, #tpu.memory_space<vmem>>)
          %add3A = arith.constant 1 : i32
          %add3A_74 = arith.addi %mul3A_66, %add3A : i32
          %dma_start3A_75 = arith.constant 0 : i32
          %dma_start3A_76 = tpu.memref_slice %arg8[%add3A_74, %dma_start3A_75] : memref<16x128xi32, #tpu.memory_space<vmem>> -> memref<1x128xi32, #tpu.memory_space<vmem>>
          %dma_start3A_77 = tpu.memref_squeeze %dma_start3A_76 : memref<1x128xi32, #tpu.memory_space<vmem>> -> memref<128xi32, #tpu.memory_space<vmem>>
          %dma_start3A_78 = arith.constant 0 : i32
          %dma_start3A_79 = arith.constant 0 : i32
          %dma_start3A_80 = tpu.memref_slice %arg2[%dma_start3A_78, %dma_start3A_79] : memref<10240x128xf32, #tpu.memory_space<hbm>> -> memref<10240x128xf32, #tpu.memory_space<hbm>>
          tpu.enqueue_indirect_dma source(%dma_start3A_80 : memref<10240x128xf32, #tpu.memory_space<hbm>>) target(%arg11 : memref<128x128xf32, #tpu.memory_space<vmem>>) offsets(%dma_start3A_77 : memref<128xi32, #tpu.memory_space<vmem>>) semaphore(%arg14 : memref<!tpu.dma_semaphore, #tpu.memory_space<semaphore_mem>>)
          "tpu.region"() ({
            %run_scoped3A_98 = tpu.sem_alloc : memref<!tpu.dma_semaphore, #tpu.memory_space<semaphore_mem>>
            %dma_start3A_99 = arith.constant 0 : i32
            %dma_start3A_100 = tpu.memref_slice %arg9[%mul3A_66, %dma_start3A_99] : memref<16x128xi32, #tpu.memory_space<vmem>> -> memref<1x128xi32, #tpu.memory_space<vmem>>
            %dma_start3A_101 = tpu.memref_squeeze %dma_start3A_100 : memref<1x128xi32, #tpu.memory_space<vmem>> -> memref<128xi32, #tpu.memory_space<vmem>>
            %dma_start3A_102 = arith.constant 0 : i32
            %dma_start3A_103 = arith.constant 0 : i32
            %dma_start3A_104 = tpu.memref_slice %arg12[%dma_start3A_102, %dma_start3A_103] : memref<10240x128xf32, #tpu.memory_space<vmem_shared>> -> memref<10240x128xf32, #tpu.memory_space<vmem_shared>>
            tpu.enqueue_indirect_dma source(%arg10 : memref<128x128xf32, #tpu.memory_space<vmem>>) target(%dma_start3A_104 : memref<10240x128xf32, #tpu.memory_space<vmem_shared>>) offsets(%dma_start3A_101 : memref<128xi32, #tpu.memory_space<vmem>>) semaphore(%run_scoped3A_98 : memref<!tpu.dma_semaphore, #tpu.memory_space<semaphore_mem>>) {add = true}
            %dma_wait3A_105 = arith.constant 0 : i32
            %dma_wait3A_106 = tpu.memref_slice %arg9[%mul3A_66, %dma_wait3A_105] : memref<16x128xi32, #tpu.memory_space<vmem>> -> memref<1x128xi32, #tpu.memory_space<vmem>>
            %dma_wait3A_107 = tpu.memref_squeeze %dma_wait3A_106 : memref<1x128xi32, #tpu.memory_space<vmem>> -> memref<128xi32, #tpu.memory_space<vmem>>
            %dma_wait3A_108 = arith.constant 0 : i32
            %dma_wait3A_109 = arith.constant 0 : i32
            %dma_wait3A_110 = tpu.memref_slice %arg12[%dma_wait3A_108, %dma_wait3A_109] : memref<10240x128xf32, #tpu.memory_space<vmem_shared>> -> memref<10240x128xf32, #tpu.memory_space<vmem_shared>>
            tpu.wait_indirect_dma semaphore(%run_scoped3A_98 : memref<!tpu.dma_semaphore, #tpu.memory_space<semaphore_mem>>) src(%arg10 : memref<128x128xf32, #tpu.memory_space<vmem>>) dst(%dma_wait3A_110 : memref<10240x128xf32, #tpu.memory_space<vmem_shared>>)
            tpu.yield
          }) : () -> ()
          %dma_wait3A_81 = arith.constant 0 : i32
          %dma_wait3A_82 = arith.constant 0 : i32
          %dma_wait3A_83 = tpu.memref_slice %arg8[%dma_wait3A_81, %dma_wait3A_82] : memref<16x128xi32, #tpu.memory_space<vmem>> -> memref<1x128xi32, #tpu.memory_space<vmem>>
          %dma_wait3A_84 = tpu.memref_squeeze %dma_wait3A_83 : memref<1x128xi32, #tpu.memory_space<vmem>> -> memref<128xi32, #tpu.memory_space<vmem>>
          %dma_wait3A_85 = arith.constant 0 : i32
          %dma_wait3A_86 = arith.constant 0 : i32
          %dma_wait3A_87 = tpu.memref_slice %arg2[%dma_wait3A_85, %dma_wait3A_86] : memref<10240x128xf32, #tpu.memory_space<hbm>> -> memref<10240x128xf32, #tpu.memory_space<hbm>>
          tpu.wait_indirect_dma semaphore(%arg14 : memref<!tpu.dma_semaphore, #tpu.memory_space<semaphore_mem>>) src(%dma_wait3A_87 : memref<10240x128xf32, #tpu.memory_space<hbm>>) dst(%arg11 : memref<128x128xf32, #tpu.memory_space<vmem>>)
          %add3A_88 = arith.constant 2 : i32
          %add3A_89 = arith.addi %mul3A_66, %add3A_88 : i32
          %dma_start3A_90 = arith.constant 0 : i32
          %dma_start3A_91 = tpu.memref_slice %arg8[%add3A_89, %dma_start3A_90] : memref<16x128xi32, #tpu.memory_space<vmem>> -> memref<1x128xi32, #tpu.memory_space<vmem>>
          %dma_start3A_92 = tpu.memref_squeeze %dma_start3A_91 : memref<1x128xi32, #tpu.memory_space<vmem>> -> memref<128xi32, #tpu.memory_space<vmem>>
          %dma_start3A_93 = arith.constant 0 : i32
          %dma_start3A_94 = arith.constant 0 : i32
          %dma_start3A_95 = tpu.memref_slice %arg2[%dma_start3A_93, %dma_start3A_94] : memref<10240x128xf32, #tpu.memory_space<hbm>> -> memref<10240x128xf32, #tpu.memory_space<hbm>>
          tpu.enqueue_indirect_dma source(%dma_start3A_95 : memref<10240x128xf32, #tpu.memory_space<hbm>>) target(%arg10 : memref<128x128xf32, #tpu.memory_space<vmem>>) offsets(%dma_start3A_92 : memref<128xi32, #tpu.memory_space<vmem>>) semaphore(%arg13 : memref<!tpu.dma_semaphore, #tpu.memory_space<semaphore_mem>>)
          %add3A_96 = arith.constant 1 : i32
          %add3A_97 = arith.addi %mul3A_66, %add3A_96 : i32
          "tpu.region"() ({
            %run_scoped3A_98 = tpu.sem_alloc : memref<!tpu.dma_semaphore, #tpu.memory_space<semaphore_mem>>
            %dma_start3A_99 = arith.constant 0 : i32
            %dma_start3A_100 = tpu.memref_slice %arg9[%add3A_97, %dma_start3A_99] : memref<16x128xi32, #tpu.memory_space<vmem>> -> memref<1x128xi32, #tpu.memory_space<vmem>>
            %dma_start3A_101 = tpu.memref_squeeze %dma_start3A_100 : memref<1x128xi32, #tpu.memory_space<vmem>> -> memref<128xi32, #tpu.memory_space<vmem>>
            %dma_start3A_102 = arith.constant 0 : i32
            %dma_start3A_103 = arith.constant 0 : i32
            %dma_start3A_104 = tpu.memref_slice %arg12[%dma_start3A_102, %dma_start3A_103] : memref<10240x128xf32, #tpu.memory_space<vmem_shared>> -> memref<10240x128xf32, #tpu.memory_space<vmem_shared>>
            tpu.enqueue_indirect_dma source(%arg11 : memref<128x128xf32, #tpu.memory_space<vmem>>) target(%dma_start3A_104 : memref<10240x128xf32, #tpu.memory_space<vmem_shared>>) offsets(%dma_start3A_101 : memref<128xi32, #tpu.memory_space<vmem>>) semaphore(%run_scoped3A_98 : memref<!tpu.dma_semaphore, #tpu.memory_space<semaphore_mem>>) {add = true}
            %dma_wait3A_105 = arith.constant 0 : i32
            %dma_wait3A_106 = tpu.memref_slice %arg9[%add3A_97, %dma_wait3A_105] : memref<16x128xi32, #tpu.memory_space<vmem>> -> memref<1x128xi32, #tpu.memory_space<vmem>>
            %dma_wait3A_107 = tpu.memref_squeeze %dma_wait3A_106 : memref<1x128xi32, #tpu.memory_space<vmem>> -> memref<128xi32, #tpu.memory_space<vmem>>
            %dma_wait3A_108 = arith.constant 0 : i32
            %dma_wait3A_109 = arith.constant 0 : i32
            %dma_wait3A_110 = tpu.memref_slice %arg12[%dma_wait3A_108, %dma_wait3A_109] : memref<10240x128xf32, #tpu.memory_space<vmem_shared>> -> memref<10240x128xf32, #tpu.memory_space<vmem_shared>>
            tpu.wait_indirect_dma semaphore(%run_scoped3A_98 : memref<!tpu.dma_semaphore, #tpu.memory_space<semaphore_mem>>) src(%arg11 : memref<128x128xf32, #tpu.memory_space<vmem>>) dst(%dma_wait3A_110 : memref<10240x128xf32, #tpu.memory_space<vmem_shared>>)
            tpu.yield
          }) : () -> ()
        }
        %scan3A_42 = arith.constant 7 : i32
        %dma_wait3A = arith.constant 0 : i32
        %dma_wait3A_43 = arith.constant 0 : i32
        %dma_wait3A_44 = tpu.memref_slice %arg8[%dma_wait3A, %dma_wait3A_43] : memref<16x128xi32, #tpu.memory_space<vmem>> -> memref<1x128xi32, #tpu.memory_space<vmem>>
        %dma_wait3A_45 = tpu.memref_squeeze %dma_wait3A_44 : memref<1x128xi32, #tpu.memory_space<vmem>> -> memref<128xi32, #tpu.memory_space<vmem>>
        %dma_wait3A_46 = arith.constant 0 : i32
        %dma_wait3A_47 = arith.constant 0 : i32
        %dma_wait3A_48 = tpu.memref_slice %arg2[%dma_wait3A_46, %dma_wait3A_47] : memref<10240x128xf32, #tpu.memory_space<hbm>> -> memref<10240x128xf32, #tpu.memory_space<hbm>>
        tpu.wait_indirect_dma semaphore(%arg13 : memref<!tpu.dma_semaphore, #tpu.memory_space<semaphore_mem>>) src(%dma_wait3A_48 : memref<10240x128xf32, #tpu.memory_space<hbm>>) dst(%arg10 : memref<128x128xf32, #tpu.memory_space<vmem>>)
        %dma_start3A_49 = arith.constant 15 : i32
        %dma_start3A_50 = arith.constant 0 : i32
        %dma_start3A_51 = tpu.memref_slice %arg8[%dma_start3A_49, %dma_start3A_50] : memref<16x128xi32, #tpu.memory_space<vmem>> -> memref<1x128xi32, #tpu.memory_space<vmem>>
        %dma_start3A_52 = tpu.memref_squeeze %dma_start3A_51 : memref<1x128xi32, #tpu.memory_space<vmem>> -> memref<128xi32, #tpu.memory_space<vmem>>
        %dma_start3A_53 = arith.constant 0 : i32
        %dma_start3A_54 = arith.constant 0 : i32
        %dma_start3A_55 = tpu.memref_slice %arg2[%dma_start3A_53, %dma_start3A_54] : memref<10240x128xf32, #tpu.memory_space<hbm>> -> memref<10240x128xf32, #tpu.memory_space<hbm>>
        tpu.enqueue_indirect_dma source(%dma_start3A_55 : memref<10240x128xf32, #tpu.memory_space<hbm>>) target(%arg11 : memref<128x128xf32, #tpu.memory_space<vmem>>) offsets(%dma_start3A_52 : memref<128xi32, #tpu.memory_space<vmem>>) semaphore(%arg14 : memref<!tpu.dma_semaphore, #tpu.memory_space<semaphore_mem>>)
        %run_scoped3A = arith.constant 14 : i32
        "tpu.region"() ({
          %run_scoped3A_64 = tpu.sem_alloc : memref<!tpu.dma_semaphore, #tpu.memory_space<semaphore_mem>>
          %dma_start3A_65 = arith.constant 0 : i32
          %dma_start3A_66 = tpu.memref_slice %arg9[%run_scoped3A, %dma_start3A_65] : memref<16x128xi32, #tpu.memory_space<vmem>> -> memref<1x128xi32, #tpu.memory_space<vmem>>
          %dma_start3A_67 = tpu.memref_squeeze %dma_start3A_66 : memref<1x128xi32, #tpu.memory_space<vmem>> -> memref<128xi32, #tpu.memory_space<vmem>>
          %dma_start3A_68 = arith.constant 0 : i32
          %dma_start3A_69 = arith.constant 0 : i32
          %dma_start3A_70 = tpu.memref_slice %arg12[%dma_start3A_68, %dma_start3A_69] : memref<10240x128xf32, #tpu.memory_space<vmem_shared>> -> memref<10240x128xf32, #tpu.memory_space<vmem_shared>>
          tpu.enqueue_indirect_dma source(%arg10 : memref<128x128xf32, #tpu.memory_space<vmem>>) target(%dma_start3A_70 : memref<10240x128xf32, #tpu.memory_space<vmem_shared>>) offsets(%dma_start3A_67 : memref<128xi32, #tpu.memory_space<vmem>>) semaphore(%run_scoped3A_64 : memref<!tpu.dma_semaphore, #tpu.memory_space<semaphore_mem>>) {add = true}
          %dma_wait3A_71 = arith.constant 0 : i32
          %dma_wait3A_72 = tpu.memref_slice %arg9[%run_scoped3A, %dma_wait3A_71] : memref<16x128xi32, #tpu.memory_space<vmem>> -> memref<1x128xi32, #tpu.memory_space<vmem>>
          %dma_wait3A_73 = tpu.memref_squeeze %dma_wait3A_72 : memref<1x128xi32, #tpu.memory_space<vmem>> -> memref<128xi32, #tpu.memory_space<vmem>>
          %dma_wait3A_74 = arith.constant 0 : i32
          %dma_wait3A_75 = arith.constant 0 : i32
          %dma_wait3A_76 = tpu.memref_slice %arg12[%dma_wait3A_74, %dma_wait3A_75] : memref<10240x128xf32, #tpu.memory_space<vmem_shared>> -> memref<10240x128xf32, #tpu.memory_space<vmem_shared>>
          tpu.wait_indirect_dma semaphore(%run_scoped3A_64 : memref<!tpu.dma_semaphore, #tpu.memory_space<semaphore_mem>>) src(%arg10 : memref<128x128xf32, #tpu.memory_space<vmem>>) dst(%dma_wait3A_76 : memref<10240x128xf32, #tpu.memory_space<vmem_shared>>)
          tpu.yield
        }) : () -> ()
        %dma_wait3A_56 = arith.constant 0 : i32
        %dma_wait3A_57 = arith.constant 0 : i32
        %dma_wait3A_58 = tpu.memref_slice %arg8[%dma_wait3A_56, %dma_wait3A_57] : memref<16x128xi32, #tpu.memory_space<vmem>> -> memref<1x128xi32, #tpu.memory_space<vmem>>
        %dma_wait3A_59 = tpu.memref_squeeze %dma_wait3A_58 : memref<1x128xi32, #tpu.memory_space<vmem>> -> memref<128xi32, #tpu.memory_space<vmem>>
        %dma_wait3A_60 = arith.constant 0 : i32
        %dma_wait3A_61 = arith.constant 0 : i32
        %dma_wait3A_62 = tpu.memref_slice %arg2[%dma_wait3A_60, %dma_wait3A_61] : memref<10240x128xf32, #tpu.memory_space<hbm>> -> memref<10240x128xf32, #tpu.memory_space<hbm>>
        tpu.wait_indirect_dma semaphore(%arg14 : memref<!tpu.dma_semaphore, #tpu.memory_space<semaphore_mem>>) src(%dma_wait3A_62 : memref<10240x128xf32, #tpu.memory_space<hbm>>) dst(%arg11 : memref<128x128xf32, #tpu.memory_space<vmem>>)
        %run_scoped3A_63 = arith.constant 15 : i32
        "tpu.region"() ({
          %run_scoped3A_64 = tpu.sem_alloc : memref<!tpu.dma_semaphore, #tpu.memory_space<semaphore_mem>>
          %dma_start3A_65 = arith.constant 0 : i32
          %dma_start3A_66 = tpu.memref_slice %arg9[%run_scoped3A_63, %dma_start3A_65] : memref<16x128xi32, #tpu.memory_space<vmem>> -> memref<1x128xi32, #tpu.memory_space<vmem>>
          %dma_start3A_67 = tpu.memref_squeeze %dma_start3A_66 : memref<1x128xi32, #tpu.memory_space<vmem>> -> memref<128xi32, #tpu.memory_space<vmem>>
          %dma_start3A_68 = arith.constant 0 : i32
          %dma_start3A_69 = arith.constant 0 : i32
          %dma_start3A_70 = tpu.memref_slice %arg12[%dma_start3A_68, %dma_start3A_69] : memref<10240x128xf32, #tpu.memory_space<vmem_shared>> -> memref<10240x128xf32, #tpu.memory_space<vmem_shared>>
          tpu.enqueue_indirect_dma source(%arg11 : memref<128x128xf32, #tpu.memory_space<vmem>>) target(%dma_start3A_70 : memref<10240x128xf32, #tpu.memory_space<vmem_shared>>) offsets(%dma_start3A_67 : memref<128xi32, #tpu.memory_space<vmem>>) semaphore(%run_scoped3A_64 : memref<!tpu.dma_semaphore, #tpu.memory_space<semaphore_mem>>) {add = true}
          %dma_wait3A_71 = arith.constant 0 : i32
          %dma_wait3A_72 = tpu.memref_slice %arg9[%run_scoped3A_63, %dma_wait3A_71] : memref<16x128xi32, #tpu.memory_space<vmem>> -> memref<1x128xi32, #tpu.memory_space<vmem>>
          %dma_wait3A_73 = tpu.memref_squeeze %dma_wait3A_72 : memref<1x128xi32, #tpu.memory_space<vmem>> -> memref<128xi32, #tpu.memory_space<vmem>>
          %dma_wait3A_74 = arith.constant 0 : i32
          %dma_wait3A_75 = arith.constant 0 : i32
          %dma_wait3A_76 = tpu.memref_slice %arg12[%dma_wait3A_74, %dma_wait3A_75] : memref<10240x128xf32, #tpu.memory_space<vmem_shared>> -> memref<10240x128xf32, #tpu.memory_space<vmem_shared>>
          tpu.wait_indirect_dma semaphore(%run_scoped3A_64 : memref<!tpu.dma_semaphore, #tpu.memory_space<semaphore_mem>>) src(%arg11 : memref<128x128xf32, #tpu.memory_space<vmem>>) dst(%dma_wait3A_76 : memref<10240x128xf32, #tpu.memory_space<vmem_shared>>)
          tpu.yield
        }) : () -> ()
      }
      %scan3A_18 = arith.constant 10 : i32
      %barrier3A_19 = arith.constant 0 : index
      tpu.barrier barrier_id(%barrier3A_19)
      %scan3A_20 = arith.constant 0 : i32
      %scan3A_21 = arith.constant 0 : i32
      %scan3A_22 = arith.constant 5 : i32
      %scan3A_23 = arith.addi %scan3A_21, %scan3A_22 : i32
      %scan3A_24 = arith.constant 1 : i32
      scf.for %scan3A_26 = %scan3A_21 to %scan3A_23 step %scan3A_24  : i32 {
        %mul3A_27 = arith.constant 128 : i32
        %mul3A_28 = arith.muli %scan3A_26, %mul3A_27 : i32
        %add3A = arith.addi %mul3A_7, %mul3A_28 : i32
        "tpu.region"() ({
          %run_scoped3A = tpu.sem_alloc : memref<!tpu.dma_semaphore, #tpu.memory_space<semaphore_mem>>
          %dma_start3A = arith.constant 0 : i32
          %dma_start3A_29 = tpu.memref_slice %arg6[%add3A, %dma_start3A] : memref<10240x128xf32, #tpu.memory_space<hbm>> -> memref<128x128xf32, #tpu.memory_space<hbm>>
          %dma_start3A_30 = arith.constant 0 : i32
          %dma_start3A_31 = tpu.memref_slice %arg12[%add3A, %dma_start3A_30] : memref<10240x128xf32, #tpu.memory_space<vmem_shared>> -> memref<128x128xf32, #tpu.memory_space<vmem_shared>>
          tpu.enqueue_dma source(%dma_start3A_31 : memref<128x128xf32, #tpu.memory_space<vmem_shared>>) target(%dma_start3A_29 : memref<128x128xf32, #tpu.memory_space<hbm>>) target_semaphore(%run_scoped3A : memref<!tpu.dma_semaphore, #tpu.memory_space<semaphore_mem>>)
          %dma_wait3A = arith.constant 0 : i32
          %dma_wait3A_32 = tpu.memref_slice %arg6[%add3A, %dma_wait3A] : memref<10240x128xf32, #tpu.memory_space<hbm>> -> memref<128x128xf32, #tpu.memory_space<hbm>>
          %dma_wait3A_33 = arith.constant 0 : i32
          %dma_wait3A_34 = tpu.memref_slice %arg12[%add3A, %dma_wait3A_33] : memref<10240x128xf32, #tpu.memory_space<vmem_shared>> -> memref<128x128xf32, #tpu.memory_space<vmem_shared>>
          tpu.wait_dma2 semaphore(%run_scoped3A : memref<!tpu.dma_semaphore, #tpu.memory_space<semaphore_mem>>) src(%dma_wait3A_34 : memref<128x128xf32, #tpu.memory_space<vmem_shared>>) dst(%dma_wait3A_32 : memref<128x128xf32, #tpu.memory_space<hbm>>)
          tpu.yield
        }) : () -> ()
      }
      %scan3A_25 = arith.constant 5 : i32
    } else {
    }
    %eq3A_2 = arith.constant 1 : i32
    %eq3A_3 = arith.cmpi eq, %arg0, %eq3A_2 : i32
    %convert_element_type3A_4 = arith.extui %eq3A_3 : i1 to i32
    %cond3A_5 = arith.constant 0 : i32
    %cond3A_6 = arith.cmpi ne, %convert_element_type3A_4, %cond3A_5 : i32
    scf.if %cond3A_6 {
      %mul3A = arith.constant 640 : i32
      %mul3A_7 = arith.muli %arg1, %mul3A : i32
      %scan3A = arith.constant 0 : i32
      %scan3A_8 = arith.constant 0 : i32
      %scan3A_9 = arith.constant 5 : i32
      %scan3A_10 = arith.addi %scan3A_8, %scan3A_9 : i32
      %scan3A_11 = arith.constant 1 : i32
      scf.for %scan3A_26 = %scan3A_8 to %scan3A_10 step %scan3A_11  : i32 {
        %mul3A_27 = arith.constant 128 : i32
        %mul3A_28 = arith.muli %scan3A_26, %mul3A_27 : i32
        %add3A = arith.addi %mul3A_7, %mul3A_28 : i32
        "tpu.region"() ({
          %run_scoped3A = tpu.sem_alloc : memref<!tpu.dma_semaphore, #tpu.memory_space<semaphore_mem>>
          %dma_start3A = arith.constant 0 : i32
          %dma_start3A_29 = tpu.memref_slice %arg12[%add3A, %dma_start3A] : memref<10240x128xf32, #tpu.memory_space<vmem_shared>> -> memref<128x128xf32, #tpu.memory_space<vmem_shared>>
          %dma_start3A_30 = arith.constant 0 : i32
          %dma_start3A_31 = tpu.memref_slice %arg3[%add3A, %dma_start3A_30] : memref<10240x128xf32, #tpu.memory_space<hbm>> -> memref<128x128xf32, #tpu.memory_space<hbm>>
          tpu.enqueue_dma source(%dma_start3A_31 : memref<128x128xf32, #tpu.memory_space<hbm>>) target(%dma_start3A_29 : memref<128x128xf32, #tpu.memory_space<vmem_shared>>) target_semaphore(%run_scoped3A : memref<!tpu.dma_semaphore, #tpu.memory_space<semaphore_mem>>)
          %dma_wait3A = arith.constant 0 : i32
          %dma_wait3A_32 = tpu.memref_slice %arg12[%add3A, %dma_wait3A] : memref<10240x128xf32, #tpu.memory_space<vmem_shared>> -> memref<128x128xf32, #tpu.memory_space<vmem_shared>>
          %dma_wait3A_33 = arith.constant 0 : i32
          %dma_wait3A_34 = tpu.memref_slice %arg3[%add3A, %dma_wait3A_33] : memref<10240x128xf32, #tpu.memory_space<hbm>> -> memref<128x128xf32, #tpu.memory_space<hbm>>
          tpu.wait_dma2 semaphore(%run_scoped3A : memref<!tpu.dma_semaphore, #tpu.memory_space<semaphore_mem>>) src(%dma_wait3A_34 : memref<128x128xf32, #tpu.memory_space<hbm>>) dst(%dma_wait3A_32 : memref<128x128xf32, #tpu.memory_space<vmem_shared>>)
          tpu.yield
        }) : () -> ()
      }
      %scan3A_12 = arith.constant 5 : i32
      %barrier3A = arith.constant 0 : index
      tpu.barrier barrier_id(%barrier3A)
      %scan3A_13 = arith.constant 0 : i32
      %scan3A_14 = arith.constant 0 : i32
      %scan3A_15 = arith.constant 10 : i32
      %scan3A_16 = arith.addi %scan3A_14, %scan3A_15 : i32
      %scan3A_17 = arith.constant 1 : i32
      scf.for %scan3A_26 = %scan3A_14 to %scan3A_16 step %scan3A_17  : i32 {
        %mul3A_27 = arith.constant 16 : i32
        %mul3A_28 = arith.muli %scan3A_26, %mul3A_27 : i32
        "tpu.region"() ({
          %run_scoped3A_64 = tpu.sem_alloc : memref<!tpu.dma_semaphore, #tpu.memory_space<semaphore_mem>>
          %dma_start3A_65 = arith.constant 0 : i32
          %dma_start3A_66 = tpu.memref_slice %arg4[%arg1, %mul3A_28, %dma_start3A_65] : memref<16x160x128xi32, #tpu.memory_space<hbm>> -> memref<1x16x128xi32, #tpu.memory_space<hbm>>
          %dma_start3A_67 = tpu.memref_squeeze %dma_start3A_66 : memref<1x16x128xi32, #tpu.memory_space<hbm>> -> memref<16x128xi32, #tpu.memory_space<hbm>>
          %dma_start3A_68 = arith.constant 0 : i32
          %dma_start3A_69 = tpu.memref_slice %arg4[%arg1, %mul3A_28, %dma_start3A_68] : memref<16x160x128xi32, #tpu.memory_space<hbm>> -> memref<1x16x128xi32, #tpu.memory_space<hbm>>
          %dma_start3A_70 = tpu.memref_squeeze %dma_start3A_69 : memref<1x16x128xi32, #tpu.memory_space<hbm>> -> memref<16x128xi32, #tpu.memory_space<hbm>>
          tpu.enqueue_dma source(%dma_start3A_70 : memref<16x128xi32, #tpu.memory_space<hbm>>) target(%arg8 : memref<16x128xi32, #tpu.memory_space<vmem>>) target_semaphore(%run_scoped3A_64 : memref<!tpu.dma_semaphore, #tpu.memory_space<semaphore_mem>>)
          %dma_wait3A_71 = arith.constant 0 : i32
          %dma_wait3A_72 = tpu.memref_slice %arg4[%arg1, %mul3A_28, %dma_wait3A_71] : memref<16x160x128xi32, #tpu.memory_space<hbm>> -> memref<1x16x128xi32, #tpu.memory_space<hbm>>
          %dma_wait3A_73 = tpu.memref_squeeze %dma_wait3A_72 : memref<1x16x128xi32, #tpu.memory_space<hbm>> -> memref<16x128xi32, #tpu.memory_space<hbm>>
          %dma_wait3A_74 = arith.constant 0 : i32
          %dma_wait3A_75 = tpu.memref_slice %arg4[%arg1, %mul3A_28, %dma_wait3A_74] : memref<16x160x128xi32, #tpu.memory_space<hbm>> -> memref<1x16x128xi32, #tpu.memory_space<hbm>>
          %dma_wait3A_76 = tpu.memref_squeeze %dma_wait3A_75 : memref<1x16x128xi32, #tpu.memory_space<hbm>> -> memref<16x128xi32, #tpu.memory_space<hbm>>
          tpu.wait_dma2 semaphore(%run_scoped3A_64 : memref<!tpu.dma_semaphore, #tpu.memory_space<semaphore_mem>>) src(%dma_wait3A_76 : memref<16x128xi32, #tpu.memory_space<hbm>>) dst(%arg8 : memref<16x128xi32, #tpu.memory_space<vmem>>)
          tpu.yield
        }) : () -> ()
        %mul3A_29 = arith.constant 16 : i32
        %mul3A_30 = arith.muli %scan3A_26, %mul3A_29 : i32
        "tpu.region"() ({
          %run_scoped3A_64 = tpu.sem_alloc : memref<!tpu.dma_semaphore, #tpu.memory_space<semaphore_mem>>
          %dma_start3A_65 = arith.constant 0 : i32
          %dma_start3A_66 = tpu.memref_slice %arg5[%arg1, %mul3A_30, %dma_start3A_65] : memref<16x160x128xi32, #tpu.memory_space<hbm>> -> memref<1x16x128xi32, #tpu.memory_space<hbm>>
          %dma_start3A_67 = tpu.memref_squeeze %dma_start3A_66 : memref<1x16x128xi32, #tpu.memory_space<hbm>> -> memref<16x128xi32, #tpu.memory_space<hbm>>
          %dma_start3A_68 = arith.constant 0 : i32
          %dma_start3A_69 = tpu.memref_slice %arg5[%arg1, %mul3A_30, %dma_start3A_68] : memref<16x160x128xi32, #tpu.memory_space<hbm>> -> memref<1x16x128xi32, #tpu.memory_space<hbm>>
          %dma_start3A_70 = tpu.memref_squeeze %dma_start3A_69 : memref<1x16x128xi32, #tpu.memory_space<hbm>> -> memref<16x128xi32, #tpu.memory_space<hbm>>
          tpu.enqueue_dma source(%dma_start3A_70 : memref<16x128xi32, #tpu.memory_space<hbm>>) target(%arg9 : memref<16x128xi32, #tpu.memory_space<vmem>>) target_semaphore(%run_scoped3A_64 : memref<!tpu.dma_semaphore, #tpu.memory_space<semaphore_mem>>)
          %dma_wait3A_71 = arith.constant 0 : i32
          %dma_wait3A_72 = tpu.memref_slice %arg5[%arg1, %mul3A_30, %dma_wait3A_71] : memref<16x160x128xi32, #tpu.memory_space<hbm>> -> memref<1x16x128xi32, #tpu.memory_space<hbm>>
          %dma_wait3A_73 = tpu.memref_squeeze %dma_wait3A_72 : memref<1x16x128xi32, #tpu.memory_space<hbm>> -> memref<16x128xi32, #tpu.memory_space<hbm>>
          %dma_wait3A_74 = arith.constant 0 : i32
          %dma_wait3A_75 = tpu.memref_slice %arg5[%arg1, %mul3A_30, %dma_wait3A_74] : memref<16x160x128xi32, #tpu.memory_space<hbm>> -> memref<1x16x128xi32, #tpu.memory_space<hbm>>
          %dma_wait3A_76 = tpu.memref_squeeze %dma_wait3A_75 : memref<1x16x128xi32, #tpu.memory_space<hbm>> -> memref<16x128xi32, #tpu.memory_space<hbm>>
          tpu.wait_dma2 semaphore(%run_scoped3A_64 : memref<!tpu.dma_semaphore, #tpu.memory_space<semaphore_mem>>) src(%dma_wait3A_76 : memref<16x128xi32, #tpu.memory_space<hbm>>) dst(%arg9 : memref<16x128xi32, #tpu.memory_space<vmem>>)
          tpu.yield
        }) : () -> ()
        %dma_start3A = arith.constant 0 : i32
        %dma_start3A_31 = arith.constant 0 : i32
        %dma_start3A_32 = tpu.memref_slice %arg8[%dma_start3A, %dma_start3A_31] : memref<16x128xi32, #tpu.memory_space<vmem>> -> memref<1x128xi32, #tpu.memory_space<vmem>>
        %dma_start3A_33 = tpu.memref_squeeze %dma_start3A_32 : memref<1x128xi32, #tpu.memory_space<vmem>> -> memref<128xi32, #tpu.memory_space<vmem>>
        %dma_start3A_34 = arith.constant 0 : i32
        %dma_start3A_35 = arith.constant 0 : i32
        %dma_start3A_36 = tpu.memref_slice %arg3[%dma_start3A_34, %dma_start3A_35] : memref<10240x128xf32, #tpu.memory_space<hbm>> -> memref<10240x128xf32, #tpu.memory_space<hbm>>
        tpu.enqueue_indirect_dma source(%dma_start3A_36 : memref<10240x128xf32, #tpu.memory_space<hbm>>) target(%arg10 : memref<128x128xf32, #tpu.memory_space<vmem>>) offsets(%dma_start3A_33 : memref<128xi32, #tpu.memory_space<vmem>>) semaphore(%arg13 : memref<!tpu.dma_semaphore, #tpu.memory_space<semaphore_mem>>)
        %scan3A_37 = arith.constant 0 : i32
        %scan3A_38 = arith.constant 0 : i32
        %scan3A_39 = arith.constant 7 : i32
        %scan3A_40 = arith.addi %scan3A_38, %scan3A_39 : i32
        %scan3A_41 = arith.constant 1 : i32
        scf.for %scan3A_64 = %scan3A_38 to %scan3A_40 step %scan3A_41  : i32 {
          %mul3A_65 = arith.constant 2 : i32
          %mul3A_66 = arith.muli %mul3A_65, %scan3A_64 : i32
          %dma_wait3A_67 = arith.constant 0 : i32
          %dma_wait3A_68 = arith.constant 0 : i32
          %dma_wait3A_69 = tpu.memref_slice %arg8[%dma_wait3A_67, %dma_wait3A_68] : memref<16x128xi32, #tpu.memory_space<vmem>> -> memref<1x128xi32, #tpu.memory_space<vmem>>
          %dma_wait3A_70 = tpu.memref_squeeze %dma_wait3A_69 : memref<1x128xi32, #tpu.memory_space<vmem>> -> memref<128xi32, #tpu.memory_space<vmem>>
          %dma_wait3A_71 = arith.constant 0 : i32
          %dma_wait3A_72 = arith.constant 0 : i32
          %dma_wait3A_73 = tpu.memref_slice %arg3[%dma_wait3A_71, %dma_wait3A_72] : memref<10240x128xf32, #tpu.memory_space<hbm>> -> memref<10240x128xf32, #tpu.memory_space<hbm>>
          tpu.wait_indirect_dma semaphore(%arg13 : memref<!tpu.dma_semaphore, #tpu.memory_space<semaphore_mem>>) src(%dma_wait3A_73 : memref<10240x128xf32, #tpu.memory_space<hbm>>) dst(%arg10 : memref<128x128xf32, #tpu.memory_space<vmem>>)
          %add3A = arith.constant 1 : i32
          %add3A_74 = arith.addi %mul3A_66, %add3A : i32
          %dma_start3A_75 = arith.constant 0 : i32
          %dma_start3A_76 = tpu.memref_slice %arg8[%add3A_74, %dma_start3A_75] : memref<16x128xi32, #tpu.memory_space<vmem>> -> memref<1x128xi32, #tpu.memory_space<vmem>>
          %dma_start3A_77 = tpu.memref_squeeze %dma_start3A_76 : memref<1x128xi32, #tpu.memory_space<vmem>> -> memref<128xi32, #tpu.memory_space<vmem>>
          %dma_start3A_78 = arith.constant 0 : i32
          %dma_start3A_79 = arith.constant 0 : i32
          %dma_start3A_80 = tpu.memref_slice %arg3[%dma_start3A_78, %dma_start3A_79] : memref<10240x128xf32, #tpu.memory_space<hbm>> -> memref<10240x128xf32, #tpu.memory_space<hbm>>
          tpu.enqueue_indirect_dma source(%dma_start3A_80 : memref<10240x128xf32, #tpu.memory_space<hbm>>) target(%arg11 : memref<128x128xf32, #tpu.memory_space<vmem>>) offsets(%dma_start3A_77 : memref<128xi32, #tpu.memory_space<vmem>>) semaphore(%arg14 : memref<!tpu.dma_semaphore, #tpu.memory_space<semaphore_mem>>)
          "tpu.region"() ({
            %run_scoped3A_98 = tpu.sem_alloc : memref<!tpu.dma_semaphore, #tpu.memory_space<semaphore_mem>>
            %dma_start3A_99 = arith.constant 0 : i32
            %dma_start3A_100 = tpu.memref_slice %arg9[%mul3A_66, %dma_start3A_99] : memref<16x128xi32, #tpu.memory_space<vmem>> -> memref<1x128xi32, #tpu.memory_space<vmem>>
            %dma_start3A_101 = tpu.memref_squeeze %dma_start3A_100 : memref<1x128xi32, #tpu.memory_space<vmem>> -> memref<128xi32, #tpu.memory_space<vmem>>
            %dma_start3A_102 = arith.constant 0 : i32
            %dma_start3A_103 = arith.constant 0 : i32
            %dma_start3A_104 = tpu.memref_slice %arg12[%dma_start3A_102, %dma_start3A_103] : memref<10240x128xf32, #tpu.memory_space<vmem_shared>> -> memref<10240x128xf32, #tpu.memory_space<vmem_shared>>
            tpu.enqueue_indirect_dma source(%arg10 : memref<128x128xf32, #tpu.memory_space<vmem>>) target(%dma_start3A_104 : memref<10240x128xf32, #tpu.memory_space<vmem_shared>>) offsets(%dma_start3A_101 : memref<128xi32, #tpu.memory_space<vmem>>) semaphore(%run_scoped3A_98 : memref<!tpu.dma_semaphore, #tpu.memory_space<semaphore_mem>>) {add = true}
            %dma_wait3A_105 = arith.constant 0 : i32
            %dma_wait3A_106 = tpu.memref_slice %arg9[%mul3A_66, %dma_wait3A_105] : memref<16x128xi32, #tpu.memory_space<vmem>> -> memref<1x128xi32, #tpu.memory_space<vmem>>
            %dma_wait3A_107 = tpu.memref_squeeze %dma_wait3A_106 : memref<1x128xi32, #tpu.memory_space<vmem>> -> memref<128xi32, #tpu.memory_space<vmem>>
            %dma_wait3A_108 = arith.constant 0 : i32
            %dma_wait3A_109 = arith.constant 0 : i32
            %dma_wait3A_110 = tpu.memref_slice %arg12[%dma_wait3A_108, %dma_wait3A_109] : memref<10240x128xf32, #tpu.memory_space<vmem_shared>> -> memref<10240x128xf32, #tpu.memory_space<vmem_shared>>
            tpu.wait_indirect_dma semaphore(%run_scoped3A_98 : memref<!tpu.dma_semaphore, #tpu.memory_space<semaphore_mem>>) src(%arg10 : memref<128x128xf32, #tpu.memory_space<vmem>>) dst(%dma_wait3A_110 : memref<10240x128xf32, #tpu.memory_space<vmem_shared>>)
            tpu.yield
          }) : () -> ()
          %dma_wait3A_81 = arith.constant 0 : i32
          %dma_wait3A_82 = arith.constant 0 : i32
          %dma_wait3A_83 = tpu.memref_slice %arg8[%dma_wait3A_81, %dma_wait3A_82] : memref<16x128xi32, #tpu.memory_space<vmem>> -> memref<1x128xi32, #tpu.memory_space<vmem>>
          %dma_wait3A_84 = tpu.memref_squeeze %dma_wait3A_83 : memref<1x128xi32, #tpu.memory_space<vmem>> -> memref<128xi32, #tpu.memory_space<vmem>>
          %dma_wait3A_85 = arith.constant 0 : i32
          %dma_wait3A_86 = arith.constant 0 : i32
          %dma_wait3A_87 = tpu.memref_slice %arg3[%dma_wait3A_85, %dma_wait3A_86] : memref<10240x128xf32, #tpu.memory_space<hbm>> -> memref<10240x128xf32, #tpu.memory_space<hbm>>
          tpu.wait_indirect_dma semaphore(%arg14 : memref<!tpu.dma_semaphore, #tpu.memory_space<semaphore_mem>>) src(%dma_wait3A_87 : memref<10240x128xf32, #tpu.memory_space<hbm>>) dst(%arg11 : memref<128x128xf32, #tpu.memory_space<vmem>>)
          %add3A_88 = arith.constant 2 : i32
          %add3A_89 = arith.addi %mul3A_66, %add3A_88 : i32
          %dma_start3A_90 = arith.constant 0 : i32
          %dma_start3A_91 = tpu.memref_slice %arg8[%add3A_89, %dma_start3A_90] : memref<16x128xi32, #tpu.memory_space<vmem>> -> memref<1x128xi32, #tpu.memory_space<vmem>>
          %dma_start3A_92 = tpu.memref_squeeze %dma_start3A_91 : memref<1x128xi32, #tpu.memory_space<vmem>> -> memref<128xi32, #tpu.memory_space<vmem>>
          %dma_start3A_93 = arith.constant 0 : i32
          %dma_start3A_94 = arith.constant 0 : i32
          %dma_start3A_95 = tpu.memref_slice %arg3[%dma_start3A_93, %dma_start3A_94] : memref<10240x128xf32, #tpu.memory_space<hbm>> -> memref<10240x128xf32, #tpu.memory_space<hbm>>
          tpu.enqueue_indirect_dma source(%dma_start3A_95 : memref<10240x128xf32, #tpu.memory_space<hbm>>) target(%arg10 : memref<128x128xf32, #tpu.memory_space<vmem>>) offsets(%dma_start3A_92 : memref<128xi32, #tpu.memory_space<vmem>>) semaphore(%arg13 : memref<!tpu.dma_semaphore, #tpu.memory_space<semaphore_mem>>)
          %add3A_96 = arith.constant 1 : i32
          %add3A_97 = arith.addi %mul3A_66, %add3A_96 : i32
          "tpu.region"() ({
            %run_scoped3A_98 = tpu.sem_alloc : memref<!tpu.dma_semaphore, #tpu.memory_space<semaphore_mem>>
            %dma_start3A_99 = arith.constant 0 : i32
            %dma_start3A_100 = tpu.memref_slice %arg9[%add3A_97, %dma_start3A_99] : memref<16x128xi32, #tpu.memory_space<vmem>> -> memref<1x128xi32, #tpu.memory_space<vmem>>
            %dma_start3A_101 = tpu.memref_squeeze %dma_start3A_100 : memref<1x128xi32, #tpu.memory_space<vmem>> -> memref<128xi32, #tpu.memory_space<vmem>>
            %dma_start3A_102 = arith.constant 0 : i32
            %dma_start3A_103 = arith.constant 0 : i32
            %dma_start3A_104 = tpu.memref_slice %arg12[%dma_start3A_102, %dma_start3A_103] : memref<10240x128xf32, #tpu.memory_space<vmem_shared>> -> memref<10240x128xf32, #tpu.memory_space<vmem_shared>>
            tpu.enqueue_indirect_dma source(%arg11 : memref<128x128xf32, #tpu.memory_space<vmem>>) target(%dma_start3A_104 : memref<10240x128xf32, #tpu.memory_space<vmem_shared>>) offsets(%dma_start3A_101 : memref<128xi32, #tpu.memory_space<vmem>>) semaphore(%run_scoped3A_98 : memref<!tpu.dma_semaphore, #tpu.memory_space<semaphore_mem>>) {add = true}
            %dma_wait3A_105 = arith.constant 0 : i32
            %dma_wait3A_106 = tpu.memref_slice %arg9[%add3A_97, %dma_wait3A_105] : memref<16x128xi32, #tpu.memory_space<vmem>> -> memref<1x128xi32, #tpu.memory_space<vmem>>
            %dma_wait3A_107 = tpu.memref_squeeze %dma_wait3A_106 : memref<1x128xi32, #tpu.memory_space<vmem>> -> memref<128xi32, #tpu.memory_space<vmem>>
            %dma_wait3A_108 = arith.constant 0 : i32
            %dma_wait3A_109 = arith.constant 0 : i32
            %dma_wait3A_110 = tpu.memref_slice %arg12[%dma_wait3A_108, %dma_wait3A_109] : memref<10240x128xf32, #tpu.memory_space<vmem_shared>> -> memref<10240x128xf32, #tpu.memory_space<vmem_shared>>
            tpu.wait_indirect_dma semaphore(%run_scoped3A_98 : memref<!tpu.dma_semaphore, #tpu.memory_space<semaphore_mem>>) src(%arg11 : memref<128x128xf32, #tpu.memory_space<vmem>>) dst(%dma_wait3A_110 : memref<10240x128xf32, #tpu.memory_space<vmem_shared>>)
            tpu.yield
          }) : () -> ()
        }
        %scan3A_42 = arith.constant 7 : i32
        %dma_wait3A = arith.constant 0 : i32
        %dma_wait3A_43 = arith.constant 0 : i32
        %dma_wait3A_44 = tpu.memref_slice %arg8[%dma_wait3A, %dma_wait3A_43] : memref<16x128xi32, #tpu.memory_space<vmem>> -> memref<1x128xi32, #tpu.memory_space<vmem>>
        %dma_wait3A_45 = tpu.memref_squeeze %dma_wait3A_44 : memref<1x128xi32, #tpu.memory_space<vmem>> -> memref<128xi32, #tpu.memory_space<vmem>>
        %dma_wait3A_46 = arith.constant 0 : i32
        %dma_wait3A_47 = arith.constant 0 : i32
        %dma_wait3A_48 = tpu.memref_slice %arg3[%dma_wait3A_46, %dma_wait3A_47] : memref<10240x128xf32, #tpu.memory_space<hbm>> -> memref<10240x128xf32, #tpu.memory_space<hbm>>
        tpu.wait_indirect_dma semaphore(%arg13 : memref<!tpu.dma_semaphore, #tpu.memory_space<semaphore_mem>>) src(%dma_wait3A_48 : memref<10240x128xf32, #tpu.memory_space<hbm>>) dst(%arg10 : memref<128x128xf32, #tpu.memory_space<vmem>>)
        %dma_start3A_49 = arith.constant 15 : i32
        %dma_start3A_50 = arith.constant 0 : i32
        %dma_start3A_51 = tpu.memref_slice %arg8[%dma_start3A_49, %dma_start3A_50] : memref<16x128xi32, #tpu.memory_space<vmem>> -> memref<1x128xi32, #tpu.memory_space<vmem>>
        %dma_start3A_52 = tpu.memref_squeeze %dma_start3A_51 : memref<1x128xi32, #tpu.memory_space<vmem>> -> memref<128xi32, #tpu.memory_space<vmem>>
        %dma_start3A_53 = arith.constant 0 : i32
        %dma_start3A_54 = arith.constant 0 : i32
        %dma_start3A_55 = tpu.memref_slice %arg3[%dma_start3A_53, %dma_start3A_54] : memref<10240x128xf32, #tpu.memory_space<hbm>> -> memref<10240x128xf32, #tpu.memory_space<hbm>>
        tpu.enqueue_indirect_dma source(%dma_start3A_55 : memref<10240x128xf32, #tpu.memory_space<hbm>>) target(%arg11 : memref<128x128xf32, #tpu.memory_space<vmem>>) offsets(%dma_start3A_52 : memref<128xi32, #tpu.memory_space<vmem>>) semaphore(%arg14 : memref<!tpu.dma_semaphore, #tpu.memory_space<semaphore_mem>>)
        %run_scoped3A = arith.constant 14 : i32
        "tpu.region"() ({
          %run_scoped3A_64 = tpu.sem_alloc : memref<!tpu.dma_semaphore, #tpu.memory_space<semaphore_mem>>
          %dma_start3A_65 = arith.constant 0 : i32
          %dma_start3A_66 = tpu.memref_slice %arg9[%run_scoped3A, %dma_start3A_65] : memref<16x128xi32, #tpu.memory_space<vmem>> -> memref<1x128xi32, #tpu.memory_space<vmem>>
          %dma_start3A_67 = tpu.memref_squeeze %dma_start3A_66 : memref<1x128xi32, #tpu.memory_space<vmem>> -> memref<128xi32, #tpu.memory_space<vmem>>
          %dma_start3A_68 = arith.constant 0 : i32
          %dma_start3A_69 = arith.constant 0 : i32
          %dma_start3A_70 = tpu.memref_slice %arg12[%dma_start3A_68, %dma_start3A_69] : memref<10240x128xf32, #tpu.memory_space<vmem_shared>> -> memref<10240x128xf32, #tpu.memory_space<vmem_shared>>
          tpu.enqueue_indirect_dma source(%arg10 : memref<128x128xf32, #tpu.memory_space<vmem>>) target(%dma_start3A_70 : memref<10240x128xf32, #tpu.memory_space<vmem_shared>>) offsets(%dma_start3A_67 : memref<128xi32, #tpu.memory_space<vmem>>) semaphore(%run_scoped3A_64 : memref<!tpu.dma_semaphore, #tpu.memory_space<semaphore_mem>>) {add = true}
          %dma_wait3A_71 = arith.constant 0 : i32
          %dma_wait3A_72 = tpu.memref_slice %arg9[%run_scoped3A, %dma_wait3A_71] : memref<16x128xi32, #tpu.memory_space<vmem>> -> memref<1x128xi32, #tpu.memory_space<vmem>>
          %dma_wait3A_73 = tpu.memref_squeeze %dma_wait3A_72 : memref<1x128xi32, #tpu.memory_space<vmem>> -> memref<128xi32, #tpu.memory_space<vmem>>
          %dma_wait3A_74 = arith.constant 0 : i32
          %dma_wait3A_75 = arith.constant 0 : i32
          %dma_wait3A_76 = tpu.memref_slice %arg12[%dma_wait3A_74, %dma_wait3A_75] : memref<10240x128xf32, #tpu.memory_space<vmem_shared>> -> memref<10240x128xf32, #tpu.memory_space<vmem_shared>>
          tpu.wait_indirect_dma semaphore(%run_scoped3A_64 : memref<!tpu.dma_semaphore, #tpu.memory_space<semaphore_mem>>) src(%arg10 : memref<128x128xf32, #tpu.memory_space<vmem>>) dst(%dma_wait3A_76 : memref<10240x128xf32, #tpu.memory_space<vmem_shared>>)
          tpu.yield
        }) : () -> ()
        %dma_wait3A_56 = arith.constant 0 : i32
        %dma_wait3A_57 = arith.constant 0 : i32
        %dma_wait3A_58 = tpu.memref_slice %arg8[%dma_wait3A_56, %dma_wait3A_57] : memref<16x128xi32, #tpu.memory_space<vmem>> -> memref<1x128xi32, #tpu.memory_space<vmem>>
        %dma_wait3A_59 = tpu.memref_squeeze %dma_wait3A_58 : memref<1x128xi32, #tpu.memory_space<vmem>> -> memref<128xi32, #tpu.memory_space<vmem>>
        %dma_wait3A_60 = arith.constant 0 : i32
        %dma_wait3A_61 = arith.constant 0 : i32
        %dma_wait3A_62 = tpu.memref_slice %arg3[%dma_wait3A_60, %dma_wait3A_61] : memref<10240x128xf32, #tpu.memory_space<hbm>> -> memref<10240x128xf32, #tpu.memory_space<hbm>>
        tpu.wait_indirect_dma semaphore(%arg14 : memref<!tpu.dma_semaphore, #tpu.memory_space<semaphore_mem>>) src(%dma_wait3A_62 : memref<10240x128xf32, #tpu.memory_space<hbm>>) dst(%arg11 : memref<128x128xf32, #tpu.memory_space<vmem>>)
        %run_scoped3A_63 = arith.constant 15 : i32
        "tpu.region"() ({
          %run_scoped3A_64 = tpu.sem_alloc : memref<!tpu.dma_semaphore, #tpu.memory_space<semaphore_mem>>
          %dma_start3A_65 = arith.constant 0 : i32
          %dma_start3A_66 = tpu.memref_slice %arg9[%run_scoped3A_63, %dma_start3A_65] : memref<16x128xi32, #tpu.memory_space<vmem>> -> memref<1x128xi32, #tpu.memory_space<vmem>>
          %dma_start3A_67 = tpu.memref_squeeze %dma_start3A_66 : memref<1x128xi32, #tpu.memory_space<vmem>> -> memref<128xi32, #tpu.memory_space<vmem>>
          %dma_start3A_68 = arith.constant 0 : i32
          %dma_start3A_69 = arith.constant 0 : i32
          %dma_start3A_70 = tpu.memref_slice %arg12[%dma_start3A_68, %dma_start3A_69] : memref<10240x128xf32, #tpu.memory_space<vmem_shared>> -> memref<10240x128xf32, #tpu.memory_space<vmem_shared>>
          tpu.enqueue_indirect_dma source(%arg11 : memref<128x128xf32, #tpu.memory_space<vmem>>) target(%dma_start3A_70 : memref<10240x128xf32, #tpu.memory_space<vmem_shared>>) offsets(%dma_start3A_67 : memref<128xi32, #tpu.memory_space<vmem>>) semaphore(%run_scoped3A_64 : memref<!tpu.dma_semaphore, #tpu.memory_space<semaphore_mem>>) {add = true}
          %dma_wait3A_71 = arith.constant 0 : i32
          %dma_wait3A_72 = tpu.memref_slice %arg9[%run_scoped3A_63, %dma_wait3A_71] : memref<16x128xi32, #tpu.memory_space<vmem>> -> memref<1x128xi32, #tpu.memory_space<vmem>>
          %dma_wait3A_73 = tpu.memref_squeeze %dma_wait3A_72 : memref<1x128xi32, #tpu.memory_space<vmem>> -> memref<128xi32, #tpu.memory_space<vmem>>
          %dma_wait3A_74 = arith.constant 0 : i32
          %dma_wait3A_75 = arith.constant 0 : i32
          %dma_wait3A_76 = tpu.memref_slice %arg12[%dma_wait3A_74, %dma_wait3A_75] : memref<10240x128xf32, #tpu.memory_space<vmem_shared>> -> memref<10240x128xf32, #tpu.memory_space<vmem_shared>>
          tpu.wait_indirect_dma semaphore(%run_scoped3A_64 : memref<!tpu.dma_semaphore, #tpu.memory_space<semaphore_mem>>) src(%arg11 : memref<128x128xf32, #tpu.memory_space<vmem>>) dst(%dma_wait3A_76 : memref<10240x128xf32, #tpu.memory_space<vmem_shared>>)
          tpu.yield
        }) : () -> ()
      }
      %scan3A_18 = arith.constant 10 : i32
      %barrier3A_19 = arith.constant 0 : index
      tpu.barrier barrier_id(%barrier3A_19)
      %scan3A_20 = arith.constant 0 : i32
      %scan3A_21 = arith.constant 0 : i32
      %scan3A_22 = arith.constant 5 : i32
      %scan3A_23 = arith.addi %scan3A_21, %scan3A_22 : i32
      %scan3A_24 = arith.constant 1 : i32
      scf.for %scan3A_26 = %scan3A_21 to %scan3A_23 step %scan3A_24  : i32 {
        %mul3A_27 = arith.constant 128 : i32
        %mul3A_28 = arith.muli %scan3A_26, %mul3A_27 : i32
        %add3A = arith.addi %mul3A_7, %mul3A_28 : i32
        "tpu.region"() ({
          %run_scoped3A = tpu.sem_alloc : memref<!tpu.dma_semaphore, #tpu.memory_space<semaphore_mem>>
          %dma_start3A = arith.constant 0 : i32
          %dma_start3A_29 = tpu.memref_slice %arg7[%add3A, %dma_start3A] : memref<10240x128xf32, #tpu.memory_space<hbm>> -> memref<128x128xf32, #tpu.memory_space<hbm>>
          %dma_start3A_30 = arith.constant 0 : i32
          %dma_start3A_31 = tpu.memref_slice %arg12[%add3A, %dma_start3A_30] : memref<10240x128xf32, #tpu.memory_space<vmem_shared>> -> memref<128x128xf32, #tpu.memory_space<vmem_shared>>
          tpu.enqueue_dma source(%dma_start3A_31 : memref<128x128xf32, #tpu.memory_space<vmem_shared>>) target(%dma_start3A_29 : memref<128x128xf32, #tpu.memory_space<hbm>>) target_semaphore(%run_scoped3A : memref<!tpu.dma_semaphore, #tpu.memory_space<semaphore_mem>>)
          %dma_wait3A = arith.constant 0 : i32
          %dma_wait3A_32 = tpu.memref_slice %arg7[%add3A, %dma_wait3A] : memref<10240x128xf32, #tpu.memory_space<hbm>> -> memref<128x128xf32, #tpu.memory_space<hbm>>
          %dma_wait3A_33 = arith.constant 0 : i32
          %dma_wait3A_34 = tpu.memref_slice %arg12[%add3A, %dma_wait3A_33] : memref<10240x128xf32, #tpu.memory_space<vmem_shared>> -> memref<128x128xf32, #tpu.memory_space<vmem_shared>>
          tpu.wait_dma2 semaphore(%run_scoped3A : memref<!tpu.dma_semaphore, #tpu.memory_space<semaphore_mem>>) src(%dma_wait3A_34 : memref<128x128xf32, #tpu.memory_space<vmem_shared>>) dst(%dma_wait3A_32 : memref<128x128xf32, #tpu.memory_space<hbm>>)
          tpu.yield
        }) : () -> ()
      }
      %scan3A_25 = arith.constant 5 : i32
    } else {
    }
    return
  }
}

module attributes {stable_mosaic.version = 14 : i64} {
  func.func @_mlp0_body(%arg0: i32, %arg1: memref<512x128xf32, #tpu.memory_space<vmem>>, %arg2: memref<512x128xf32, #tpu.memory_space<vmem>>, %arg3: memref<128x256xf32, #tpu.memory_space<vmem>>, %arg4: memref<1x256xf32, #tpu.memory_space<vmem>>, %arg5: memref<256x256xf32, #tpu.memory_space<vmem>>, %arg6: memref<1x256xf32, #tpu.memory_space<vmem>>, %arg7: memref<512x128xf32, #tpu.memory_space<vmem>>, %arg8: memref<512x128xf32, #tpu.memory_space<vmem>>) attributes {dimension_semantics = [#tpu.dimension_semantics<arbitrary>], iteration_bounds = array<i64: 20>, scalar_prefetch = 0 : i64, scratch_operands = 0 : i64, tpu.core_type = #tpu.core_type<tc>, window_params = [{transform_indices = @transform_0, window_bounds = array<i64: 512, 128>}, {transform_indices = @transform_1, window_bounds = array<i64: 512, 128>}, {pipeline_mode = #tpu.pipeline_mode<synchronous>, transform_indices = @transform_2, window_bounds = array<i64: 128, 256>}, {pipeline_mode = #tpu.pipeline_mode<synchronous>, transform_indices = @transform_3, window_bounds = array<i64: 1, 256>}, {pipeline_mode = #tpu.pipeline_mode<synchronous>, transform_indices = @transform_4, window_bounds = array<i64: 256, 256>}, {pipeline_mode = #tpu.pipeline_mode<synchronous>, transform_indices = @transform_5, window_bounds = array<i64: 1, 256>}, {transform_indices = @transform_6, window_bounds = array<i64: 512, 128>}, {transform_indices = @transform_7, window_bounds = array<i64: 512, 128>}]} {
    %get3A = arith.constant 0 : index
    %get3A_0 = arith.constant 0 : index
    %get3A_1 = vector.load %arg1[%get3A, %get3A_0] : memref<512x128xf32, #tpu.memory_space<vmem>>, vector<512x128xf32>
    %get3A_2 = arith.constant 0 : index
    %get3A_3 = arith.constant 0 : index
    %get3A_4 = vector.load %arg2[%get3A_2, %get3A_3] : memref<512x128xf32, #tpu.memory_space<vmem>>, vector<512x128xf32>
    %add3A = arith.addf %get3A_1, %get3A_4 : vector<512x128xf32>
    %get3A_5 = arith.constant 0 : index
    %get3A_6 = arith.constant 0 : index
    %get3A_7 = vector.load %arg3[%get3A_5, %get3A_6] : memref<128x256xf32, #tpu.memory_space<vmem>>, vector<128x256xf32>
    %dot_general3A = arith.constant dense<0.000000e+00> : vector<512x256xf32>
    %dot_general3A_8 = tpu.matmul %add3A, %get3A_7, %dot_general3A {dimension_numbers = #tpu.dot_dimension_numbers<[1], [0], [0], [1], [0, 0, 1, 1], [], []>, transpose_lhs_hint = false} : vector<512x128xf32>, vector<128x256xf32>, vector<512x256xf32> -> vector<512x256xf32>
    %get3A_9 = arith.constant 0 : index
    %get3A_10 = arith.constant 0 : index
    %get3A_11 = vector.load %arg4[%get3A_9, %get3A_10] : memref<1x256xf32, #tpu.memory_space<vmem>>, vector<1x256xf32>
    %add3A_12 = vector.broadcast %get3A_11 : vector<1x256xf32> to vector<512x256xf32>
    %add3A_13 = arith.addf %dot_general3A_8, %add3A_12 : vector<512x256xf32>
    %max3A = arith.constant 0.000000e+00 : f32
    %max3A_14 = vector.broadcast %max3A : f32 to vector<512x256xf32>
    %max3A_15 = arith.maximumf %add3A_13, %max3A_14 : vector<512x256xf32>
    %get3A_16 = arith.constant 0 : index
    %get3A_17 = arith.constant 0 : index
    %get3A_18 = vector.load %arg5[%get3A_16, %get3A_17] : memref<256x256xf32, #tpu.memory_space<vmem>>, vector<256x256xf32>
    %dot_general3A_19 = arith.constant dense<0.000000e+00> : vector<512x256xf32>
    %dot_general3A_20 = tpu.matmul %max3A_15, %get3A_18, %dot_general3A_19 {dimension_numbers = #tpu.dot_dimension_numbers<[1], [0], [0], [1], [0, 0, 1, 1], [], []>, transpose_lhs_hint = false} : vector<512x256xf32>, vector<256x256xf32>, vector<512x256xf32> -> vector<512x256xf32>
    %get3A_21 = arith.constant 0 : index
    %get3A_22 = arith.constant 0 : index
    %get3A_23 = vector.load %arg6[%get3A_21, %get3A_22] : memref<1x256xf32, #tpu.memory_space<vmem>>, vector<1x256xf32>
    %add3A_24 = vector.broadcast %get3A_23 : vector<1x256xf32> to vector<512x256xf32>
    %add3A_25 = arith.addf %dot_general3A_20, %add3A_24 : vector<512x256xf32>
    %max3A_26 = arith.constant 0.000000e+00 : f32
    %max3A_27 = vector.broadcast %max3A_26 : f32 to vector<512x256xf32>
    %max3A_28 = arith.maximumf %add3A_25, %max3A_27 : vector<512x256xf32>
    %slice3A = vector.extract_strided_slice %max3A_28 {offsets = [0, 0], sizes = [512, 128], strides = [1, 1]} : vector<512x256xf32> to vector<512x128xf32>
    %swap3A = arith.constant 0 : index
    %swap3A_29 = arith.constant 0 : index
    %swap3A_30 = vector.load %arg7[%swap3A, %swap3A_29] : memref<512x128xf32, #tpu.memory_space<vmem>>, vector<512x128xf32>
    tpu.vector_store %arg7[%swap3A, %swap3A_29], %slice3A {strides = array<i32>} : memref<512x128xf32, #tpu.memory_space<vmem>>, vector<512x128xf32>,
    %slice3A_31 = vector.extract_strided_slice %max3A_28 {offsets = [0, 128], sizes = [512, 128], strides = [1, 1]} : vector<512x256xf32> to vector<512x128xf32>
    %swap3A_32 = arith.constant 0 : index
    %swap3A_33 = arith.constant 0 : index
    %swap3A_34 = vector.load %arg8[%swap3A_32, %swap3A_33] : memref<512x128xf32, #tpu.memory_space<vmem>>, vector<512x128xf32>
    tpu.vector_store %arg8[%swap3A_32, %swap3A_33], %slice3A_31 {strides = array<i32>} : memref<512x128xf32, #tpu.memory_space<vmem>>, vector<512x128xf32>,
    return
  }
  func.func @transform_0(%arg0: i32) -> (i32, i32) {
    %c0_i32 = arith.constant 0 : i32
    %c0_i32_0 = arith.constant 0 : i32
    return %arg0, %c0_i32 : i32, i32
  }
  func.func @transform_1(%arg0: i32) -> (i32, i32) {
    %c0_i32 = arith.constant 0 : i32
    %c0_i32_0 = arith.constant 0 : i32
    return %arg0, %c0_i32 : i32, i32
  }
  func.func @transform_2(%arg0: i32) -> (i32, i32) {
    %c0_i32 = arith.constant 0 : i32
    %c0_i32_0 = arith.constant 0 : i32
    %c0_i32_1 = arith.constant 0 : i32
    return %c0_i32, %c0_i32_0 : i32, i32
  }
  func.func @transform_3(%arg0: i32) -> (i32, i32) {
    %c0_i32 = arith.constant 0 : i32
    %c0_i32_0 = arith.constant 0 : i32
    %c0_i32_1 = arith.constant 0 : i32
    return %c0_i32, %c0_i32_0 : i32, i32
  }
  func.func @transform_4(%arg0: i32) -> (i32, i32) {
    %c0_i32 = arith.constant 0 : i32
    %c0_i32_0 = arith.constant 0 : i32
    %c0_i32_1 = arith.constant 0 : i32
    return %c0_i32, %c0_i32_0 : i32, i32
  }
  func.func @transform_5(%arg0: i32) -> (i32, i32) {
    %c0_i32 = arith.constant 0 : i32
    %c0_i32_0 = arith.constant 0 : i32
    %c0_i32_1 = arith.constant 0 : i32
    return %c0_i32, %c0_i32_0 : i32, i32
  }
  func.func @transform_6(%arg0: i32) -> (i32, i32) {
    %c0_i32 = arith.constant 0 : i32
    %c0_i32_0 = arith.constant 0 : i32
    return %arg0, %c0_i32 : i32, i32
  }
  func.func @transform_7(%arg0: i32) -> (i32, i32) {
    %c0_i32 = arith.constant 0 : i32
    %c0_i32_0 = arith.constant 0 : i32
    return %arg0, %c0_i32 : i32, i32
  }
}

module attributes {stable_mosaic.version = 14 : i64} {
  func.func @_mlp1_pool_body(%arg0: i32, %arg1: memref<512x128xf32, #tpu.memory_space<vmem>>, %arg2: memref<512x128xf32, #tpu.memory_space<vmem>>, %arg3: memref<512x128xf32, #tpu.memory_space<vmem>>, %arg4: memref<512x128xf32, #tpu.memory_space<vmem>>, %arg5: memref<512x128xf32, #tpu.memory_space<vmem>>, %arg6: memref<1x1x512xi32, #tpu.memory_space<vmem>>, %arg7: memref<128x256xf32, #tpu.memory_space<vmem>>, %arg8: memref<128x256xf32, #tpu.memory_space<vmem>>, %arg9: memref<1x256xf32, #tpu.memory_space<vmem>>, %arg10: memref<256x256xf32, #tpu.memory_space<vmem>>, %arg11: memref<1x256xf32, #tpu.memory_space<vmem>>, %arg12: memref<128x128xf32, #tpu.memory_space<vmem>>, %arg13: memref<256x128xf32, #tpu.memory_space<vmem>>, %arg14: memref<256x128xf32, #tpu.memory_space<vmem>>, %arg15: memref<1x128xf32, #tpu.memory_space<vmem>>, %arg16: memref<64x128xf32, #tpu.memory_space<vmem>>, %arg17: memref<64x128xf32, #tpu.memory_space<vmem>>, %arg18: memref<64x256xf32, #tpu.memory_space<vmem>>, %arg19: memref<64x256xf32, #tpu.memory_space<vmem>>) attributes {dimension_semantics = [#tpu.dimension_semantics<arbitrary>], iteration_bounds = array<i64: 20>, scalar_prefetch = 0 : i64, scratch_operands = 3 : i64, tpu.core_type = #tpu.core_type<tc>, window_params = [{transform_indices = @transform_0, window_bounds = array<i64: 512, 128>}, {transform_indices = @transform_1, window_bounds = array<i64: 512, 128>}, {transform_indices = @transform_2, window_bounds = array<i64: 512, 128>}, {transform_indices = @transform_3, window_bounds = array<i64: 512, 128>}, {transform_indices = @transform_4, window_bounds = array<i64: 512, 128>}, {transform_indices = @transform_5, window_bounds = array<i64: 1, 1, 512>}, {pipeline_mode = #tpu.pipeline_mode<synchronous>, transform_indices = @transform_6, window_bounds = array<i64: 128, 256>}, {pipeline_mode = #tpu.pipeline_mode<synchronous>, transform_indices = @transform_7, window_bounds = array<i64: 128, 256>}, {pipeline_mode = #tpu.pipeline_mode<synchronous>, transform_indices = @transform_8, window_bounds = array<i64: 1, 256>}, {pipeline_mode = #tpu.pipeline_mode<synchronous>, transform_indices = @transform_9, window_bounds = array<i64: 256, 256>}, {pipeline_mode = #tpu.pipeline_mode<synchronous>, transform_indices = @transform_10, window_bounds = array<i64: 1, 256>}, {pipeline_mode = #tpu.pipeline_mode<synchronous>, transform_indices = @transform_11, window_bounds = array<i64: 128, 128>}, {pipeline_mode = #tpu.pipeline_mode<synchronous>, transform_indices = @transform_12, window_bounds = array<i64: 256, 128>}, {pipeline_mode = #tpu.pipeline_mode<synchronous>, transform_indices = @transform_13, window_bounds = array<i64: 256, 128>}, {pipeline_mode = #tpu.pipeline_mode<synchronous>, transform_indices = @transform_14, window_bounds = array<i64: 1, 128>}, {pipeline_mode = #tpu.pipeline_mode<synchronous>, transform_indices = @transform_15, window_bounds = array<i64: 64, 128>}]} {
    %eq3A = arith.constant 0 : i32
    %eq3A_0 = arith.cmpi eq, %arg0, %eq3A : i32
    %convert_element_type3A = arith.extui %eq3A_0 : i1 to i32
    %cond3A = arith.constant 0 : i32
    %cond3A_1 = arith.cmpi ne, %convert_element_type3A, %cond3A : i32
    scf.if %cond3A_1 {
      %broadcast_in_dim3A_85 = arith.constant 0.000000e+00 : f32
      %broadcast_in_dim3A_86 = vector.broadcast %broadcast_in_dim3A_85 : f32 to vector<64x128xf32>
      %swap3A_87 = arith.constant 0 : index
      %swap3A_88 = arith.constant 0 : index
      %swap3A_89 = vector.load %arg17[%swap3A_87, %swap3A_88] : memref<64x128xf32, #tpu.memory_space<vmem>>, vector<64x128xf32>
      tpu.vector_store %arg17[%swap3A_87, %swap3A_88], %broadcast_in_dim3A_86 {strides = array<i32>} : memref<64x128xf32, #tpu.memory_space<vmem>>, vector<64x128xf32>,
      %broadcast_in_dim3A_90 = arith.constant 0.000000e+00 : f32
      %broadcast_in_dim3A_91 = vector.broadcast %broadcast_in_dim3A_90 : f32 to vector<64x256xf32>
      %swap3A_92 = arith.constant 0 : index
      %swap3A_93 = arith.constant 0 : index
      %swap3A_94 = vector.load %arg18[%swap3A_92, %swap3A_93] : memref<64x256xf32, #tpu.memory_space<vmem>>, vector<64x256xf32>
      tpu.vector_store %arg18[%swap3A_92, %swap3A_93], %broadcast_in_dim3A_91 {strides = array<i32>} : memref<64x256xf32, #tpu.memory_space<vmem>>, vector<64x256xf32>,
      %broadcast_in_dim3A_95 = arith.constant 0.000000e+00 : f32
      %broadcast_in_dim3A_96 = vector.broadcast %broadcast_in_dim3A_95 : f32 to vector<64x256xf32>
      %swap3A_97 = arith.constant 0 : index
      %swap3A_98 = arith.constant 0 : index
      %swap3A_99 = vector.load %arg19[%swap3A_97, %swap3A_98] : memref<64x256xf32, #tpu.memory_space<vmem>>, vector<64x256xf32>
      tpu.vector_store %arg19[%swap3A_97, %swap3A_98], %broadcast_in_dim3A_96 {strides = array<i32>} : memref<64x256xf32, #tpu.memory_space<vmem>>, vector<64x256xf32>,
    } else {
    }
    %get3A = arith.constant 0 : index
    %get3A_2 = arith.constant 0 : index
    %get3A_3 = vector.load %arg4[%get3A, %get3A_2] : memref<512x128xf32, #tpu.memory_space<vmem>>, vector<512x128xf32>
    %get3A_4 = arith.constant 0 : index
    %get3A_5 = arith.constant 0 : index
    %get3A_6 = vector.load %arg7[%get3A_4, %get3A_5] : memref<128x256xf32, #tpu.memory_space<vmem>>, vector<128x256xf32>
    %dot_general3A = arith.constant dense<0.000000e+00> : vector<512x256xf32>
    %dot_general3A_7 = tpu.matmul %get3A_3, %get3A_6, %dot_general3A {dimension_numbers = #tpu.dot_dimension_numbers<[1], [0], [0], [1], [0, 0, 1, 1], [], []>, transpose_lhs_hint = false} : vector<512x128xf32>, vector<128x256xf32>, vector<512x256xf32> -> vector<512x256xf32>
    %get3A_8 = arith.constant 0 : index
    %get3A_9 = arith.constant 0 : index
    %get3A_10 = vector.load %arg5[%get3A_8, %get3A_9] : memref<512x128xf32, #tpu.memory_space<vmem>>, vector<512x128xf32>
    %get3A_11 = arith.constant 0 : index
    %get3A_12 = arith.constant 0 : index
    %get3A_13 = vector.load %arg8[%get3A_11, %get3A_12] : memref<128x256xf32, #tpu.memory_space<vmem>>, vector<128x256xf32>
    %dot_general3A_14 = arith.constant dense<0.000000e+00> : vector<512x256xf32>
    %dot_general3A_15 = tpu.matmul %get3A_10, %get3A_13, %dot_general3A_14 {dimension_numbers = #tpu.dot_dimension_numbers<[1], [0], [0], [1], [0, 0, 1, 1], [], []>, transpose_lhs_hint = false} : vector<512x128xf32>, vector<128x256xf32>, vector<512x256xf32> -> vector<512x256xf32>
    %add3A = arith.addf %dot_general3A_7, %dot_general3A_15 : vector<512x256xf32>
    %get3A_16 = arith.constant 0 : index
    %get3A_17 = arith.constant 0 : index
    %get3A_18 = vector.load %arg9[%get3A_16, %get3A_17] : memref<1x256xf32, #tpu.memory_space<vmem>>, vector<1x256xf32>
    %add3A_19 = vector.broadcast %get3A_18 : vector<1x256xf32> to vector<512x256xf32>
    %add3A_20 = arith.addf %add3A, %add3A_19 : vector<512x256xf32>
    %max3A = arith.constant 0.000000e+00 : f32
    %max3A_21 = vector.broadcast %max3A : f32 to vector<512x256xf32>
    %max3A_22 = arith.maximumf %add3A_20, %max3A_21 : vector<512x256xf32>
    %get3A_23 = arith.constant 0 : index
    %get3A_24 = arith.constant 0 : index
    %get3A_25 = vector.load %arg10[%get3A_23, %get3A_24] : memref<256x256xf32, #tpu.memory_space<vmem>>, vector<256x256xf32>
    %dot_general3A_26 = arith.constant dense<0.000000e+00> : vector<512x256xf32>
    %dot_general3A_27 = tpu.matmul %max3A_22, %get3A_25, %dot_general3A_26 {dimension_numbers = #tpu.dot_dimension_numbers<[1], [0], [0], [1], [0, 0, 1, 1], [], []>, transpose_lhs_hint = false} : vector<512x256xf32>, vector<256x256xf32>, vector<512x256xf32> -> vector<512x256xf32>
    %get3A_28 = arith.constant 0 : index
    %get3A_29 = arith.constant 0 : index
    %get3A_30 = vector.load %arg11[%get3A_28, %get3A_29] : memref<1x256xf32, #tpu.memory_space<vmem>>, vector<1x256xf32>
    %add3A_31 = vector.broadcast %get3A_30 : vector<1x256xf32> to vector<512x256xf32>
    %add3A_32 = arith.addf %dot_general3A_27, %add3A_31 : vector<512x256xf32>
    %max3A_33 = arith.constant 0.000000e+00 : f32
    %max3A_34 = vector.broadcast %max3A_33 : f32 to vector<512x256xf32>
    %max3A_35 = arith.maximumf %add3A_32, %max3A_34 : vector<512x256xf32>
    %get3A_36 = arith.constant 0 : index
    %get3A_37 = arith.constant 0 : index
    %get3A_38 = arith.constant 0 : index
    %get3A_39 = vector.load %arg6[%get3A_36, %get3A_37, %get3A_38] : memref<1x1x512xi32, #tpu.memory_space<vmem>>, vector<1x1x512xi32>
    %get3A_40 = vector.shape_cast %get3A_39 : vector<1x1x512xi32> to vector<512xi32>
    %broadcast_in_dim3A = vector.shape_cast %get3A_40 : vector<512xi32> to vector<1x512xi32>
    %iota3A = tpu.iota {dimensions = array<i32: 0>} : vector<64x512xi32>
    %eq3A_41 = vector.broadcast %broadcast_in_dim3A : vector<1x512xi32> to vector<64x512xi32>
    %eq3A_42 = arith.cmpi eq, %eq3A_41, %iota3A : vector<64x512xi32>
    %convert_element_type3A_43 = arith.extui %eq3A_42 : vector<64x512xi1> to vector<64x512xi32>
    %convert_element_type3A_44 = arith.sitofp %convert_element_type3A_43 : vector<64x512xi32> to vector<64x512xf32>
    %get3A_45 = arith.constant 0 : index
    %get3A_46 = arith.constant 0 : index
    %get3A_47 = vector.load %arg2[%get3A_45, %get3A_46] : memref<512x128xf32, #tpu.memory_space<vmem>>, vector<512x128xf32>
    %get3A_48 = arith.constant 0 : index
    %get3A_49 = arith.constant 0 : index
    %get3A_50 = vector.load %arg3[%get3A_48, %get3A_49] : memref<512x128xf32, #tpu.memory_space<vmem>>, vector<512x128xf32>
    %concatenate3A = tpu.concatenate %get3A_47, %get3A_50 in 1 : vector<512x128xf32>, vector<512x128xf32> -> vector<512x256xf32>
    %get3A_51 = arith.constant 0 : index
    %get3A_52 = arith.constant 0 : index
    %get3A_53 = vector.load %arg17[%get3A_51, %get3A_52] : memref<64x128xf32, #tpu.memory_space<vmem>>, vector<64x128xf32>
    %get3A_54 = arith.constant 0 : index
    %get3A_55 = arith.constant 0 : index
    %get3A_56 = vector.load %arg1[%get3A_54, %get3A_55] : memref<512x128xf32, #tpu.memory_space<vmem>>, vector<512x128xf32>
    %dot_general3A_57 = arith.constant dense<0.000000e+00> : vector<64x128xf32>
    %dot_general3A_58 = tpu.matmul %convert_element_type3A_44, %get3A_56, %dot_general3A_57 {dimension_numbers = #tpu.dot_dimension_numbers<[1], [0], [0], [1], [0, 0, 1, 1], [], []>, transpose_lhs_hint = false} : vector<64x512xf32>, vector<512x128xf32>, vector<64x128xf32> -> vector<64x128xf32>
    %add3A_59 = arith.addf %get3A_53, %dot_general3A_58 : vector<64x128xf32>
    %swap3A = arith.constant 0 : index
    %swap3A_60 = arith.constant 0 : index
    %swap3A_61 = vector.load %arg17[%swap3A, %swap3A_60] : memref<64x128xf32, #tpu.memory_space<vmem>>, vector<64x128xf32>
    tpu.vector_store %arg17[%swap3A, %swap3A_60], %add3A_59 {strides = array<i32>} : memref<64x128xf32, #tpu.memory_space<vmem>>, vector<64x128xf32>,
    %get3A_62 = arith.constant 0 : index
    %get3A_63 = arith.constant 0 : index
    %get3A_64 = vector.load %arg18[%get3A_62, %get3A_63] : memref<64x256xf32, #tpu.memory_space<vmem>>, vector<64x256xf32>
    %dot_general3A_65 = arith.constant dense<0.000000e+00> : vector<64x256xf32>
    %dot_general3A_66 = tpu.matmul %convert_element_type3A_44, %concatenate3A, %dot_general3A_65 {dimension_numbers = #tpu.dot_dimension_numbers<[1], [0], [0], [1], [0, 0, 1, 1], [], []>, transpose_lhs_hint = false} : vector<64x512xf32>, vector<512x256xf32>, vector<64x256xf32> -> vector<64x256xf32>
    %add3A_67 = arith.addf %get3A_64, %dot_general3A_66 : vector<64x256xf32>
    %swap3A_68 = arith.constant 0 : index
    %swap3A_69 = arith.constant 0 : index
    %swap3A_70 = vector.load %arg18[%swap3A_68, %swap3A_69] : memref<64x256xf32, #tpu.memory_space<vmem>>, vector<64x256xf32>
    tpu.vector_store %arg18[%swap3A_68, %swap3A_69], %add3A_67 {strides = array<i32>} : memref<64x256xf32, #tpu.memory_space<vmem>>, vector<64x256xf32>,
    %get3A_71 = arith.constant 0 : index
    %get3A_72 = arith.constant 0 : index
    %get3A_73 = vector.load %arg19[%get3A_71, %get3A_72] : memref<64x256xf32, #tpu.memory_space<vmem>>, vector<64x256xf32>
    %dot_general3A_74 = arith.constant dense<0.000000e+00> : vector<64x256xf32>
    %dot_general3A_75 = tpu.matmul %convert_element_type3A_44, %max3A_35, %dot_general3A_74 {dimension_numbers = #tpu.dot_dimension_numbers<[1], [0], [0], [1], [0, 0, 1, 1], [], []>, transpose_lhs_hint = false} : vector<64x512xf32>, vector<512x256xf32>, vector<64x256xf32> -> vector<64x256xf32>
    %add3A_76 = arith.addf %get3A_73, %dot_general3A_75 : vector<64x256xf32>
    %swap3A_77 = arith.constant 0 : index
    %swap3A_78 = arith.constant 0 : index
    %swap3A_79 = vector.load %arg19[%swap3A_77, %swap3A_78] : memref<64x256xf32, #tpu.memory_space<vmem>>, vector<64x256xf32>
    tpu.vector_store %arg19[%swap3A_77, %swap3A_78], %add3A_76 {strides = array<i32>} : memref<64x256xf32, #tpu.memory_space<vmem>>, vector<64x256xf32>,
    %eq3A_80 = arith.constant 19 : i32
    %eq3A_81 = arith.cmpi eq, %arg0, %eq3A_80 : i32
    %convert_element_type3A_82 = arith.extui %eq3A_81 : i1 to i32
    %cond3A_83 = arith.constant 0 : i32
    %cond3A_84 = arith.cmpi ne, %convert_element_type3A_82, %cond3A_83 : i32
    scf.if %cond3A_84 {
      %get3A_85 = arith.constant 0 : index
      %get3A_86 = arith.constant 0 : index
      %get3A_87 = vector.load %arg17[%get3A_85, %get3A_86] : memref<64x128xf32, #tpu.memory_space<vmem>>, vector<64x128xf32>
      %get3A_88 = arith.constant 0 : index
      %get3A_89 = arith.constant 0 : index
      %get3A_90 = vector.load %arg12[%get3A_88, %get3A_89] : memref<128x128xf32, #tpu.memory_space<vmem>>, vector<128x128xf32>
      %dot_general3A_91 = arith.constant dense<0.000000e+00> : vector<64x128xf32>
      %dot_general3A_92 = tpu.matmul %get3A_87, %get3A_90, %dot_general3A_91 {dimension_numbers = #tpu.dot_dimension_numbers<[1], [0], [0], [1], [0, 0, 1, 1], [], []>, transpose_lhs_hint = false} : vector<64x128xf32>, vector<128x128xf32>, vector<64x128xf32> -> vector<64x128xf32>
      %get3A_93 = arith.constant 0 : index
      %get3A_94 = arith.constant 0 : index
      %get3A_95 = vector.load %arg18[%get3A_93, %get3A_94] : memref<64x256xf32, #tpu.memory_space<vmem>>, vector<64x256xf32>
      %get3A_96 = arith.constant 0 : index
      %get3A_97 = arith.constant 0 : index
      %get3A_98 = vector.load %arg13[%get3A_96, %get3A_97] : memref<256x128xf32, #tpu.memory_space<vmem>>, vector<256x128xf32>
      %dot_general3A_99 = arith.constant dense<0.000000e+00> : vector<64x128xf32>
      %dot_general3A_100 = tpu.matmul %get3A_95, %get3A_98, %dot_general3A_99 {dimension_numbers = #tpu.dot_dimension_numbers<[1], [0], [0], [1], [0, 0, 1, 1], [], []>, transpose_lhs_hint = false} : vector<64x256xf32>, vector<256x128xf32>, vector<64x128xf32> -> vector<64x128xf32>
      %add3A_101 = arith.addf %dot_general3A_92, %dot_general3A_100 : vector<64x128xf32>
      %get3A_102 = arith.constant 0 : index
      %get3A_103 = arith.constant 0 : index
      %get3A_104 = vector.load %arg19[%get3A_102, %get3A_103] : memref<64x256xf32, #tpu.memory_space<vmem>>, vector<64x256xf32>
      %get3A_105 = arith.constant 0 : index
      %get3A_106 = arith.constant 0 : index
      %get3A_107 = vector.load %arg14[%get3A_105, %get3A_106] : memref<256x128xf32, #tpu.memory_space<vmem>>, vector<256x128xf32>
      %dot_general3A_108 = arith.constant dense<0.000000e+00> : vector<64x128xf32>
      %dot_general3A_109 = tpu.matmul %get3A_104, %get3A_107, %dot_general3A_108 {dimension_numbers = #tpu.dot_dimension_numbers<[1], [0], [0], [1], [0, 0, 1, 1], [], []>, transpose_lhs_hint = false} : vector<64x256xf32>, vector<256x128xf32>, vector<64x128xf32> -> vector<64x128xf32>
      %add3A_110 = arith.addf %add3A_101, %dot_general3A_109 : vector<64x128xf32>
      %get3A_111 = arith.constant 0 : index
      %get3A_112 = arith.constant 0 : index
      %get3A_113 = vector.load %arg15[%get3A_111, %get3A_112] : memref<1x128xf32, #tpu.memory_space<vmem>>, vector<1x128xf32>
      %add3A_114 = vector.broadcast %get3A_113 : vector<1x128xf32> to vector<64x128xf32>
      %add3A_115 = arith.addf %add3A_110, %add3A_114 : vector<64x128xf32>
      %swap3A_116 = arith.constant 0 : index
      %swap3A_117 = arith.constant 0 : index
      %swap3A_118 = vector.load %arg16[%swap3A_116, %swap3A_117] : memref<64x128xf32, #tpu.memory_space<vmem>>, vector<64x128xf32>
      tpu.vector_store %arg16[%swap3A_116, %swap3A_117], %add3A_115 {strides = array<i32>} : memref<64x128xf32, #tpu.memory_space<vmem>>, vector<64x128xf32>,
    } else {
    }
    return
  }
  func.func @transform_0(%arg0: i32) -> (i32, i32) {
    %c0_i32 = arith.constant 0 : i32
    %c0_i32_0 = arith.constant 0 : i32
    return %arg0, %c0_i32 : i32, i32
  }
  func.func @transform_1(%arg0: i32) -> (i32, i32) {
    %c0_i32 = arith.constant 0 : i32
    %c0_i32_0 = arith.constant 0 : i32
    return %arg0, %c0_i32 : i32, i32
  }
  func.func @transform_2(%arg0: i32) -> (i32, i32) {
    %c0_i32 = arith.constant 0 : i32
    %c0_i32_0 = arith.constant 0 : i32
    return %arg0, %c0_i32 : i32, i32
  }
  func.func @transform_3(%arg0: i32) -> (i32, i32) {
    %c0_i32 = arith.constant 0 : i32
    %c0_i32_0 = arith.constant 0 : i32
    return %arg0, %c0_i32 : i32, i32
  }
  func.func @transform_4(%arg0: i32) -> (i32, i32) {
    %c0_i32 = arith.constant 0 : i32
    %c0_i32_0 = arith.constant 0 : i32
    return %arg0, %c0_i32 : i32, i32
  }
  func.func @transform_5(%arg0: i32) -> (i32, i32, i32) {
    %c0_i32 = arith.constant 0 : i32
    %c0_i32_0 = arith.constant 0 : i32
    %c0_i32_1 = arith.constant 0 : i32
    return %arg0, %c0_i32, %c0_i32_0 : i32, i32, i32
  }
  func.func @transform_6(%arg0: i32) -> (i32, i32) {
    %c0_i32 = arith.constant 0 : i32
    %c0_i32_0 = arith.constant 0 : i32
    %c0_i32_1 = arith.constant 0 : i32
    return %c0_i32, %c0_i32_0 : i32, i32
  }
  func.func @transform_7(%arg0: i32) -> (i32, i32) {
    %c0_i32 = arith.constant 0 : i32
    %c0_i32_0 = arith.constant 0 : i32
    %c0_i32_1 = arith.constant 0 : i32
    return %c0_i32, %c0_i32_0 : i32, i32
  }
  func.func @transform_8(%arg0: i32) -> (i32, i32) {
    %c0_i32 = arith.constant 0 : i32
    %c0_i32_0 = arith.constant 0 : i32
    %c0_i32_1 = arith.constant 0 : i32
    return %c0_i32, %c0_i32_0 : i32, i32
  }
  func.func @transform_9(%arg0: i32) -> (i32, i32) {
    %c0_i32 = arith.constant 0 : i32
    %c0_i32_0 = arith.constant 0 : i32
    %c0_i32_1 = arith.constant 0 : i32
    return %c0_i32, %c0_i32_0 : i32, i32
  }
  func.func @transform_10(%arg0: i32) -> (i32, i32) {
    %c0_i32 = arith.constant 0 : i32
    %c0_i32_0 = arith.constant 0 : i32
    %c0_i32_1 = arith.constant 0 : i32
    return %c0_i32, %c0_i32_0 : i32, i32
  }
  func.func @transform_11(%arg0: i32) -> (i32, i32) {
    %c0_i32 = arith.constant 0 : i32
    %c0_i32_0 = arith.constant 0 : i32
    %c0_i32_1 = arith.constant 0 : i32
    return %c0_i32, %c0_i32_0 : i32, i32
  }
  func.func @transform_12(%arg0: i32) -> (i32, i32) {
    %c0_i32 = arith.constant 0 : i32
    %c0_i32_0 = arith.constant 0 : i32
    %c0_i32_1 = arith.constant 0 : i32
    return %c0_i32, %c0_i32_0 : i32, i32
  }
  func.func @transform_13(%arg0: i32) -> (i32, i32) {
    %c0_i32 = arith.constant 0 : i32
    %c0_i32_0 = arith.constant 0 : i32
    %c0_i32_1 = arith.constant 0 : i32
    return %c0_i32, %c0_i32_0 : i32, i32
  }
  func.func @transform_14(%arg0: i32) -> (i32, i32) {
    %c0_i32 = arith.constant 0 : i32
    %c0_i32_0 = arith.constant 0 : i32
    %c0_i32_1 = arith.constant 0 : i32
    return %c0_i32, %c0_i32_0 : i32, i32
  }
  func.func @transform_15(%arg0: i32) -> (i32, i32) {
    %c0_i32 = arith.constant 0 : i32
    %c0_i32_0 = arith.constant 0 : i32
    %c0_i32_1 = arith.constant 0 : i32
    return %c0_i32, %c0_i32_0 : i32, i32
  }
}

</mosaic_0001>

<sc_bundles>
// kernel: kernel.6.cloned.1.call-start
scs
__scs_entry_jumppad:
0x0: {  	(pc) =	sbr.rel $0x88, $3  }
0x1: {  	(tag) =	ssettag $0x0;
	lr =	simm.s32 $0x1  }
0x2: {  	[smem:$0x3F88] =	sst lr;
	_ =	strace $0xD0000000  }
0x3: {  	_ = 	snop  }
0x4: {  	_ = 	snop  }
0x5: {  	_ = 	snop  }
0x6: {  	_ = 	snop  }
0x7: {  	_ = 	snop  }
__scs_overlays_trampoline_lowered:
0x8: {  	[smem:$0x3F97] =	sst s0  }
0x9: {  	[smem:$0x3F98] =	sst s1  }
0xa: {  	[smem:$0x3F99] =	sst s2  }
0xb: {  	[smem:$0x3F9A] =	sst s3  }
0xc: {  	[smem:$0x3F9B] =	sst s4  }
0xd: {  	[smem:$0x3F9C] =	sst s5  }
0xe: {  	[smem:$0x3F9D] =	sst s6  }
0xf: {  	[smem:$0x3F9E] =	sst s7  }
0x10: {  	[smem:$0x3F9F] =	sst s8  }
0x11: {  	[smem:$0x3FA0] =	sst s9;
	s0 =	simm.s32 @!p0 $0x0  }
0x12: {  	s1 =	sld [smem:$0x3F86];
	s0 =	simm.s32 @p0 $0x1  }
0x13: {  	[smem:$0x3FA1] =	sst s0;
	s0 =	simm.s32 @!p1 $0x0  }
0x14: {  	s2 =	sld [smem:$0x3F85];
	s0 =	simm.s32 @p1 $0x1  }
0x15: {  	[smem:$0x3FA2] =	sst s0;
	s0 =	simm.s32 @!p2 $0x0  }
0x16: {  	s3 =	sld [smem:$0x3FDB];
	s0 =	simm.s32 @p2 $0x1  }
0x17: {  	s4 =	simm.s32 $0x1BF5;
	[smem:$0x3FA4] =	sst s0  }
0x18: {  	s0 =	sld [smem:$0x3F87];
	_ =	swait.ge [sflag:s4], $0x0  }
0x19: {  	s7 =	sld [smem:$0x3F88]  }
0x1a: {  	s8 =	sadd.s32 $0xFFFFE003, lr  }
0x1b: {  	s9 =	sadd.s32 $0xFFFFFEF7, lr;
	s5 =	simm.s32 $0xFFFFFFFF;
	p2 =	slt.u32 s8, $0xFFFFF086  }
0x1c: {  	p1 =	slt.u32 s9, $0xF7A;
	s5 =	simm.s32 @!p2 $0x0  }
0x1d: {  	s5 =	simm.s32 @p1 $0x1;
	p0 =	seq.s32 s7, s2  }
0x1e: {  	s7 =	smul.u32 @!p0 $0xF7A, s2;
	p2 =	seq.s32 @!p0 s5, $0x0  }
0x1f: {  	s9 =	smul.u32 $0xF7A, s1;
	s8 =	simm.s32 @!p0 $0x1BF5;
	p2 =	por !p2, p0  }
0x20: {  	[sflag:s8] =	ssyncset.s32 @!p0 $0xFFFFF086;
	s6 =	sadd.s32 @!p0 s3, s7;
	s7 =	simm.s32 @!p0 $0x108  }
0x21: {  	s3 =	sadd.s32 s3, s9;
	s6 =	sadd.s32 @!p0 $0x88, s6;
	s7 =	simm.s32 @p2 $0x1082  }
0x22: {  	[simem:s7], [sflag:s8] =	dma.local @!p0 [hbm:s6], $0xF7A  }
0x23: {  	s9 =	sor.u32 $0xD0000000, s2;
	s6 =	simm.s32 $0x108;
	_ =	swait.ge @!p0 [sflag:s8], $0x0  }
0x24: {  	s3 =	sadd.s32 $0x88, s3;
	s6 =	simm.s32 @!p1 $0x1082;
	[sflag:s4] =	ssyncset.s32 $0xFFFFF086  }
0x25: {  	[simem:s6], [sflag:s4] =	dma.local [hbm:s3], $0xF7A  }
0x26: {  	[smem:$0x3F88] =	sst s1;
	(tag) =	ssettag s2;
	_ =	strace s9  }
0x27: {  	s1 =	sld [smem:$0x3F98]  }
0x28: {  	s2 =	sld [smem:$0x3F99]  }
0x29: {  	s4 =	sld [smem:$0x3F9B]  }
0x2a: {  	p0 =	seq.s32 s5, $0x0;
	s5 =	sld [smem:$0x3F9C]  }
0x2b: {  	s6 =	sld [smem:$0x3F9D]  }
0x2c: {  	s7 =	sld [smem:$0x3F9E]  }
0x2d: {  	s3 =	simm.s32 $0x108;
	s8 =	sld [smem:$0x3F9F]  }
0x2e: {  	s3 =	simm.s32 @!p0 $0x1082;
	s9 =	sld [smem:$0x3FA0]  }
0x2f: {  	lr =	sadd.s32 s0, s3;
	s0 =	sld [smem:$0x3F97]  }
0x30: {  	s3 =	sld [smem:$0x3F9A]  }
0x31: {  	[smem:$0x3FA3] =	sst s10  }
0x32: {  	s10 =	sld [smem:$0x3FA1];
	_ =	sdelay $0x3  }
0x33: {  	p0 =	seq.s32 s10, $0x1;
	s10 =	sld [smem:$0x3FA3];
	_ =	sdelay $0x3  }
0x34: {  	[smem:$0x3FA3] =	sst s10  }
0x35: {  	s10 =	sld [smem:$0x3FA2];
	_ =	sdelay $0x3  }
0x36: {  	p1 =	seq.s32 s10, $0x1;
	s10 =	sld [smem:$0x3FA3];
	_ =	sdelay $0x3  }
0x37: {  	[smem:$0x3FA3] =	sst s10  }
0x38: {  	s10 =	sld [smem:$0x3FA4]  }
0x39: {  	_ = 	snop;
	(pc) =	sbr.ind lr, $3  }
0x3a: {  	_ = 	snop  }
0x3b: {  	_ = 	snop  }
0x3c: {  	p2 =	seq.s32 s10, $0x1;
	s10 =	sld [smem:$0x3FA3]  }
0x3d: {  	_ =	shalt  }
0x3e: {  	_ =	shalt  }
0x3f: {  	_ =	shalt  }
0x40: {  	_ =	shalt  }
0x41: {  	_ =	shalt  }
0x42: {  	_ =	shalt  }
0x43: {  	_ =	shalt  }
0x44: {  	_ =	shalt  }
0x45: {  	_ =	shalt  }
0x46: {  	_ =	shalt  }
0x47: {  	_ =	shalt  }
0x48: {  	_ =	shalt  }
0x49: {  	_ =	shalt  }
0x4a: {  	_ =	shalt  }
0x4b: {  	_ =	shalt  }
0x4c: {  	_ =	shalt  }
0x4d: {  	_ =	shalt  }
0x4e: {  	_ =	shalt  }
0x4f: {  	_ =	shalt  }
0x50: {  	_ =	shalt  }
0x51: {  	_ =	shalt  }
0x52: {  	_ =	shalt  }
0x53: {  	_ =	shalt  }
0x54: {  	_ =	shalt  }
0x55: {  	_ =	shalt  }
0x56: {  	_ =	shalt  }
0x57: {  	_ =	shalt  }
0x58: {  	_ =	shalt  }
0x59: {  	_ =	shalt  }
0x5a: {  	_ =	shalt  }
0x5b: {  	_ =	shalt  }
0x5c: {  	_ =	shalt  }
0x5d: {  	_ =	shalt  }
0x5e: {  	_ =	shalt  }
0x5f: {  	_ =	shalt  }
0x60: {  	_ =	shalt  }
0x61: {  	_ =	shalt  }
0x62: {  	_ =	shalt  }
0x63: {  	_ =	shalt  }
0x64: {  	_ =	shalt  }
0x65: {  	_ =	shalt  }
0x66: {  	_ =	shalt  }
0x67: {  	_ =	shalt  }
0x68: {  	_ =	shalt  }
0x69: {  	_ =	shalt  }
0x6a: {  	_ =	shalt  }
0x6b: {  	_ =	shalt  }
0x6c: {  	_ =	shalt  }
0x6d: {  	_ =	shalt  }
0x6e: {  	_ =	shalt  }
0x6f: {  	_ =	shalt  }
0x70: {  	_ =	shalt  }
0x71: {  	_ =	shalt  }
0x72: {  	_ =	shalt  }
0x73: {  	_ =	shalt  }
0x74: {  	_ =	shalt  }
0x75: {  	_ =	shalt  }
0x76: {  	_ =	shalt  }
0x77: {  	_ =	shalt  }
0x78: {  	_ =	shalt  }
0x79: {  	_ =	shalt  }
0x7a: {  	_ =	shalt  }
0x7b: {  	_ =	shalt  }
0x7c: {  	_ =	shalt  }
0x7d: {  	_ =	shalt  }
0x7e: {  	_ =	shalt  }
0x7f: {  	_ =	shalt  }
0x80: {  	_ =	shalt  }
0x81: {  	_ =	shalt  }
0x82: {  	_ =	shalt  }
0x83: {  	_ =	shalt  }
0x84: {  	_ =	shalt  }
0x85: {  	_ =	shalt  }
0x86: {  	_ =	shalt  }
0x87: {  	_ =	shalt  }
.Lfunc_end0:
.L_simem_size_0:
called_computation_lowered:
.L_overlay_start_0:
0x88: {  	s2 =	sld [smem:$0x3FD9]  }
0x89: {  	s3 =	sld [smem:$0x3FFE];
	_ =	sdelay $0x1  }
0x8a: {  	s1 =	srdreg.scid  }
0x8b: {  	s0 =	sand.u32 $0x1, s1  }
0x8c: {  	s16 =	sshll.u32 s0, $0xA;
	s2 =	sadd.s32 s3, s2  }
0x8d: {  	s2 =	sadd.s32 s2, s16  }
0x8e: {  	[smem:$0x3FAF] =	sst s2  }
0x8f: {  	_ = 	snop  }
0x90: {  	(tm) =	ssettm $0x1  }
0x91: {  	s17 =	sld [smem:$0x3FFB];
	_ =	sdelay $0x3  }
0x92: {  	_ =	strace s17  }
0x93: {  	s2 =	sld [smem:$0x3FFC];
	_ =	sdelay $0x3  }
0x94: {  	_ =	strace s2  }
0x95: {  	s2 =	sld [smem:$0x3FFD];
	_ =	sdelay $0x3  }
0x96: {  	_ =	strace s2  }
0x97: {  	_ =	strace $0x8FFFFFFF  }
0x98: {  	s18 =	sld [smem:$0x3FDB];
	_ =	sdelay $0x1  }
0x99: {  	s19 =	simm.s32 $_scs_section_size  }
0x9a: {  	s4 =	simm.s32 $_size__tile_overlayer_lowered;
	s5 =	simm.s32 $_tile_overlayer_lowered  }
0x9b: {  	s22 =	simm.s32 $0x1BFF;
	s21 =	sshll.u32 s5, $0x1;
	s2 =	sadd.s32 s19, s18  }
0x9c: {  	s6 =	simm.s32 $0x0;
	s20 =	sshll.u32 s4, $0x1;
	s4 =	sadd.s32 s21, s2  }
0x9d: {  	[timem:s6], [sflag:s22] =	dma.local [hbm:s4], s20  }
0x9e: {  	_ =	swait.ge [sflag:s22], s20  }
0x9f: {  	s3 =	ssub.s32 $0x0, s20;
	[sflag:s22] =	ssyncset.done $0x0  }
0xa0: {  	[sflag:s22] =	ssyncadd.s32 s3;
	_ =	sdelay $0x1  }
0xa1: {  	s23 =	simm.s32 $0x1B8B  }
0xa2: {  	_ =	swait.ge [sflag:s23], $0x1  }
0xa3: {  	[sflag:s23] =	ssyncset.done $0x0  }
0xa4: {  	s25 =	simm.s32 $0x1B8E;
	s24 =	sld [smem:$0x3FFE];
	[sflag:s23] =	ssyncadd.s32 $0xFFFFFFFF  }
0xa5: {  	s26 =	simm.s32 $execute0_lowered;
	[smem:$0x3FD2] =	sst s25  }
0xa6: {  	s4 =	sshll.u32 s26, $0x1;
	_ =	strace $0x80000046;
	[dreg:$0x1] =	wrdreg $0xFFFFFFFF  }
0xa7: {  	s28 =	simm.s32 $_size_execute0_lowered;
	s2 =	sadd.s32 s2, s4;
	[dreg:$0x0] =	wrdreg $0x0  }
0xa8: {  	s4 =	sshll.u32 s28, $0x1;
	[dreg:$0x2] =	wrdreg s2  }
0xa9: {  	[dreg:$0x3] =	wrdreg s4  }
0xaa: {  	[dreg:$0x4] =	wrdreg $0xC0  }
0xab: {  	_ =	task [dreg:s6], $0x5FFFF  }
0xac: {  	[dreg:$0x1] =	wrdreg $0xFFFFFFFF  }
0xad: {  	[dreg:$0x0] =	wrdreg $0x60  }
0xae: {  	[dreg:$0x2] =	wrdreg s24  }
0xaf: {  	[dreg:$0x3] =	wrdreg $0x90000  }
0xb0: {  	[dreg:$0x4] =	wrdreg $0x9  }
0xb1: {  	_ =	task.clear_ibuf [dreg:s6], $0x5FFFF;
	_ =	strace $0x90000046  }
0xb2: {  	s29 =	simm.s32 $0x9;
	_ =	strace $0x80000048  }
0xb3: {  	_ =	swait.ge [sflag:s29], $0x1  }
0xb4: {  	[sflag:s29] =	ssyncadd.s32 $0xFFFFFFFF  }
0xb5: {  	_ =	strace $0x90000048  }
0xb6: {  	_ =	sfence  }
0xb7: {  	s30 =	sld [smem:$0x0];
	_ =	sdelay $0x2  }
0xb8: {  	s31 =	sshll.u32 s1, $0xD;
	s1 =	sshrl.u32 s1, $0x2  }
0xb9: {  	s3 =	sand.u32 $0x4000, s31;
	s1 =	sadd.s32 s1, s30  }
0xba: {  	s0 =	sor.u32 s3, s0;
	s1 =	sshll.u32 s1, $0x11  }
0xbb: {  	s0 =	sor.u32 s1, s0  }
0xbc: {  	s0 =	sadd.s32 $0x8F2B, s0  }
0xbd: {  	[sflag:s0] =	ssyncadd.remote.s32 $0x1  }
0xbe: {  	_ =	sfence.sel $0xFFFF  }
0xbf: {  	[dreg:$0x0] =	wrdreg $0xFFFFFFFF;
	(pc) =	sbr.abs _section_cstart, $3  }
0xc0: {  	[dreg:$0x1] =	wrdreg $0xFFFFFFFF  }
0xc1: {  	_ =	task.clear_ibuf [dreg:s6], $0x2FFFF;
	_ =	strace $0x9FFFFFFF  }
0xc2: {  	(tm) =	ssettm $0x7FFFFFFF  }
0xc3: {  	_ =	shalt  }
tec
execute0_lowered:
.L_overlay_start_1:
0x0: {  	(tag) =	ssettag $0x1  }
0x1: {  	s0 =	rddreg [dreg:$0x0];
	s1 =	srdreg.scid  }
0x2: {  	s12 =	stileid.u32;
	s2 =	rddreg [dreg:$0x1]  }
0x3: {  	s3 =	simm.s32 $0x0;
	s28 =	simm.s32 $0x480;
	s5 =	smul.u32 $0x2800, s12  }
0x4: {  	s29 =	simm.s32 $0xC00;
	s30 =	simm.s32 $0x500;
	s9 =	smul.u32 $0x280, s12  }
0x5: {  	s1 =	sand.u32 $0x1, s1;
	[smem:$0x7FF] =	sst s3;
	s12 =	smul.u32 $0x50000, s12  }
0x6: {  	s7 =	sadd.s32 $0x42C00, s0;
	s10 =	sadd.s32 $0x6AC00, s0;
	s4 =	smul.u32 $0x28000, s1  }
0x7: {  	_ =	strace $0x80000047;
	s8 =	ssub.s32 $0x2, s1;
	p0 =	seq.s32 s1, $0x1  }
0x8: {  	s11 =	sshrl.u32 s8, $0x1;
	s19 =	sshrl.u32 s12, $0x2;
	s20 =	sadd.s32 $0x80, s9  }
0x9: {  	s22 =	sadd.s32 $0x100, s9;
	s25 =	sadd.s32 $0x180, s9;
	s9 =	sadd.s32 $0x200, s9  }
0xa: {  	s17 =	sadd.s32 s7, s5;
	s6 =	sadd.s32 s5, s4;
	s4 =	sadd.s32 $0x1AC00, s0  }
0xb: {  	s8 =	ssub.s32 s8, s11;
	s1 =	sadd.s32 s19, s2;
	[dreg:$0xe] =	wrdreg s17  }
0xc: {  	s21 =	sshll.u32 s20, $0x7;
	s18 =	smax.u32 s8, $0x1;
	[dreg:$0x4] =	wrdreg s1  }
0xd: {  	s24 =	sshll.u32 s22, $0x7;
	s1 =	sadd.s32 s21, s2;
	[dreg:$0x3] =	wrdreg s18  }
0xe: {  	s26 =	sshll.u32 s25, $0x7;
	s8 =	sadd.s32 s24, s2;
	[dreg:$0x5] =	wrdreg s1  }
0xf: {  	s13 =	sshll.u32 s9, $0x7;
	s12 =	sadd.s32 s26, s2;
	[dreg:$0x6] =	wrdreg s8  }
0x10: {  	s23 =	sshll.u32 s20, $0x4;
	s31 =	sadd.s32 s13, s2;
	[dreg:$0x7] =	wrdreg s12  }
0x11: {  	s11 =	sshll.u32 s22, $0x4;
	s13 =	sadd.s32 s10, s5;
	[dreg:$0x8] =	wrdreg s31  }
0x12: {  	s9 =	sshll.u32 s9, $0x4;
	s14 =	sadd.s32 s10, s23;
	[dreg:$0x9] =	wrdreg s13  }
0x13: {  	s17 =	simm.s32 $0x5000;
	s15 =	sadd.s32 s10, s11;
	[dreg:$0xa] =	wrdreg s14  }
0x14: {  	s6 =	sshrl.u32 s6, $0x3;
	s19 =	sadd.s32 s7, s11;
	[dreg:$0xb] =	wrdreg s15  }
0x15: {  	s21 =	sadd.s32 s4, s5;
	s22 =	sadd.s32 s4, s23;
	[dreg:$0x10] =	wrdreg s19  }
0x16: {  	s6 =	sadd.s32 s6, s0;
	s0 =	sadd.s32 $0x92C00, s0;
	[dreg:$0x13] =	wrdreg s21  }
0x17: {  	s8 =	sshll.u32 s25, $0x4;
	s18 =	sadd.s32 s7, s23;
	[dreg:$0x15] =	wrdreg s22  }
0x18: {  	s31 =	sadd.s32 s4, s9;
	s12 =	simm.s32 $0x3;
	[dreg:$0xf] =	wrdreg s18  }
0x19: {  	s13 =	simm.s32 $0x800;
	s16 =	sadd.s32 s10, s8;
	[dreg:$0x1c] =	wrdreg s31  }
0x1a: {  	s14 =	simm.s32 $0x80;
	s10 =	sadd.s32 s10, s9;
	[dreg:$0xc] =	wrdreg s16  }
0x1b: {  	s15 =	simm.s32 $0x1000;
	s20 =	sadd.s32 s7, s8;
	[dreg:$0xd] =	wrdreg s10  }
0x1c: {  	s19 =	simm.s32 $0x280;
	s7 =	sadd.s32 s7, s9;
	[dreg:$0x11] =	wrdreg s20  }
0x1d: {  	s21 =	simm.s32 $0x300;
	s5 =	sadd.s32 s0, s5;
	[dreg:$0x12] =	wrdreg s7  }
0x1e: {  	s22 =	simm.s32 $0xA80;
	s1 =	sadd.s32 s0, s23;
	[dreg:$0x14] =	wrdreg s5  }
0x1f: {  	s23 =	sadd.s32 s4, s11;
	s24 =	sadd.s32 s0, s11;
	[dreg:$0x16] =	wrdreg s1  }
0x20: {  	s25 =	sadd.s32 s4, s8;
	s26 =	sadd.s32 s0, s8;
	[dreg:$0x17] =	wrdreg s23  }
0x21: {  	s0 =	sadd.s32 s0, s9;
	s11 =	sadd.s32 $0x6C00, s6;
	[dreg:$0x18] =	wrdreg s24  }
0x22: {  	s18 =	simm.s32 $0x2;
	s8 =	simm.s32 $0x900;
	[dreg:$0x19] =	wrdreg s25  }
.Ltmp0:
0x23: {  	s9 =	simm.s32 $0x200;
	[dreg:$0x1a] =	wrdreg s26;
	(pc) =	sbr.rel .LBB2_1-.Ltmp0, $4  }
0x24: {  	[dreg:$0x1b] =	wrdreg s0;
	s1 =	sadd.s32 $0x10C00, s6;
	s16 =	simm.s32 $0x1  }
0x25: {  	s6 =	simm.s32 $0x100;
	s7 =	simm.s32 $0x180;
	s10 =	simm.s32 $0x980  }
0x26: {  	s20 =	simm.s32 $0xA00;
	s23 =	simm.s32 $0x380;
	s24 =	simm.s32 $0xB00  }
0x27: {  	s25 =	simm.s32 $0x400;
	s26 =	simm.s32 $0xB80;
	s5 =	simm.s32 $0x0  }
.LBB2_7:
0x28: {  	s0 =	sadd.s32 s30, s11;
	[sflag:s12] =	ssyncadd.s32 $0xFFFFC000  }
0x29: {  	[tilespmem:s3], [sflag:$0x3] =	stream.linear.gather [hbm4b:s0+s3], $0x800, $0x38;
	[tilespmem:$0x1D000] =	vst v63  }
0x2a: {  	_ =	swait.ge [sflag:s12], $0x800  }
0x2b: {  	[sflag:s12] =	ssyncset.done $0x0  }
0x2c: {  	s31 =	sadd.s32 s30, s1;
	[sflag:s12] =	ssyncadd.s32 $0xFFFFF800  }
0x2d: {  	[tilespmem:s13], [sflag:$0x3] =	stream.linear.gather [hbm4b:s31+s3], $0x800, $0x38;
	[tilespmem:$0x1D000] =	vst v63  }
0x2e: {  	_ =	swait.ge [sflag:s12], $0x800  }
0x2f: {  	[sflag:s12] =	ssyncset.done $0x0  }
0x30: {  	[sflag:s12] =	ssyncadd.s32 $0xFFFFF800  }
0x31: {  	[tilespmem:s15], [sflag:$0x1] =	stream.indirect.gather [hbm4b:s4+s14], $0x80, s3, s14, $0xb8;
	[tilespmem:$0x1D000] =	vst v63  }
0x32: {  	_ =	swait.ge [sflag:s16], $0x4000  }
0x33: {  	[sflag:s16] =	ssyncset.done $0x0  }
0x34: {  	[sflag:s16] =	ssyncadd.s32 $0xFFFFC000  }
0x35: {  	[tilespmem:s17], [sflag:$0x2] =	stream.indirect.gather [hbm4b:s4+s14], $0x80, s14, s14, $0xb8;
	[tilespmem:$0x1D000] =	vst v63  }
0x36: {  	_ = 	snop  }
0x37: {  	[spmem:s2] =	stream.indirect.scatter.add.f32 [tilespmem:s15], [sflag:$0x3], $0x80, s13, s14, $0xb8;
	[tilespmem:$0x1D000] =	vst v63  }
0x38: {  	_ =	swait.ge [sflag:s12], $0x4000  }
0x39: {  	[sflag:s12] =	ssyncset.done $0x0  }
0x3a: {  	[sflag:s12] =	ssyncadd.s32 $0xFFFFC000  }
0x3b: {  	_ =	swait.ge [sflag:s18], $0x4000  }
0x3c: {  	[sflag:s18] =	ssyncset.done $0x0  }
0x3d: {  	[sflag:s18] =	ssyncadd.s32 $0xFFFFC000  }
0x3e: {  	[tilespmem:s15], [sflag:$0x1] =	stream.indirect.gather [hbm4b:s4+s14], $0x80, s6, s14, $0xb8;
	[tilespmem:$0x1D000] =	vst v63  }
0x3f: {  	_ = 	snop  }
0x40: {  	[spmem:s2] =	stream.indirect.scatter.add.f32 [tilespmem:s17], [sflag:$0x3], $0x80, s5, s14, $0xb8;
	[tilespmem:$0x1D000] =	vst v63  }
0x41: {  	_ =	swait.ge [sflag:s12], $0x4000  }
0x42: {  	[sflag:s12] =	ssyncset.done $0x0  }
0x43: {  	[sflag:s12] =	ssyncadd.s32 $0xFFFFC000  }
0x44: {  	_ =	swait.ge [sflag:s16], $0x4000  }
0x45: {  	[sflag:s16] =	ssyncset.done $0x0  }
0x46: {  	[sflag:s16] =	ssyncadd.s32 $0xFFFFC000  }
0x47: {  	[tilespmem:s17], [sflag:$0x2] =	stream.indirect.gather [hbm4b:s4+s14], $0x80, s7, s14, $0xb8;
	[tilespmem:$0x1D000] =	vst v63  }
0x48: {  	_ = 	snop  }
0x49: {  	[spmem:s2] =	stream.indirect.scatter.add.f32 [tilespmem:s15], [sflag:$0x3], $0x80, s8, s14, $0xb8;
	[tilespmem:$0x1D000] =	vst v63  }
0x4a: {  	_ =	swait.ge [sflag:s12], $0x4000  }
0x4b: {  	[sflag:s12] =	ssyncset.done $0x0  }
0x4c: {  	[sflag:s12] =	ssyncadd.s32 $0xFFFFC000  }
0x4d: {  	_ =	swait.ge [sflag:s18], $0x4000  }
0x4e: {  	[sflag:s18] =	ssyncset.done $0x0  }
0x4f: {  	[sflag:s18] =	ssyncadd.s32 $0xFFFFC000  }
0x50: {  	[tilespmem:s15], [sflag:$0x1] =	stream.indirect.gather [hbm4b:s4+s14], $0x80, s9, s14, $0xb8;
	[tilespmem:$0x1D000] =	vst v63  }
0x51: {  	_ = 	snop  }
0x52: {  	[spmem:s2] =	stream.indirect.scatter.add.f32 [tilespmem:s17], [sflag:$0x3], $0x80, s10, s14, $0xb8;
	[tilespmem:$0x1D000] =	vst v63  }
0x53: {  	_ =	swait.ge [sflag:s12], $0x4000  }
0x54: {  	[sflag:s12] =	ssyncset.done $0x0  }
0x55: {  	[sflag:s12] =	ssyncadd.s32 $0xFFFFC000  }
0x56: {  	_ =	swait.ge [sflag:s16], $0x4000  }
0x57: {  	[sflag:s16] =	ssyncset.done $0x0  }
0x58: {  	[sflag:s16] =	ssyncadd.s32 $0xFFFFC000  }
0x59: {  	[tilespmem:s17], [sflag:$0x2] =	stream.indirect.gather [hbm4b:s4+s14], $0x80, s19, s14, $0xb8;
	[tilespmem:$0x1D000] =	vst v63  }
0x5a: {  	_ = 	snop  }
0x5b: {  	[spmem:s2] =	stream.indirect.scatter.add.f32 [tilespmem:s15], [sflag:$0x3], $0x80, s20, s14, $0xb8;
	[tilespmem:$0x1D000] =	vst v63  }
0x5c: {  	_ =	swait.ge [sflag:s12], $0x4000  }
0x5d: {  	[sflag:s12] =	ssyncset.done $0x0  }
0x5e: {  	[sflag:s12] =	ssyncadd.s32 $0xFFFFC000  }
0x5f: {  	_ =	swait.ge [sflag:s18], $0x4000  }
0x60: {  	[sflag:s18] =	ssyncset.done $0x0  }
0x61: {  	[sflag:s18] =	ssyncadd.s32 $0xFFFFC000  }
0x62: {  	[tilespmem:s15], [sflag:$0x1] =	stream.indirect.gather [hbm4b:s4+s14], $0x80, s21, s14, $0xb8;
	[tilespmem:$0x1D000] =	vst v63  }
0x63: {  	_ = 	snop  }
0x64: {  	[spmem:s2] =	stream.indirect.scatter.add.f32 [tilespmem:s17], [sflag:$0x3], $0x80, s22, s14, $0xb8;
	[tilespmem:$0x1D000] =	vst v63  }
0x65: {  	_ =	swait.ge [sflag:s12], $0x4000  }
0x66: {  	[sflag:s12] =	ssyncset.done $0x0  }
0x67: {  	[sflag:s12] =	ssyncadd.s32 $0xFFFFC000  }
0x68: {  	_ =	swait.ge [sflag:s16], $0x4000  }
0x69: {  	[sflag:s16] =	ssyncset.done $0x0  }
0x6a: {  	[sflag:s16] =	ssyncadd.s32 $0xFFFFC000  }
0x6b: {  	[tilespmem:s17], [sflag:$0x2] =	stream.indirect.gather [hbm4b:s4+s14], $0x80, s23, s14, $0xb8;
	[tilespmem:$0x1D000] =	vst v63  }
0x6c: {  	_ = 	snop  }
0x6d: {  	[spmem:s2] =	stream.indirect.scatter.add.f32 [tilespmem:s15], [sflag:$0x3], $0x80, s24, s14, $0xb8;
	[tilespmem:$0x1D000] =	vst v63  }
0x6e: {  	_ =	swait.ge [sflag:s12], $0x4000  }
0x6f: {  	[sflag:s12] =	ssyncset.done $0x0  }
0x70: {  	[sflag:s12] =	ssyncadd.s32 $0xFFFFC000  }
0x71: {  	_ =	swait.ge [sflag:s18], $0x4000  }
0x72: {  	[sflag:s18] =	ssyncset.done $0x0  }
0x73: {  	[sflag:s18] =	ssyncadd.s32 $0xFFFFC000  }
0x74: {  	[tilespmem:s15], [sflag:$0x1] =	stream.indirect.gather [hbm4b:s4+s14], $0x80, s25, s14, $0xb8;
	[tilespmem:$0x1D000] =	vst v63  }
0x75: {  	_ = 	snop  }
0x76: {  	[spmem:s2] =	stream.indirect.scatter.add.f32 [tilespmem:s17], [sflag:$0x3], $0x80, s26, s14, $0xb8;
	[tilespmem:$0x1D000] =	vst v63  }
0x77: {  	_ =	swait.ge [sflag:s12], $0x4000  }
0x78: {  	[sflag:s12] =	ssyncset.done $0x0  }
0x79: {  	[sflag:s12] =	ssyncadd.s32 $0xFFFFC000  }
0x7a: {  	_ =	swait.ge [sflag:s16], $0x4000  }
0x7b: {  	[sflag:s16] =	ssyncset.done $0x0  }
0x7c: {  	[sflag:s16] =	ssyncadd.s32 $0xFFFFC000  }
0x7d: {  	[tilespmem:s17], [sflag:$0x2] =	stream.indirect.gather [hbm4b:s4+s14], $0x80, s28, s14, $0xb8;
	[tilespmem:$0x1D000] =	vst v63  }
0x7e: {  	_ = 	snop  }
0x7f: {  	[spmem:s2] =	stream.indirect.scatter.add.f32 [tilespmem:s15], [sflag:$0x3], $0x80, s29, s14, $0xb8;
	[tilespmem:$0x1D000] =	vst v63  }
0x80: {  	_ =	swait.ge [sflag:s12], $0x4000  }
0x81: {  	[sflag:s12] =	ssyncset.done $0x0  }
0x82: {  	[sflag:s12] =	ssyncadd.s32 $0xFFFFC000  }
0x83: {  	_ =	swait.ge [sflag:s18], $0x4000  }
0x84: {  	[sflag:s18] =	ssyncset.done $0x0  }
0x85: {  	s10 =	simm.s32 $0x500;
	[sflag:s18] =	ssyncadd.s32 $0xFFFFC000  }
0x86: {  	[tilespmem:s15], [sflag:$0x1] =	stream.indirect.gather [hbm4b:s4+s14], $0x80, s10, s14, $0xb8;
	[tilespmem:$0x1D000] =	vst v63  }
0x87: {  	s19 =	simm.s32 $0xC80  }
0x88: {  	[spmem:s2] =	stream.indirect.scatter.add.f32 [tilespmem:s17], [sflag:$0x3], $0x80, s19, s14, $0xb8;
	[tilespmem:$0x1D000] =	vst v63  }
0x89: {  	_ =	swait.ge [sflag:s12], $0x4000  }
0x8a: {  	[sflag:s12] =	ssyncset.done $0x0  }
0x8b: {  	[sflag:s12] =	ssyncadd.s32 $0xFFFFC000  }
0x8c: {  	_ =	swait.ge [sflag:s16], $0x4000  }
0x8d: {  	[sflag:s16] =	ssyncset.done $0x0  }
0x8e: {  	s20 =	simm.s32 $0x580;
	[sflag:s16] =	ssyncadd.s32 $0xFFFFC000  }
0x8f: {  	[tilespmem:s17], [sflag:$0x2] =	stream.indirect.gather [hbm4b:s4+s14], $0x80, s20, s14, $0xb8;
	[tilespmem:$0x1D000] =	vst v63  }
0x90: {  	s21 =	simm.s32 $0xD00  }
0x91: {  	[spmem:s2] =	stream.indirect.scatter.add.f32 [tilespmem:s15], [sflag:$0x3], $0x80, s21, s14, $0xb8;
	[tilespmem:$0x1D000] =	vst v63  }
0x92: {  	_ =	swait.ge [sflag:s12], $0x4000  }
0x93: {  	[sflag:s12] =	ssyncset.done $0x0  }
0x94: {  	[sflag:s12] =	ssyncadd.s32 $0xFFFFC000  }
0x95: {  	_ =	swait.ge [sflag:s18], $0x4000  }
0x96: {  	[sflag:s18] =	ssyncset.done $0x0  }
0x97: {  	s22 =	simm.s32 $0x600;
	[sflag:s18] =	ssyncadd.s32 $0xFFFFC000  }
0x98: {  	[tilespmem:s15], [sflag:$0x1] =	stream.indirect.gather [hbm4b:s4+s14], $0x80, s22, s14, $0xb8;
	[tilespmem:$0x1D000] =	vst v63  }
0x99: {  	s23 =	simm.s32 $0xD80  }
0x9a: {  	[spmem:s2] =	stream.indirect.scatter.add.f32 [tilespmem:s17], [sflag:$0x3], $0x80, s23, s14, $0xb8;
	[tilespmem:$0x1D000] =	vst v63  }
0x9b: {  	_ =	swait.ge [sflag:s12], $0x4000  }
0x9c: {  	[sflag:s12] =	ssyncset.done $0x0  }
0x9d: {  	[sflag:s12] =	ssyncadd.s32 $0xFFFFC000  }
0x9e: {  	_ =	swait.ge [sflag:s16], $0x4000  }
0x9f: {  	[sflag:s16] =	ssyncset.done $0x0  }
0xa0: {  	s24 =	simm.s32 $0x680;
	[sflag:s16] =	ssyncadd.s32 $0xFFFFC000  }
0xa1: {  	[tilespmem:s17], [sflag:$0x2] =	stream.indirect.gather [hbm4b:s4+s14], $0x80, s24, s14, $0xb8;
	[tilespmem:$0x1D000] =	vst v63  }
0xa2: {  	s25 =	simm.s32 $0xE00  }
0xa3: {  	[spmem:s2] =	stream.indirect.scatter.add.f32 [tilespmem:s15], [sflag:$0x3], $0x80, s25, s14, $0xb8;
	[tilespmem:$0x1D000] =	vst v63  }
0xa4: {  	_ =	swait.ge [sflag:s12], $0x4000  }
0xa5: {  	[sflag:s12] =	ssyncset.done $0x0  }
0xa6: {  	[sflag:s12] =	ssyncadd.s32 $0xFFFFC000  }
0xa7: {  	_ =	swait.ge [sflag:s18], $0x4000  }
0xa8: {  	[sflag:s18] =	ssyncset.done $0x0  }
0xa9: {  	s26 =	simm.s32 $0x700;
	[sflag:s18] =	ssyncadd.s32 $0xFFFFC000  }
0xaa: {  	[tilespmem:s15], [sflag:$0x1] =	stream.indirect.gather [hbm4b:s4+s14], $0x80, s26, s14, $0xb8;
	[tilespmem:$0x1D000] =	vst v63  }
0xab: {  	s31 =	simm.s32 $0xE80  }
0xac: {  	[spmem:s2] =	stream.indirect.scatter.add.f32 [tilespmem:s17], [sflag:$0x3], $0x80, s31, s14, $0xb8;
	[tilespmem:$0x1D000] =	vst v63  }
0xad: {  	_ =	swait.ge [sflag:s12], $0x4000  }
0xae: {  	[sflag:s12] =	ssyncset.done $0x0  }
0xaf: {  	[sflag:s12] =	ssyncadd.s32 $0xFFFFC000  }
0xb0: {  	_ =	swait.ge [sflag:s16], $0x4000  }
0xb1: {  	[sflag:s16] =	ssyncset.done $0x0  }
0xb2: {  	s5 =	simm.s32 $0x780;
	[sflag:s16] =	ssyncadd.s32 $0xFFFFC000  }
0xb3: {  	[tilespmem:s17], [sflag:$0x2] =	stream.indirect.gather [hbm4b:s4+s14], $0x80, s5, s14, $0xb8;
	[tilespmem:$0x1D000] =	vst v63  }
0xb4: {  	s7 =	simm.s32 $0xF00  }
0xb5: {  	[spmem:s2] =	stream.indirect.scatter.add.f32 [tilespmem:s15], [sflag:$0x3], $0x80, s7, s14, $0xb8;
	[tilespmem:$0x1D000] =	vst v63  }
0xb6: {  	_ =	swait.ge [sflag:s12], $0x4000  }
0xb7: {  	[sflag:s12] =	ssyncset.done $0x0  }
0xb8: {  	[sflag:s12] =	ssyncadd.s32 $0xFFFFC000  }
0xb9: {  	_ =	swait.ge [sflag:s18], $0x4000  }
0xba: {  	[sflag:s18] =	ssyncset.done $0x0  }
0xbb: {  	s8 =	simm.s32 $0xF80;
	[sflag:s18] =	ssyncadd.s32 $0xFFFFC000  }
0xbc: {  	[spmem:s2] =	stream.indirect.scatter.add.f32 [tilespmem:s17], [sflag:$0x3], $0x80, s8, s14, $0xb8;
	[tilespmem:$0x1D000] =	vst v63  }
0xbd: {  	_ =	swait.ge [sflag:s12], $0x4000  }
0xbe: {  	[sflag:s12] =	ssyncset.done $0x0  }
0xbf: {  	[sflag:s12] =	ssyncadd.s32 $0xFFFFC000  }
0xc0: {  	[bflag:$0x0] =	sbarrier.arrive $0xFFFF  }
0xc1: {  	s9 =	rddreg [dreg:$0x14]  }
0xc2: {  	s10 =	rddreg [dreg:$0x1e]  }
0xc3: {  	s19 =	rddreg [dreg:$0x1f]  }
0xc4: {  	[hbm:s9], [sflag:s10] =	dma.local [spmem:s19], $0x800  }
0xc5: {  	_ =	swait.ge [sflag:s12], $0x800  }
0xc6: {  	s21 =	sld [smem:$0x7F6]  }
0xc7: {  	[sflag:s12] =	ssyncset.done $0x0  }
0xc8: {  	s20 =	rddreg [dreg:$0x16];
	[sflag:s12] =	ssyncadd.s32 $0xFFFFF800  }
0xc9: {  	[hbm:s20], [sflag:s10] =	dma.local [spmem:s21], $0x800  }
0xca: {  	_ =	swait.ge [sflag:s12], $0x800  }
0xcb: {  	s23 =	sld [smem:$0x7F7]  }
0xcc: {  	[sflag:s12] =	ssyncset.done $0x0  }
0xcd: {  	s22 =	rddreg [dreg:$0x18];
	[sflag:s12] =	ssyncadd.s32 $0xFFFFF800  }
0xce: {  	[hbm:s22], [sflag:s10] =	dma.local [spmem:s23], $0x800  }
0xcf: {  	s30 =	simm.s32 $0x500;
	_ =	swait.ge [sflag:s12], $0x800  }
0xd0: {  	s28 =	simm.s32 $0x480;
	s29 =	simm.s32 $0xC00;
	s25 =	sld [smem:$0x7F8]  }
0xd1: {  	s7 =	simm.s32 $0x180;
	s8 =	simm.s32 $0x900;
	[sflag:s12] =	ssyncset.done $0x0  }
0xd2: {  	s9 =	simm.s32 $0x200;
	s24 =	rddreg [dreg:$0x1a];
	[sflag:s12] =	ssyncadd.s32 $0xFFFFF800  }
0xd3: {  	[hbm:s24], [sflag:s10] =	dma.local [spmem:s25], $0x800  }
0xd4: {  	s19 =	simm.s32 $0x280;
	s20 =	simm.s32 $0xA00;
	_ =	swait.ge [sflag:s12], $0x800  }
0xd5: {  	s21 =	simm.s32 $0x300;
	s22 =	simm.s32 $0xA80;
	s31 =	sld [smem:$0x7F9]  }
0xd6: {  	s23 =	simm.s32 $0x380;
	s24 =	simm.s32 $0xB00;
	[sflag:s12] =	ssyncset.done $0x0  }
0xd7: {  	s25 =	simm.s32 $0x400;
	s26 =	rddreg [dreg:$0x1b];
	[sflag:s12] =	ssyncadd.s32 $0xFFFFF800  }
0xd8: {  	[hbm:s26], [sflag:s10] =	dma.local [spmem:s31], $0x800  }
0xd9: {  	s10 =	simm.s32 $0x980;
	s26 =	simm.s32 $0xB80;
	s5 =	rddreg [dreg:$0x1d]  }
.LBB2_8:
0xda: {  	_ =	swait.ge [sflag:s12], $0x800  }
0xdb: {  	s5 =	sadd.s32 $0x1, s5;
	s0 =	rddreg [dreg:$0x3]  }
0xdc: {  	p1 =	sne.s32 s5, s0  }
.Ltmp1:
0xdd: {  	_ = 	snop;
	(pc) =	sbr.rel @!p1 .LBB2_9-.Ltmp1, $3  }
0xde: {  	_ =	sdelay $0x1  }
0xdf: {  	[sflag:s12] =	ssyncset.done $0x0  }
0xe0: {  	[sflag:s12] =	ssyncadd.s32 $0xFFFFF800  }
.LBB2_1:
.Ltmp2:
0xe1: {  	[dreg:$0x1d] =	wrdreg s5;
	(pc) =	sbr.rel @!p0 .LBB2_2-.Ltmp2, $4  }
0xe2: {  	s0 =	stileid.u32;
	s5 =	rddreg [dreg:$0x4]  }
0xe3: {  	s0 =	sshll.u32 s0, $0x6;
	s31 =	sshrl.u32 s5, $0x3  }
0xe4: {  	s5 =	sor.u32 $0x1C03, s0;
	[dreg:$0x1f] =	wrdreg s31  }
0xe5: {  	[dreg:$0x1e] =	wrdreg s5  }
0xe6: {  	s0 =	rddreg [dreg:$0xe]  }
0xe7: {  	[spmem:s31], [sflag:s5] =	dma.local [hbm:s0], $0x800  }
0xe8: {  	_ =	swait.ge [sflag:s12], $0x800  }
0xe9: {  	s31 =	rddreg [dreg:$0x5]  }
0xea: {  	[sflag:s12] =	ssyncset.done $0x0;
	s0 =	rddreg [dreg:$0xf];
	s31 =	sshrl.u32 s31, $0x3  }
0xeb: {  	[sflag:s12] =	ssyncadd.s32 $0xFFFFF800;
	[smem:$0x7F6] =	sst s31  }
0xec: {  	[spmem:s31], [sflag:s5] =	dma.local [hbm:s0], $0x800  }
0xed: {  	_ =	swait.ge [sflag:s12], $0x800  }
0xee: {  	s31 =	rddreg [dreg:$0x6]  }
0xef: {  	[sflag:s12] =	ssyncset.done $0x0;
	s0 =	rddreg [dreg:$0x10];
	s31 =	sshrl.u32 s31, $0x3  }
0xf0: {  	[sflag:s12] =	ssyncadd.s32 $0xFFFFF800;
	[smem:$0x7F7] =	sst s31  }
0xf1: {  	[spmem:s31], [sflag:s5] =	dma.local [hbm:s0], $0x800  }
0xf2: {  	_ =	swait.ge [sflag:s12], $0x800  }
0xf3: {  	s31 =	rddreg [dreg:$0x7]  }
0xf4: {  	[sflag:s12] =	ssyncset.done $0x0;
	s0 =	rddreg [dreg:$0x11];
	s31 =	sshrl.u32 s31, $0x3  }
0xf5: {  	[sflag:s12] =	ssyncadd.s32 $0xFFFFF800;
	[smem:$0x7F8] =	sst s31  }
0xf6: {  	[spmem:s31], [sflag:s5] =	dma.local [hbm:s0], $0x800  }
0xf7: {  	_ =	swait.ge [sflag:s12], $0x800  }
0xf8: {  	s31 =	rddreg [dreg:$0x8]  }
0xf9: {  	[sflag:s12] =	ssyncset.done $0x0;
	s0 =	rddreg [dreg:$0x12];
	s31 =	sshrl.u32 s31, $0x3  }
0xfa: {  	[sflag:s12] =	ssyncadd.s32 $0xFFFFF800;
	[smem:$0x7F9] =	sst s31  }
0xfb: {  	[spmem:s31], [sflag:s5] =	dma.local [hbm:s0], $0x800  }
0xfc: {  	_ =	swait.ge [sflag:s12], $0x800  }
0xfd: {  	[sflag:s12] =	ssyncset.done $0x0  }
0xfe: {  	[sflag:s12] =	ssyncadd.s32 $0xFFFFF800  }
0xff: {  	s31 =	sadd.s32 $0x0, s11;
	[bflag:$0x0] =	sbarrier.arrive $0xFFFF  }
0x100: {  	[tilespmem:s3], [sflag:$0x3] =	stream.linear.gather [hbm4b:s31+s3], $0x800, $0x38;
	[tilespmem:$0x1D000] =	vst v63  }
0x101: {  	_ =	swait.ge [sflag:s12], $0x800  }
0x102: {  	[sflag:s12] =	ssyncset.done $0x0  }
0x103: {  	s5 =	sadd.s32 $0x0, s1;
	[sflag:s12] =	ssyncadd.s32 $0xFFFFF800  }
0x104: {  	[tilespmem:s13], [sflag:$0x3] =	stream.linear.gather [hbm4b:s5+s3], $0x800, $0x38;
	[tilespmem:$0x1D000] =	vst v63  }
0x105: {  	_ =	swait.ge [sflag:s12], $0x800  }
0x106: {  	[sflag:s12] =	ssyncset.done $0x0  }
0x107: {  	[sflag:s12] =	ssyncadd.s32 $0xFFFFF800  }
0x108: {  	[tilespmem:s15], [sflag:$0x1] =	stream.indirect.gather [hbm4b:s4+s14], $0x80, s3, s14, $0xb8;
	[tilespmem:$0x1D000] =	vst v63  }
0x109: {  	_ =	swait.ge [sflag:s16], $0x4000  }
0x10a: {  	[sflag:s16] =	ssyncset.done $0x0  }
0x10b: {  	[sflag:s16] =	ssyncadd.s32 $0xFFFFC000  }
0x10c: {  	[tilespmem:s17], [sflag:$0x2] =	stream.indirect.gather [hbm4b:s4+s14], $0x80, s14, s14, $0xb8;
	[tilespmem:$0x1D000] =	vst v63  }
0x10d: {  	_ = 	snop  }
0x10e: {  	[spmem:s2] =	stream.indirect.scatter.add.f32 [tilespmem:s15], [sflag:$0x3], $0x80, s13, s14, $0xb8;
	[tilespmem:$0x1D000] =	vst v63  }
0x10f: {  	_ =	swait.ge [sflag:s12], $0x4000  }
0x110: {  	[sflag:s12] =	ssyncset.done $0x0  }
0x111: {  	[sflag:s12] =	ssyncadd.s32 $0xFFFFC000  }
0x112: {  	_ =	swait.ge [sflag:s18], $0x4000  }
0x113: {  	[sflag:s18] =	ssyncset.done $0x0  }
0x114: {  	[sflag:s18] =	ssyncadd.s32 $0xFFFFC000  }
0x115: {  	[tilespmem:s15], [sflag:$0x1] =	stream.indirect.gather [hbm4b:s4+s14], $0x80, s6, s14, $0xb8;
	[tilespmem:$0x1D000] =	vst v63  }
0x116: {  	s6 =	simm.s32 $0x880  }
0x117: {  	[spmem:s2] =	stream.indirect.scatter.add.f32 [tilespmem:s17], [sflag:$0x3], $0x80, s6, s14, $0xb8;
	[tilespmem:$0x1D000] =	vst v63  }
0x118: {  	_ =	swait.ge [sflag:s12], $0x4000  }
0x119: {  	[sflag:s12] =	ssyncset.done $0x0  }
0x11a: {  	[sflag:s12] =	ssyncadd.s32 $0xFFFFC000  }
0x11b: {  	_ =	swait.ge [sflag:s16], $0x4000  }
0x11c: {  	[sflag:s16] =	ssyncset.done $0x0  }
0x11d: {  	[sflag:s16] =	ssyncadd.s32 $0xFFFFC000  }
0x11e: {  	[tilespmem:s17], [sflag:$0x2] =	stream.indirect.gather [hbm4b:s4+s14], $0x80, s7, s14, $0xb8;
	[tilespmem:$0x1D000] =	vst v63  }
0x11f: {  	_ = 	snop  }
0x120: {  	[spmem:s2] =	stream.indirect.scatter.add.f32 [tilespmem:s15], [sflag:$0x3], $0x80, s8, s14, $0xb8;
	[tilespmem:$0x1D000] =	vst v63  }
0x121: {  	_ =	swait.ge [sflag:s12], $0x4000  }
0x122: {  	[sflag:s12] =	ssyncset.done $0x0  }
0x123: {  	[sflag:s12] =	ssyncadd.s32 $0xFFFFC000  }
0x124: {  	_ =	swait.ge [sflag:s18], $0x4000  }
0x125: {  	[sflag:s18] =	ssyncset.done $0x0  }
0x126: {  	[sflag:s18] =	ssyncadd.s32 $0xFFFFC000  }
0x127: {  	[tilespmem:s15], [sflag:$0x1] =	stream.indirect.gather [hbm4b:s4+s14], $0x80, s9, s14, $0xb8;
	[tilespmem:$0x1D000] =	vst v63  }
0x128: {  	_ = 	snop  }
0x129: {  	[spmem:s2] =	stream.indirect.scatter.add.f32 [tilespmem:s17], [sflag:$0x3], $0x80, s10, s14, $0xb8;
	[tilespmem:$0x1D000] =	vst v63  }
0x12a: {  	_ =	swait.ge [sflag:s12], $0x4000  }
0x12b: {  	[sflag:s12] =	ssyncset.done $0x0  }
0x12c: {  	[sflag:s12] =	ssyncadd.s32 $0xFFFFC000  }
0x12d: {  	_ =	swait.ge [sflag:s16], $0x4000  }
0x12e: {  	[sflag:s16] =	ssyncset.done $0x0  }
0x12f: {  	[sflag:s16] =	ssyncadd.s32 $0xFFFFC000  }
0x130: {  	[tilespmem:s17], [sflag:$0x2] =	stream.indirect.gather [hbm4b:s4+s14], $0x80, s19, s14, $0xb8;
	[tilespmem:$0x1D000] =	vst v63  }
0x131: {  	_ = 	snop  }
0x132: {  	[spmem:s2] =	stream.indirect.scatter.add.f32 [tilespmem:s15], [sflag:$0x3], $0x80, s20, s14, $0xb8;
	[tilespmem:$0x1D000] =	vst v63  }
0x133: {  	_ =	swait.ge [sflag:s12], $0x4000  }
0x134: {  	[sflag:s12] =	ssyncset.done $0x0  }
0x135: {  	[sflag:s12] =	ssyncadd.s32 $0xFFFFC000  }
0x136: {  	_ =	swait.ge [sflag:s18], $0x4000  }
0x137: {  	[sflag:s18] =	ssyncset.done $0x0  }
0x138: {  	[sflag:s18] =	ssyncadd.s32 $0xFFFFC000  }
0x139: {  	[tilespmem:s15], [sflag:$0x1] =	stream.indirect.gather [hbm4b:s4+s14], $0x80, s21, s14, $0xb8;
	[tilespmem:$0x1D000] =	vst v63  }
0x13a: {  	_ = 	snop  }
0x13b: {  	[spmem:s2] =	stream.indirect.scatter.add.f32 [tilespmem:s17], [sflag:$0x3], $0x80, s22, s14, $0xb8;
	[tilespmem:$0x1D000] =	vst v63  }
0x13c: {  	_ =	swait.ge [sflag:s12], $0x4000  }
0x13d: {  	[sflag:s12] =	ssyncset.done $0x0  }
0x13e: {  	[sflag:s12] =	ssyncadd.s32 $0xFFFFC000  }
0x13f: {  	_ =	swait.ge [sflag:s16], $0x4000  }
0x140: {  	[sflag:s16] =	ssyncset.done $0x0  }
0x141: {  	[sflag:s16] =	ssyncadd.s32 $0xFFFFC000  }
0x142: {  	[tilespmem:s17], [sflag:$0x2] =	stream.indirect.gather [hbm4b:s4+s14], $0x80, s23, s14, $0xb8;
	[tilespmem:$0x1D000] =	vst v63  }
0x143: {  	_ = 	snop  }
0x144: {  	[spmem:s2] =	stream.indirect.scatter.add.f32 [tilespmem:s15], [sflag:$0x3], $0x80, s24, s14, $0xb8;
	[tilespmem:$0x1D000] =	vst v63  }
0x145: {  	_ =	swait.ge [sflag:s12], $0x4000  }
0x146: {  	[sflag:s12] =	ssyncset.done $0x0  }
0x147: {  	[sflag:s12] =	ssyncadd.s32 $0xFFFFC000  }
0x148: {  	_ =	swait.ge [sflag:s18], $0x4000  }
0x149: {  	[sflag:s18] =	ssyncset.done $0x0  }
0x14a: {  	[sflag:s18] =	ssyncadd.s32 $0xFFFFC000  }
0x14b: {  	[tilespmem:s15], [sflag:$0x1] =	stream.indirect.gather [hbm4b:s4+s14], $0x80, s25, s14, $0xb8;
	[tilespmem:$0x1D000] =	vst v63  }
0x14c: {  	_ = 	snop  }
0x14d: {  	[spmem:s2] =	stream.indirect.scatter.add.f32 [tilespmem:s17], [sflag:$0x3], $0x80, s26, s14, $0xb8;
	[tilespmem:$0x1D000] =	vst v63  }
0x14e: {  	_ =	swait.ge [sflag:s12], $0x4000  }
0x14f: {  	[sflag:s12] =	ssyncset.done $0x0  }
0x150: {  	[sflag:s12] =	ssyncadd.s32 $0xFFFFC000  }
0x151: {  	_ =	swait.ge [sflag:s16], $0x4000  }
0x152: {  	[sflag:s16] =	ssyncset.done $0x0  }
0x153: {  	[sflag:s16] =	ssyncadd.s32 $0xFFFFC000  }
0x154: {  	[tilespmem:s17], [sflag:$0x2] =	stream.indirect.gather [hbm4b:s4+s14], $0x80, s28, s14, $0xb8;
	[tilespmem:$0x1D000] =	vst v63  }
0x155: {  	_ = 	snop  }
0x156: {  	[spmem:s2] =	stream.indirect.scatter.add.f32 [tilespmem:s15], [sflag:$0x3], $0x80, s29, s14, $0xb8;
	[tilespmem:$0x1D000] =	vst v63  }
0x157: {  	_ =	swait.ge [sflag:s12], $0x4000  }
0x158: {  	[sflag:s12] =	ssyncset.done $0x0  }
0x159: {  	[sflag:s12] =	ssyncadd.s32 $0xFFFFC000  }
0x15a: {  	_ =	swait.ge [sflag:s18], $0x4000  }
0x15b: {  	[sflag:s18] =	ssyncset.done $0x0  }
0x15c: {  	[sflag:s18] =	ssyncadd.s32 $0xFFFFC000  }
0x15d: {  	[tilespmem:s15], [sflag:$0x1] =	stream.indirect.gather [hbm4b:s4+s14], $0x80, s30, s14, $0xb8;
	[tilespmem:$0x1D000] =	vst v63  }
0x15e: {  	s8 =	simm.s32 $0xC80  }
0x15f: {  	[spmem:s2] =	stream.indirect.scatter.add.f32 [tilespmem:s17], [sflag:$0x3], $0x80, s8, s14, $0xb8;
	[tilespmem:$0x1D000] =	vst v63  }
0x160: {  	_ =	swait.ge [sflag:s12], $0x4000  }
0x161: {  	[sflag:s12] =	ssyncset.done $0x0  }
0x162: {  	[sflag:s12] =	ssyncadd.s32 $0xFFFFC000  }
0x163: {  	_ =	swait.ge [sflag:s16], $0x4000  }
0x164: {  	[sflag:s16] =	ssyncset.done $0x0  }
0x165: {  	s9 =	simm.s32 $0x580;
	[sflag:s16] =	ssyncadd.s32 $0xFFFFC000  }
0x166: {  	[tilespmem:s17], [sflag:$0x2] =	stream.indirect.gather [hbm4b:s4+s14], $0x80, s9, s14, $0xb8;
	[tilespmem:$0x1D000] =	vst v63  }
0x167: {  	s10 =	simm.s32 $0xD00  }
0x168: {  	[spmem:s2] =	stream.indirect.scatter.add.f32 [tilespmem:s15], [sflag:$0x3], $0x80, s10, s14, $0xb8;
	[tilespmem:$0x1D000] =	vst v63  }
0x169: {  	_ =	swait.ge [sflag:s12], $0x4000  }
0x16a: {  	[sflag:s12] =	ssyncset.done $0x0  }
0x16b: {  	[sflag:s12] =	ssyncadd.s32 $0xFFFFC000  }
0x16c: {  	_ =	swait.ge [sflag:s18], $0x4000  }
0x16d: {  	[sflag:s18] =	ssyncset.done $0x0  }
0x16e: {  	s19 =	simm.s32 $0x600;
	[sflag:s18] =	ssyncadd.s32 $0xFFFFC000  }
0x16f: {  	[tilespmem:s15], [sflag:$0x1] =	stream.indirect.gather [hbm4b:s4+s14], $0x80, s19, s14, $0xb8;
	[tilespmem:$0x1D000] =	vst v63  }
0x170: {  	s20 =	simm.s32 $0xD80  }
0x171: {  	[spmem:s2] =	stream.indirect.scatter.add.f32 [tilespmem:s17], [sflag:$0x3], $0x80, s20, s14, $0xb8;
	[tilespmem:$0x1D000] =	vst v63  }
0x172: {  	_ =	swait.ge [sflag:s12], $0x4000  }
0x173: {  	[sflag:s12] =	ssyncset.done $0x0  }
0x174: {  	[sflag:s12] =	ssyncadd.s32 $0xFFFFC000  }
0x175: {  	_ =	swait.ge [sflag:s16], $0x4000  }
0x176: {  	[sflag:s16] =	ssyncset.done $0x0  }
0x177: {  	s21 =	simm.s32 $0x680;
	[sflag:s16] =	ssyncadd.s32 $0xFFFFC000  }
0x178: {  	[tilespmem:s17], [sflag:$0x2] =	stream.indirect.gather [hbm4b:s4+s14], $0x80, s21, s14, $0xb8;
	[tilespmem:$0x1D000] =	vst v63  }
0x179: {  	s22 =	simm.s32 $0xE00  }
0x17a: {  	[spmem:s2] =	stream.indirect.scatter.add.f32 [tilespmem:s15], [sflag:$0x3], $0x80, s22, s14, $0xb8;
	[tilespmem:$0x1D000] =	vst v63  }
0x17b: {  	_ =	swait.ge [sflag:s12], $0x4000  }
0x17c: {  	[sflag:s12] =	ssyncset.done $0x0  }
0x17d: {  	[sflag:s12] =	ssyncadd.s32 $0xFFFFC000  }
0x17e: {  	_ =	swait.ge [sflag:s18], $0x4000  }
0x17f: {  	[sflag:s18] =	ssyncset.done $0x0  }
0x180: {  	s23 =	simm.s32 $0x700;
	[sflag:s18] =	ssyncadd.s32 $0xFFFFC000  }
0x181: {  	[tilespmem:s15], [sflag:$0x1] =	stream.indirect.gather [hbm4b:s4+s14], $0x80, s23, s14, $0xb8;
	[tilespmem:$0x1D000] =	vst v63  }
0x182: {  	s24 =	simm.s32 $0xE80  }
0x183: {  	[spmem:s2] =	stream.indirect.scatter.add.f32 [tilespmem:s17], [sflag:$0x3], $0x80, s24, s14, $0xb8;
	[tilespmem:$0x1D000] =	vst v63  }
0x184: {  	_ =	swait.ge [sflag:s12], $0x4000  }
0x185: {  	[sflag:s12] =	ssyncset.done $0x0  }
0x186: {  	[sflag:s12] =	ssyncadd.s32 $0xFFFFC000  }
0x187: {  	_ =	swait.ge [sflag:s16], $0x4000  }
0x188: {  	[sflag:s16] =	ssyncset.done $0x0  }
0x189: {  	s25 =	simm.s32 $0x780;
	[sflag:s16] =	ssyncadd.s32 $0xFFFFC000  }
0x18a: {  	[tilespmem:s17], [sflag:$0x2] =	stream.indirect.gather [hbm4b:s4+s14], $0x80, s25, s14, $0xb8;
	[tilespmem:$0x1D000] =	vst v63  }
0x18b: {  	s0 =	simm.s32 $0x200;
	s26 =	simm.s32 $0xF00  }
0x18c: {  	[spmem:s2] =	stream.indirect.scatter.add.f32 [tilespmem:s15], [sflag:$0x3], $0x80, s26, s14, $0xb8;
	[tilespmem:$0x1D000] =	vst v63  }
0x18d: {  	s31 =	simm.s32 $0xF80;
	s7 =	simm.s32 $0x180;
	_ =	swait.ge [sflag:s12], $0x4000  }
0x18e: {  	s28 =	simm.s32 $0x480;
	s29 =	simm.s32 $0xC00;
	[sflag:s12] =	ssyncset.done $0x0  }
0x18f: {  	s30 =	simm.s32 $0x100;
	s8 =	simm.s32 $0x900;
	[sflag:s12] =	ssyncadd.s32 $0xFFFFC000  }
0x190: {  	s9 =	simm.s32 $0x200;
	s10 =	simm.s32 $0x980;
	_ =	swait.ge [sflag:s18], $0x4000  }
0x191: {  	s19 =	simm.s32 $0x280;
	s20 =	simm.s32 $0xA00;
	[sflag:s18] =	ssyncset.done $0x0  }
0x192: {  	s21 =	simm.s32 $0x300;
	s22 =	simm.s32 $0xA80;
	[sflag:s18] =	ssyncadd.s32 $0xFFFFC000  }
0x193: {  	[spmem:s2] =	stream.indirect.scatter.add.f32 [tilespmem:s17], [sflag:$0x3], $0x80, s31, s14, $0xb8;
	[tilespmem:$0x1D000] =	vst v63  }
0x194: {  	s23 =	simm.s32 $0x380;
	s24 =	simm.s32 $0xB00;
	_ =	swait.ge [sflag:s12], $0x4000  }
0x195: {  	s25 =	simm.s32 $0x400;
	s26 =	simm.s32 $0xB80;
	[sflag:s12] =	ssyncset.done $0x0  }
.LBB2_6:
0x196: {  	s5 =	sadd.s32 s30, s11  }
0x197: {  	[sflag:s12] =	ssyncadd.s32 $0xFFFFC000;
	s6 =	smov.u32 s0;
	s31 =	sadd.s32 $0x100, s0  }
0x198: {  	[tilespmem:s3], [sflag:$0x3] =	stream.linear.gather [hbm4b:s5+s3], $0x800, $0x38;
	[tilespmem:$0x1D000] =	vst v63  }
0x199: {  	s5 =	simm.s32 $0x880  }
0x19a: {  	p1 =	sne.s32 s0, $0x400;
	_ =	swait.ge [sflag:s12], $0x800  }
0x19b: {  	s0 =	sadd.s32 s30, s1;
	[sflag:s12] =	ssyncset.done $0x0  }
0x19c: {  	s30 =	smov.u32 s6;
	s6 =	simm.s32 $0x100;
	[sflag:s12] =	ssyncadd.s32 $0xFFFFF800  }
0x19d: {  	[tilespmem:s13], [sflag:$0x3] =	stream.linear.gather [hbm4b:s0+s3], $0x800, $0x38;
	[tilespmem:$0x1D000] =	vst v63  }
0x19e: {  	_ =	swait.ge [sflag:s12], $0x800  }
0x19f: {  	[sflag:s12] =	ssyncset.done $0x0  }
0x1a0: {  	[sflag:s12] =	ssyncadd.s32 $0xFFFFF800  }
0x1a1: {  	[tilespmem:s15], [sflag:$0x1] =	stream.indirect.gather [hbm4b:s4+s14], $0x80, s3, s14, $0xb8;
	[tilespmem:$0x1D000] =	vst v63  }
0x1a2: {  	_ =	swait.ge [sflag:s16], $0x4000  }
0x1a3: {  	[sflag:s16] =	ssyncset.done $0x0  }
0x1a4: {  	[sflag:s16] =	ssyncadd.s32 $0xFFFFC000  }
0x1a5: {  	[tilespmem:s17], [sflag:$0x2] =	stream.indirect.gather [hbm4b:s4+s14], $0x80, s14, s14, $0xb8;
	[tilespmem:$0x1D000] =	vst v63  }
0x1a6: {  	_ = 	snop  }
0x1a7: {  	[spmem:s2] =	stream.indirect.scatter.add.f32 [tilespmem:s15], [sflag:$0x3], $0x80, s13, s14, $0xb8;
	[tilespmem:$0x1D000] =	vst v63  }
0x1a8: {  	_ =	swait.ge [sflag:s12], $0x4000  }
0x1a9: {  	[sflag:s12] =	ssyncset.done $0x0  }
0x1aa: {  	[sflag:s12] =	ssyncadd.s32 $0xFFFFC000  }
0x1ab: {  	_ =	swait.ge [sflag:s18], $0x4000  }
0x1ac: {  	[sflag:s18] =	ssyncset.done $0x0  }
0x1ad: {  	[sflag:s18] =	ssyncadd.s32 $0xFFFFC000  }
0x1ae: {  	[tilespmem:s15], [sflag:$0x1] =	stream.indirect.gather [hbm4b:s4+s14], $0x80, s6, s14, $0xb8;
	[tilespmem:$0x1D000] =	vst v63  }
0x1af: {  	_ = 	snop  }
0x1b0: {  	[spmem:s2] =	stream.indirect.scatter.add.f32 [tilespmem:s17], [sflag:$0x3], $0x80, s5, s14, $0xb8;
	[tilespmem:$0x1D000] =	vst v63  }
0x1b1: {  	_ =	swait.ge [sflag:s12], $0x4000  }
0x1b2: {  	[sflag:s12] =	ssyncset.done $0x0  }
0x1b3: {  	[sflag:s12] =	ssyncadd.s32 $0xFFFFC000  }
0x1b4: {  	_ =	swait.ge [sflag:s16], $0x4000  }
0x1b5: {  	[sflag:s16] =	ssyncset.done $0x0  }
0x1b6: {  	[sflag:s16] =	ssyncadd.s32 $0xFFFFC000  }
0x1b7: {  	[tilespmem:s17], [sflag:$0x2] =	stream.indirect.gather [hbm4b:s4+s14], $0x80, s7, s14, $0xb8;
	[tilespmem:$0x1D000] =	vst v63  }
0x1b8: {  	_ = 	snop  }
0x1b9: {  	[spmem:s2] =	stream.indirect.scatter.add.f32 [tilespmem:s15], [sflag:$0x3], $0x80, s8, s14, $0xb8;
	[tilespmem:$0x1D000] =	vst v63  }
0x1ba: {  	_ =	swait.ge [sflag:s12], $0x4000  }
0x1bb: {  	[sflag:s12] =	ssyncset.done $0x0  }
0x1bc: {  	[sflag:s12] =	ssyncadd.s32 $0xFFFFC000  }
0x1bd: {  	_ =	swait.ge [sflag:s18], $0x4000  }
0x1be: {  	[sflag:s18] =	ssyncset.done $0x0  }
0x1bf: {  	[sflag:s18] =	ssyncadd.s32 $0xFFFFC000  }
0x1c0: {  	[tilespmem:s15], [sflag:$0x1] =	stream.indirect.gather [hbm4b:s4+s14], $0x80, s9, s14, $0xb8;
	[tilespmem:$0x1D000] =	vst v63  }
0x1c1: {  	_ = 	snop  }
0x1c2: {  	[spmem:s2] =	stream.indirect.scatter.add.f32 [tilespmem:s17], [sflag:$0x3], $0x80, s10, s14, $0xb8;
	[tilespmem:$0x1D000] =	vst v63  }
0x1c3: {  	_ =	swait.ge [sflag:s12], $0x4000  }
0x1c4: {  	[sflag:s12] =	ssyncset.done $0x0  }
0x1c5: {  	[sflag:s12] =	ssyncadd.s32 $0xFFFFC000  }
0x1c6: {  	_ =	swait.ge [sflag:s16], $0x4000  }
0x1c7: {  	[sflag:s16] =	ssyncset.done $0x0  }
0x1c8: {  	[sflag:s16] =	ssyncadd.s32 $0xFFFFC000  }
0x1c9: {  	[tilespmem:s17], [sflag:$0x2] =	stream.indirect.gather [hbm4b:s4+s14], $0x80, s19, s14, $0xb8;
	[tilespmem:$0x1D000] =	vst v63  }
0x1ca: {  	_ = 	snop  }
0x1cb: {  	[spmem:s2] =	stream.indirect.scatter.add.f32 [tilespmem:s15], [sflag:$0x3], $0x80, s20, s14, $0xb8;
	[tilespmem:$0x1D000] =	vst v63  }
0x1cc: {  	_ =	swait.ge [sflag:s12], $0x4000  }
0x1cd: {  	[sflag:s12] =	ssyncset.done $0x0  }
0x1ce: {  	[sflag:s12] =	ssyncadd.s32 $0xFFFFC000  }
0x1cf: {  	_ =	swait.ge [sflag:s18], $0x4000  }
0x1d0: {  	[sflag:s18] =	ssyncset.done $0x0  }
0x1d1: {  	[sflag:s18] =	ssyncadd.s32 $0xFFFFC000  }
0x1d2: {  	[tilespmem:s15], [sflag:$0x1] =	stream.indirect.gather [hbm4b:s4+s14], $0x80, s21, s14, $0xb8;
	[tilespmem:$0x1D000] =	vst v63  }
0x1d3: {  	_ = 	snop  }
0x1d4: {  	[spmem:s2] =	stream.indirect.scatter.add.f32 [tilespmem:s17], [sflag:$0x3], $0x80, s22, s14, $0xb8;
	[tilespmem:$0x1D000] =	vst v63  }
0x1d5: {  	_ =	swait.ge [sflag:s12], $0x4000  }
0x1d6: {  	[sflag:s12] =	ssyncset.done $0x0  }
0x1d7: {  	[sflag:s12] =	ssyncadd.s32 $0xFFFFC000  }
0x1d8: {  	_ =	swait.ge [sflag:s16], $0x4000  }
0x1d9: {  	[sflag:s16] =	ssyncset.done $0x0  }
0x1da: {  	[sflag:s16] =	ssyncadd.s32 $0xFFFFC000  }
0x1db: {  	[tilespmem:s17], [sflag:$0x2] =	stream.indirect.gather [hbm4b:s4+s14], $0x80, s23, s14, $0xb8;
	[tilespmem:$0x1D000] =	vst v63  }
0x1dc: {  	_ = 	snop  }
0x1dd: {  	[spmem:s2] =	stream.indirect.scatter.add.f32 [tilespmem:s15], [sflag:$0x3], $0x80, s24, s14, $0xb8;
	[tilespmem:$0x1D000] =	vst v63  }
0x1de: {  	_ =	swait.ge [sflag:s12], $0x4000  }
0x1df: {  	[sflag:s12] =	ssyncset.done $0x0  }
0x1e0: {  	[sflag:s12] =	ssyncadd.s32 $0xFFFFC000  }
0x1e1: {  	_ =	swait.ge [sflag:s18], $0x4000  }
0x1e2: {  	[sflag:s18] =	ssyncset.done $0x0  }
0x1e3: {  	[sflag:s18] =	ssyncadd.s32 $0xFFFFC000  }
0x1e4: {  	[tilespmem:s15], [sflag:$0x1] =	stream.indirect.gather [hbm4b:s4+s14], $0x80, s25, s14, $0xb8;
	[tilespmem:$0x1D000] =	vst v63  }
0x1e5: {  	_ = 	snop  }
0x1e6: {  	[spmem:s2] =	stream.indirect.scatter.add.f32 [tilespmem:s17], [sflag:$0x3], $0x80, s26, s14, $0xb8;
	[tilespmem:$0x1D000] =	vst v63  }
0x1e7: {  	_ =	swait.ge [sflag:s12], $0x4000  }
0x1e8: {  	[sflag:s12] =	ssyncset.done $0x0  }
0x1e9: {  	[sflag:s12] =	ssyncadd.s32 $0xFFFFC000  }
0x1ea: {  	_ =	swait.ge [sflag:s16], $0x4000  }
0x1eb: {  	[sflag:s16] =	ssyncset.done $0x0  }
0x1ec: {  	[sflag:s16] =	ssyncadd.s32 $0xFFFFC000  }
0x1ed: {  	[tilespmem:s17], [sflag:$0x2] =	stream.indirect.gather [hbm4b:s4+s14], $0x80, s28, s14, $0xb8;
	[tilespmem:$0x1D000] =	vst v63  }
0x1ee: {  	_ = 	snop  }
0x1ef: {  	[spmem:s2] =	stream.indirect.scatter.add.f32 [tilespmem:s15], [sflag:$0x3], $0x80, s29, s14, $0xb8;
	[tilespmem:$0x1D000] =	vst v63  }
0x1f0: {  	_ =	swait.ge [sflag:s12], $0x4000  }
0x1f1: {  	[sflag:s12] =	ssyncset.done $0x0  }
0x1f2: {  	[sflag:s12] =	ssyncadd.s32 $0xFFFFC000  }
0x1f3: {  	_ =	swait.ge [sflag:s18], $0x4000  }
0x1f4: {  	[sflag:s18] =	ssyncset.done $0x0  }
0x1f5: {  	s0 =	simm.s32 $0x500;
	[sflag:s18] =	ssyncadd.s32 $0xFFFFC000  }
0x1f6: {  	[tilespmem:s15], [sflag:$0x1] =	stream.indirect.gather [hbm4b:s4+s14], $0x80, s0, s14, $0xb8;
	[tilespmem:$0x1D000] =	vst v63  }
0x1f7: {  	s0 =	simm.s32 $0xC80  }
0x1f8: {  	[spmem:s2] =	stream.indirect.scatter.add.f32 [tilespmem:s17], [sflag:$0x3], $0x80, s0, s14, $0xb8;
	[tilespmem:$0x1D000] =	vst v63  }
0x1f9: {  	_ =	swait.ge [sflag:s12], $0x4000  }
0x1fa: {  	[sflag:s12] =	ssyncset.done $0x0  }
0x1fb: {  	[sflag:s12] =	ssyncadd.s32 $0xFFFFC000  }
0x1fc: {  	_ =	swait.ge [sflag:s16], $0x4000  }
0x1fd: {  	[sflag:s16] =	ssyncset.done $0x0  }
0x1fe: {  	s0 =	simm.s32 $0x580;
	[sflag:s16] =	ssyncadd.s32 $0xFFFFC000  }
0x1ff: {  	[tilespmem:s17], [sflag:$0x2] =	stream.indirect.gather [hbm4b:s4+s14], $0x80, s0, s14, $0xb8;
	[tilespmem:$0x1D000] =	vst v63  }
0x200: {  	s0 =	simm.s32 $0xD00  }
0x201: {  	[spmem:s2] =	stream.indirect.scatter.add.f32 [tilespmem:s15], [sflag:$0x3], $0x80, s0, s14, $0xb8;
	[tilespmem:$0x1D000] =	vst v63  }
0x202: {  	_ =	swait.ge [sflag:s12], $0x4000  }
0x203: {  	[sflag:s12] =	ssyncset.done $0x0  }
0x204: {  	[sflag:s12] =	ssyncadd.s32 $0xFFFFC000  }
0x205: {  	_ =	swait.ge [sflag:s18], $0x4000  }
0x206: {  	[sflag:s18] =	ssyncset.done $0x0  }
0x207: {  	s0 =	simm.s32 $0x600;
	[sflag:s18] =	ssyncadd.s32 $0xFFFFC000  }
0x208: {  	[tilespmem:s15], [sflag:$0x1] =	stream.indirect.gather [hbm4b:s4+s14], $0x80, s0, s14, $0xb8;
	[tilespmem:$0x1D000] =	vst v63  }
0x209: {  	s0 =	simm.s32 $0xD80  }
0x20a: {  	[spmem:s2] =	stream.indirect.scatter.add.f32 [tilespmem:s17], [sflag:$0x3], $0x80, s0, s14, $0xb8;
	[tilespmem:$0x1D000] =	vst v63  }
0x20b: {  	_ =	swait.ge [sflag:s12], $0x4000  }
0x20c: {  	[sflag:s12] =	ssyncset.done $0x0  }
0x20d: {  	[sflag:s12] =	ssyncadd.s32 $0xFFFFC000  }
0x20e: {  	_ =	swait.ge [sflag:s16], $0x4000  }
0x20f: {  	[sflag:s16] =	ssyncset.done $0x0  }
0x210: {  	s0 =	simm.s32 $0x680;
	[sflag:s16] =	ssyncadd.s32 $0xFFFFC000  }
0x211: {  	[tilespmem:s17], [sflag:$0x2] =	stream.indirect.gather [hbm4b:s4+s14], $0x80, s0, s14, $0xb8;
	[tilespmem:$0x1D000] =	vst v63  }
0x212: {  	s0 =	simm.s32 $0xE00  }
0x213: {  	[spmem:s2] =	stream.indirect.scatter.add.f32 [tilespmem:s15], [sflag:$0x3], $0x80, s0, s14, $0xb8;
	[tilespmem:$0x1D000] =	vst v63  }
0x214: {  	_ =	swait.ge [sflag:s12], $0x4000  }
0x215: {  	[sflag:s12] =	ssyncset.done $0x0  }
0x216: {  	[sflag:s12] =	ssyncadd.s32 $0xFFFFC000  }
0x217: {  	_ =	swait.ge [sflag:s18], $0x4000  }
0x218: {  	[sflag:s18] =	ssyncset.done $0x0  }
0x219: {  	s0 =	simm.s32 $0x700;
	[sflag:s18] =	ssyncadd.s32 $0xFFFFC000  }
0x21a: {  	[tilespmem:s15], [sflag:$0x1] =	stream.indirect.gather [hbm4b:s4+s14], $0x80, s0, s14, $0xb8;
	[tilespmem:$0x1D000] =	vst v63  }
0x21b: {  	s0 =	simm.s32 $0xE80  }
0x21c: {  	[spmem:s2] =	stream.indirect.scatter.add.f32 [tilespmem:s17], [sflag:$0x3], $0x80, s0, s14, $0xb8;
	[tilespmem:$0x1D000] =	vst v63  }
0x21d: {  	_ =	swait.ge [sflag:s12], $0x4000  }
0x21e: {  	[sflag:s12] =	ssyncset.done $0x0  }
0x21f: {  	[sflag:s12] =	ssyncadd.s32 $0xFFFFC000  }
0x220: {  	_ =	swait.ge [sflag:s16], $0x4000  }
0x221: {  	[sflag:s16] =	ssyncset.done $0x0  }
0x222: {  	s0 =	simm.s32 $0x780;
	[sflag:s16] =	ssyncadd.s32 $0xFFFFC000  }
0x223: {  	[tilespmem:s17], [sflag:$0x2] =	stream.indirect.gather [hbm4b:s4+s14], $0x80, s0, s14, $0xb8;
	[tilespmem:$0x1D000] =	vst v63  }
0x224: {  	s0 =	simm.s32 $0xF00  }
0x225: {  	[spmem:s2] =	stream.indirect.scatter.add.f32 [tilespmem:s15], [sflag:$0x3], $0x80, s0, s14, $0xb8;
	[tilespmem:$0x1D000] =	vst v63  }
0x226: {  	_ =	swait.ge [sflag:s12], $0x4000  }
0x227: {  	[sflag:s12] =	ssyncset.done $0x0  }
0x228: {  	[sflag:s12] =	ssyncadd.s32 $0xFFFFC000  }
0x229: {  	_ =	swait.ge [sflag:s18], $0x4000  }
.Ltmp3:
0x22a: {  	[sflag:s18] =	ssyncset.done $0x0;
	(pc) =	sbr.rel @p1 .LBB2_6-.Ltmp3, $4  }
0x22b: {  	s0 =	simm.s32 $0xF80;
	[sflag:s18] =	ssyncadd.s32 $0xFFFFC000  }
0x22c: {  	[spmem:s2] =	stream.indirect.scatter.add.f32 [tilespmem:s17], [sflag:$0x3], $0x80, s0, s14, $0xb8;
	[tilespmem:$0x1D000] =	vst v63  }
0x22d: {  	_ =	swait.ge [sflag:s12], $0x4000  }
0x22e: {  	s0 =	smov.u32 s31;
	[sflag:s12] =	ssyncset.done $0x0  }
.Ltmp4:
0x22f: {  	_ = 	snop;
	(pc) =	sbr.rel .LBB2_7-.Ltmp4, $1  }
0x230: {  	_ =	sdelay $0x3  }
.LBB2_2:
0x231: {  	s0 =	rddreg [dreg:$0x13]  }
0x232: {  	[spmem:s31], [sflag:s5] =	dma.local [hbm:s0], $0x800  }
0x233: {  	_ =	swait.ge [sflag:s12], $0x800  }
0x234: {  	s0 =	rddreg [dreg:$0x5]  }
0x235: {  	[sflag:s12] =	ssyncset.done $0x0;
	s31 =	sshrl.u32 s0, $0x3;
	s0 =	rddreg [dreg:$0x15]  }
0x236: {  	[sflag:s12] =	ssyncadd.s32 $0xFFFFF800;
	[smem:$0x7FA] =	sst s31  }
0x237: {  	[spmem:s31], [sflag:s5] =	dma.local [hbm:s0], $0x800  }
0x238: {  	_ =	swait.ge [sflag:s12], $0x800  }
0x239: {  	s0 =	rddreg [dreg:$0x6]  }
0x23a: {  	[sflag:s12] =	ssyncset.done $0x0;
	s31 =	sshrl.u32 s0, $0x3;
	s0 =	rddreg [dreg:$0x17]  }
0x23b: {  	[sflag:s12] =	ssyncadd.s32 $0xFFFFF800;
	[smem:$0x7FB] =	sst s31  }
0x23c: {  	[spmem:s31], [sflag:s5] =	dma.local [hbm:s0], $0x800  }
0x23d: {  	_ =	swait.ge [sflag:s12], $0x800  }
0x23e: {  	s0 =	rddreg [dreg:$0x7]  }
0x23f: {  	[sflag:s12] =	ssyncset.done $0x0;
	s31 =	sshrl.u32 s0, $0x3;
	s0 =	rddreg [dreg:$0x19]  }
0x240: {  	[sflag:s12] =	ssyncadd.s32 $0xFFFFF800;
	[smem:$0x7FC] =	sst s31  }
0x241: {  	[spmem:s31], [sflag:s5] =	dma.local [hbm:s0], $0x800  }
0x242: {  	_ =	swait.ge [sflag:s12], $0x800  }
0x243: {  	s0 =	rddreg [dreg:$0x8]  }
0x244: {  	[sflag:s12] =	ssyncset.done $0x0;
	s31 =	sshrl.u32 s0, $0x3;
	s0 =	rddreg [dreg:$0x1c]  }
0x245: {  	[sflag:s12] =	ssyncadd.s32 $0xFFFFF800;
	[smem:$0x7FD] =	sst s31  }
0x246: {  	[spmem:s31], [sflag:s5] =	dma.local [hbm:s0], $0x800  }
0x247: {  	_ =	swait.ge [sflag:s12], $0x800  }
0x248: {  	[sflag:s12] =	ssyncset.done $0x0  }
0x249: {  	[sflag:s12] =	ssyncadd.s32 $0xFFFFF800  }
0x24a: {  	s5 =	sadd.s32 $0x0, s11;
	[bflag:$0x0] =	sbarrier.arrive $0xFFFF  }
0x24b: {  	[tilespmem:s3], [sflag:$0x3] =	stream.linear.gather [hbm4b:s5+s3], $0x800, $0x38;
	[tilespmem:$0x1D000] =	vst v63  }
0x24c: {  	_ =	swait.ge [sflag:s12], $0x800  }
0x24d: {  	[sflag:s12] =	ssyncset.done $0x0  }
0x24e: {  	s5 =	sadd.s32 $0x0, s1;
	[sflag:s12] =	ssyncadd.s32 $0xFFFFF800  }
0x24f: {  	[tilespmem:s13], [sflag:$0x3] =	stream.linear.gather [hbm4b:s5+s3], $0x800, $0x38;
	[tilespmem:$0x1D000] =	vst v63  }
0x250: {  	_ =	swait.ge [sflag:s12], $0x800  }
0x251: {  	[sflag:s12] =	ssyncset.done $0x0  }
0x252: {  	[sflag:s12] =	ssyncadd.s32 $0xFFFFF800  }
0x253: {  	[tilespmem:s15], [sflag:$0x1] =	stream.indirect.gather [hbm4b:s4+s14], $0x80, s3, s14, $0xb8;
	[tilespmem:$0x1D000] =	vst v63  }
0x254: {  	_ =	swait.ge [sflag:s16], $0x4000  }
0x255: {  	[sflag:s16] =	ssyncset.done $0x0  }
0x256: {  	[sflag:s16] =	ssyncadd.s32 $0xFFFFC000  }
0x257: {  	[tilespmem:s17], [sflag:$0x2] =	stream.indirect.gather [hbm4b:s4+s14], $0x80, s14, s14, $0xb8;
	[tilespmem:$0x1D000] =	vst v63  }
0x258: {  	_ = 	snop  }
0x259: {  	[spmem:s2] =	stream.indirect.scatter.add.f32 [tilespmem:s15], [sflag:$0x3], $0x80, s13, s14, $0xb8;
	[tilespmem:$0x1D000] =	vst v63  }
0x25a: {  	_ =	swait.ge [sflag:s12], $0x4000  }
0x25b: {  	[sflag:s12] =	ssyncset.done $0x0  }
0x25c: {  	[sflag:s12] =	ssyncadd.s32 $0xFFFFC000  }
0x25d: {  	_ =	swait.ge [sflag:s18], $0x4000  }
0x25e: {  	[sflag:s18] =	ssyncset.done $0x0  }
0x25f: {  	[sflag:s18] =	ssyncadd.s32 $0xFFFFC000  }
0x260: {  	[tilespmem:s15], [sflag:$0x1] =	stream.indirect.gather [hbm4b:s4+s14], $0x80, s6, s14, $0xb8;
	[tilespmem:$0x1D000] =	vst v63  }
0x261: {  	s6 =	simm.s32 $0x880  }
0x262: {  	[spmem:s2] =	stream.indirect.scatter.add.f32 [tilespmem:s17], [sflag:$0x3], $0x80, s6, s14, $0xb8;
	[tilespmem:$0x1D000] =	vst v63  }
0x263: {  	_ =	swait.ge [sflag:s12], $0x4000  }
0x264: {  	[sflag:s12] =	ssyncset.done $0x0  }
0x265: {  	[sflag:s12] =	ssyncadd.s32 $0xFFFFC000  }
0x266: {  	_ =	swait.ge [sflag:s16], $0x4000  }
0x267: {  	[sflag:s16] =	ssyncset.done $0x0  }
0x268: {  	[sflag:s16] =	ssyncadd.s32 $0xFFFFC000  }
0x269: {  	[tilespmem:s17], [sflag:$0x2] =	stream.indirect.gather [hbm4b:s4+s14], $0x80, s7, s14, $0xb8;
	[tilespmem:$0x1D000] =	vst v63  }
0x26a: {  	_ = 	snop  }
0x26b: {  	[spmem:s2] =	stream.indirect.scatter.add.f32 [tilespmem:s15], [sflag:$0x3], $0x80, s8, s14, $0xb8;
	[tilespmem:$0x1D000] =	vst v63  }
0x26c: {  	_ =	swait.ge [sflag:s12], $0x4000  }
0x26d: {  	[sflag:s12] =	ssyncset.done $0x0  }
0x26e: {  	[sflag:s12] =	ssyncadd.s32 $0xFFFFC000  }
0x26f: {  	_ =	swait.ge [sflag:s18], $0x4000  }
0x270: {  	[sflag:s18] =	ssyncset.done $0x0  }
0x271: {  	[sflag:s18] =	ssyncadd.s32 $0xFFFFC000  }
0x272: {  	[tilespmem:s15], [sflag:$0x1] =	stream.indirect.gather [hbm4b:s4+s14], $0x80, s9, s14, $0xb8;
	[tilespmem:$0x1D000] =	vst v63  }
0x273: {  	_ = 	snop  }
0x274: {  	[spmem:s2] =	stream.indirect.scatter.add.f32 [tilespmem:s17], [sflag:$0x3], $0x80, s10, s14, $0xb8;
	[tilespmem:$0x1D000] =	vst v63  }
0x275: {  	_ =	swait.ge [sflag:s12], $0x4000  }
0x276: {  	[sflag:s12] =	ssyncset.done $0x0  }
0x277: {  	[sflag:s12] =	ssyncadd.s32 $0xFFFFC000  }
0x278: {  	_ =	swait.ge [sflag:s16], $0x4000  }
0x279: {  	[sflag:s16] =	ssyncset.done $0x0  }
0x27a: {  	[sflag:s16] =	ssyncadd.s32 $0xFFFFC000  }
0x27b: {  	[tilespmem:s17], [sflag:$0x2] =	stream.indirect.gather [hbm4b:s4+s14], $0x80, s19, s14, $0xb8;
	[tilespmem:$0x1D000] =	vst v63  }
0x27c: {  	_ = 	snop  }
0x27d: {  	[spmem:s2] =	stream.indirect.scatter.add.f32 [tilespmem:s15], [sflag:$0x3], $0x80, s20, s14, $0xb8;
	[tilespmem:$0x1D000] =	vst v63  }
0x27e: {  	_ =	swait.ge [sflag:s12], $0x4000  }
0x27f: {  	[sflag:s12] =	ssyncset.done $0x0  }
0x280: {  	[sflag:s12] =	ssyncadd.s32 $0xFFFFC000  }
0x281: {  	_ =	swait.ge [sflag:s18], $0x4000  }
0x282: {  	[sflag:s18] =	ssyncset.done $0x0  }
0x283: {  	[sflag:s18] =	ssyncadd.s32 $0xFFFFC000  }
0x284: {  	[tilespmem:s15], [sflag:$0x1] =	stream.indirect.gather [hbm4b:s4+s14], $0x80, s21, s14, $0xb8;
	[tilespmem:$0x1D000] =	vst v63  }
0x285: {  	_ = 	snop  }
0x286: {  	[spmem:s2] =	stream.indirect.scatter.add.f32 [tilespmem:s17], [sflag:$0x3], $0x80, s22, s14, $0xb8;
	[tilespmem:$0x1D000] =	vst v63  }
0x287: {  	_ =	swait.ge [sflag:s12], $0x4000  }
0x288: {  	[sflag:s12] =	ssyncset.done $0x0  }
0x289: {  	[sflag:s12] =	ssyncadd.s32 $0xFFFFC000  }
0x28a: {  	_ =	swait.ge [sflag:s16], $0x4000  }
0x28b: {  	[sflag:s16] =	ssyncset.done $0x0  }
0x28c: {  	[sflag:s16] =	ssyncadd.s32 $0xFFFFC000  }
0x28d: {  	[tilespmem:s17], [sflag:$0x2] =	stream.indirect.gather [hbm4b:s4+s14], $0x80, s23, s14, $0xb8;
	[tilespmem:$0x1D000] =	vst v63  }
0x28e: {  	_ = 	snop  }
0x28f: {  	[spmem:s2] =	stream.indirect.scatter.add.f32 [tilespmem:s15], [sflag:$0x3], $0x80, s24, s14, $0xb8;
	[tilespmem:$0x1D000] =	vst v63  }
0x290: {  	_ =	swait.ge [sflag:s12], $0x4000  }
0x291: {  	[sflag:s12] =	ssyncset.done $0x0  }
0x292: {  	[sflag:s12] =	ssyncadd.s32 $0xFFFFC000  }
0x293: {  	_ =	swait.ge [sflag:s18], $0x4000  }
0x294: {  	[sflag:s18] =	ssyncset.done $0x0  }
0x295: {  	[sflag:s18] =	ssyncadd.s32 $0xFFFFC000  }
0x296: {  	[tilespmem:s15], [sflag:$0x1] =	stream.indirect.gather [hbm4b:s4+s14], $0x80, s25, s14, $0xb8;
	[tilespmem:$0x1D000] =	vst v63  }
0x297: {  	_ = 	snop  }
0x298: {  	[spmem:s2] =	stream.indirect.scatter.add.f32 [tilespmem:s17], [sflag:$0x3], $0x80, s26, s14, $0xb8;
	[tilespmem:$0x1D000] =	vst v63  }
0x299: {  	_ =	swait.ge [sflag:s12], $0x4000  }
0x29a: {  	[sflag:s12] =	ssyncset.done $0x0  }
0x29b: {  	[sflag:s12] =	ssyncadd.s32 $0xFFFFC000  }
0x29c: {  	_ =	swait.ge [sflag:s16], $0x4000  }
0x29d: {  	[sflag:s16] =	ssyncset.done $0x0  }
0x29e: {  	[sflag:s16] =	ssyncadd.s32 $0xFFFFC000  }
0x29f: {  	[tilespmem:s17], [sflag:$0x2] =	stream.indirect.gather [hbm4b:s4+s14], $0x80, s28, s14, $0xb8;
	[tilespmem:$0x1D000] =	vst v63  }
0x2a0: {  	_ = 	snop  }
0x2a1: {  	[spmem:s2] =	stream.indirect.scatter.add.f32 [tilespmem:s15], [sflag:$0x3], $0x80, s29, s14, $0xb8;
	[tilespmem:$0x1D000] =	vst v63  }
0x2a2: {  	_ =	swait.ge [sflag:s12], $0x4000  }
0x2a3: {  	[sflag:s12] =	ssyncset.done $0x0  }
0x2a4: {  	[sflag:s12] =	ssyncadd.s32 $0xFFFFC000  }
0x2a5: {  	_ =	swait.ge [sflag:s18], $0x4000  }
0x2a6: {  	[sflag:s18] =	ssyncset.done $0x0  }
0x2a7: {  	[sflag:s18] =	ssyncadd.s32 $0xFFFFC000  }
0x2a8: {  	[tilespmem:s15], [sflag:$0x1] =	stream.indirect.gather [hbm4b:s4+s14], $0x80, s30, s14, $0xb8;
	[tilespmem:$0x1D000] =	vst v63  }
0x2a9: {  	s7 =	simm.s32 $0xC80  }
0x2aa: {  	[spmem:s2] =	stream.indirect.scatter.add.f32 [tilespmem:s17], [sflag:$0x3], $0x80, s7, s14, $0xb8;
	[tilespmem:$0x1D000] =	vst v63  }
0x2ab: {  	_ =	swait.ge [sflag:s12], $0x4000  }
0x2ac: {  	[sflag:s12] =	ssyncset.done $0x0  }
0x2ad: {  	[sflag:s12] =	ssyncadd.s32 $0xFFFFC000  }
0x2ae: {  	_ =	swait.ge [sflag:s16], $0x4000  }
0x2af: {  	[sflag:s16] =	ssyncset.done $0x0  }
0x2b0: {  	s8 =	simm.s32 $0x580;
	[sflag:s16] =	ssyncadd.s32 $0xFFFFC000  }
0x2b1: {  	[tilespmem:s17], [sflag:$0x2] =	stream.indirect.gather [hbm4b:s4+s14], $0x80, s8, s14, $0xb8;
	[tilespmem:$0x1D000] =	vst v63  }
0x2b2: {  	s9 =	simm.s32 $0xD00  }
0x2b3: {  	[spmem:s2] =	stream.indirect.scatter.add.f32 [tilespmem:s15], [sflag:$0x3], $0x80, s9, s14, $0xb8;
	[tilespmem:$0x1D000] =	vst v63  }
0x2b4: {  	_ =	swait.ge [sflag:s12], $0x4000  }
0x2b5: {  	[sflag:s12] =	ssyncset.done $0x0  }
0x2b6: {  	[sflag:s12] =	ssyncadd.s32 $0xFFFFC000  }
0x2b7: {  	_ =	swait.ge [sflag:s18], $0x4000  }
0x2b8: {  	[sflag:s18] =	ssyncset.done $0x0  }
0x2b9: {  	s10 =	simm.s32 $0x600;
	[sflag:s18] =	ssyncadd.s32 $0xFFFFC000  }
0x2ba: {  	[tilespmem:s15], [sflag:$0x1] =	stream.indirect.gather [hbm4b:s4+s14], $0x80, s10, s14, $0xb8;
	[tilespmem:$0x1D000] =	vst v63  }
0x2bb: {  	s19 =	simm.s32 $0xD80  }
0x2bc: {  	[spmem:s2] =	stream.indirect.scatter.add.f32 [tilespmem:s17], [sflag:$0x3], $0x80, s19, s14, $0xb8;
	[tilespmem:$0x1D000] =	vst v63  }
0x2bd: {  	_ =	swait.ge [sflag:s12], $0x4000  }
0x2be: {  	[sflag:s12] =	ssyncset.done $0x0  }
0x2bf: {  	[sflag:s12] =	ssyncadd.s32 $0xFFFFC000  }
0x2c0: {  	_ =	swait.ge [sflag:s16], $0x4000  }
0x2c1: {  	[sflag:s16] =	ssyncset.done $0x0  }
0x2c2: {  	s20 =	simm.s32 $0x680;
	[sflag:s16] =	ssyncadd.s32 $0xFFFFC000  }
0x2c3: {  	[tilespmem:s17], [sflag:$0x2] =	stream.indirect.gather [hbm4b:s4+s14], $0x80, s20, s14, $0xb8;
	[tilespmem:$0x1D000] =	vst v63  }
0x2c4: {  	s21 =	simm.s32 $0xE00  }
0x2c5: {  	[spmem:s2] =	stream.indirect.scatter.add.f32 [tilespmem:s15], [sflag:$0x3], $0x80, s21, s14, $0xb8;
	[tilespmem:$0x1D000] =	vst v63  }
0x2c6: {  	_ =	swait.ge [sflag:s12], $0x4000  }
0x2c7: {  	[sflag:s12] =	ssyncset.done $0x0  }
0x2c8: {  	[sflag:s12] =	ssyncadd.s32 $0xFFFFC000  }
0x2c9: {  	_ =	swait.ge [sflag:s18], $0x4000  }
0x2ca: {  	[sflag:s18] =	ssyncset.done $0x0  }
0x2cb: {  	s22 =	simm.s32 $0x700;
	[sflag:s18] =	ssyncadd.s32 $0xFFFFC000  }
0x2cc: {  	[tilespmem:s15], [sflag:$0x1] =	stream.indirect.gather [hbm4b:s4+s14], $0x80, s22, s14, $0xb8;
	[tilespmem:$0x1D000] =	vst v63  }
0x2cd: {  	s23 =	simm.s32 $0xE80  }
0x2ce: {  	[spmem:s2] =	stream.indirect.scatter.add.f32 [tilespmem:s17], [sflag:$0x3], $0x80, s23, s14, $0xb8;
	[tilespmem:$0x1D000] =	vst v63  }
0x2cf: {  	_ =	swait.ge [sflag:s12], $0x4000  }
0x2d0: {  	[sflag:s12] =	ssyncset.done $0x0  }
0x2d1: {  	[sflag:s12] =	ssyncadd.s32 $0xFFFFC000  }
0x2d2: {  	_ =	swait.ge [sflag:s16], $0x4000  }
0x2d3: {  	[sflag:s16] =	ssyncset.done $0x0  }
0x2d4: {  	s24 =	simm.s32 $0x780;
	[sflag:s16] =	ssyncadd.s32 $0xFFFFC000  }
0x2d5: {  	[tilespmem:s17], [sflag:$0x2] =	stream.indirect.gather [hbm4b:s4+s14], $0x80, s24, s14, $0xb8;
	[tilespmem:$0x1D000] =	vst v63  }
0x2d6: {  	s31 =	simm.s32 $0x200;
	s25 =	simm.s32 $0xF00  }
0x2d7: {  	[spmem:s2] =	stream.indirect.scatter.add.f32 [tilespmem:s15], [sflag:$0x3], $0x80, s25, s14, $0xb8;
	[tilespmem:$0x1D000] =	vst v63  }
0x2d8: {  	s26 =	simm.s32 $0xF80;
	s28 =	simm.s32 $0x480;
	_ =	swait.ge [sflag:s12], $0x4000  }
0x2d9: {  	s29 =	simm.s32 $0xC00;
	s30 =	simm.s32 $0x100;
	[sflag:s12] =	ssyncset.done $0x0  }
0x2da: {  	s7 =	simm.s32 $0x180;
	s8 =	simm.s32 $0x900;
	[sflag:s12] =	ssyncadd.s32 $0xFFFFC000  }
0x2db: {  	s9 =	simm.s32 $0x200;
	s10 =	simm.s32 $0x980;
	_ =	swait.ge [sflag:s18], $0x4000  }
0x2dc: {  	s19 =	simm.s32 $0x280;
	s20 =	simm.s32 $0xA00;
	[sflag:s18] =	ssyncset.done $0x0  }
0x2dd: {  	s21 =	simm.s32 $0x300;
	s22 =	simm.s32 $0xA80;
	[sflag:s18] =	ssyncadd.s32 $0xFFFFC000  }
0x2de: {  	[spmem:s2] =	stream.indirect.scatter.add.f32 [tilespmem:s17], [sflag:$0x3], $0x80, s26, s14, $0xb8;
	[tilespmem:$0x1D000] =	vst v63  }
0x2df: {  	s23 =	simm.s32 $0x380;
	s24 =	simm.s32 $0xB00;
	_ =	swait.ge [sflag:s12], $0x4000  }
0x2e0: {  	s25 =	simm.s32 $0x400;
	s26 =	simm.s32 $0xB80;
	[sflag:s12] =	ssyncset.done $0x0  }
.LBB2_3:
0x2e1: {  	s5 =	sadd.s32 s30, s11  }
0x2e2: {  	[sflag:s12] =	ssyncadd.s32 $0xFFFFC000;
	s6 =	smov.u32 s31;
	s0 =	sadd.s32 $0x100, s31  }
0x2e3: {  	[tilespmem:s3], [sflag:$0x3] =	stream.linear.gather [hbm4b:s5+s3], $0x800, $0x38;
	[tilespmem:$0x1D000] =	vst v63  }
0x2e4: {  	p1 =	sne.s32 s31, $0x400;
	_ =	swait.ge [sflag:s12], $0x800  }
0x2e5: {  	s5 =	sadd.s32 s30, s1;
	[sflag:s12] =	ssyncset.done $0x0  }
0x2e6: {  	s30 =	smov.u32 s6;
	s6 =	simm.s32 $0x100;
	[sflag:s12] =	ssyncadd.s32 $0xFFFFF800  }
0x2e7: {  	[tilespmem:s13], [sflag:$0x3] =	stream.linear.gather [hbm4b:s5+s3], $0x800, $0x38;
	[tilespmem:$0x1D000] =	vst v63  }
0x2e8: {  	s5 =	simm.s32 $0x880  }
0x2e9: {  	_ =	swait.ge [sflag:s12], $0x800  }
0x2ea: {  	[sflag:s12] =	ssyncset.done $0x0  }
0x2eb: {  	[sflag:s12] =	ssyncadd.s32 $0xFFFFF800  }
0x2ec: {  	[tilespmem:s15], [sflag:$0x1] =	stream.indirect.gather [hbm4b:s4+s14], $0x80, s3, s14, $0xb8;
	[tilespmem:$0x1D000] =	vst v63  }
0x2ed: {  	_ =	swait.ge [sflag:s16], $0x4000  }
0x2ee: {  	[sflag:s16] =	ssyncset.done $0x0  }
0x2ef: {  	[sflag:s16] =	ssyncadd.s32 $0xFFFFC000  }
0x2f0: {  	[tilespmem:s17], [sflag:$0x2] =	stream.indirect.gather [hbm4b:s4+s14], $0x80, s14, s14, $0xb8;
	[tilespmem:$0x1D000] =	vst v63  }
0x2f1: {  	_ = 	snop  }
0x2f2: {  	[spmem:s2] =	stream.indirect.scatter.add.f32 [tilespmem:s15], [sflag:$0x3], $0x80, s13, s14, $0xb8;
	[tilespmem:$0x1D000] =	vst v63  }
0x2f3: {  	_ =	swait.ge [sflag:s12], $0x4000  }
0x2f4: {  	[sflag:s12] =	ssyncset.done $0x0  }
0x2f5: {  	[sflag:s12] =	ssyncadd.s32 $0xFFFFC000  }
0x2f6: {  	_ =	swait.ge [sflag:s18], $0x4000  }
0x2f7: {  	[sflag:s18] =	ssyncset.done $0x0  }
0x2f8: {  	[sflag:s18] =	ssyncadd.s32 $0xFFFFC000  }
0x2f9: {  	[tilespmem:s15], [sflag:$0x1] =	stream.indirect.gather [hbm4b:s4+s14], $0x80, s6, s14, $0xb8;
	[tilespmem:$0x1D000] =	vst v63  }
0x2fa: {  	_ = 	snop  }
0x2fb: {  	[spmem:s2] =	stream.indirect.scatter.add.f32 [tilespmem:s17], [sflag:$0x3], $0x80, s5, s14, $0xb8;
	[tilespmem:$0x1D000] =	vst v63  }
0x2fc: {  	_ =	swait.ge [sflag:s12], $0x4000  }
0x2fd: {  	[sflag:s12] =	ssyncset.done $0x0  }
0x2fe: {  	[sflag:s12] =	ssyncadd.s32 $0xFFFFC000  }
0x2ff: {  	_ =	swait.ge [sflag:s16], $0x4000  }
0x300: {  	[sflag:s16] =	ssyncset.done $0x0  }
0x301: {  	[sflag:s16] =	ssyncadd.s32 $0xFFFFC000  }
0x302: {  	[tilespmem:s17], [sflag:$0x2] =	stream.indirect.gather [hbm4b:s4+s14], $0x80, s7, s14, $0xb8;
	[tilespmem:$0x1D000] =	vst v63  }
0x303: {  	_ = 	snop  }
0x304: {  	[spmem:s2] =	stream.indirect.scatter.add.f32 [tilespmem:s15], [sflag:$0x3], $0x80, s8, s14, $0xb8;
	[tilespmem:$0x1D000] =	vst v63  }
0x305: {  	_ =	swait.ge [sflag:s12], $0x4000  }
0x306: {  	[sflag:s12] =	ssyncset.done $0x0  }
0x307: {  	[sflag:s12] =	ssyncadd.s32 $0xFFFFC000  }
0x308: {  	_ =	swait.ge [sflag:s18], $0x4000  }
0x309: {  	[sflag:s18] =	ssyncset.done $0x0  }
0x30a: {  	[sflag:s18] =	ssyncadd.s32 $0xFFFFC000  }
0x30b: {  	[tilespmem:s15], [sflag:$0x1] =	stream.indirect.gather [hbm4b:s4+s14], $0x80, s9, s14, $0xb8;
	[tilespmem:$0x1D000] =	vst v63  }
0x30c: {  	_ = 	snop  }
0x30d: {  	[spmem:s2] =	stream.indirect.scatter.add.f32 [tilespmem:s17], [sflag:$0x3], $0x80, s10, s14, $0xb8;
	[tilespmem:$0x1D000] =	vst v63  }
0x30e: {  	_ =	swait.ge [sflag:s12], $0x4000  }
0x30f: {  	[sflag:s12] =	ssyncset.done $0x0  }
0x310: {  	[sflag:s12] =	ssyncadd.s32 $0xFFFFC000  }
0x311: {  	_ =	swait.ge [sflag:s16], $0x4000  }
0x312: {  	[sflag:s16] =	ssyncset.done $0x0  }
0x313: {  	[sflag:s16] =	ssyncadd.s32 $0xFFFFC000  }
0x314: {  	[tilespmem:s17], [sflag:$0x2] =	stream.indirect.gather [hbm4b:s4+s14], $0x80, s19, s14, $0xb8;
	[tilespmem:$0x1D000] =	vst v63  }
0x315: {  	_ = 	snop  }
0x316: {  	[spmem:s2] =	stream.indirect.scatter.add.f32 [tilespmem:s15], [sflag:$0x3], $0x80, s20, s14, $0xb8;
	[tilespmem:$0x1D000] =	vst v63  }
0x317: {  	_ =	swait.ge [sflag:s12], $0x4000  }
0x318: {  	[sflag:s12] =	ssyncset.done $0x0  }
0x319: {  	[sflag:s12] =	ssyncadd.s32 $0xFFFFC000  }
0x31a: {  	_ =	swait.ge [sflag:s18], $0x4000  }
0x31b: {  	[sflag:s18] =	ssyncset.done $0x0  }
0x31c: {  	[sflag:s18] =	ssyncadd.s32 $0xFFFFC000  }
0x31d: {  	[tilespmem:s15], [sflag:$0x1] =	stream.indirect.gather [hbm4b:s4+s14], $0x80, s21, s14, $0xb8;
	[tilespmem:$0x1D000] =	vst v63  }
0x31e: {  	_ = 	snop  }
0x31f: {  	[spmem:s2] =	stream.indirect.scatter.add.f32 [tilespmem:s17], [sflag:$0x3], $0x80, s22, s14, $0xb8;
	[tilespmem:$0x1D000] =	vst v63  }
0x320: {  	_ =	swait.ge [sflag:s12], $0x4000  }
0x321: {  	[sflag:s12] =	ssyncset.done $0x0  }
0x322: {  	[sflag:s12] =	ssyncadd.s32 $0xFFFFC000  }
0x323: {  	_ =	swait.ge [sflag:s16], $0x4000  }
0x324: {  	[sflag:s16] =	ssyncset.done $0x0  }
0x325: {  	[sflag:s16] =	ssyncadd.s32 $0xFFFFC000  }
0x326: {  	[tilespmem:s17], [sflag:$0x2] =	stream.indirect.gather [hbm4b:s4+s14], $0x80, s23, s14, $0xb8;
	[tilespmem:$0x1D000] =	vst v63  }
0x327: {  	_ = 	snop  }
0x328: {  	[spmem:s2] =	stream.indirect.scatter.add.f32 [tilespmem:s15], [sflag:$0x3], $0x80, s24, s14, $0xb8;
	[tilespmem:$0x1D000] =	vst v63  }
0x329: {  	_ =	swait.ge [sflag:s12], $0x4000  }
0x32a: {  	[sflag:s12] =	ssyncset.done $0x0  }
0x32b: {  	[sflag:s12] =	ssyncadd.s32 $0xFFFFC000  }
0x32c: {  	_ =	swait.ge [sflag:s18], $0x4000  }
0x32d: {  	[sflag:s18] =	ssyncset.done $0x0  }
0x32e: {  	[sflag:s18] =	ssyncadd.s32 $0xFFFFC000  }
0x32f: {  	[tilespmem:s15], [sflag:$0x1] =	stream.indirect.gather [hbm4b:s4+s14], $0x80, s25, s14, $0xb8;
	[tilespmem:$0x1D000] =	vst v63  }
0x330: {  	_ = 	snop  }
0x331: {  	[spmem:s2] =	stream.indirect.scatter.add.f32 [tilespmem:s17], [sflag:$0x3], $0x80, s26, s14, $0xb8;
	[tilespmem:$0x1D000] =	vst v63  }
0x332: {  	_ =	swait.ge [sflag:s12], $0x4000  }
0x333: {  	[sflag:s12] =	ssyncset.done $0x0  }
0x334: {  	[sflag:s12] =	ssyncadd.s32 $0xFFFFC000  }
0x335: {  	_ =	swait.ge [sflag:s16], $0x4000  }
0x336: {  	[sflag:s16] =	ssyncset.done $0x0  }
0x337: {  	[sflag:s16] =	ssyncadd.s32 $0xFFFFC000  }
0x338: {  	[tilespmem:s17], [sflag:$0x2] =	stream.indirect.gather [hbm4b:s4+s14], $0x80, s28, s14, $0xb8;
	[tilespmem:$0x1D000] =	vst v63  }
0x339: {  	_ = 	snop  }
0x33a: {  	[spmem:s2] =	stream.indirect.scatter.add.f32 [tilespmem:s15], [sflag:$0x3], $0x80, s29, s14, $0xb8;
	[tilespmem:$0x1D000] =	vst v63  }
0x33b: {  	_ =	swait.ge [sflag:s12], $0x4000  }
0x33c: {  	[sflag:s12] =	ssyncset.done $0x0  }
0x33d: {  	[sflag:s12] =	ssyncadd.s32 $0xFFFFC000  }
0x33e: {  	_ =	swait.ge [sflag:s18], $0x4000  }
0x33f: {  	[sflag:s18] =	ssyncset.done $0x0  }
0x340: {  	s31 =	simm.s32 $0x500;
	[sflag:s18] =	ssyncadd.s32 $0xFFFFC000  }
0x341: {  	[tilespmem:s15], [sflag:$0x1] =	stream.indirect.gather [hbm4b:s4+s14], $0x80, s31, s14, $0xb8;
	[tilespmem:$0x1D000] =	vst v63  }
0x342: {  	s31 =	simm.s32 $0xC80  }
0x343: {  	[spmem:s2] =	stream.indirect.scatter.add.f32 [tilespmem:s17], [sflag:$0x3], $0x80, s31, s14, $0xb8;
	[tilespmem:$0x1D000] =	vst v63  }
0x344: {  	_ =	swait.ge [sflag:s12], $0x4000  }
0x345: {  	[sflag:s12] =	ssyncset.done $0x0  }
0x346: {  	[sflag:s12] =	ssyncadd.s32 $0xFFFFC000  }
0x347: {  	_ =	swait.ge [sflag:s16], $0x4000  }
0x348: {  	[sflag:s16] =	ssyncset.done $0x0  }
0x349: {  	s31 =	simm.s32 $0x580;
	[sflag:s16] =	ssyncadd.s32 $0xFFFFC000  }
0x34a: {  	[tilespmem:s17], [sflag:$0x2] =	stream.indirect.gather [hbm4b:s4+s14], $0x80, s31, s14, $0xb8;
	[tilespmem:$0x1D000] =	vst v63  }
0x34b: {  	s31 =	simm.s32 $0xD00  }
0x34c: {  	[spmem:s2] =	stream.indirect.scatter.add.f32 [tilespmem:s15], [sflag:$0x3], $0x80, s31, s14, $0xb8;
	[tilespmem:$0x1D000] =	vst v63  }
0x34d: {  	_ =	swait.ge [sflag:s12], $0x4000  }
0x34e: {  	[sflag:s12] =	ssyncset.done $0x0  }
0x34f: {  	[sflag:s12] =	ssyncadd.s32 $0xFFFFC000  }
0x350: {  	_ =	swait.ge [sflag:s18], $0x4000  }
0x351: {  	[sflag:s18] =	ssyncset.done $0x0  }
0x352: {  	s31 =	simm.s32 $0x600;
	[sflag:s18] =	ssyncadd.s32 $0xFFFFC000  }
0x353: {  	[tilespmem:s15], [sflag:$0x1] =	stream.indirect.gather [hbm4b:s4+s14], $0x80, s31, s14, $0xb8;
	[tilespmem:$0x1D000] =	vst v63  }
0x354: {  	s31 =	simm.s32 $0xD80  }
0x355: {  	[spmem:s2] =	stream.indirect.scatter.add.f32 [tilespmem:s17], [sflag:$0x3], $0x80, s31, s14, $0xb8;
	[tilespmem:$0x1D000] =	vst v63  }
0x356: {  	_ =	swait.ge [sflag:s12], $0x4000  }
0x357: {  	[sflag:s12] =	ssyncset.done $0x0  }
0x358: {  	[sflag:s12] =	ssyncadd.s32 $0xFFFFC000  }
0x359: {  	_ =	swait.ge [sflag:s16], $0x4000  }
0x35a: {  	[sflag:s16] =	ssyncset.done $0x0  }
0x35b: {  	s31 =	simm.s32 $0x680;
	[sflag:s16] =	ssyncadd.s32 $0xFFFFC000  }
0x35c: {  	[tilespmem:s17], [sflag:$0x2] =	stream.indirect.gather [hbm4b:s4+s14], $0x80, s31, s14, $0xb8;
	[tilespmem:$0x1D000] =	vst v63  }
0x35d: {  	s31 =	simm.s32 $0xE00  }
0x35e: {  	[spmem:s2] =	stream.indirect.scatter.add.f32 [tilespmem:s15], [sflag:$0x3], $0x80, s31, s14, $0xb8;
	[tilespmem:$0x1D000] =	vst v63  }
0x35f: {  	_ =	swait.ge [sflag:s12], $0x4000  }
0x360: {  	[sflag:s12] =	ssyncset.done $0x0  }
0x361: {  	[sflag:s12] =	ssyncadd.s32 $0xFFFFC000  }
0x362: {  	_ =	swait.ge [sflag:s18], $0x4000  }
0x363: {  	[sflag:s18] =	ssyncset.done $0x0  }
0x364: {  	s31 =	simm.s32 $0x700;
	[sflag:s18] =	ssyncadd.s32 $0xFFFFC000  }
0x365: {  	[tilespmem:s15], [sflag:$0x1] =	stream.indirect.gather [hbm4b:s4+s14], $0x80, s31, s14, $0xb8;
	[tilespmem:$0x1D000] =	vst v63  }
0x366: {  	s31 =	simm.s32 $0xE80  }
0x367: {  	[spmem:s2] =	stream.indirect.scatter.add.f32 [tilespmem:s17], [sflag:$0x3], $0x80, s31, s14, $0xb8;
	[tilespmem:$0x1D000] =	vst v63  }
0x368: {  	_ =	swait.ge [sflag:s12], $0x4000  }
0x369: {  	[sflag:s12] =	ssyncset.done $0x0  }
0x36a: {  	[sflag:s12] =	ssyncadd.s32 $0xFFFFC000  }
0x36b: {  	_ =	swait.ge [sflag:s16], $0x4000  }
0x36c: {  	[sflag:s16] =	ssyncset.done $0x0  }
0x36d: {  	s31 =	simm.s32 $0x780;
	[sflag:s16] =	ssyncadd.s32 $0xFFFFC000  }
0x36e: {  	[tilespmem:s17], [sflag:$0x2] =	stream.indirect.gather [hbm4b:s4+s14], $0x80, s31, s14, $0xb8;
	[tilespmem:$0x1D000] =	vst v63  }
0x36f: {  	s31 =	simm.s32 $0xF00  }
0x370: {  	[spmem:s2] =	stream.indirect.scatter.add.f32 [tilespmem:s15], [sflag:$0x3], $0x80, s31, s14, $0xb8;
	[tilespmem:$0x1D000] =	vst v63  }
0x371: {  	_ =	swait.ge [sflag:s12], $0x4000  }
0x372: {  	[sflag:s12] =	ssyncset.done $0x0  }
0x373: {  	[sflag:s12] =	ssyncadd.s32 $0xFFFFC000  }
0x374: {  	_ =	swait.ge [sflag:s18], $0x4000  }
.Ltmp5:
0x375: {  	[sflag:s18] =	ssyncset.done $0x0;
	(pc) =	sbr.rel @p1 .LBB2_3-.Ltmp5, $4  }
0x376: {  	s31 =	simm.s32 $0xF80;
	[sflag:s18] =	ssyncadd.s32 $0xFFFFC000  }
0x377: {  	[spmem:s2] =	stream.indirect.scatter.add.f32 [tilespmem:s17], [sflag:$0x3], $0x80, s31, s14, $0xb8;
	[tilespmem:$0x1D000] =	vst v63  }
0x378: {  	_ =	swait.ge [sflag:s12], $0x4000  }
0x379: {  	s31 =	smov.u32 s0;
	[sflag:s12] =	ssyncset.done $0x0  }
0x37a: {  	s0 =	sadd.s32 s30, s11;
	[sflag:s12] =	ssyncadd.s32 $0xFFFFC000  }
0x37b: {  	[tilespmem:s3], [sflag:$0x3] =	stream.linear.gather [hbm4b:s0+s3], $0x800, $0x38;
	[tilespmem:$0x1D000] =	vst v63  }
0x37c: {  	_ =	swait.ge [sflag:s12], $0x800  }
0x37d: {  	[sflag:s12] =	ssyncset.done $0x0  }
0x37e: {  	s31 =	sadd.s32 s30, s1;
	[sflag:s12] =	ssyncadd.s32 $0xFFFFF800  }
0x37f: {  	[tilespmem:s13], [sflag:$0x3] =	stream.linear.gather [hbm4b:s31+s3], $0x800, $0x38;
	[tilespmem:$0x1D000] =	vst v63  }
0x380: {  	_ =	swait.ge [sflag:s12], $0x800  }
0x381: {  	[sflag:s12] =	ssyncset.done $0x0  }
0x382: {  	[sflag:s12] =	ssyncadd.s32 $0xFFFFF800  }
0x383: {  	[tilespmem:s15], [sflag:$0x1] =	stream.indirect.gather [hbm4b:s4+s14], $0x80, s3, s14, $0xb8;
	[tilespmem:$0x1D000] =	vst v63  }
0x384: {  	_ =	swait.ge [sflag:s16], $0x4000  }
0x385: {  	[sflag:s16] =	ssyncset.done $0x0  }
0x386: {  	[sflag:s16] =	ssyncadd.s32 $0xFFFFC000  }
0x387: {  	[tilespmem:s17], [sflag:$0x2] =	stream.indirect.gather [hbm4b:s4+s14], $0x80, s14, s14, $0xb8;
	[tilespmem:$0x1D000] =	vst v63  }
0x388: {  	_ = 	snop  }
0x389: {  	[spmem:s2] =	stream.indirect.scatter.add.f32 [tilespmem:s15], [sflag:$0x3], $0x80, s13, s14, $0xb8;
	[tilespmem:$0x1D000] =	vst v63  }
0x38a: {  	_ =	swait.ge [sflag:s12], $0x4000  }
0x38b: {  	[sflag:s12] =	ssyncset.done $0x0  }
0x38c: {  	[sflag:s12] =	ssyncadd.s32 $0xFFFFC000  }
0x38d: {  	_ =	swait.ge [sflag:s18], $0x4000  }
0x38e: {  	[sflag:s18] =	ssyncset.done $0x0  }
0x38f: {  	[sflag:s18] =	ssyncadd.s32 $0xFFFFC000  }
0x390: {  	[tilespmem:s15], [sflag:$0x1] =	stream.indirect.gather [hbm4b:s4+s14], $0x80, s6, s14, $0xb8;
	[tilespmem:$0x1D000] =	vst v63  }
0x391: {  	_ = 	snop  }
0x392: {  	[spmem:s2] =	stream.indirect.scatter.add.f32 [tilespmem:s17], [sflag:$0x3], $0x80, s5, s14, $0xb8;
	[tilespmem:$0x1D000] =	vst v63  }
0x393: {  	_ =	swait.ge [sflag:s12], $0x4000  }
0x394: {  	[sflag:s12] =	ssyncset.done $0x0  }
0x395: {  	[sflag:s12] =	ssyncadd.s32 $0xFFFFC000  }
0x396: {  	_ =	swait.ge [sflag:s16], $0x4000  }
0x397: {  	[sflag:s16] =	ssyncset.done $0x0  }
0x398: {  	[sflag:s16] =	ssyncadd.s32 $0xFFFFC000  }
0x399: {  	[tilespmem:s17], [sflag:$0x2] =	stream.indirect.gather [hbm4b:s4+s14], $0x80, s7, s14, $0xb8;
	[tilespmem:$0x1D000] =	vst v63  }
0x39a: {  	_ = 	snop  }
0x39b: {  	[spmem:s2] =	stream.indirect.scatter.add.f32 [tilespmem:s15], [sflag:$0x3], $0x80, s8, s14, $0xb8;
	[tilespmem:$0x1D000] =	vst v63  }
0x39c: {  	_ =	swait.ge [sflag:s12], $0x4000  }
0x39d: {  	[sflag:s12] =	ssyncset.done $0x0  }
0x39e: {  	[sflag:s12] =	ssyncadd.s32 $0xFFFFC000  }
0x39f: {  	_ =	swait.ge [sflag:s18], $0x4000  }
0x3a0: {  	[sflag:s18] =	ssyncset.done $0x0  }
0x3a1: {  	[sflag:s18] =	ssyncadd.s32 $0xFFFFC000  }
0x3a2: {  	[tilespmem:s15], [sflag:$0x1] =	stream.indirect.gather [hbm4b:s4+s14], $0x80, s9, s14, $0xb8;
	[tilespmem:$0x1D000] =	vst v63  }
0x3a3: {  	_ = 	snop  }
0x3a4: {  	[spmem:s2] =	stream.indirect.scatter.add.f32 [tilespmem:s17], [sflag:$0x3], $0x80, s10, s14, $0xb8;
	[tilespmem:$0x1D000] =	vst v63  }
0x3a5: {  	_ =	swait.ge [sflag:s12], $0x4000  }
0x3a6: {  	[sflag:s12] =	ssyncset.done $0x0  }
0x3a7: {  	[sflag:s12] =	ssyncadd.s32 $0xFFFFC000  }
0x3a8: {  	_ =	swait.ge [sflag:s16], $0x4000  }
0x3a9: {  	[sflag:s16] =	ssyncset.done $0x0  }
0x3aa: {  	[sflag:s16] =	ssyncadd.s32 $0xFFFFC000  }
0x3ab: {  	[tilespmem:s17], [sflag:$0x2] =	stream.indirect.gather [hbm4b:s4+s14], $0x80, s19, s14, $0xb8;
	[tilespmem:$0x1D000] =	vst v63  }
0x3ac: {  	_ = 	snop  }
0x3ad: {  	[spmem:s2] =	stream.indirect.scatter.add.f32 [tilespmem:s15], [sflag:$0x3], $0x80, s20, s14, $0xb8;
	[tilespmem:$0x1D000] =	vst v63  }
0x3ae: {  	_ =	swait.ge [sflag:s12], $0x4000  }
0x3af: {  	[sflag:s12] =	ssyncset.done $0x0  }
0x3b0: {  	[sflag:s12] =	ssyncadd.s32 $0xFFFFC000  }
0x3b1: {  	_ =	swait.ge [sflag:s18], $0x4000  }
0x3b2: {  	[sflag:s18] =	ssyncset.done $0x0  }
0x3b3: {  	[sflag:s18] =	ssyncadd.s32 $0xFFFFC000  }
0x3b4: {  	[tilespmem:s15], [sflag:$0x1] =	stream.indirect.gather [hbm4b:s4+s14], $0x80, s21, s14, $0xb8;
	[tilespmem:$0x1D000] =	vst v63  }
0x3b5: {  	_ = 	snop  }
0x3b6: {  	[spmem:s2] =	stream.indirect.scatter.add.f32 [tilespmem:s17], [sflag:$0x3], $0x80, s22, s14, $0xb8;
	[tilespmem:$0x1D000] =	vst v63  }
0x3b7: {  	_ =	swait.ge [sflag:s12], $0x4000  }
0x3b8: {  	[sflag:s12] =	ssyncset.done $0x0  }
0x3b9: {  	[sflag:s12] =	ssyncadd.s32 $0xFFFFC000  }
0x3ba: {  	_ =	swait.ge [sflag:s16], $0x4000  }
0x3bb: {  	[sflag:s16] =	ssyncset.done $0x0  }
0x3bc: {  	[sflag:s16] =	ssyncadd.s32 $0xFFFFC000  }
0x3bd: {  	[tilespmem:s17], [sflag:$0x2] =	stream.indirect.gather [hbm4b:s4+s14], $0x80, s23, s14, $0xb8;
	[tilespmem:$0x1D000] =	vst v63  }
0x3be: {  	_ = 	snop  }
0x3bf: {  	[spmem:s2] =	stream.indirect.scatter.add.f32 [tilespmem:s15], [sflag:$0x3], $0x80, s24, s14, $0xb8;
	[tilespmem:$0x1D000] =	vst v63  }
0x3c0: {  	_ =	swait.ge [sflag:s12], $0x4000  }
0x3c1: {  	[sflag:s12] =	ssyncset.done $0x0  }
0x3c2: {  	[sflag:s12] =	ssyncadd.s32 $0xFFFFC000  }
0x3c3: {  	_ =	swait.ge [sflag:s18], $0x4000  }
0x3c4: {  	[sflag:s18] =	ssyncset.done $0x0  }
0x3c5: {  	[sflag:s18] =	ssyncadd.s32 $0xFFFFC000  }
0x3c6: {  	[tilespmem:s15], [sflag:$0x1] =	stream.indirect.gather [hbm4b:s4+s14], $0x80, s25, s14, $0xb8;
	[tilespmem:$0x1D000] =	vst v63  }
0x3c7: {  	_ = 	snop  }
0x3c8: {  	[spmem:s2] =	stream.indirect.scatter.add.f32 [tilespmem:s17], [sflag:$0x3], $0x80, s26, s14, $0xb8;
	[tilespmem:$0x1D000] =	vst v63  }
0x3c9: {  	_ =	swait.ge [sflag:s12], $0x4000  }
0x3ca: {  	[sflag:s12] =	ssyncset.done $0x0  }
0x3cb: {  	[sflag:s12] =	ssyncadd.s32 $0xFFFFC000  }
0x3cc: {  	_ =	swait.ge [sflag:s16], $0x4000  }
0x3cd: {  	[sflag:s16] =	ssyncset.done $0x0  }
0x3ce: {  	[sflag:s16] =	ssyncadd.s32 $0xFFFFC000  }
0x3cf: {  	[tilespmem:s17], [sflag:$0x2] =	stream.indirect.gather [hbm4b:s4+s14], $0x80, s28, s14, $0xb8;
	[tilespmem:$0x1D000] =	vst v63  }
0x3d0: {  	_ = 	snop  }
0x3d1: {  	[spmem:s2] =	stream.indirect.scatter.add.f32 [tilespmem:s15], [sflag:$0x3], $0x80, s29, s14, $0xb8;
	[tilespmem:$0x1D000] =	vst v63  }
0x3d2: {  	_ =	swait.ge [sflag:s12], $0x4000  }
0x3d3: {  	[sflag:s12] =	ssyncset.done $0x0  }
0x3d4: {  	[sflag:s12] =	ssyncadd.s32 $0xFFFFC000  }
0x3d5: {  	_ =	swait.ge [sflag:s18], $0x4000  }
0x3d6: {  	[sflag:s18] =	ssyncset.done $0x0  }
0x3d7: {  	s10 =	simm.s32 $0x500;
	[sflag:s18] =	ssyncadd.s32 $0xFFFFC000  }
0x3d8: {  	[tilespmem:s15], [sflag:$0x1] =	stream.indirect.gather [hbm4b:s4+s14], $0x80, s10, s14, $0xb8;
	[tilespmem:$0x1D000] =	vst v63  }
0x3d9: {  	s19 =	simm.s32 $0xC80  }
0x3da: {  	[spmem:s2] =	stream.indirect.scatter.add.f32 [tilespmem:s17], [sflag:$0x3], $0x80, s19, s14, $0xb8;
	[tilespmem:$0x1D000] =	vst v63  }
0x3db: {  	_ =	swait.ge [sflag:s12], $0x4000  }
0x3dc: {  	[sflag:s12] =	ssyncset.done $0x0  }
0x3dd: {  	[sflag:s12] =	ssyncadd.s32 $0xFFFFC000  }
0x3de: {  	_ =	swait.ge [sflag:s16], $0x4000  }
0x3df: {  	[sflag:s16] =	ssyncset.done $0x0  }
0x3e0: {  	s20 =	simm.s32 $0x580;
	[sflag:s16] =	ssyncadd.s32 $0xFFFFC000  }
0x3e1: {  	[tilespmem:s17], [sflag:$0x2] =	stream.indirect.gather [hbm4b:s4+s14], $0x80, s20, s14, $0xb8;
	[tilespmem:$0x1D000] =	vst v63  }
0x3e2: {  	s21 =	simm.s32 $0xD00  }
0x3e3: {  	[spmem:s2] =	stream.indirect.scatter.add.f32 [tilespmem:s15], [sflag:$0x3], $0x80, s21, s14, $0xb8;
	[tilespmem:$0x1D000] =	vst v63  }
0x3e4: {  	_ =	swait.ge [sflag:s12], $0x4000  }
0x3e5: {  	[sflag:s12] =	ssyncset.done $0x0  }
0x3e6: {  	[sflag:s12] =	ssyncadd.s32 $0xFFFFC000  }
0x3e7: {  	_ =	swait.ge [sflag:s18], $0x4000  }
0x3e8: {  	[sflag:s18] =	ssyncset.done $0x0  }
0x3e9: {  	s22 =	simm.s32 $0x600;
	[sflag:s18] =	ssyncadd.s32 $0xFFFFC000  }
0x3ea: {  	[tilespmem:s15], [sflag:$0x1] =	stream.indirect.gather [hbm4b:s4+s14], $0x80, s22, s14, $0xb8;
	[tilespmem:$0x1D000] =	vst v63  }
0x3eb: {  	s23 =	simm.s32 $0xD80  }
0x3ec: {  	[spmem:s2] =	stream.indirect.scatter.add.f32 [tilespmem:s17], [sflag:$0x3], $0x80, s23, s14, $0xb8;
	[tilespmem:$0x1D000] =	vst v63  }
0x3ed: {  	_ =	swait.ge [sflag:s12], $0x4000  }
0x3ee: {  	[sflag:s12] =	ssyncset.done $0x0  }
0x3ef: {  	[sflag:s12] =	ssyncadd.s32 $0xFFFFC000  }
0x3f0: {  	_ =	swait.ge [sflag:s16], $0x4000  }
0x3f1: {  	[sflag:s16] =	ssyncset.done $0x0  }
0x3f2: {  	s24 =	simm.s32 $0x680;
	[sflag:s16] =	ssyncadd.s32 $0xFFFFC000  }
0x3f3: {  	[tilespmem:s17], [sflag:$0x2] =	stream.indirect.gather [hbm4b:s4+s14], $0x80, s24, s14, $0xb8;
	[tilespmem:$0x1D000] =	vst v63  }
0x3f4: {  	s25 =	simm.s32 $0xE00  }
0x3f5: {  	[spmem:s2] =	stream.indirect.scatter.add.f32 [tilespmem:s15], [sflag:$0x3], $0x80, s25, s14, $0xb8;
	[tilespmem:$0x1D000] =	vst v63  }
0x3f6: {  	_ =	swait.ge [sflag:s12], $0x4000  }
0x3f7: {  	[sflag:s12] =	ssyncset.done $0x0  }
0x3f8: {  	[sflag:s12] =	ssyncadd.s32 $0xFFFFC000  }
0x3f9: {  	_ =	swait.ge [sflag:s18], $0x4000  }
0x3fa: {  	[sflag:s18] =	ssyncset.done $0x0  }
0x3fb: {  	s26 =	simm.s32 $0x700;
	[sflag:s18] =	ssyncadd.s32 $0xFFFFC000  }
0x3fc: {  	[tilespmem:s15], [sflag:$0x1] =	stream.indirect.gather [hbm4b:s4+s14], $0x80, s26, s14, $0xb8;
	[tilespmem:$0x1D000] =	vst v63  }
0x3fd: {  	s31 =	simm.s32 $0xE80  }
0x3fe: {  	[spmem:s2] =	stream.indirect.scatter.add.f32 [tilespmem:s17], [sflag:$0x3], $0x80, s31, s14, $0xb8;
	[tilespmem:$0x1D000] =	vst v63  }
0x3ff: {  	_ =	swait.ge [sflag:s12], $0x4000  }
0x400: {  	[sflag:s12] =	ssyncset.done $0x0  }
0x401: {  	[sflag:s12] =	ssyncadd.s32 $0xFFFFC000  }
0x402: {  	_ =	swait.ge [sflag:s16], $0x4000  }
0x403: {  	[sflag:s16] =	ssyncset.done $0x0  }
0x404: {  	s5 =	simm.s32 $0x780;
	[sflag:s16] =	ssyncadd.s32 $0xFFFFC000  }
0x405: {  	[tilespmem:s17], [sflag:$0x2] =	stream.indirect.gather [hbm4b:s4+s14], $0x80, s5, s14, $0xb8;
	[tilespmem:$0x1D000] =	vst v63  }
0x406: {  	s7 =	simm.s32 $0xF00  }
0x407: {  	[spmem:s2] =	stream.indirect.scatter.add.f32 [tilespmem:s15], [sflag:$0x3], $0x80, s7, s14, $0xb8;
	[tilespmem:$0x1D000] =	vst v63  }
0x408: {  	_ =	swait.ge [sflag:s12], $0x4000  }
0x409: {  	[sflag:s12] =	ssyncset.done $0x0  }
0x40a: {  	[sflag:s12] =	ssyncadd.s32 $0xFFFFC000  }
0x40b: {  	_ =	swait.ge [sflag:s18], $0x4000  }
0x40c: {  	[sflag:s18] =	ssyncset.done $0x0  }
0x40d: {  	s8 =	simm.s32 $0xF80;
	[sflag:s18] =	ssyncadd.s32 $0xFFFFC000  }
0x40e: {  	[spmem:s2] =	stream.indirect.scatter.add.f32 [tilespmem:s17], [sflag:$0x3], $0x80, s8, s14, $0xb8;
	[tilespmem:$0x1D000] =	vst v63  }
0x40f: {  	_ =	swait.ge [sflag:s12], $0x4000  }
0x410: {  	[sflag:s12] =	ssyncset.done $0x0  }
0x411: {  	[sflag:s12] =	ssyncadd.s32 $0xFFFFC000  }
0x412: {  	[bflag:$0x0] =	sbarrier.arrive $0xFFFF  }
0x413: {  	s9 =	rddreg [dreg:$0x9]  }
0x414: {  	s10 =	rddreg [dreg:$0x1e]  }
0x415: {  	s19 =	rddreg [dreg:$0x1f]  }
0x416: {  	[hbm:s9], [sflag:s10] =	dma.local [spmem:s19], $0x800  }
0x417: {  	_ =	swait.ge [sflag:s12], $0x800  }
0x418: {  	s21 =	sld [smem:$0x7FA]  }
0x419: {  	[sflag:s12] =	ssyncset.done $0x0  }
0x41a: {  	s20 =	rddreg [dreg:$0xa];
	[sflag:s12] =	ssyncadd.s32 $0xFFFFF800  }
0x41b: {  	[hbm:s20], [sflag:s10] =	dma.local [spmem:s21], $0x800  }
0x41c: {  	_ =	swait.ge [sflag:s12], $0x800  }
0x41d: {  	s23 =	sld [smem:$0x7FB]  }
0x41e: {  	[sflag:s12] =	ssyncset.done $0x0  }
0x41f: {  	s22 =	rddreg [dreg:$0xb];
	[sflag:s12] =	ssyncadd.s32 $0xFFFFF800  }
0x420: {  	[hbm:s22], [sflag:s10] =	dma.local [spmem:s23], $0x800  }
0x421: {  	s30 =	simm.s32 $0x500;
	s28 =	simm.s32 $0x480;
	_ =	swait.ge [sflag:s12], $0x800  }
0x422: {  	s29 =	simm.s32 $0xC00;
	s7 =	simm.s32 $0x180;
	s25 =	sld [smem:$0x7FC]  }
0x423: {  	s8 =	simm.s32 $0x900;
	s9 =	simm.s32 $0x200;
	[sflag:s12] =	ssyncset.done $0x0  }
0x424: {  	s19 =	simm.s32 $0x280;
	s24 =	rddreg [dreg:$0xc];
	[sflag:s12] =	ssyncadd.s32 $0xFFFFF800  }
0x425: {  	[hbm:s24], [sflag:s10] =	dma.local [spmem:s25], $0x800  }
0x426: {  	s20 =	simm.s32 $0xA00;
	s21 =	simm.s32 $0x300;
	_ =	swait.ge [sflag:s12], $0x800  }
.Ltmp6:
0x427: {  	s22 =	simm.s32 $0xA80;
	s31 =	sld [smem:$0x7FD];
	(pc) =	sbr.rel .LBB2_8-.Ltmp6, $4  }
0x428: {  	s23 =	simm.s32 $0x380;
	s24 =	simm.s32 $0xB00;
	[sflag:s12] =	ssyncset.done $0x0  }
0x429: {  	s25 =	simm.s32 $0x400;
	s26 =	rddreg [dreg:$0xd];
	[sflag:s12] =	ssyncadd.s32 $0xFFFFF800  }
0x42a: {  	[hbm:s26], [sflag:s10] =	dma.local [spmem:s31], $0x800  }
0x42b: {  	s10 =	simm.s32 $0x980;
	s26 =	simm.s32 $0xB80;
	s5 =	rddreg [dreg:$0x1d]  }
.LBB2_9:
0x42c: {  	_ =	sfence.sel $0x180000  }
0x42d: {  	[bflag:$0x0] =	sbarrier.arrive $0xFFFF  }
0x42e: {  	_ =	strace $0x90000047  }
0x42f: {  	s0 =	stileid.u32;
	[bflag:$0x2] =	sbarrier.arrive $0xFFFF  }
0x430: {  	p0 =	sne.s32 s0, $0x0;
	s0 =	rddreg [dreg:$0x2]  }
0x431: {  	s0 =	sadd.s32 @!p0 $0x100000, s0  }
0x432: {  	[sflag:s0] =	ssyncadd.tile.s32 @!p0 $0x1;
	_ =	shalt  }
.Lfunc_end2:
_tile_overlayer_lowered:
.L_overlay_start_2:
0x433: {  	(tag) =	ssettag $0x2  }
0x434: {  	s0 =	rddreg [dreg:$0x0];
	s2 =	stileid.u32  }
0x435: {  	s1 =	rddreg [dreg:$0x1];
	p0 =	sne.s32 s2, $0x0  }
0x436: {  	s3 =	rddreg [dreg:$0x2];
	[bflag:$0x3] =	sbarrier.arrive $0xFFFF;
	s2 =	simm.s32 @!p0 $0x1C03  }
0x437: {  	[timem:s3], [sflag:s2] =	dma.local @!p0 [hbm:s0], s1  }
0x438: {  	s0 =	simm.s32 @!p0 $0x3  }
0x439: {  	_ =	swait.ge @!p0 [sflag:s0], s1  }
0x43a: {  	s1 =	ssub.s32 @!p0 $0x0, s1;
	[sflag:s0] =	ssyncset.done @!p0 $0x0  }
0x43b: {  	[sflag:s0] =	ssyncadd.s32 @!p0 s1  }
0x43c: {  	[bflag:$0x3] =	sbarrier.arrive $0xFFFF  }
0x43d: {  	_ =	shalt  }

// kernel: kernel.9.cloned.1.call-start
scs
__scs_entry_jumppad:
0x0: {  	(pc) =	sbr.rel $0x88, $3  }
0x1: {  	(tag) =	ssettag $0x0;
	lr =	simm.s32 $0x1  }
0x2: {  	[smem:$0x3F88] =	sst lr;
	_ =	strace $0xD0000000  }
0x3: {  	_ = 	snop  }
0x4: {  	_ = 	snop  }
0x5: {  	_ = 	snop  }
0x6: {  	_ = 	snop  }
0x7: {  	_ = 	snop  }
__scs_overlays_trampoline_lowered:
0x8: {  	[smem:$0x3F97] =	sst s0  }
0x9: {  	[smem:$0x3F98] =	sst s1  }
0xa: {  	[smem:$0x3F99] =	sst s2  }
0xb: {  	[smem:$0x3F9A] =	sst s3  }
0xc: {  	[smem:$0x3F9B] =	sst s4  }
0xd: {  	[smem:$0x3F9C] =	sst s5  }
0xe: {  	[smem:$0x3F9D] =	sst s6  }
0xf: {  	[smem:$0x3F9E] =	sst s7  }
0x10: {  	[smem:$0x3F9F] =	sst s8  }
0x11: {  	[smem:$0x3FA0] =	sst s9;
	s0 =	simm.s32 @!p0 $0x0  }
0x12: {  	s1 =	sld [smem:$0x3F86];
	s0 =	simm.s32 @p0 $0x1  }
0x13: {  	[smem:$0x3FA1] =	sst s0;
	s0 =	simm.s32 @!p1 $0x0  }
0x14: {  	s2 =	sld [smem:$0x3F85];
	s0 =	simm.s32 @p1 $0x1  }
0x15: {  	[smem:$0x3FA2] =	sst s0;
	s0 =	simm.s32 @!p2 $0x0  }
0x16: {  	s3 =	sld [smem:$0x3FDB];
	s0 =	simm.s32 @p2 $0x1  }
0x17: {  	s4 =	simm.s32 $0x1BF5;
	[smem:$0x3FA4] =	sst s0  }
0x18: {  	s0 =	sld [smem:$0x3F87];
	_ =	swait.ge [sflag:s4], $0x0  }
0x19: {  	s7 =	sld [smem:$0x3F88]  }
0x1a: {  	s8 =	sadd.s32 $0xFFFFE003, lr  }
0x1b: {  	s9 =	sadd.s32 $0xFFFFFEF7, lr;
	s5 =	simm.s32 $0xFFFFFFFF;
	p2 =	slt.u32 s8, $0xFFFFF086  }
0x1c: {  	p1 =	slt.u32 s9, $0xF7A;
	s5 =	simm.s32 @!p2 $0x0  }
0x1d: {  	s5 =	simm.s32 @p1 $0x1;
	p0 =	seq.s32 s7, s2  }
0x1e: {  	s7 =	smul.u32 @!p0 $0xF7A, s2;
	p2 =	seq.s32 @!p0 s5, $0x0  }
0x1f: {  	s9 =	smul.u32 $0xF7A, s1;
	s8 =	simm.s32 @!p0 $0x1BF5;
	p2 =	por !p2, p0  }
0x20: {  	[sflag:s8] =	ssyncset.s32 @!p0 $0xFFFFF086;
	s6 =	sadd.s32 @!p0 s3, s7;
	s7 =	simm.s32 @!p0 $0x108  }
0x21: {  	s3 =	sadd.s32 s3, s9;
	s6 =	sadd.s32 @!p0 $0x88, s6;
	s7 =	simm.s32 @p2 $0x1082  }
0x22: {  	[simem:s7], [sflag:s8] =	dma.local @!p0 [hbm:s6], $0xF7A  }
0x23: {  	s9 =	sor.u32 $0xD0000000, s2;
	s6 =	simm.s32 $0x108;
	_ =	swait.ge @!p0 [sflag:s8], $0x0  }
0x24: {  	s3 =	sadd.s32 $0x88, s3;
	s6 =	simm.s32 @!p1 $0x1082;
	[sflag:s4] =	ssyncset.s32 $0xFFFFF086  }
0x25: {  	[simem:s6], [sflag:s4] =	dma.local [hbm:s3], $0xF7A  }
0x26: {  	[smem:$0x3F88] =	sst s1;
	(tag) =	ssettag s2;
	_ =	strace s9  }
0x27: {  	s1 =	sld [smem:$0x3F98]  }
0x28: {  	s2 =	sld [smem:$0x3F99]  }
0x29: {  	s4 =	sld [smem:$0x3F9B]  }
0x2a: {  	p0 =	seq.s32 s5, $0x0;
	s5 =	sld [smem:$0x3F9C]  }
0x2b: {  	s6 =	sld [smem:$0x3F9D]  }
0x2c: {  	s7 =	sld [smem:$0x3F9E]  }
0x2d: {  	s3 =	simm.s32 $0x108;
	s8 =	sld [smem:$0x3F9F]  }
0x2e: {  	s3 =	simm.s32 @!p0 $0x1082;
	s9 =	sld [smem:$0x3FA0]  }
0x2f: {  	lr =	sadd.s32 s0, s3;
	s0 =	sld [smem:$0x3F97]  }
0x30: {  	s3 =	sld [smem:$0x3F9A]  }
0x31: {  	[smem:$0x3FA3] =	sst s10  }
0x32: {  	s10 =	sld [smem:$0x3FA1];
	_ =	sdelay $0x3  }
0x33: {  	p0 =	seq.s32 s10, $0x1;
	s10 =	sld [smem:$0x3FA3];
	_ =	sdelay $0x3  }
0x34: {  	[smem:$0x3FA3] =	sst s10  }
0x35: {  	s10 =	sld [smem:$0x3FA2];
	_ =	sdelay $0x3  }
0x36: {  	p1 =	seq.s32 s10, $0x1;
	s10 =	sld [smem:$0x3FA3];
	_ =	sdelay $0x3  }
0x37: {  	[smem:$0x3FA3] =	sst s10  }
0x38: {  	s10 =	sld [smem:$0x3FA4]  }
0x39: {  	_ = 	snop;
	(pc) =	sbr.ind lr, $3  }
0x3a: {  	_ = 	snop  }
0x3b: {  	_ = 	snop  }
0x3c: {  	p2 =	seq.s32 s10, $0x1;
	s10 =	sld [smem:$0x3FA3]  }
0x3d: {  	_ =	shalt  }
0x3e: {  	_ =	shalt  }
0x3f: {  	_ =	shalt  }
0x40: {  	_ =	shalt  }
0x41: {  	_ =	shalt  }
0x42: {  	_ =	shalt  }
0x43: {  	_ =	shalt  }
0x44: {  	_ =	shalt  }
0x45: {  	_ =	shalt  }
0x46: {  	_ =	shalt  }
0x47: {  	_ =	shalt  }
0x48: {  	_ =	shalt  }
0x49: {  	_ =	shalt  }
0x4a: {  	_ =	shalt  }
0x4b: {  	_ =	shalt  }
0x4c: {  	_ =	shalt  }
0x4d: {  	_ =	shalt  }
0x4e: {  	_ =	shalt  }
0x4f: {  	_ =	shalt  }
0x50: {  	_ =	shalt  }
0x51: {  	_ =	shalt  }
0x52: {  	_ =	shalt  }
0x53: {  	_ =	shalt  }
0x54: {  	_ =	shalt  }
0x55: {  	_ =	shalt  }
0x56: {  	_ =	shalt  }
0x57: {  	_ =	shalt  }
0x58: {  	_ =	shalt  }
0x59: {  	_ =	shalt  }
0x5a: {  	_ =	shalt  }
0x5b: {  	_ =	shalt  }
0x5c: {  	_ =	shalt  }
0x5d: {  	_ =	shalt  }
0x5e: {  	_ =	shalt  }
0x5f: {  	_ =	shalt  }
0x60: {  	_ =	shalt  }
0x61: {  	_ =	shalt  }
0x62: {  	_ =	shalt  }
0x63: {  	_ =	shalt  }
0x64: {  	_ =	shalt  }
0x65: {  	_ =	shalt  }
0x66: {  	_ =	shalt  }
0x67: {  	_ =	shalt  }
0x68: {  	_ =	shalt  }
0x69: {  	_ =	shalt  }
0x6a: {  	_ =	shalt  }
0x6b: {  	_ =	shalt  }
0x6c: {  	_ =	shalt  }
0x6d: {  	_ =	shalt  }
0x6e: {  	_ =	shalt  }
0x6f: {  	_ =	shalt  }
0x70: {  	_ =	shalt  }
0x71: {  	_ =	shalt  }
0x72: {  	_ =	shalt  }
0x73: {  	_ =	shalt  }
0x74: {  	_ =	shalt  }
0x75: {  	_ =	shalt  }
0x76: {  	_ =	shalt  }
0x77: {  	_ =	shalt  }
0x78: {  	_ =	shalt  }
0x79: {  	_ =	shalt  }
0x7a: {  	_ =	shalt  }
0x7b: {  	_ =	shalt  }
0x7c: {  	_ =	shalt  }
0x7d: {  	_ =	shalt  }
0x7e: {  	_ =	shalt  }
0x7f: {  	_ =	shalt  }
0x80: {  	_ =	shalt  }
0x81: {  	_ =	shalt  }
0x82: {  	_ =	shalt  }
0x83: {  	_ =	shalt  }
0x84: {  	_ =	shalt  }
0x85: {  	_ =	shalt  }
0x86: {  	_ =	shalt  }
0x87: {  	_ =	shalt  }
.Lfunc_end0:
.L_simem_size_0:
called_computation.1_lowered:
.L_overlay_start_0:
0x88: {  	s2 =	sld [smem:$0x3FD9]  }
0x89: {  	s3 =	sld [smem:$0x3FFE];
	_ =	sdelay $0x1  }
0x8a: {  	s1 =	srdreg.scid  }
0x8b: {  	s0 =	sand.u32 $0x1, s1  }
0x8c: {  	s16 =	sshll.u32 s0, $0xA;
	s2 =	sadd.s32 s3, s2  }
0x8d: {  	s2 =	sadd.s32 s2, s16  }
0x8e: {  	[smem:$0x3FAF] =	sst s2  }
0x8f: {  	_ = 	snop  }
0x90: {  	(tm) =	ssettm $0x1  }
0x91: {  	s17 =	sld [smem:$0x3FFB];
	_ =	sdelay $0x3  }
0x92: {  	_ =	strace s17  }
0x93: {  	s2 =	sld [smem:$0x3FFC];
	_ =	sdelay $0x3  }
0x94: {  	_ =	strace s2  }
0x95: {  	s2 =	sld [smem:$0x3FFD];
	_ =	sdelay $0x3  }
0x96: {  	_ =	strace s2  }
0x97: {  	_ =	strace $0x8FFFFFFF  }
0x98: {  	s18 =	sld [smem:$0x3FDB];
	_ =	sdelay $0x1  }
0x99: {  	s19 =	simm.s32 $_scs_section_size  }
0x9a: {  	s4 =	simm.s32 $_size__tile_overlayer_lowered;
	s5 =	simm.s32 $_tile_overlayer_lowered  }
0x9b: {  	s22 =	simm.s32 $0x1BFF;
	s21 =	sshll.u32 s5, $0x1;
	s2 =	sadd.s32 s19, s18  }
0x9c: {  	s6 =	simm.s32 $0x0;
	s20 =	sshll.u32 s4, $0x1;
	s4 =	sadd.s32 s21, s2  }
0x9d: {  	[timem:s6], [sflag:s22] =	dma.local [hbm:s4], s20  }
0x9e: {  	_ =	swait.ge [sflag:s22], s20  }
0x9f: {  	s3 =	ssub.s32 $0x0, s20;
	[sflag:s22] =	ssyncset.done $0x0  }
0xa0: {  	[sflag:s22] =	ssyncadd.s32 s3;
	_ =	sdelay $0x1  }
0xa1: {  	s23 =	simm.s32 $0x1B8B  }
0xa2: {  	_ =	swait.ge [sflag:s23], $0x1  }
0xa3: {  	[sflag:s23] =	ssyncset.done $0x0  }
0xa4: {  	s25 =	simm.s32 $0x1B8E;
	s24 =	sld [smem:$0x3FFE];
	[sflag:s23] =	ssyncadd.s32 $0xFFFFFFFF  }
0xa5: {  	s26 =	simm.s32 $execute0_lowered;
	[smem:$0x3FD2] =	sst s25  }
0xa6: {  	s4 =	sshll.u32 s26, $0x1;
	_ =	strace $0x80000049;
	[dreg:$0x1] =	wrdreg $0xFFFFFFFF  }
0xa7: {  	s28 =	simm.s32 $_size_execute0_lowered;
	s2 =	sadd.s32 s2, s4;
	[dreg:$0x0] =	wrdreg $0x0  }
0xa8: {  	s4 =	sshll.u32 s28, $0x1;
	[dreg:$0x2] =	wrdreg s2  }
0xa9: {  	[dreg:$0x3] =	wrdreg s4  }
0xaa: {  	[dreg:$0x4] =	wrdreg $0xC0  }
0xab: {  	_ =	task [dreg:s6], $0x5FFFF  }
0xac: {  	[dreg:$0x1] =	wrdreg $0xFFFFFFFF  }
0xad: {  	[dreg:$0x0] =	wrdreg $0x60  }
0xae: {  	[dreg:$0x2] =	wrdreg s24  }
0xaf: {  	[dreg:$0x3] =	wrdreg $0x90000  }
0xb0: {  	[dreg:$0x4] =	wrdreg $0x9  }
0xb1: {  	_ =	task.clear_ibuf [dreg:s6], $0x5FFFF;
	_ =	strace $0x90000049  }
0xb2: {  	s29 =	simm.s32 $0x9;
	_ =	strace $0x8000004B  }
0xb3: {  	_ =	swait.ge [sflag:s29], $0x1  }
0xb4: {  	[sflag:s29] =	ssyncadd.s32 $0xFFFFFFFF  }
0xb5: {  	_ =	strace $0x9000004B  }
0xb6: {  	_ =	sfence  }
0xb7: {  	s30 =	sld [smem:$0x0];
	_ =	sdelay $0x2  }
0xb8: {  	s31 =	sshll.u32 s1, $0xD;
	s1 =	sshrl.u32 s1, $0x2  }
0xb9: {  	s3 =	sand.u32 $0x4000, s31;
	s1 =	sadd.s32 s1, s30  }
0xba: {  	s0 =	sor.u32 s3, s0;
	s1 =	sshll.u32 s1, $0x11  }
0xbb: {  	s0 =	sor.u32 s1, s0  }
0xbc: {  	s0 =	sadd.s32 $0x8F2B, s0  }
0xbd: {  	[sflag:s0] =	ssyncadd.remote.s32 $0x1  }
0xbe: {  	_ =	sfence.sel $0xFFFF  }
0xbf: {  	[dreg:$0x0] =	wrdreg $0xFFFFFFFF;
	(pc) =	sbr.abs _section_cstart, $3  }
0xc0: {  	[dreg:$0x1] =	wrdreg $0xFFFFFFFF  }
0xc1: {  	_ =	task.clear_ibuf [dreg:s6], $0x2FFFF;
	_ =	strace $0x9FFFFFFF  }
0xc2: {  	(tm) =	ssettm $0x7FFFFFFF  }
0xc3: {  	_ =	shalt  }
tec
execute0_lowered:
.L_overlay_start_1:
0x0: {  	(tag) =	ssettag $0x1  }
0x1: {  	s0 =	rddreg [dreg:$0x0]  }
0x2: {  	s2 =	rddreg [dreg:$0x1];
	s3 =	simm.s32 $0x0;
	s11 =	stileid.u32  }
0x3: {  	s1 =	srdreg.scid;
	s28 =	simm.s32 $0xB00;
	s29 =	simm.s32 $0x400  }
0x4: {  	s30 =	simm.s32 $0xB80;
	[smem:$0x7FF] =	sst s3;
	s6 =	smul.u32 $0xA00, s11  }
0x5: {  	s1 =	sand.u32 $0x1, s1;
	s4 =	sadd.s32 $0x42C00, s0;
	s9 =	smul.u32 $0x280, s11  }
0x6: {  	s5 =	sadd.s32 $0x6AC00, s0;
	s10 =	sadd.s32 $0x92C00, s0;
	s17 =	smul.u32 $0x50000, s11  }
0x7: {  	s20 =	smul.u32 $0x2800, s11;
	_ =	strace $0x8000004A;
	s7 =	ssub.s32 $0x2, s1  }
0x8: {  	p0 =	seq.s32 s1, $0x1;
	s6 =	sadd.s32 s6, s0;
	s8 =	sshrl.u32 s7, $0x1  }
0x9: {  	s0 =	sadd.s32 $0xCEC00, s0;
	s19 =	sshrl.u32 s17, $0x2;
	s21 =	sadd.s32 $0x80, s9  }
0xa: {  	s23 =	sadd.s32 $0x100, s9;
	s12 =	sadd.s32 s4, s20;
	s25 =	sadd.s32 $0x180, s9  }
0xb: {  	s9 =	sadd.s32 $0x200, s9;
	s13 =	sadd.s32 s10, s20;
	[dreg:$0x5] =	wrdreg s12  }
0xc: {  	s17 =	sadd.s32 s5, s20;
	s7 =	ssub.s32 s7, s8;
	[dreg:$0xa] =	wrdreg s13  }
0xd: {  	s1 =	sadd.s32 s19, s2;
	s22 =	sshll.u32 s21, $0x7;
	[dreg:$0xf] =	wrdreg s17  }
0xe: {  	s24 =	sshll.u32 s23, $0x7;
	s18 =	smax.u32 s7, $0x1;
	[dreg:$0x4] =	wrdreg s1  }
0xf: {  	s26 =	sshll.u32 s25, $0x7;
	s1 =	sadd.s32 s22, s2;
	[dreg:$0x3] =	wrdreg s18  }
0x10: {  	s8 =	sshll.u32 s21, $0x4;
	s12 =	sadd.s32 s26, s2;
	[dreg:$0x6] =	wrdreg s1  }
0x11: {  	s11 =	sshll.u32 s23, $0x4;
	s14 =	sadd.s32 s10, s8;
	[dreg:$0x8] =	wrdreg s12  }
0x12: {  	s31 =	sshll.u32 s9, $0x7;
	s15 =	sadd.s32 s10, s11;
	[dreg:$0xb] =	wrdreg s14  }
0x13: {  	s9 =	sshll.u32 s9, $0x4;
	s7 =	sadd.s32 s0, s20;
	[dreg:$0xc] =	wrdreg s15  }
0x14: {  	s13 =	sadd.s32 $0xBAC00, s6;
	s19 =	sadd.s32 s5, s8;
	[dreg:$0x10] =	wrdreg s7  }
0x15: {  	s17 =	simm.s32 $0x1000;
	s20 =	sadd.s32 s0, s8;
	[dreg:$0x12] =	wrdreg s19  }
0x16: {  	s21 =	sadd.s32 s4, s11;
	s22 =	sadd.s32 s5, s11;
	[dreg:$0x13] =	wrdreg s20  }
0x17: {  	s23 =	sadd.s32 s0, s11;
	s26 =	sadd.s32 s4, s9;
	[dreg:$0x14] =	wrdreg s21  }
0x18: {  	s11 =	simm.s32 $0x900;
	s1 =	sadd.s32 s24, s2;
	[dreg:$0x15] =	wrdreg s22  }
0x19: {  	s12 =	sadd.s32 s31, s2;
	s18 =	sadd.s32 s4, s8;
	[dreg:$0x16] =	wrdreg s23  }
0x1a: {  	[dreg:$0x1b] =	wrdreg s26;
	s31 =	sadd.s32 s5, s9;
	s8 =	sadd.s32 $0xC4C00, s6  }
0x1b: {  	s14 =	simm.s32 $0x3;
	s15 =	simm.s32 $0x800;
	s19 =	simm.s32 $0x5000  }
0x1c: {  	s20 =	simm.s32 $0x2;
	s7 =	simm.s32 $0x180;
	[dreg:$0x7] =	wrdreg s1  }
0x1d: {  	s21 =	simm.s32 $0x980;
	s22 =	simm.s32 $0x280;
	[dreg:$0x9] =	wrdreg s12  }
0x1e: {  	s23 =	simm.s32 $0xA00;
	s1 =	sshll.u32 s25, $0x4;
	[dreg:$0x11] =	wrdreg s18  }
0x1f: {  	s26 =	simm.s32 $0x380;
	[dreg:$0x1c] =	wrdreg s31;
	s16 =	sadd.s32 s10, s1  }
0x20: {  	s6 =	simm.s32 $0x0;
	s10 =	sadd.s32 s10, s9;
	[dreg:$0xd] =	wrdreg s16  }
0x21: {  	s18 =	simm.s32 $0x1;
	s24 =	sadd.s32 s4, s1;
	[dreg:$0xe] =	wrdreg s10  }
.Ltmp0:
0x22: {  	s25 =	sadd.s32 s5, s1;
	[dreg:$0x17] =	wrdreg s24;
	(pc) =	sbr.rel .LBB2_1-.Ltmp0, $4  }
0x23: {  	s12 =	simm.s32 $0x200;
	s1 =	sadd.s32 s0, s1;
	[dreg:$0x18] =	wrdreg s25  }
0x24: {  	s0 =	sadd.s32 s0, s9;
	s9 =	simm.s32 $0x100;
	[dreg:$0x19] =	wrdreg s1  }
0x25: {  	[dreg:$0x1a] =	wrdreg s0;
	s16 =	simm.s32 $0x80;
	s10 =	simm.s32 $0x880  }
0x26: {  	s24 =	simm.s32 $0x300;
	s25 =	simm.s32 $0xA80;
	s0 =	simm.s32 $0x480  }
.LBB2_7:
0x27: {  	s6 =	sadd.s32 s1, s13;
	[sflag:s14] =	ssyncadd.s32 $0xFFFFC000  }
0x28: {  	[tilespmem:s3], [sflag:$0x3] =	stream.linear.gather [hbm4b:s6+s3], $0x800, $0x38;
	[tilespmem:$0x1D000] =	vst v63  }
0x29: {  	_ =	swait.ge [sflag:s14], $0x800  }
0x2a: {  	[sflag:s14] =	ssyncset.done $0x0  }
0x2b: {  	s7 =	sadd.s32 s1, s8;
	[sflag:s14] =	ssyncadd.s32 $0xFFFFF800  }
0x2c: {  	[tilespmem:s15], [sflag:$0x3] =	stream.linear.gather [hbm4b:s7+s3], $0x800, $0x38;
	[tilespmem:$0x1D000] =	vst v63  }
0x2d: {  	_ =	swait.ge [sflag:s14], $0x800  }
0x2e: {  	[sflag:s14] =	ssyncset.done $0x0  }
0x2f: {  	[sflag:s14] =	ssyncadd.s32 $0xFFFFF800  }
0x30: {  	[tilespmem:s17], [sflag:$0x1] =	stream.indirect.gather [hbm4b:s5+s16], $0x80, s3, s16, $0xb8;
	[tilespmem:$0x1D000] =	vst v63  }
0x31: {  	_ =	swait.ge [sflag:s18], $0x4000  }
0x32: {  	[sflag:s18] =	ssyncset.done $0x0  }
0x33: {  	[sflag:s18] =	ssyncadd.s32 $0xFFFFC000  }
0x34: {  	[tilespmem:s19], [sflag:$0x2] =	stream.indirect.gather [hbm4b:s5+s16], $0x80, s16, s16, $0xb8;
	[tilespmem:$0x1D000] =	vst v63  }
0x35: {  	_ = 	snop  }
0x36: {  	[spmem:s2] =	stream.indirect.scatter.add.f32 [tilespmem:s17], [sflag:$0x3], $0x80, s15, s16, $0xb8;
	[tilespmem:$0x1D000] =	vst v63  }
0x37: {  	_ =	swait.ge [sflag:s14], $0x4000  }
0x38: {  	[sflag:s14] =	ssyncset.done $0x0  }
0x39: {  	[sflag:s14] =	ssyncadd.s32 $0xFFFFC000  }
0x3a: {  	_ =	swait.ge [sflag:s20], $0x4000  }
0x3b: {  	[sflag:s20] =	ssyncset.done $0x0  }
0x3c: {  	[sflag:s20] =	ssyncadd.s32 $0xFFFFC000  }
0x3d: {  	[tilespmem:s17], [sflag:$0x1] =	stream.indirect.gather [hbm4b:s5+s16], $0x80, s9, s16, $0xb8;
	[tilespmem:$0x1D000] =	vst v63  }
0x3e: {  	_ = 	snop  }
0x3f: {  	[spmem:s2] =	stream.indirect.scatter.add.f32 [tilespmem:s19], [sflag:$0x3], $0x80, s10, s16, $0xb8;
	[tilespmem:$0x1D000] =	vst v63  }
0x40: {  	_ =	swait.ge [sflag:s14], $0x4000  }
0x41: {  	[sflag:s14] =	ssyncset.done $0x0  }
0x42: {  	[sflag:s14] =	ssyncadd.s32 $0xFFFFC000  }
0x43: {  	_ =	swait.ge [sflag:s18], $0x4000  }
0x44: {  	[sflag:s18] =	ssyncset.done $0x0  }
0x45: {  	[sflag:s18] =	ssyncadd.s32 $0xFFFFC000  }
0x46: {  	[tilespmem:s19], [sflag:$0x2] =	stream.indirect.gather [hbm4b:s5+s16], $0x80, s11, s16, $0xb8;
	[tilespmem:$0x1D000] =	vst v63  }
0x47: {  	_ = 	snop  }
0x48: {  	[spmem:s2] =	stream.indirect.scatter.add.f32 [tilespmem:s17], [sflag:$0x3], $0x80, s12, s16, $0xb8;
	[tilespmem:$0x1D000] =	vst v63  }
0x49: {  	_ =	swait.ge [sflag:s14], $0x4000  }
0x4a: {  	[sflag:s14] =	ssyncset.done $0x0  }
0x4b: {  	[sflag:s14] =	ssyncadd.s32 $0xFFFFC000  }
0x4c: {  	_ =	swait.ge [sflag:s20], $0x4000  }
0x4d: {  	[sflag:s20] =	ssyncset.done $0x0  }
0x4e: {  	[sflag:s20] =	ssyncadd.s32 $0xFFFFC000  }
0x4f: {  	[tilespmem:s17], [sflag:$0x1] =	stream.indirect.gather [hbm4b:s5+s16], $0x80, s21, s16, $0xb8;
	[tilespmem:$0x1D000] =	vst v63  }
0x50: {  	_ = 	snop  }
0x51: {  	[spmem:s2] =	stream.indirect.scatter.add.f32 [tilespmem:s19], [sflag:$0x3], $0x80, s22, s16, $0xb8;
	[tilespmem:$0x1D000] =	vst v63  }
0x52: {  	_ =	swait.ge [sflag:s14], $0x4000  }
0x53: {  	[sflag:s14] =	ssyncset.done $0x0  }
0x54: {  	[sflag:s14] =	ssyncadd.s32 $0xFFFFC000  }
0x55: {  	_ =	swait.ge [sflag:s18], $0x4000  }
0x56: {  	[sflag:s18] =	ssyncset.done $0x0  }
0x57: {  	[sflag:s18] =	ssyncadd.s32 $0xFFFFC000  }
0x58: {  	[tilespmem:s19], [sflag:$0x2] =	stream.indirect.gather [hbm4b:s5+s16], $0x80, s23, s16, $0xb8;
	[tilespmem:$0x1D000] =	vst v63  }
0x59: {  	_ = 	snop  }
0x5a: {  	[spmem:s2] =	stream.indirect.scatter.add.f32 [tilespmem:s17], [sflag:$0x3], $0x80, s24, s16, $0xb8;
	[tilespmem:$0x1D000] =	vst v63  }
0x5b: {  	_ =	swait.ge [sflag:s14], $0x4000  }
0x5c: {  	[sflag:s14] =	ssyncset.done $0x0  }
0x5d: {  	[sflag:s14] =	ssyncadd.s32 $0xFFFFC000  }
0x5e: {  	_ =	swait.ge [sflag:s20], $0x4000  }
0x5f: {  	[sflag:s20] =	ssyncset.done $0x0  }
0x60: {  	[sflag:s20] =	ssyncadd.s32 $0xFFFFC000  }
0x61: {  	[tilespmem:s17], [sflag:$0x1] =	stream.indirect.gather [hbm4b:s5+s16], $0x80, s25, s16, $0xb8;
	[tilespmem:$0x1D000] =	vst v63  }
0x62: {  	_ = 	snop  }
0x63: {  	[spmem:s2] =	stream.indirect.scatter.add.f32 [tilespmem:s19], [sflag:$0x3], $0x80, s26, s16, $0xb8;
	[tilespmem:$0x1D000] =	vst v63  }
0x64: {  	_ =	swait.ge [sflag:s14], $0x4000  }
0x65: {  	[sflag:s14] =	ssyncset.done $0x0  }
0x66: {  	[sflag:s14] =	ssyncadd.s32 $0xFFFFC000  }
0x67: {  	_ =	swait.ge [sflag:s18], $0x4000  }
0x68: {  	[sflag:s18] =	ssyncset.done $0x0  }
0x69: {  	[sflag:s18] =	ssyncadd.s32 $0xFFFFC000  }
0x6a: {  	[tilespmem:s19], [sflag:$0x2] =	stream.indirect.gather [hbm4b:s5+s16], $0x80, s28, s16, $0xb8;
	[tilespmem:$0x1D000] =	vst v63  }
0x6b: {  	_ = 	snop  }
0x6c: {  	[spmem:s2] =	stream.indirect.scatter.add.f32 [tilespmem:s17], [sflag:$0x3], $0x80, s29, s16, $0xb8;
	[tilespmem:$0x1D000] =	vst v63  }
0x6d: {  	_ =	swait.ge [sflag:s14], $0x4000  }
0x6e: {  	[sflag:s14] =	ssyncset.done $0x0  }
0x6f: {  	[sflag:s14] =	ssyncadd.s32 $0xFFFFC000  }
0x70: {  	_ =	swait.ge [sflag:s20], $0x4000  }
0x71: {  	[sflag:s20] =	ssyncset.done $0x0  }
0x72: {  	[sflag:s20] =	ssyncadd.s32 $0xFFFFC000  }
0x73: {  	[tilespmem:s17], [sflag:$0x1] =	stream.indirect.gather [hbm4b:s5+s16], $0x80, s30, s16, $0xb8;
	[tilespmem:$0x1D000] =	vst v63  }
0x74: {  	_ = 	snop  }
0x75: {  	[spmem:s2] =	stream.indirect.scatter.add.f32 [tilespmem:s19], [sflag:$0x3], $0x80, s31, s16, $0xb8;
	[tilespmem:$0x1D000] =	vst v63  }
0x76: {  	_ =	swait.ge [sflag:s14], $0x4000  }
0x77: {  	[sflag:s14] =	ssyncset.done $0x0  }
0x78: {  	[sflag:s14] =	ssyncadd.s32 $0xFFFFC000  }
0x79: {  	_ =	swait.ge [sflag:s18], $0x4000  }
0x7a: {  	[sflag:s18] =	ssyncset.done $0x0  }
0x7b: {  	[sflag:s18] =	ssyncadd.s32 $0xFFFFC000  }
0x7c: {  	[tilespmem:s19], [sflag:$0x2] =	stream.indirect.gather [hbm4b:s5+s16], $0x80, s0, s16, $0xb8;
	[tilespmem:$0x1D000] =	vst v63  }
0x7d: {  	s31 =	simm.s32 $0xC00  }
0x7e: {  	[spmem:s2] =	stream.indirect.scatter.add.f32 [tilespmem:s17], [sflag:$0x3], $0x80, s31, s16, $0xb8;
	[tilespmem:$0x1D000] =	vst v63  }
0x7f: {  	_ =	swait.ge [sflag:s14], $0x4000  }
0x80: {  	[sflag:s14] =	ssyncset.done $0x0  }
0x81: {  	[sflag:s14] =	ssyncadd.s32 $0xFFFFC000  }
0x82: {  	_ =	swait.ge [sflag:s20], $0x4000  }
0x83: {  	[sflag:s20] =	ssyncset.done $0x0  }
0x84: {  	s1 =	simm.s32 $0x500;
	[sflag:s20] =	ssyncadd.s32 $0xFFFFC000  }
0x85: {  	[tilespmem:s17], [sflag:$0x1] =	stream.indirect.gather [hbm4b:s5+s16], $0x80, s1, s16, $0xb8;
	[tilespmem:$0x1D000] =	vst v63  }
0x86: {  	s6 =	simm.s32 $0xC80  }
0x87: {  	[spmem:s2] =	stream.indirect.scatter.add.f32 [tilespmem:s19], [sflag:$0x3], $0x80, s6, s16, $0xb8;
	[tilespmem:$0x1D000] =	vst v63  }
0x88: {  	_ =	swait.ge [sflag:s14], $0x4000  }
0x89: {  	[sflag:s14] =	ssyncset.done $0x0  }
0x8a: {  	[sflag:s14] =	ssyncadd.s32 $0xFFFFC000  }
0x8b: {  	_ =	swait.ge [sflag:s18], $0x4000  }
0x8c: {  	[sflag:s18] =	ssyncset.done $0x0  }
0x8d: {  	s7 =	simm.s32 $0x580;
	[sflag:s18] =	ssyncadd.s32 $0xFFFFC000  }
0x8e: {  	[tilespmem:s19], [sflag:$0x2] =	stream.indirect.gather [hbm4b:s5+s16], $0x80, s7, s16, $0xb8;
	[tilespmem:$0x1D000] =	vst v63  }
0x8f: {  	s11 =	simm.s32 $0xD00  }
0x90: {  	[spmem:s2] =	stream.indirect.scatter.add.f32 [tilespmem:s17], [sflag:$0x3], $0x80, s11, s16, $0xb8;
	[tilespmem:$0x1D000] =	vst v63  }
0x91: {  	_ =	swait.ge [sflag:s14], $0x4000  }
0x92: {  	[sflag:s14] =	ssyncset.done $0x0  }
0x93: {  	[sflag:s14] =	ssyncadd.s32 $0xFFFFC000  }
0x94: {  	_ =	swait.ge [sflag:s20], $0x4000  }
0x95: {  	[sflag:s20] =	ssyncset.done $0x0  }
0x96: {  	s12 =	simm.s32 $0x600;
	[sflag:s20] =	ssyncadd.s32 $0xFFFFC000  }
0x97: {  	[tilespmem:s17], [sflag:$0x1] =	stream.indirect.gather [hbm4b:s5+s16], $0x80, s12, s16, $0xb8;
	[tilespmem:$0x1D000] =	vst v63  }
0x98: {  	s21 =	simm.s32 $0xD80  }
0x99: {  	[spmem:s2] =	stream.indirect.scatter.add.f32 [tilespmem:s19], [sflag:$0x3], $0x80, s21, s16, $0xb8;
	[tilespmem:$0x1D000] =	vst v63  }
0x9a: {  	_ =	swait.ge [sflag:s14], $0x4000  }
0x9b: {  	[sflag:s14] =	ssyncset.done $0x0  }
0x9c: {  	[sflag:s14] =	ssyncadd.s32 $0xFFFFC000  }
0x9d: {  	_ =	swait.ge [sflag:s18], $0x4000  }
0x9e: {  	[sflag:s18] =	ssyncset.done $0x0  }
0x9f: {  	s22 =	simm.s32 $0x680;
	[sflag:s18] =	ssyncadd.s32 $0xFFFFC000  }
0xa0: {  	[tilespmem:s19], [sflag:$0x2] =	stream.indirect.gather [hbm4b:s5+s16], $0x80, s22, s16, $0xb8;
	[tilespmem:$0x1D000] =	vst v63  }
0xa1: {  	s23 =	simm.s32 $0xE00  }
0xa2: {  	[spmem:s2] =	stream.indirect.scatter.add.f32 [tilespmem:s17], [sflag:$0x3], $0x80, s23, s16, $0xb8;
	[tilespmem:$0x1D000] =	vst v63  }
0xa3: {  	_ =	swait.ge [sflag:s14], $0x4000  }
0xa4: {  	[sflag:s14] =	ssyncset.done $0x0  }
0xa5: {  	[sflag:s14] =	ssyncadd.s32 $0xFFFFC000  }
0xa6: {  	_ =	swait.ge [sflag:s20], $0x4000  }
0xa7: {  	[sflag:s20] =	ssyncset.done $0x0  }
0xa8: {  	s24 =	simm.s32 $0x700;
	[sflag:s20] =	ssyncadd.s32 $0xFFFFC000  }
0xa9: {  	[tilespmem:s17], [sflag:$0x1] =	stream.indirect.gather [hbm4b:s5+s16], $0x80, s24, s16, $0xb8;
	[tilespmem:$0x1D000] =	vst v63  }
0xaa: {  	s25 =	simm.s32 $0xE80  }
0xab: {  	[spmem:s2] =	stream.indirect.scatter.add.f32 [tilespmem:s19], [sflag:$0x3], $0x80, s25, s16, $0xb8;
	[tilespmem:$0x1D000] =	vst v63  }
0xac: {  	_ =	swait.ge [sflag:s14], $0x4000  }
0xad: {  	[sflag:s14] =	ssyncset.done $0x0  }
0xae: {  	[sflag:s14] =	ssyncadd.s32 $0xFFFFC000  }
0xaf: {  	_ =	swait.ge [sflag:s18], $0x4000  }
0xb0: {  	[sflag:s18] =	ssyncset.done $0x0  }
0xb1: {  	s26 =	simm.s32 $0x780;
	[sflag:s18] =	ssyncadd.s32 $0xFFFFC000  }
0xb2: {  	[tilespmem:s19], [sflag:$0x2] =	stream.indirect.gather [hbm4b:s5+s16], $0x80, s26, s16, $0xb8;
	[tilespmem:$0x1D000] =	vst v63  }
0xb3: {  	s31 =	simm.s32 $0xF00  }
0xb4: {  	[spmem:s2] =	stream.indirect.scatter.add.f32 [tilespmem:s17], [sflag:$0x3], $0x80, s31, s16, $0xb8;
	[tilespmem:$0x1D000] =	vst v63  }
0xb5: {  	_ =	swait.ge [sflag:s14], $0x4000  }
0xb6: {  	[sflag:s14] =	ssyncset.done $0x0  }
0xb7: {  	[sflag:s14] =	ssyncadd.s32 $0xFFFFC000  }
0xb8: {  	_ =	swait.ge [sflag:s20], $0x4000  }
0xb9: {  	[sflag:s20] =	ssyncset.done $0x0  }
0xba: {  	s1 =	simm.s32 $0xF80;
	[sflag:s20] =	ssyncadd.s32 $0xFFFFC000  }
0xbb: {  	[spmem:s2] =	stream.indirect.scatter.add.f32 [tilespmem:s19], [sflag:$0x3], $0x80, s1, s16, $0xb8;
	[tilespmem:$0x1D000] =	vst v63  }
0xbc: {  	_ =	swait.ge [sflag:s14], $0x4000  }
0xbd: {  	[sflag:s14] =	ssyncset.done $0x0  }
0xbe: {  	[sflag:s14] =	ssyncadd.s32 $0xFFFFC000  }
0xbf: {  	[bflag:$0x0] =	sbarrier.arrive $0xFFFF  }
0xc0: {  	s6 =	rddreg [dreg:$0x10]  }
0xc1: {  	s7 =	rddreg [dreg:$0x1e]  }
0xc2: {  	s11 =	rddreg [dreg:$0x1f]  }
0xc3: {  	[hbm:s6], [sflag:s7] =	dma.local [spmem:s11], $0x800  }
0xc4: {  	_ =	swait.ge [sflag:s14], $0x800  }
0xc5: {  	s21 =	sld [smem:$0x7F6]  }
0xc6: {  	[sflag:s14] =	ssyncset.done $0x0  }
0xc7: {  	s12 =	rddreg [dreg:$0x13];
	[sflag:s14] =	ssyncadd.s32 $0xFFFFF800  }
0xc8: {  	[hbm:s12], [sflag:s7] =	dma.local [spmem:s21], $0x800  }
0xc9: {  	_ =	swait.ge [sflag:s14], $0x800  }
0xca: {  	s23 =	sld [smem:$0x7F7]  }
0xcb: {  	[sflag:s14] =	ssyncset.done $0x0  }
0xcc: {  	s22 =	rddreg [dreg:$0x16];
	[sflag:s14] =	ssyncadd.s32 $0xFFFFF800  }
0xcd: {  	[hbm:s22], [sflag:s7] =	dma.local [spmem:s23], $0x800  }
0xce: {  	_ =	swait.ge [sflag:s14], $0x800  }
0xcf: {  	s28 =	simm.s32 $0xB00;
	s25 =	sld [smem:$0x7F8]  }
0xd0: {  	s29 =	simm.s32 $0x400;
	s30 =	simm.s32 $0xB80;
	[sflag:s14] =	ssyncset.done $0x0  }
0xd1: {  	s0 =	simm.s32 $0x480;
	s24 =	rddreg [dreg:$0x19];
	[sflag:s14] =	ssyncadd.s32 $0xFFFFF800  }
0xd2: {  	[hbm:s24], [sflag:s7] =	dma.local [spmem:s25], $0x800  }
0xd3: {  	s11 =	simm.s32 $0x900;
	s12 =	simm.s32 $0x200;
	_ =	swait.ge [sflag:s14], $0x800  }
0xd4: {  	s21 =	simm.s32 $0x980;
	s22 =	simm.s32 $0x280;
	s31 =	sld [smem:$0x7F9]  }
0xd5: {  	s23 =	simm.s32 $0xA00;
	s24 =	simm.s32 $0x300;
	[sflag:s14] =	ssyncset.done $0x0  }
0xd6: {  	s25 =	simm.s32 $0xA80;
	s26 =	rddreg [dreg:$0x1a];
	[sflag:s14] =	ssyncadd.s32 $0xFFFFF800  }
0xd7: {  	[hbm:s26], [sflag:s7] =	dma.local [spmem:s31], $0x800  }
0xd8: {  	s7 =	simm.s32 $0x180;
	s26 =	simm.s32 $0x380;
	s6 =	rddreg [dreg:$0x1d]  }
.LBB2_8:
0xd9: {  	_ =	swait.ge [sflag:s14], $0x800  }
0xda: {  	s6 =	sadd.s32 $0x1, s6;
	s1 =	rddreg [dreg:$0x3]  }
0xdb: {  	p1 =	sne.s32 s6, s1  }
.Ltmp1:
0xdc: {  	_ = 	snop;
	(pc) =	sbr.rel @!p1 .LBB2_9-.Ltmp1, $3  }
0xdd: {  	_ =	sdelay $0x1  }
0xde: {  	[sflag:s14] =	ssyncset.done $0x0  }
0xdf: {  	[sflag:s14] =	ssyncadd.s32 $0xFFFFF800  }
.LBB2_1:
.Ltmp2:
0xe0: {  	[dreg:$0x1d] =	wrdreg s6;
	(pc) =	sbr.rel @!p0 .LBB2_2-.Ltmp2, $4  }
0xe1: {  	s1 =	stileid.u32;
	s6 =	rddreg [dreg:$0x4]  }
0xe2: {  	s1 =	sshll.u32 s1, $0x6;
	s31 =	sshrl.u32 s6, $0x3  }
0xe3: {  	s6 =	sor.u32 $0x1C03, s1;
	[dreg:$0x1f] =	wrdreg s31  }
0xe4: {  	[dreg:$0x1e] =	wrdreg s6  }
0xe5: {  	s1 =	rddreg [dreg:$0xf]  }
0xe6: {  	[spmem:s31], [sflag:s6] =	dma.local [hbm:s1], $0x800  }
0xe7: {  	_ =	swait.ge [sflag:s14], $0x800  }
0xe8: {  	s1 =	rddreg [dreg:$0x6]  }
0xe9: {  	[sflag:s14] =	ssyncset.done $0x0;
	s31 =	sshrl.u32 s1, $0x3;
	s1 =	rddreg [dreg:$0x12]  }
0xea: {  	[sflag:s14] =	ssyncadd.s32 $0xFFFFF800;
	[smem:$0x7F6] =	sst s31  }
0xeb: {  	[spmem:s31], [sflag:s6] =	dma.local [hbm:s1], $0x800  }
0xec: {  	_ =	swait.ge [sflag:s14], $0x800  }
0xed: {  	s1 =	rddreg [dreg:$0x7]  }
0xee: {  	[sflag:s14] =	ssyncset.done $0x0;
	s31 =	sshrl.u32 s1, $0x3;
	s1 =	rddreg [dreg:$0x15]  }
0xef: {  	[sflag:s14] =	ssyncadd.s32 $0xFFFFF800;
	[smem:$0x7F7] =	sst s31  }
0xf0: {  	[spmem:s31], [sflag:s6] =	dma.local [hbm:s1], $0x800  }
0xf1: {  	_ =	swait.ge [sflag:s14], $0x800  }
0xf2: {  	s1 =	rddreg [dreg:$0x8]  }
0xf3: {  	[sflag:s14] =	ssyncset.done $0x0;
	s31 =	sshrl.u32 s1, $0x3;
	s1 =	rddreg [dreg:$0x18]  }
0xf4: {  	[sflag:s14] =	ssyncadd.s32 $0xFFFFF800;
	[smem:$0x7F8] =	sst s31  }
0xf5: {  	[spmem:s31], [sflag:s6] =	dma.local [hbm:s1], $0x800  }
0xf6: {  	_ =	swait.ge [sflag:s14], $0x800  }
0xf7: {  	s1 =	rddreg [dreg:$0x9]  }
0xf8: {  	[sflag:s14] =	ssyncset.done $0x0;
	s31 =	sshrl.u32 s1, $0x3;
	s1 =	rddreg [dreg:$0x1c]  }
0xf9: {  	[sflag:s14] =	ssyncadd.s32 $0xFFFFF800;
	[smem:$0x7F9] =	sst s31  }
0xfa: {  	[spmem:s31], [sflag:s6] =	dma.local [hbm:s1], $0x800  }
0xfb: {  	_ =	swait.ge [sflag:s14], $0x800  }
0xfc: {  	[sflag:s14] =	ssyncset.done $0x0  }
0xfd: {  	[sflag:s14] =	ssyncadd.s32 $0xFFFFF800  }
0xfe: {  	s6 =	sadd.s32 $0x0, s13;
	[bflag:$0x0] =	sbarrier.arrive $0xFFFF  }
0xff: {  	[tilespmem:s3], [sflag:$0x3] =	stream.linear.gather [hbm4b:s6+s3], $0x800, $0x38;
	[tilespmem:$0x1D000] =	vst v63  }
0x100: {  	_ =	swait.ge [sflag:s14], $0x800  }
0x101: {  	[sflag:s14] =	ssyncset.done $0x0  }
0x102: {  	s6 =	sadd.s32 $0x0, s8;
	[sflag:s14] =	ssyncadd.s32 $0xFFFFF800  }
0x103: {  	[tilespmem:s15], [sflag:$0x3] =	stream.linear.gather [hbm4b:s6+s3], $0x800, $0x38;
	[tilespmem:$0x1D000] =	vst v63  }
0x104: {  	_ =	swait.ge [sflag:s14], $0x800  }
0x105: {  	[sflag:s14] =	ssyncset.done $0x0  }
0x106: {  	[sflag:s14] =	ssyncadd.s32 $0xFFFFF800  }
0x107: {  	[tilespmem:s17], [sflag:$0x1] =	stream.indirect.gather [hbm4b:s5+s16], $0x80, s3, s16, $0xb8;
	[tilespmem:$0x1D000] =	vst v63  }
0x108: {  	_ =	swait.ge [sflag:s18], $0x4000  }
0x109: {  	[sflag:s18] =	ssyncset.done $0x0  }
0x10a: {  	[sflag:s18] =	ssyncadd.s32 $0xFFFFC000  }
0x10b: {  	[tilespmem:s19], [sflag:$0x2] =	stream.indirect.gather [hbm4b:s5+s16], $0x80, s16, s16, $0xb8;
	[tilespmem:$0x1D000] =	vst v63  }
0x10c: {  	_ = 	snop  }
0x10d: {  	[spmem:s2] =	stream.indirect.scatter.add.f32 [tilespmem:s17], [sflag:$0x3], $0x80, s15, s16, $0xb8;
	[tilespmem:$0x1D000] =	vst v63  }
0x10e: {  	_ =	swait.ge [sflag:s14], $0x4000  }
0x10f: {  	[sflag:s14] =	ssyncset.done $0x0  }
0x110: {  	[sflag:s14] =	ssyncadd.s32 $0xFFFFC000  }
0x111: {  	_ =	swait.ge [sflag:s20], $0x4000  }
0x112: {  	[sflag:s20] =	ssyncset.done $0x0  }
0x113: {  	[sflag:s20] =	ssyncadd.s32 $0xFFFFC000  }
0x114: {  	[tilespmem:s17], [sflag:$0x1] =	stream.indirect.gather [hbm4b:s5+s16], $0x80, s9, s16, $0xb8;
	[tilespmem:$0x1D000] =	vst v63  }
0x115: {  	_ = 	snop  }
0x116: {  	[spmem:s2] =	stream.indirect.scatter.add.f32 [tilespmem:s19], [sflag:$0x3], $0x80, s10, s16, $0xb8;
	[tilespmem:$0x1D000] =	vst v63  }
0x117: {  	_ =	swait.ge [sflag:s14], $0x4000  }
0x118: {  	[sflag:s14] =	ssyncset.done $0x0  }
0x119: {  	[sflag:s14] =	ssyncadd.s32 $0xFFFFC000  }
0x11a: {  	_ =	swait.ge [sflag:s18], $0x4000  }
0x11b: {  	[sflag:s18] =	ssyncset.done $0x0  }
0x11c: {  	[sflag:s18] =	ssyncadd.s32 $0xFFFFC000  }
0x11d: {  	[tilespmem:s19], [sflag:$0x2] =	stream.indirect.gather [hbm4b:s5+s16], $0x80, s7, s16, $0xb8;
	[tilespmem:$0x1D000] =	vst v63  }
0x11e: {  	_ = 	snop  }
0x11f: {  	[spmem:s2] =	stream.indirect.scatter.add.f32 [tilespmem:s17], [sflag:$0x3], $0x80, s11, s16, $0xb8;
	[tilespmem:$0x1D000] =	vst v63  }
0x120: {  	_ =	swait.ge [sflag:s14], $0x4000  }
0x121: {  	[sflag:s14] =	ssyncset.done $0x0  }
0x122: {  	[sflag:s14] =	ssyncadd.s32 $0xFFFFC000  }
0x123: {  	_ =	swait.ge [sflag:s20], $0x4000  }
0x124: {  	[sflag:s20] =	ssyncset.done $0x0  }
0x125: {  	[sflag:s20] =	ssyncadd.s32 $0xFFFFC000  }
0x126: {  	[tilespmem:s17], [sflag:$0x1] =	stream.indirect.gather [hbm4b:s5+s16], $0x80, s12, s16, $0xb8;
	[tilespmem:$0x1D000] =	vst v63  }
0x127: {  	_ = 	snop  }
0x128: {  	[spmem:s2] =	stream.indirect.scatter.add.f32 [tilespmem:s19], [sflag:$0x3], $0x80, s21, s16, $0xb8;
	[tilespmem:$0x1D000] =	vst v63  }
0x129: {  	_ =	swait.ge [sflag:s14], $0x4000  }
0x12a: {  	[sflag:s14] =	ssyncset.done $0x0  }
0x12b: {  	[sflag:s14] =	ssyncadd.s32 $0xFFFFC000  }
0x12c: {  	_ =	swait.ge [sflag:s18], $0x4000  }
0x12d: {  	[sflag:s18] =	ssyncset.done $0x0  }
0x12e: {  	[sflag:s18] =	ssyncadd.s32 $0xFFFFC000  }
0x12f: {  	[tilespmem:s19], [sflag:$0x2] =	stream.indirect.gather [hbm4b:s5+s16], $0x80, s22, s16, $0xb8;
	[tilespmem:$0x1D000] =	vst v63  }
0x130: {  	_ = 	snop  }
0x131: {  	[spmem:s2] =	stream.indirect.scatter.add.f32 [tilespmem:s17], [sflag:$0x3], $0x80, s23, s16, $0xb8;
	[tilespmem:$0x1D000] =	vst v63  }
0x132: {  	_ =	swait.ge [sflag:s14], $0x4000  }
0x133: {  	[sflag:s14] =	ssyncset.done $0x0  }
0x134: {  	[sflag:s14] =	ssyncadd.s32 $0xFFFFC000  }
0x135: {  	_ =	swait.ge [sflag:s20], $0x4000  }
0x136: {  	[sflag:s20] =	ssyncset.done $0x0  }
0x137: {  	[sflag:s20] =	ssyncadd.s32 $0xFFFFC000  }
0x138: {  	[tilespmem:s17], [sflag:$0x1] =	stream.indirect.gather [hbm4b:s5+s16], $0x80, s24, s16, $0xb8;
	[tilespmem:$0x1D000] =	vst v63  }
0x139: {  	_ = 	snop  }
0x13a: {  	[spmem:s2] =	stream.indirect.scatter.add.f32 [tilespmem:s19], [sflag:$0x3], $0x80, s25, s16, $0xb8;
	[tilespmem:$0x1D000] =	vst v63  }
0x13b: {  	_ =	swait.ge [sflag:s14], $0x4000  }
0x13c: {  	[sflag:s14] =	ssyncset.done $0x0  }
0x13d: {  	[sflag:s14] =	ssyncadd.s32 $0xFFFFC000  }
0x13e: {  	_ =	swait.ge [sflag:s18], $0x4000  }
0x13f: {  	[sflag:s18] =	ssyncset.done $0x0  }
0x140: {  	[sflag:s18] =	ssyncadd.s32 $0xFFFFC000  }
0x141: {  	[tilespmem:s19], [sflag:$0x2] =	stream.indirect.gather [hbm4b:s5+s16], $0x80, s26, s16, $0xb8;
	[tilespmem:$0x1D000] =	vst v63  }
0x142: {  	_ = 	snop  }
0x143: {  	[spmem:s2] =	stream.indirect.scatter.add.f32 [tilespmem:s17], [sflag:$0x3], $0x80, s28, s16, $0xb8;
	[tilespmem:$0x1D000] =	vst v63  }
0x144: {  	_ =	swait.ge [sflag:s14], $0x4000  }
0x145: {  	[sflag:s14] =	ssyncset.done $0x0  }
0x146: {  	[sflag:s14] =	ssyncadd.s32 $0xFFFFC000  }
0x147: {  	_ =	swait.ge [sflag:s20], $0x4000  }
0x148: {  	[sflag:s20] =	ssyncset.done $0x0  }
0x149: {  	[sflag:s20] =	ssyncadd.s32 $0xFFFFC000  }
0x14a: {  	[tilespmem:s17], [sflag:$0x1] =	stream.indirect.gather [hbm4b:s5+s16], $0x80, s29, s16, $0xb8;
	[tilespmem:$0x1D000] =	vst v63  }
0x14b: {  	_ = 	snop  }
0x14c: {  	[spmem:s2] =	stream.indirect.scatter.add.f32 [tilespmem:s19], [sflag:$0x3], $0x80, s30, s16, $0xb8;
	[tilespmem:$0x1D000] =	vst v63  }
0x14d: {  	_ =	swait.ge [sflag:s14], $0x4000  }
0x14e: {  	[sflag:s14] =	ssyncset.done $0x0  }
0x14f: {  	[sflag:s14] =	ssyncadd.s32 $0xFFFFC000  }
0x150: {  	_ =	swait.ge [sflag:s18], $0x4000  }
0x151: {  	[sflag:s18] =	ssyncset.done $0x0  }
0x152: {  	[sflag:s18] =	ssyncadd.s32 $0xFFFFC000  }
0x153: {  	[tilespmem:s19], [sflag:$0x2] =	stream.indirect.gather [hbm4b:s5+s16], $0x80, s0, s16, $0xb8;
	[tilespmem:$0x1D000] =	vst v63  }
0x154: {  	s26 =	simm.s32 $0xC00  }
0x155: {  	[spmem:s2] =	stream.indirect.scatter.add.f32 [tilespmem:s17], [sflag:$0x3], $0x80, s26, s16, $0xb8;
	[tilespmem:$0x1D000] =	vst v63  }
0x156: {  	_ =	swait.ge [sflag:s14], $0x4000  }
0x157: {  	[sflag:s14] =	ssyncset.done $0x0  }
0x158: {  	[sflag:s14] =	ssyncadd.s32 $0xFFFFC000  }
0x159: {  	_ =	swait.ge [sflag:s20], $0x4000  }
0x15a: {  	[sflag:s20] =	ssyncset.done $0x0  }
0x15b: {  	s1 =	simm.s32 $0x500;
	[sflag:s20] =	ssyncadd.s32 $0xFFFFC000  }
0x15c: {  	[tilespmem:s17], [sflag:$0x1] =	stream.indirect.gather [hbm4b:s5+s16], $0x80, s1, s16, $0xb8;
	[tilespmem:$0x1D000] =	vst v63  }
0x15d: {  	s6 =	simm.s32 $0xC80  }
0x15e: {  	[spmem:s2] =	stream.indirect.scatter.add.f32 [tilespmem:s19], [sflag:$0x3], $0x80, s6, s16, $0xb8;
	[tilespmem:$0x1D000] =	vst v63  }
0x15f: {  	_ =	swait.ge [sflag:s14], $0x4000  }
0x160: {  	[sflag:s14] =	ssyncset.done $0x0  }
0x161: {  	[sflag:s14] =	ssyncadd.s32 $0xFFFFC000  }
0x162: {  	_ =	swait.ge [sflag:s18], $0x4000  }
0x163: {  	[sflag:s18] =	ssyncset.done $0x0  }
0x164: {  	s7 =	simm.s32 $0x580;
	[sflag:s18] =	ssyncadd.s32 $0xFFFFC000  }
0x165: {  	[tilespmem:s19], [sflag:$0x2] =	stream.indirect.gather [hbm4b:s5+s16], $0x80, s7, s16, $0xb8;
	[tilespmem:$0x1D000] =	vst v63  }
0x166: {  	s9 =	simm.s32 $0xD00  }
0x167: {  	[spmem:s2] =	stream.indirect.scatter.add.f32 [tilespmem:s17], [sflag:$0x3], $0x80, s9, s16, $0xb8;
	[tilespmem:$0x1D000] =	vst v63  }
0x168: {  	_ =	swait.ge [sflag:s14], $0x4000  }
0x169: {  	[sflag:s14] =	ssyncset.done $0x0  }
0x16a: {  	[sflag:s14] =	ssyncadd.s32 $0xFFFFC000  }
0x16b: {  	_ =	swait.ge [sflag:s20], $0x4000  }
0x16c: {  	[sflag:s20] =	ssyncset.done $0x0  }
0x16d: {  	s10 =	simm.s32 $0x600;
	[sflag:s20] =	ssyncadd.s32 $0xFFFFC000  }
0x16e: {  	[tilespmem:s17], [sflag:$0x1] =	stream.indirect.gather [hbm4b:s5+s16], $0x80, s10, s16, $0xb8;
	[tilespmem:$0x1D000] =	vst v63  }
0x16f: {  	s11 =	simm.s32 $0xD80  }
0x170: {  	[spmem:s2] =	stream.indirect.scatter.add.f32 [tilespmem:s19], [sflag:$0x3], $0x80, s11, s16, $0xb8;
	[tilespmem:$0x1D000] =	vst v63  }
0x171: {  	_ =	swait.ge [sflag:s14], $0x4000  }
0x172: {  	[sflag:s14] =	ssyncset.done $0x0  }
0x173: {  	[sflag:s14] =	ssyncadd.s32 $0xFFFFC000  }
0x174: {  	_ =	swait.ge [sflag:s18], $0x4000  }
0x175: {  	[sflag:s18] =	ssyncset.done $0x0  }
0x176: {  	s12 =	simm.s32 $0x680;
	[sflag:s18] =	ssyncadd.s32 $0xFFFFC000  }
0x177: {  	[tilespmem:s19], [sflag:$0x2] =	stream.indirect.gather [hbm4b:s5+s16], $0x80, s12, s16, $0xb8;
	[tilespmem:$0x1D000] =	vst v63  }
0x178: {  	s21 =	simm.s32 $0xE00  }
0x179: {  	[spmem:s2] =	stream.indirect.scatter.add.f32 [tilespmem:s17], [sflag:$0x3], $0x80, s21, s16, $0xb8;
	[tilespmem:$0x1D000] =	vst v63  }
0x17a: {  	_ =	swait.ge [sflag:s14], $0x4000  }
0x17b: {  	[sflag:s14] =	ssyncset.done $0x0  }
0x17c: {  	[sflag:s14] =	ssyncadd.s32 $0xFFFFC000  }
0x17d: {  	_ =	swait.ge [sflag:s20], $0x4000  }
0x17e: {  	[sflag:s20] =	ssyncset.done $0x0  }
0x17f: {  	s22 =	simm.s32 $0x700;
	[sflag:s20] =	ssyncadd.s32 $0xFFFFC000  }
0x180: {  	[tilespmem:s17], [sflag:$0x1] =	stream.indirect.gather [hbm4b:s5+s16], $0x80, s22, s16, $0xb8;
	[tilespmem:$0x1D000] =	vst v63  }
0x181: {  	s23 =	simm.s32 $0xE80  }
0x182: {  	[spmem:s2] =	stream.indirect.scatter.add.f32 [tilespmem:s19], [sflag:$0x3], $0x80, s23, s16, $0xb8;
	[tilespmem:$0x1D000] =	vst v63  }
0x183: {  	_ =	swait.ge [sflag:s14], $0x4000  }
0x184: {  	[sflag:s14] =	ssyncset.done $0x0  }
0x185: {  	[sflag:s14] =	ssyncadd.s32 $0xFFFFC000  }
0x186: {  	_ =	swait.ge [sflag:s18], $0x4000  }
0x187: {  	[sflag:s18] =	ssyncset.done $0x0  }
0x188: {  	s24 =	simm.s32 $0x780;
	[sflag:s18] =	ssyncadd.s32 $0xFFFFC000  }
0x189: {  	[tilespmem:s19], [sflag:$0x2] =	stream.indirect.gather [hbm4b:s5+s16], $0x80, s24, s16, $0xb8;
	[tilespmem:$0x1D000] =	vst v63  }
0x18a: {  	s25 =	simm.s32 $0xF00  }
0x18b: {  	[spmem:s2] =	stream.indirect.scatter.add.f32 [tilespmem:s17], [sflag:$0x3], $0x80, s25, s16, $0xb8;
	[tilespmem:$0x1D000] =	vst v63  }
0x18c: {  	s31 =	simm.s32 $0xB80;
	s28 =	simm.s32 $0x380;
	_ =	swait.ge [sflag:s14], $0x4000  }
0x18d: {  	s29 =	simm.s32 $0xB00;
	s30 =	simm.s32 $0x400;
	[sflag:s14] =	ssyncset.done $0x0  }
0x18e: {  	s0 =	simm.s32 $0x480;
	s26 =	simm.s32 $0xF80;
	[sflag:s14] =	ssyncadd.s32 $0xFFFFC000  }
0x18f: {  	s1 =	simm.s32 $0x100;
	s7 =	simm.s32 $0x200;
	_ =	swait.ge [sflag:s20], $0x4000  }
0x190: {  	s11 =	simm.s32 $0x180;
	s12 =	simm.s32 $0x900;
	[sflag:s20] =	ssyncset.done $0x0  }
0x191: {  	s21 =	simm.s32 $0x200;
	s22 =	simm.s32 $0x980;
	[sflag:s20] =	ssyncadd.s32 $0xFFFFC000  }
0x192: {  	[spmem:s2] =	stream.indirect.scatter.add.f32 [tilespmem:s19], [sflag:$0x3], $0x80, s26, s16, $0xb8;
	[tilespmem:$0x1D000] =	vst v63  }
0x193: {  	s23 =	simm.s32 $0x280;
	s24 =	simm.s32 $0xA00;
	_ =	swait.ge [sflag:s14], $0x4000  }
0x194: {  	s25 =	simm.s32 $0x300;
	s26 =	simm.s32 $0xA80;
	[sflag:s14] =	ssyncset.done $0x0  }
.LBB2_6:
0x195: {  	s9 =	sadd.s32 s1, s13  }
0x196: {  	[sflag:s14] =	ssyncadd.s32 $0xFFFFC000;
	s10 =	smov.u32 s7;
	s6 =	sadd.s32 $0x100, s7  }
0x197: {  	[tilespmem:s3], [sflag:$0x3] =	stream.linear.gather [hbm4b:s9+s3], $0x800, $0x38;
	[tilespmem:$0x1D000] =	vst v63  }
0x198: {  	s9 =	simm.s32 $0x100  }
0x199: {  	p1 =	sne.s32 s7, $0x900;
	_ =	swait.ge [sflag:s14], $0x800  }
0x19a: {  	s7 =	sadd.s32 s1, s8;
	[sflag:s14] =	ssyncset.done $0x0  }
0x19b: {  	s1 =	smov.u32 s10;
	s10 =	simm.s32 $0x880;
	[sflag:s14] =	ssyncadd.s32 $0xFFFFF800  }
0x19c: {  	[tilespmem:s15], [sflag:$0x3] =	stream.linear.gather [hbm4b:s7+s3], $0x800, $0x38;
	[tilespmem:$0x1D000] =	vst v63  }
0x19d: {  	_ =	swait.ge [sflag:s14], $0x800  }
0x19e: {  	[sflag:s14] =	ssyncset.done $0x0  }
0x19f: {  	[sflag:s14] =	ssyncadd.s32 $0xFFFFF800  }
0x1a0: {  	[tilespmem:s17], [sflag:$0x1] =	stream.indirect.gather [hbm4b:s5+s16], $0x80, s3, s16, $0xb8;
	[tilespmem:$0x1D000] =	vst v63  }
0x1a1: {  	_ =	swait.ge [sflag:s18], $0x4000  }
0x1a2: {  	[sflag:s18] =	ssyncset.done $0x0  }
0x1a3: {  	[sflag:s18] =	ssyncadd.s32 $0xFFFFC000  }
0x1a4: {  	[tilespmem:s19], [sflag:$0x2] =	stream.indirect.gather [hbm4b:s5+s16], $0x80, s16, s16, $0xb8;
	[tilespmem:$0x1D000] =	vst v63  }
0x1a5: {  	_ = 	snop  }
0x1a6: {  	[spmem:s2] =	stream.indirect.scatter.add.f32 [tilespmem:s17], [sflag:$0x3], $0x80, s15, s16, $0xb8;
	[tilespmem:$0x1D000] =	vst v63  }
0x1a7: {  	_ =	swait.ge [sflag:s14], $0x4000  }
0x1a8: {  	[sflag:s14] =	ssyncset.done $0x0  }
0x1a9: {  	[sflag:s14] =	ssyncadd.s32 $0xFFFFC000  }
0x1aa: {  	_ =	swait.ge [sflag:s20], $0x4000  }
0x1ab: {  	[sflag:s20] =	ssyncset.done $0x0  }
0x1ac: {  	[sflag:s20] =	ssyncadd.s32 $0xFFFFC000  }
0x1ad: {  	[tilespmem:s17], [sflag:$0x1] =	stream.indirect.gather [hbm4b:s5+s16], $0x80, s9, s16, $0xb8;
	[tilespmem:$0x1D000] =	vst v63  }
0x1ae: {  	_ = 	snop  }
0x1af: {  	[spmem:s2] =	stream.indirect.scatter.add.f32 [tilespmem:s19], [sflag:$0x3], $0x80, s10, s16, $0xb8;
	[tilespmem:$0x1D000] =	vst v63  }
0x1b0: {  	_ =	swait.ge [sflag:s14], $0x4000  }
0x1b1: {  	[sflag:s14] =	ssyncset.done $0x0  }
0x1b2: {  	[sflag:s14] =	ssyncadd.s32 $0xFFFFC000  }
0x1b3: {  	_ =	swait.ge [sflag:s18], $0x4000  }
0x1b4: {  	[sflag:s18] =	ssyncset.done $0x0  }
0x1b5: {  	[sflag:s18] =	ssyncadd.s32 $0xFFFFC000  }
0x1b6: {  	[tilespmem:s19], [sflag:$0x2] =	stream.indirect.gather [hbm4b:s5+s16], $0x80, s11, s16, $0xb8;
	[tilespmem:$0x1D000] =	vst v63  }
0x1b7: {  	_ = 	snop  }
0x1b8: {  	[spmem:s2] =	stream.indirect.scatter.add.f32 [tilespmem:s17], [sflag:$0x3], $0x80, s12, s16, $0xb8;
	[tilespmem:$0x1D000] =	vst v63  }
0x1b9: {  	_ =	swait.ge [sflag:s14], $0x4000  }
0x1ba: {  	[sflag:s14] =	ssyncset.done $0x0  }
0x1bb: {  	[sflag:s14] =	ssyncadd.s32 $0xFFFFC000  }
0x1bc: {  	_ =	swait.ge [sflag:s20], $0x4000  }
0x1bd: {  	[sflag:s20] =	ssyncset.done $0x0  }
0x1be: {  	[sflag:s20] =	ssyncadd.s32 $0xFFFFC000  }
0x1bf: {  	[tilespmem:s17], [sflag:$0x1] =	stream.indirect.gather [hbm4b:s5+s16], $0x80, s21, s16, $0xb8;
	[tilespmem:$0x1D000] =	vst v63  }
0x1c0: {  	_ = 	snop  }
0x1c1: {  	[spmem:s2] =	stream.indirect.scatter.add.f32 [tilespmem:s19], [sflag:$0x3], $0x80, s22, s16, $0xb8;
	[tilespmem:$0x1D000] =	vst v63  }
0x1c2: {  	_ =	swait.ge [sflag:s14], $0x4000  }
0x1c3: {  	[sflag:s14] =	ssyncset.done $0x0  }
0x1c4: {  	[sflag:s14] =	ssyncadd.s32 $0xFFFFC000  }
0x1c5: {  	_ =	swait.ge [sflag:s18], $0x4000  }
0x1c6: {  	[sflag:s18] =	ssyncset.done $0x0  }
0x1c7: {  	[sflag:s18] =	ssyncadd.s32 $0xFFFFC000  }
0x1c8: {  	[tilespmem:s19], [sflag:$0x2] =	stream.indirect.gather [hbm4b:s5+s16], $0x80, s23, s16, $0xb8;
	[tilespmem:$0x1D000] =	vst v63  }
0x1c9: {  	_ = 	snop  }
0x1ca: {  	[spmem:s2] =	stream.indirect.scatter.add.f32 [tilespmem:s17], [sflag:$0x3], $0x80, s24, s16, $0xb8;
	[tilespmem:$0x1D000] =	vst v63  }
0x1cb: {  	_ =	swait.ge [sflag:s14], $0x4000  }
0x1cc: {  	[sflag:s14] =	ssyncset.done $0x0  }
0x1cd: {  	[sflag:s14] =	ssyncadd.s32 $0xFFFFC000  }
0x1ce: {  	_ =	swait.ge [sflag:s20], $0x4000  }
0x1cf: {  	[sflag:s20] =	ssyncset.done $0x0  }
0x1d0: {  	[sflag:s20] =	ssyncadd.s32 $0xFFFFC000  }
0x1d1: {  	[tilespmem:s17], [sflag:$0x1] =	stream.indirect.gather [hbm4b:s5+s16], $0x80, s25, s16, $0xb8;
	[tilespmem:$0x1D000] =	vst v63  }
0x1d2: {  	_ = 	snop  }
0x1d3: {  	[spmem:s2] =	stream.indirect.scatter.add.f32 [tilespmem:s19], [sflag:$0x3], $0x80, s26, s16, $0xb8;
	[tilespmem:$0x1D000] =	vst v63  }
0x1d4: {  	_ =	swait.ge [sflag:s14], $0x4000  }
0x1d5: {  	[sflag:s14] =	ssyncset.done $0x0  }
0x1d6: {  	[sflag:s14] =	ssyncadd.s32 $0xFFFFC000  }
0x1d7: {  	_ =	swait.ge [sflag:s18], $0x4000  }
0x1d8: {  	[sflag:s18] =	ssyncset.done $0x0  }
0x1d9: {  	[sflag:s18] =	ssyncadd.s32 $0xFFFFC000  }
0x1da: {  	[tilespmem:s19], [sflag:$0x2] =	stream.indirect.gather [hbm4b:s5+s16], $0x80, s28, s16, $0xb8;
	[tilespmem:$0x1D000] =	vst v63  }
0x1db: {  	_ = 	snop  }
0x1dc: {  	[spmem:s2] =	stream.indirect.scatter.add.f32 [tilespmem:s17], [sflag:$0x3], $0x80, s29, s16, $0xb8;
	[tilespmem:$0x1D000] =	vst v63  }
0x1dd: {  	_ =	swait.ge [sflag:s14], $0x4000  }
0x1de: {  	[sflag:s14] =	ssyncset.done $0x0  }
0x1df: {  	[sflag:s14] =	ssyncadd.s32 $0xFFFFC000  }
0x1e0: {  	_ =	swait.ge [sflag:s20], $0x4000  }
0x1e1: {  	[sflag:s20] =	ssyncset.done $0x0  }
0x1e2: {  	[sflag:s20] =	ssyncadd.s32 $0xFFFFC000  }
0x1e3: {  	[tilespmem:s17], [sflag:$0x1] =	stream.indirect.gather [hbm4b:s5+s16], $0x80, s30, s16, $0xb8;
	[tilespmem:$0x1D000] =	vst v63  }
0x1e4: {  	_ = 	snop  }
0x1e5: {  	[spmem:s2] =	stream.indirect.scatter.add.f32 [tilespmem:s19], [sflag:$0x3], $0x80, s31, s16, $0xb8;
	[tilespmem:$0x1D000] =	vst v63  }
0x1e6: {  	_ =	swait.ge [sflag:s14], $0x4000  }
0x1e7: {  	[sflag:s14] =	ssyncset.done $0x0  }
0x1e8: {  	[sflag:s14] =	ssyncadd.s32 $0xFFFFC000  }
0x1e9: {  	_ =	swait.ge [sflag:s18], $0x4000  }
0x1ea: {  	[sflag:s18] =	ssyncset.done $0x0  }
0x1eb: {  	[sflag:s18] =	ssyncadd.s32 $0xFFFFC000  }
0x1ec: {  	[tilespmem:s19], [sflag:$0x2] =	stream.indirect.gather [hbm4b:s5+s16], $0x80, s0, s16, $0xb8;
	[tilespmem:$0x1D000] =	vst v63  }
0x1ed: {  	s7 =	simm.s32 $0xC00  }
0x1ee: {  	[spmem:s2] =	stream.indirect.scatter.add.f32 [tilespmem:s17], [sflag:$0x3], $0x80, s7, s16, $0xb8;
	[tilespmem:$0x1D000] =	vst v63  }
0x1ef: {  	_ =	swait.ge [sflag:s14], $0x4000  }
0x1f0: {  	[sflag:s14] =	ssyncset.done $0x0  }
0x1f1: {  	[sflag:s14] =	ssyncadd.s32 $0xFFFFC000  }
0x1f2: {  	_ =	swait.ge [sflag:s20], $0x4000  }
0x1f3: {  	[sflag:s20] =	ssyncset.done $0x0  }
0x1f4: {  	s7 =	simm.s32 $0x500;
	[sflag:s20] =	ssyncadd.s32 $0xFFFFC000  }
0x1f5: {  	[tilespmem:s17], [sflag:$0x1] =	stream.indirect.gather [hbm4b:s5+s16], $0x80, s7, s16, $0xb8;
	[tilespmem:$0x1D000] =	vst v63  }
0x1f6: {  	s7 =	simm.s32 $0xC80  }
0x1f7: {  	[spmem:s2] =	stream.indirect.scatter.add.f32 [tilespmem:s19], [sflag:$0x3], $0x80, s7, s16, $0xb8;
	[tilespmem:$0x1D000] =	vst v63  }
0x1f8: {  	_ =	swait.ge [sflag:s14], $0x4000  }
0x1f9: {  	[sflag:s14] =	ssyncset.done $0x0  }
0x1fa: {  	[sflag:s14] =	ssyncadd.s32 $0xFFFFC000  }
0x1fb: {  	_ =	swait.ge [sflag:s18], $0x4000  }
0x1fc: {  	[sflag:s18] =	ssyncset.done $0x0  }
0x1fd: {  	s7 =	simm.s32 $0x580;
	[sflag:s18] =	ssyncadd.s32 $0xFFFFC000  }
0x1fe: {  	[tilespmem:s19], [sflag:$0x2] =	stream.indirect.gather [hbm4b:s5+s16], $0x80, s7, s16, $0xb8;
	[tilespmem:$0x1D000] =	vst v63  }
0x1ff: {  	s7 =	simm.s32 $0xD00  }
0x200: {  	[spmem:s2] =	stream.indirect.scatter.add.f32 [tilespmem:s17], [sflag:$0x3], $0x80, s7, s16, $0xb8;
	[tilespmem:$0x1D000] =	vst v63  }
0x201: {  	_ =	swait.ge [sflag:s14], $0x4000  }
0x202: {  	[sflag:s14] =	ssyncset.done $0x0  }
0x203: {  	[sflag:s14] =	ssyncadd.s32 $0xFFFFC000  }
0x204: {  	_ =	swait.ge [sflag:s20], $0x4000  }
0x205: {  	[sflag:s20] =	ssyncset.done $0x0  }
0x206: {  	s7 =	simm.s32 $0x600;
	[sflag:s20] =	ssyncadd.s32 $0xFFFFC000  }
0x207: {  	[tilespmem:s17], [sflag:$0x1] =	stream.indirect.gather [hbm4b:s5+s16], $0x80, s7, s16, $0xb8;
	[tilespmem:$0x1D000] =	vst v63  }
0x208: {  	s7 =	simm.s32 $0xD80  }
0x209: {  	[spmem:s2] =	stream.indirect.scatter.add.f32 [tilespmem:s19], [sflag:$0x3], $0x80, s7, s16, $0xb8;
	[tilespmem:$0x1D000] =	vst v63  }
0x20a: {  	_ =	swait.ge [sflag:s14], $0x4000  }
0x20b: {  	[sflag:s14] =	ssyncset.done $0x0  }
0x20c: {  	[sflag:s14] =	ssyncadd.s32 $0xFFFFC000  }
0x20d: {  	_ =	swait.ge [sflag:s18], $0x4000  }
0x20e: {  	[sflag:s18] =	ssyncset.done $0x0  }
0x20f: {  	s7 =	simm.s32 $0x680;
	[sflag:s18] =	ssyncadd.s32 $0xFFFFC000  }
0x210: {  	[tilespmem:s19], [sflag:$0x2] =	stream.indirect.gather [hbm4b:s5+s16], $0x80, s7, s16, $0xb8;
	[tilespmem:$0x1D000] =	vst v63  }
0x211: {  	s7 =	simm.s32 $0xE00  }
0x212: {  	[spmem:s2] =	stream.indirect.scatter.add.f32 [tilespmem:s17], [sflag:$0x3], $0x80, s7, s16, $0xb8;
	[tilespmem:$0x1D000] =	vst v63  }
0x213: {  	_ =	swait.ge [sflag:s14], $0x4000  }
0x214: {  	[sflag:s14] =	ssyncset.done $0x0  }
0x215: {  	[sflag:s14] =	ssyncadd.s32 $0xFFFFC000  }
0x216: {  	_ =	swait.ge [sflag:s20], $0x4000  }
0x217: {  	[sflag:s20] =	ssyncset.done $0x0  }
0x218: {  	s7 =	simm.s32 $0x700;
	[sflag:s20] =	ssyncadd.s32 $0xFFFFC000  }
0x219: {  	[tilespmem:s17], [sflag:$0x1] =	stream.indirect.gather [hbm4b:s5+s16], $0x80, s7, s16, $0xb8;
	[tilespmem:$0x1D000] =	vst v63  }
0x21a: {  	s7 =	simm.s32 $0xE80  }
0x21b: {  	[spmem:s2] =	stream.indirect.scatter.add.f32 [tilespmem:s19], [sflag:$0x3], $0x80, s7, s16, $0xb8;
	[tilespmem:$0x1D000] =	vst v63  }
0x21c: {  	_ =	swait.ge [sflag:s14], $0x4000  }
0x21d: {  	[sflag:s14] =	ssyncset.done $0x0  }
0x21e: {  	[sflag:s14] =	ssyncadd.s32 $0xFFFFC000  }
0x21f: {  	_ =	swait.ge [sflag:s18], $0x4000  }
0x220: {  	[sflag:s18] =	ssyncset.done $0x0  }
0x221: {  	s7 =	simm.s32 $0x780;
	[sflag:s18] =	ssyncadd.s32 $0xFFFFC000  }
0x222: {  	[tilespmem:s19], [sflag:$0x2] =	stream.indirect.gather [hbm4b:s5+s16], $0x80, s7, s16, $0xb8;
	[tilespmem:$0x1D000] =	vst v63  }
0x223: {  	s7 =	simm.s32 $0xF00  }
0x224: {  	[spmem:s2] =	stream.indirect.scatter.add.f32 [tilespmem:s17], [sflag:$0x3], $0x80, s7, s16, $0xb8;
	[tilespmem:$0x1D000] =	vst v63  }
0x225: {  	_ =	swait.ge [sflag:s14], $0x4000  }
0x226: {  	[sflag:s14] =	ssyncset.done $0x0  }
0x227: {  	[sflag:s14] =	ssyncadd.s32 $0xFFFFC000  }
0x228: {  	_ =	swait.ge [sflag:s20], $0x4000  }
.Ltmp3:
0x229: {  	[sflag:s20] =	ssyncset.done $0x0;
	(pc) =	sbr.rel @p1 .LBB2_6-.Ltmp3, $4  }
0x22a: {  	s7 =	simm.s32 $0xF80;
	[sflag:s20] =	ssyncadd.s32 $0xFFFFC000  }
0x22b: {  	[spmem:s2] =	stream.indirect.scatter.add.f32 [tilespmem:s19], [sflag:$0x3], $0x80, s7, s16, $0xb8;
	[tilespmem:$0x1D000] =	vst v63  }
0x22c: {  	_ =	swait.ge [sflag:s14], $0x4000  }
0x22d: {  	s7 =	smov.u32 s6;
	[sflag:s14] =	ssyncset.done $0x0  }
.Ltmp4:
0x22e: {  	_ = 	snop;
	(pc) =	sbr.rel .LBB2_7-.Ltmp4, $1  }
0x22f: {  	_ =	sdelay $0x3  }
.LBB2_2:
0x230: {  	s1 =	rddreg [dreg:$0x5]  }
0x231: {  	[spmem:s31], [sflag:s6] =	dma.local [hbm:s1], $0x800  }
0x232: {  	_ =	swait.ge [sflag:s14], $0x800  }
0x233: {  	s1 =	rddreg [dreg:$0x6]  }
0x234: {  	[sflag:s14] =	ssyncset.done $0x0;
	s31 =	sshrl.u32 s1, $0x3;
	s1 =	rddreg [dreg:$0x11]  }
0x235: {  	[sflag:s14] =	ssyncadd.s32 $0xFFFFF800;
	[smem:$0x7FA] =	sst s31  }
0x236: {  	[spmem:s31], [sflag:s6] =	dma.local [hbm:s1], $0x800  }
0x237: {  	_ =	swait.ge [sflag:s14], $0x800  }
0x238: {  	s1 =	rddreg [dreg:$0x7]  }
0x239: {  	[sflag:s14] =	ssyncset.done $0x0;
	s31 =	sshrl.u32 s1, $0x3;
	s1 =	rddreg [dreg:$0x14]  }
0x23a: {  	[sflag:s14] =	ssyncadd.s32 $0xFFFFF800;
	[smem:$0x7FB] =	sst s31  }
0x23b: {  	[spmem:s31], [sflag:s6] =	dma.local [hbm:s1], $0x800  }
0x23c: {  	_ =	swait.ge [sflag:s14], $0x800  }
0x23d: {  	s1 =	rddreg [dreg:$0x8]  }
0x23e: {  	[sflag:s14] =	ssyncset.done $0x0;
	s31 =	sshrl.u32 s1, $0x3;
	s1 =	rddreg [dreg:$0x17]  }
0x23f: {  	[sflag:s14] =	ssyncadd.s32 $0xFFFFF800;
	[smem:$0x7FC] =	sst s31  }
0x240: {  	[spmem:s31], [sflag:s6] =	dma.local [hbm:s1], $0x800  }
0x241: {  	_ =	swait.ge [sflag:s14], $0x800  }
0x242: {  	s1 =	rddreg [dreg:$0x9]  }
0x243: {  	[sflag:s14] =	ssyncset.done $0x0;
	s31 =	sshrl.u32 s1, $0x3;
	s1 =	rddreg [dreg:$0x1b]  }
0x244: {  	[sflag:s14] =	ssyncadd.s32 $0xFFFFF800;
	[smem:$0x7FD] =	sst s31  }
0x245: {  	[spmem:s31], [sflag:s6] =	dma.local [hbm:s1], $0x800  }
0x246: {  	_ =	swait.ge [sflag:s14], $0x800  }
0x247: {  	[sflag:s14] =	ssyncset.done $0x0  }
0x248: {  	[sflag:s14] =	ssyncadd.s32 $0xFFFFF800  }
0x249: {  	s6 =	sadd.s32 $0x0, s13;
	[bflag:$0x0] =	sbarrier.arrive $0xFFFF  }
0x24a: {  	[tilespmem:s3], [sflag:$0x3] =	stream.linear.gather [hbm4b:s6+s3], $0x800, $0x38;
	[tilespmem:$0x1D000] =	vst v63  }
0x24b: {  	_ =	swait.ge [sflag:s14], $0x800  }
0x24c: {  	[sflag:s14] =	ssyncset.done $0x0  }
0x24d: {  	s6 =	sadd.s32 $0x0, s8;
	[sflag:s14] =	ssyncadd.s32 $0xFFFFF800  }
0x24e: {  	[tilespmem:s15], [sflag:$0x3] =	stream.linear.gather [hbm4b:s6+s3], $0x800, $0x38;
	[tilespmem:$0x1D000] =	vst v63  }
0x24f: {  	_ =	swait.ge [sflag:s14], $0x800  }
0x250: {  	[sflag:s14] =	ssyncset.done $0x0  }
0x251: {  	[sflag:s14] =	ssyncadd.s32 $0xFFFFF800  }
0x252: {  	[tilespmem:s17], [sflag:$0x1] =	stream.indirect.gather [hbm4b:s4+s16], $0x80, s3, s16, $0xb8;
	[tilespmem:$0x1D000] =	vst v63  }
0x253: {  	_ =	swait.ge [sflag:s18], $0x4000  }
0x254: {  	[sflag:s18] =	ssyncset.done $0x0  }
0x255: {  	[sflag:s18] =	ssyncadd.s32 $0xFFFFC000  }
0x256: {  	[tilespmem:s19], [sflag:$0x2] =	stream.indirect.gather [hbm4b:s4+s16], $0x80, s16, s16, $0xb8;
	[tilespmem:$0x1D000] =	vst v63  }
0x257: {  	_ = 	snop  }
0x258: {  	[spmem:s2] =	stream.indirect.scatter.add.f32 [tilespmem:s17], [sflag:$0x3], $0x80, s15, s16, $0xb8;
	[tilespmem:$0x1D000] =	vst v63  }
0x259: {  	_ =	swait.ge [sflag:s14], $0x4000  }
0x25a: {  	[sflag:s14] =	ssyncset.done $0x0  }
0x25b: {  	[sflag:s14] =	ssyncadd.s32 $0xFFFFC000  }
0x25c: {  	_ =	swait.ge [sflag:s20], $0x4000  }
0x25d: {  	[sflag:s20] =	ssyncset.done $0x0  }
0x25e: {  	[sflag:s20] =	ssyncadd.s32 $0xFFFFC000  }
0x25f: {  	[tilespmem:s17], [sflag:$0x1] =	stream.indirect.gather [hbm4b:s4+s16], $0x80, s9, s16, $0xb8;
	[tilespmem:$0x1D000] =	vst v63  }
0x260: {  	_ = 	snop  }
0x261: {  	[spmem:s2] =	stream.indirect.scatter.add.f32 [tilespmem:s19], [sflag:$0x3], $0x80, s10, s16, $0xb8;
	[tilespmem:$0x1D000] =	vst v63  }
0x262: {  	_ =	swait.ge [sflag:s14], $0x4000  }
0x263: {  	[sflag:s14] =	ssyncset.done $0x0  }
0x264: {  	[sflag:s14] =	ssyncadd.s32 $0xFFFFC000  }
0x265: {  	_ =	swait.ge [sflag:s18], $0x4000  }
0x266: {  	[sflag:s18] =	ssyncset.done $0x0  }
0x267: {  	[sflag:s18] =	ssyncadd.s32 $0xFFFFC000  }
0x268: {  	[tilespmem:s19], [sflag:$0x2] =	stream.indirect.gather [hbm4b:s4+s16], $0x80, s7, s16, $0xb8;
	[tilespmem:$0x1D000] =	vst v63  }
0x269: {  	_ = 	snop  }
0x26a: {  	[spmem:s2] =	stream.indirect.scatter.add.f32 [tilespmem:s17], [sflag:$0x3], $0x80, s11, s16, $0xb8;
	[tilespmem:$0x1D000] =	vst v63  }
0x26b: {  	_ =	swait.ge [sflag:s14], $0x4000  }
0x26c: {  	[sflag:s14] =	ssyncset.done $0x0  }
0x26d: {  	[sflag:s14] =	ssyncadd.s32 $0xFFFFC000  }
0x26e: {  	_ =	swait.ge [sflag:s20], $0x4000  }
0x26f: {  	[sflag:s20] =	ssyncset.done $0x0  }
0x270: {  	[sflag:s20] =	ssyncadd.s32 $0xFFFFC000  }
0x271: {  	[tilespmem:s17], [sflag:$0x1] =	stream.indirect.gather [hbm4b:s4+s16], $0x80, s12, s16, $0xb8;
	[tilespmem:$0x1D000] =	vst v63  }
0x272: {  	_ = 	snop  }
0x273: {  	[spmem:s2] =	stream.indirect.scatter.add.f32 [tilespmem:s19], [sflag:$0x3], $0x80, s21, s16, $0xb8;
	[tilespmem:$0x1D000] =	vst v63  }
0x274: {  	_ =	swait.ge [sflag:s14], $0x4000  }
0x275: {  	[sflag:s14] =	ssyncset.done $0x0  }
0x276: {  	[sflag:s14] =	ssyncadd.s32 $0xFFFFC000  }
0x277: {  	_ =	swait.ge [sflag:s18], $0x4000  }
0x278: {  	[sflag:s18] =	ssyncset.done $0x0  }
0x279: {  	[sflag:s18] =	ssyncadd.s32 $0xFFFFC000  }
0x27a: {  	[tilespmem:s19], [sflag:$0x2] =	stream.indirect.gather [hbm4b:s4+s16], $0x80, s22, s16, $0xb8;
	[tilespmem:$0x1D000] =	vst v63  }
0x27b: {  	_ = 	snop  }
0x27c: {  	[spmem:s2] =	stream.indirect.scatter.add.f32 [tilespmem:s17], [sflag:$0x3], $0x80, s23, s16, $0xb8;
	[tilespmem:$0x1D000] =	vst v63  }
0x27d: {  	_ =	swait.ge [sflag:s14], $0x4000  }
0x27e: {  	[sflag:s14] =	ssyncset.done $0x0  }
0x27f: {  	[sflag:s14] =	ssyncadd.s32 $0xFFFFC000  }
0x280: {  	_ =	swait.ge [sflag:s20], $0x4000  }
0x281: {  	[sflag:s20] =	ssyncset.done $0x0  }
0x282: {  	[sflag:s20] =	ssyncadd.s32 $0xFFFFC000  }
0x283: {  	[tilespmem:s17], [sflag:$0x1] =	stream.indirect.gather [hbm4b:s4+s16], $0x80, s24, s16, $0xb8;
	[tilespmem:$0x1D000] =	vst v63  }
0x284: {  	_ = 	snop  }
0x285: {  	[spmem:s2] =	stream.indirect.scatter.add.f32 [tilespmem:s19], [sflag:$0x3], $0x80, s25, s16, $0xb8;
	[tilespmem:$0x1D000] =	vst v63  }
0x286: {  	_ =	swait.ge [sflag:s14], $0x4000  }
0x287: {  	[sflag:s14] =	ssyncset.done $0x0  }
0x288: {  	[sflag:s14] =	ssyncadd.s32 $0xFFFFC000  }
0x289: {  	_ =	swait.ge [sflag:s18], $0x4000  }
0x28a: {  	[sflag:s18] =	ssyncset.done $0x0  }
0x28b: {  	[sflag:s18] =	ssyncadd.s32 $0xFFFFC000  }
0x28c: {  	[tilespmem:s19], [sflag:$0x2] =	stream.indirect.gather [hbm4b:s4+s16], $0x80, s26, s16, $0xb8;
	[tilespmem:$0x1D000] =	vst v63  }
0x28d: {  	_ = 	snop  }
0x28e: {  	[spmem:s2] =	stream.indirect.scatter.add.f32 [tilespmem:s17], [sflag:$0x3], $0x80, s28, s16, $0xb8;
	[tilespmem:$0x1D000] =	vst v63  }
0x28f: {  	_ =	swait.ge [sflag:s14], $0x4000  }
0x290: {  	[sflag:s14] =	ssyncset.done $0x0  }
0x291: {  	[sflag:s14] =	ssyncadd.s32 $0xFFFFC000  }
0x292: {  	_ =	swait.ge [sflag:s20], $0x4000  }
0x293: {  	[sflag:s20] =	ssyncset.done $0x0  }
0x294: {  	[sflag:s20] =	ssyncadd.s32 $0xFFFFC000  }
0x295: {  	[tilespmem:s17], [sflag:$0x1] =	stream.indirect.gather [hbm4b:s4+s16], $0x80, s29, s16, $0xb8;
	[tilespmem:$0x1D000] =	vst v63  }
0x296: {  	_ = 	snop  }
0x297: {  	[spmem:s2] =	stream.indirect.scatter.add.f32 [tilespmem:s19], [sflag:$0x3], $0x80, s30, s16, $0xb8;
	[tilespmem:$0x1D000] =	vst v63  }
0x298: {  	_ =	swait.ge [sflag:s14], $0x4000  }
0x299: {  	[sflag:s14] =	ssyncset.done $0x0  }
0x29a: {  	[sflag:s14] =	ssyncadd.s32 $0xFFFFC000  }
0x29b: {  	_ =	swait.ge [sflag:s18], $0x4000  }
0x29c: {  	[sflag:s18] =	ssyncset.done $0x0  }
0x29d: {  	[sflag:s18] =	ssyncadd.s32 $0xFFFFC000  }
0x29e: {  	[tilespmem:s19], [sflag:$0x2] =	stream.indirect.gather [hbm4b:s4+s16], $0x80, s0, s16, $0xb8;
	[tilespmem:$0x1D000] =	vst v63  }
0x29f: {  	s26 =	simm.s32 $0xC00  }
0x2a0: {  	[spmem:s2] =	stream.indirect.scatter.add.f32 [tilespmem:s17], [sflag:$0x3], $0x80, s26, s16, $0xb8;
	[tilespmem:$0x1D000] =	vst v63  }
0x2a1: {  	_ =	swait.ge [sflag:s14], $0x4000  }
0x2a2: {  	[sflag:s14] =	ssyncset.done $0x0  }
0x2a3: {  	[sflag:s14] =	ssyncadd.s32 $0xFFFFC000  }
0x2a4: {  	_ =	swait.ge [sflag:s20], $0x4000  }
0x2a5: {  	[sflag:s20] =	ssyncset.done $0x0  }
0x2a6: {  	s1 =	simm.s32 $0x500;
	[sflag:s20] =	ssyncadd.s32 $0xFFFFC000  }
0x2a7: {  	[tilespmem:s17], [sflag:$0x1] =	stream.indirect.gather [hbm4b:s4+s16], $0x80, s1, s16, $0xb8;
	[tilespmem:$0x1D000] =	vst v63  }
0x2a8: {  	s6 =	simm.s32 $0xC80  }
0x2a9: {  	[spmem:s2] =	stream.indirect.scatter.add.f32 [tilespmem:s19], [sflag:$0x3], $0x80, s6, s16, $0xb8;
	[tilespmem:$0x1D000] =	vst v63  }
0x2aa: {  	_ =	swait.ge [sflag:s14], $0x4000  }
0x2ab: {  	[sflag:s14] =	ssyncset.done $0x0  }
0x2ac: {  	[sflag:s14] =	ssyncadd.s32 $0xFFFFC000  }
0x2ad: {  	_ =	swait.ge [sflag:s18], $0x4000  }
0x2ae: {  	[sflag:s18] =	ssyncset.done $0x0  }
0x2af: {  	s7 =	simm.s32 $0x580;
	[sflag:s18] =	ssyncadd.s32 $0xFFFFC000  }
0x2b0: {  	[tilespmem:s19], [sflag:$0x2] =	stream.indirect.gather [hbm4b:s4+s16], $0x80, s7, s16, $0xb8;
	[tilespmem:$0x1D000] =	vst v63  }
0x2b1: {  	s9 =	simm.s32 $0xD00  }
0x2b2: {  	[spmem:s2] =	stream.indirect.scatter.add.f32 [tilespmem:s17], [sflag:$0x3], $0x80, s9, s16, $0xb8;
	[tilespmem:$0x1D000] =	vst v63  }
0x2b3: {  	_ =	swait.ge [sflag:s14], $0x4000  }
0x2b4: {  	[sflag:s14] =	ssyncset.done $0x0  }
0x2b5: {  	[sflag:s14] =	ssyncadd.s32 $0xFFFFC000  }
0x2b6: {  	_ =	swait.ge [sflag:s20], $0x4000  }
0x2b7: {  	[sflag:s20] =	ssyncset.done $0x0  }
0x2b8: {  	s10 =	simm.s32 $0x600;
	[sflag:s20] =	ssyncadd.s32 $0xFFFFC000  }
0x2b9: {  	[tilespmem:s17], [sflag:$0x1] =	stream.indirect.gather [hbm4b:s4+s16], $0x80, s10, s16, $0xb8;
	[tilespmem:$0x1D000] =	vst v63  }
0x2ba: {  	s11 =	simm.s32 $0xD80  }
0x2bb: {  	[spmem:s2] =	stream.indirect.scatter.add.f32 [tilespmem:s19], [sflag:$0x3], $0x80, s11, s16, $0xb8;
	[tilespmem:$0x1D000] =	vst v63  }
0x2bc: {  	_ =	swait.ge [sflag:s14], $0x4000  }
0x2bd: {  	[sflag:s14] =	ssyncset.done $0x0  }
0x2be: {  	[sflag:s14] =	ssyncadd.s32 $0xFFFFC000  }
0x2bf: {  	_ =	swait.ge [sflag:s18], $0x4000  }
0x2c0: {  	[sflag:s18] =	ssyncset.done $0x0  }
0x2c1: {  	s12 =	simm.s32 $0x680;
	[sflag:s18] =	ssyncadd.s32 $0xFFFFC000  }
0x2c2: {  	[tilespmem:s19], [sflag:$0x2] =	stream.indirect.gather [hbm4b:s4+s16], $0x80, s12, s16, $0xb8;
	[tilespmem:$0x1D000] =	vst v63  }
0x2c3: {  	s21 =	simm.s32 $0xE00  }
0x2c4: {  	[spmem:s2] =	stream.indirect.scatter.add.f32 [tilespmem:s17], [sflag:$0x3], $0x80, s21, s16, $0xb8;
	[tilespmem:$0x1D000] =	vst v63  }
0x2c5: {  	_ =	swait.ge [sflag:s14], $0x4000  }
0x2c6: {  	[sflag:s14] =	ssyncset.done $0x0  }
0x2c7: {  	[sflag:s14] =	ssyncadd.s32 $0xFFFFC000  }
0x2c8: {  	_ =	swait.ge [sflag:s20], $0x4000  }
0x2c9: {  	[sflag:s20] =	ssyncset.done $0x0  }
0x2ca: {  	s22 =	simm.s32 $0x700;
	[sflag:s20] =	ssyncadd.s32 $0xFFFFC000  }
0x2cb: {  	[tilespmem:s17], [sflag:$0x1] =	stream.indirect.gather [hbm4b:s4+s16], $0x80, s22, s16, $0xb8;
	[tilespmem:$0x1D000] =	vst v63  }
0x2cc: {  	s23 =	simm.s32 $0xE80  }
0x2cd: {  	[spmem:s2] =	stream.indirect.scatter.add.f32 [tilespmem:s19], [sflag:$0x3], $0x80, s23, s16, $0xb8;
	[tilespmem:$0x1D000] =	vst v63  }
0x2ce: {  	_ =	swait.ge [sflag:s14], $0x4000  }
0x2cf: {  	[sflag:s14] =	ssyncset.done $0x0  }
0x2d0: {  	[sflag:s14] =	ssyncadd.s32 $0xFFFFC000  }
0x2d1: {  	_ =	swait.ge [sflag:s18], $0x4000  }
0x2d2: {  	[sflag:s18] =	ssyncset.done $0x0  }
0x2d3: {  	s24 =	simm.s32 $0x780;
	[sflag:s18] =	ssyncadd.s32 $0xFFFFC000  }
0x2d4: {  	[tilespmem:s19], [sflag:$0x2] =	stream.indirect.gather [hbm4b:s4+s16], $0x80, s24, s16, $0xb8;
	[tilespmem:$0x1D000] =	vst v63  }
0x2d5: {  	s25 =	simm.s32 $0xF00  }
0x2d6: {  	[spmem:s2] =	stream.indirect.scatter.add.f32 [tilespmem:s17], [sflag:$0x3], $0x80, s25, s16, $0xb8;
	[tilespmem:$0x1D000] =	vst v63  }
0x2d7: {  	s31 =	simm.s32 $0xB80;
	s28 =	simm.s32 $0x380;
	_ =	swait.ge [sflag:s14], $0x4000  }
0x2d8: {  	s29 =	simm.s32 $0xB00;
	s30 =	simm.s32 $0x400;
	[sflag:s14] =	ssyncset.done $0x0  }
0x2d9: {  	s0 =	simm.s32 $0x480;
	s26 =	simm.s32 $0xF80;
	[sflag:s14] =	ssyncadd.s32 $0xFFFFC000  }
0x2da: {  	s1 =	simm.s32 $0x100;
	s6 =	simm.s32 $0x200;
	_ =	swait.ge [sflag:s20], $0x4000  }
0x2db: {  	s11 =	simm.s32 $0x180;
	s12 =	simm.s32 $0x900;
	[sflag:s20] =	ssyncset.done $0x0  }
0x2dc: {  	s21 =	simm.s32 $0x200;
	s22 =	simm.s32 $0x980;
	[sflag:s20] =	ssyncadd.s32 $0xFFFFC000  }
0x2dd: {  	[spmem:s2] =	stream.indirect.scatter.add.f32 [tilespmem:s19], [sflag:$0x3], $0x80, s26, s16, $0xb8;
	[tilespmem:$0x1D000] =	vst v63  }
0x2de: {  	s23 =	simm.s32 $0x280;
	s24 =	simm.s32 $0xA00;
	_ =	swait.ge [sflag:s14], $0x4000  }
0x2df: {  	s25 =	simm.s32 $0x300;
	s26 =	simm.s32 $0xA80;
	[sflag:s14] =	ssyncset.done $0x0  }
.LBB2_3:
0x2e0: {  	s9 =	sadd.s32 s1, s13  }
0x2e1: {  	[sflag:s14] =	ssyncadd.s32 $0xFFFFC000;
	s10 =	smov.u32 s6;
	s7 =	sadd.s32 $0x100, s6  }
0x2e2: {  	[tilespmem:s3], [sflag:$0x3] =	stream.linear.gather [hbm4b:s9+s3], $0x800, $0x38;
	[tilespmem:$0x1D000] =	vst v63  }
0x2e3: {  	s9 =	simm.s32 $0x100  }
0x2e4: {  	p1 =	sne.s32 s6, $0x900;
	_ =	swait.ge [sflag:s14], $0x800  }
0x2e5: {  	s6 =	sadd.s32 s1, s8;
	[sflag:s14] =	ssyncset.done $0x0  }
0x2e6: {  	s1 =	smov.u32 s10;
	s10 =	simm.s32 $0x880;
	[sflag:s14] =	ssyncadd.s32 $0xFFFFF800  }
0x2e7: {  	[tilespmem:s15], [sflag:$0x3] =	stream.linear.gather [hbm4b:s6+s3], $0x800, $0x38;
	[tilespmem:$0x1D000] =	vst v63  }
0x2e8: {  	_ =	swait.ge [sflag:s14], $0x800  }
0x2e9: {  	[sflag:s14] =	ssyncset.done $0x0  }
0x2ea: {  	[sflag:s14] =	ssyncadd.s32 $0xFFFFF800  }
0x2eb: {  	[tilespmem:s17], [sflag:$0x1] =	stream.indirect.gather [hbm4b:s4+s16], $0x80, s3, s16, $0xb8;
	[tilespmem:$0x1D000] =	vst v63  }
0x2ec: {  	_ =	swait.ge [sflag:s18], $0x4000  }
0x2ed: {  	[sflag:s18] =	ssyncset.done $0x0  }
0x2ee: {  	[sflag:s18] =	ssyncadd.s32 $0xFFFFC000  }
0x2ef: {  	[tilespmem:s19], [sflag:$0x2] =	stream.indirect.gather [hbm4b:s4+s16], $0x80, s16, s16, $0xb8;
	[tilespmem:$0x1D000] =	vst v63  }
0x2f0: {  	_ = 	snop  }
0x2f1: {  	[spmem:s2] =	stream.indirect.scatter.add.f32 [tilespmem:s17], [sflag:$0x3], $0x80, s15, s16, $0xb8;
	[tilespmem:$0x1D000] =	vst v63  }
0x2f2: {  	_ =	swait.ge [sflag:s14], $0x4000  }
0x2f3: {  	[sflag:s14] =	ssyncset.done $0x0  }
0x2f4: {  	[sflag:s14] =	ssyncadd.s32 $0xFFFFC000  }
0x2f5: {  	_ =	swait.ge [sflag:s20], $0x4000  }
0x2f6: {  	[sflag:s20] =	ssyncset.done $0x0  }
0x2f7: {  	[sflag:s20] =	ssyncadd.s32 $0xFFFFC000  }
0x2f8: {  	[tilespmem:s17], [sflag:$0x1] =	stream.indirect.gather [hbm4b:s4+s16], $0x80, s9, s16, $0xb8;
	[tilespmem:$0x1D000] =	vst v63  }
0x2f9: {  	_ = 	snop  }
0x2fa: {  	[spmem:s2] =	stream.indirect.scatter.add.f32 [tilespmem:s19], [sflag:$0x3], $0x80, s10, s16, $0xb8;
	[tilespmem:$0x1D000] =	vst v63  }
0x2fb: {  	_ =	swait.ge [sflag:s14], $0x4000  }
0x2fc: {  	[sflag:s14] =	ssyncset.done $0x0  }
0x2fd: {  	[sflag:s14] =	ssyncadd.s32 $0xFFFFC000  }
0x2fe: {  	_ =	swait.ge [sflag:s18], $0x4000  }
0x2ff: {  	[sflag:s18] =	ssyncset.done $0x0  }
0x300: {  	[sflag:s18] =	ssyncadd.s32 $0xFFFFC000  }
0x301: {  	[tilespmem:s19], [sflag:$0x2] =	stream.indirect.gather [hbm4b:s4+s16], $0x80, s11, s16, $0xb8;
	[tilespmem:$0x1D000] =	vst v63  }
0x302: {  	_ = 	snop  }
0x303: {  	[spmem:s2] =	stream.indirect.scatter.add.f32 [tilespmem:s17], [sflag:$0x3], $0x80, s12, s16, $0xb8;
	[tilespmem:$0x1D000] =	vst v63  }
0x304: {  	_ =	swait.ge [sflag:s14], $0x4000  }
0x305: {  	[sflag:s14] =	ssyncset.done $0x0  }
0x306: {  	[sflag:s14] =	ssyncadd.s32 $0xFFFFC000  }
0x307: {  	_ =	swait.ge [sflag:s20], $0x4000  }
0x308: {  	[sflag:s20] =	ssyncset.done $0x0  }
0x309: {  	[sflag:s20] =	ssyncadd.s32 $0xFFFFC000  }
0x30a: {  	[tilespmem:s17], [sflag:$0x1] =	stream.indirect.gather [hbm4b:s4+s16], $0x80, s21, s16, $0xb8;
	[tilespmem:$0x1D000] =	vst v63  }
0x30b: {  	_ = 	snop  }
0x30c: {  	[spmem:s2] =	stream.indirect.scatter.add.f32 [tilespmem:s19], [sflag:$0x3], $0x80, s22, s16, $0xb8;
	[tilespmem:$0x1D000] =	vst v63  }
0x30d: {  	_ =	swait.ge [sflag:s14], $0x4000  }
0x30e: {  	[sflag:s14] =	ssyncset.done $0x0  }
0x30f: {  	[sflag:s14] =	ssyncadd.s32 $0xFFFFC000  }
0x310: {  	_ =	swait.ge [sflag:s18], $0x4000  }
0x311: {  	[sflag:s18] =	ssyncset.done $0x0  }
0x312: {  	[sflag:s18] =	ssyncadd.s32 $0xFFFFC000  }
0x313: {  	[tilespmem:s19], [sflag:$0x2] =	stream.indirect.gather [hbm4b:s4+s16], $0x80, s23, s16, $0xb8;
	[tilespmem:$0x1D000] =	vst v63  }
0x314: {  	_ = 	snop  }
0x315: {  	[spmem:s2] =	stream.indirect.scatter.add.f32 [tilespmem:s17], [sflag:$0x3], $0x80, s24, s16, $0xb8;
	[tilespmem:$0x1D000] =	vst v63  }
0x316: {  	_ =	swait.ge [sflag:s14], $0x4000  }
0x317: {  	[sflag:s14] =	ssyncset.done $0x0  }
0x318: {  	[sflag:s14] =	ssyncadd.s32 $0xFFFFC000  }
0x319: {  	_ =	swait.ge [sflag:s20], $0x4000  }
0x31a: {  	[sflag:s20] =	ssyncset.done $0x0  }
0x31b: {  	[sflag:s20] =	ssyncadd.s32 $0xFFFFC000  }
0x31c: {  	[tilespmem:s17], [sflag:$0x1] =	stream.indirect.gather [hbm4b:s4+s16], $0x80, s25, s16, $0xb8;
	[tilespmem:$0x1D000] =	vst v63  }
0x31d: {  	_ = 	snop  }
0x31e: {  	[spmem:s2] =	stream.indirect.scatter.add.f32 [tilespmem:s19], [sflag:$0x3], $0x80, s26, s16, $0xb8;
	[tilespmem:$0x1D000] =	vst v63  }
0x31f: {  	_ =	swait.ge [sflag:s14], $0x4000  }
0x320: {  	[sflag:s14] =	ssyncset.done $0x0  }
0x321: {  	[sflag:s14] =	ssyncadd.s32 $0xFFFFC000  }
0x322: {  	_ =	swait.ge [sflag:s18], $0x4000  }
0x323: {  	[sflag:s18] =	ssyncset.done $0x0  }
0x324: {  	[sflag:s18] =	ssyncadd.s32 $0xFFFFC000  }
0x325: {  	[tilespmem:s19], [sflag:$0x2] =	stream.indirect.gather [hbm4b:s4+s16], $0x80, s28, s16, $0xb8;
	[tilespmem:$0x1D000] =	vst v63  }
0x326: {  	_ = 	snop  }
0x327: {  	[spmem:s2] =	stream.indirect.scatter.add.f32 [tilespmem:s17], [sflag:$0x3], $0x80, s29, s16, $0xb8;
	[tilespmem:$0x1D000] =	vst v63  }
0x328: {  	_ =	swait.ge [sflag:s14], $0x4000  }
0x329: {  	[sflag:s14] =	ssyncset.done $0x0  }
0x32a: {  	[sflag:s14] =	ssyncadd.s32 $0xFFFFC000  }
0x32b: {  	_ =	swait.ge [sflag:s20], $0x4000  }
0x32c: {  	[sflag:s20] =	ssyncset.done $0x0  }
0x32d: {  	[sflag:s20] =	ssyncadd.s32 $0xFFFFC000  }
0x32e: {  	[tilespmem:s17], [sflag:$0x1] =	stream.indirect.gather [hbm4b:s4+s16], $0x80, s30, s16, $0xb8;
	[tilespmem:$0x1D000] =	vst v63  }
0x32f: {  	_ = 	snop  }
0x330: {  	[spmem:s2] =	stream.indirect.scatter.add.f32 [tilespmem:s19], [sflag:$0x3], $0x80, s31, s16, $0xb8;
	[tilespmem:$0x1D000] =	vst v63  }
0x331: {  	_ =	swait.ge [sflag:s14], $0x4000  }
0x332: {  	[sflag:s14] =	ssyncset.done $0x0  }
0x333: {  	[sflag:s14] =	ssyncadd.s32 $0xFFFFC000  }
0x334: {  	_ =	swait.ge [sflag:s18], $0x4000  }
0x335: {  	[sflag:s18] =	ssyncset.done $0x0  }
0x336: {  	[sflag:s18] =	ssyncadd.s32 $0xFFFFC000  }
0x337: {  	[tilespmem:s19], [sflag:$0x2] =	stream.indirect.gather [hbm4b:s4+s16], $0x80, s0, s16, $0xb8;
	[tilespmem:$0x1D000] =	vst v63  }
0x338: {  	s6 =	simm.s32 $0xC00  }
0x339: {  	[spmem:s2] =	stream.indirect.scatter.add.f32 [tilespmem:s17], [sflag:$0x3], $0x80, s6, s16, $0xb8;
	[tilespmem:$0x1D000] =	vst v63  }
0x33a: {  	_ =	swait.ge [sflag:s14], $0x4000  }
0x33b: {  	[sflag:s14] =	ssyncset.done $0x0  }
0x33c: {  	[sflag:s14] =	ssyncadd.s32 $0xFFFFC000  }
0x33d: {  	_ =	swait.ge [sflag:s20], $0x4000  }
0x33e: {  	[sflag:s20] =	ssyncset.done $0x0  }
0x33f: {  	s6 =	simm.s32 $0x500;
	[sflag:s20] =	ssyncadd.s32 $0xFFFFC000  }
0x340: {  	[tilespmem:s17], [sflag:$0x1] =	stream.indirect.gather [hbm4b:s4+s16], $0x80, s6, s16, $0xb8;
	[tilespmem:$0x1D000] =	vst v63  }
0x341: {  	s6 =	simm.s32 $0xC80  }
0x342: {  	[spmem:s2] =	stream.indirect.scatter.add.f32 [tilespmem:s19], [sflag:$0x3], $0x80, s6, s16, $0xb8;
	[tilespmem:$0x1D000] =	vst v63  }
0x343: {  	_ =	swait.ge [sflag:s14], $0x4000  }
0x344: {  	[sflag:s14] =	ssyncset.done $0x0  }
0x345: {  	[sflag:s14] =	ssyncadd.s32 $0xFFFFC000  }
0x346: {  	_ =	swait.ge [sflag:s18], $0x4000  }
0x347: {  	[sflag:s18] =	ssyncset.done $0x0  }
0x348: {  	s6 =	simm.s32 $0x580;
	[sflag:s18] =	ssyncadd.s32 $0xFFFFC000  }
0x349: {  	[tilespmem:s19], [sflag:$0x2] =	stream.indirect.gather [hbm4b:s4+s16], $0x80, s6, s16, $0xb8;
	[tilespmem:$0x1D000] =	vst v63  }
0x34a: {  	s6 =	simm.s32 $0xD00  }
0x34b: {  	[spmem:s2] =	stream.indirect.scatter.add.f32 [tilespmem:s17], [sflag:$0x3], $0x80, s6, s16, $0xb8;
	[tilespmem:$0x1D000] =	vst v63  }
0x34c: {  	_ =	swait.ge [sflag:s14], $0x4000  }
0x34d: {  	[sflag:s14] =	ssyncset.done $0x0  }
0x34e: {  	[sflag:s14] =	ssyncadd.s32 $0xFFFFC000  }
0x34f: {  	_ =	swait.ge [sflag:s20], $0x4000  }
0x350: {  	[sflag:s20] =	ssyncset.done $0x0  }
0x351: {  	s6 =	simm.s32 $0x600;
	[sflag:s20] =	ssyncadd.s32 $0xFFFFC000  }
0x352: {  	[tilespmem:s17], [sflag:$0x1] =	stream.indirect.gather [hbm4b:s4+s16], $0x80, s6, s16, $0xb8;
	[tilespmem:$0x1D000] =	vst v63  }
0x353: {  	s6 =	simm.s32 $0xD80  }
0x354: {  	[spmem:s2] =	stream.indirect.scatter.add.f32 [tilespmem:s19], [sflag:$0x3], $0x80, s6, s16, $0xb8;
	[tilespmem:$0x1D000] =	vst v63  }
0x355: {  	_ =	swait.ge [sflag:s14], $0x4000  }
0x356: {  	[sflag:s14] =	ssyncset.done $0x0  }
0x357: {  	[sflag:s14] =	ssyncadd.s32 $0xFFFFC000  }
0x358: {  	_ =	swait.ge [sflag:s18], $0x4000  }
0x359: {  	[sflag:s18] =	ssyncset.done $0x0  }
0x35a: {  	s6 =	simm.s32 $0x680;
	[sflag:s18] =	ssyncadd.s32 $0xFFFFC000  }
0x35b: {  	[tilespmem:s19], [sflag:$0x2] =	stream.indirect.gather [hbm4b:s4+s16], $0x80, s6, s16, $0xb8;
	[tilespmem:$0x1D000] =	vst v63  }
0x35c: {  	s6 =	simm.s32 $0xE00  }
0x35d: {  	[spmem:s2] =	stream.indirect.scatter.add.f32 [tilespmem:s17], [sflag:$0x3], $0x80, s6, s16, $0xb8;
	[tilespmem:$0x1D000] =	vst v63  }
0x35e: {  	_ =	swait.ge [sflag:s14], $0x4000  }
0x35f: {  	[sflag:s14] =	ssyncset.done $0x0  }
0x360: {  	[sflag:s14] =	ssyncadd.s32 $0xFFFFC000  }
0x361: {  	_ =	swait.ge [sflag:s20], $0x4000  }
0x362: {  	[sflag:s20] =	ssyncset.done $0x0  }
0x363: {  	s6 =	simm.s32 $0x700;
	[sflag:s20] =	ssyncadd.s32 $0xFFFFC000  }
0x364: {  	[tilespmem:s17], [sflag:$0x1] =	stream.indirect.gather [hbm4b:s4+s16], $0x80, s6, s16, $0xb8;
	[tilespmem:$0x1D000] =	vst v63  }
0x365: {  	s6 =	simm.s32 $0xE80  }
0x366: {  	[spmem:s2] =	stream.indirect.scatter.add.f32 [tilespmem:s19], [sflag:$0x3], $0x80, s6, s16, $0xb8;
	[tilespmem:$0x1D000] =	vst v63  }
0x367: {  	_ =	swait.ge [sflag:s14], $0x4000  }
0x368: {  	[sflag:s14] =	ssyncset.done $0x0  }
0x369: {  	[sflag:s14] =	ssyncadd.s32 $0xFFFFC000  }
0x36a: {  	_ =	swait.ge [sflag:s18], $0x4000  }
0x36b: {  	[sflag:s18] =	ssyncset.done $0x0  }
0x36c: {  	s6 =	simm.s32 $0x780;
	[sflag:s18] =	ssyncadd.s32 $0xFFFFC000  }
0x36d: {  	[tilespmem:s19], [sflag:$0x2] =	stream.indirect.gather [hbm4b:s4+s16], $0x80, s6, s16, $0xb8;
	[tilespmem:$0x1D000] =	vst v63  }
0x36e: {  	s6 =	simm.s32 $0xF00  }
0x36f: {  	[spmem:s2] =	stream.indirect.scatter.add.f32 [tilespmem:s17], [sflag:$0x3], $0x80, s6, s16, $0xb8;
	[tilespmem:$0x1D000] =	vst v63  }
0x370: {  	_ =	swait.ge [sflag:s14], $0x4000  }
0x371: {  	[sflag:s14] =	ssyncset.done $0x0  }
0x372: {  	[sflag:s14] =	ssyncadd.s32 $0xFFFFC000  }
0x373: {  	_ =	swait.ge [sflag:s20], $0x4000  }
.Ltmp5:
0x374: {  	[sflag:s20] =	ssyncset.done $0x0;
	(pc) =	sbr.rel @p1 .LBB2_3-.Ltmp5, $4  }
0x375: {  	s6 =	simm.s32 $0xF80;
	[sflag:s20] =	ssyncadd.s32 $0xFFFFC000  }
0x376: {  	[spmem:s2] =	stream.indirect.scatter.add.f32 [tilespmem:s19], [sflag:$0x3], $0x80, s6, s16, $0xb8;
	[tilespmem:$0x1D000] =	vst v63  }
0x377: {  	_ =	swait.ge [sflag:s14], $0x4000  }
0x378: {  	s6 =	smov.u32 s7;
	[sflag:s14] =	ssyncset.done $0x0  }
0x379: {  	s6 =	sadd.s32 s1, s13;
	[sflag:s14] =	ssyncadd.s32 $0xFFFFC000  }
0x37a: {  	[tilespmem:s3], [sflag:$0x3] =	stream.linear.gather [hbm4b:s6+s3], $0x800, $0x38;
	[tilespmem:$0x1D000] =	vst v63  }
0x37b: {  	_ =	swait.ge [sflag:s14], $0x800  }
0x37c: {  	[sflag:s14] =	ssyncset.done $0x0  }
0x37d: {  	s7 =	sadd.s32 s1, s8;
	[sflag:s14] =	ssyncadd.s32 $0xFFFFF800  }
0x37e: {  	[tilespmem:s15], [sflag:$0x3] =	stream.linear.gather [hbm4b:s7+s3], $0x800, $0x38;
	[tilespmem:$0x1D000] =	vst v63  }
0x37f: {  	_ =	swait.ge [sflag:s14], $0x800  }
0x380: {  	[sflag:s14] =	ssyncset.done $0x0  }
0x381: {  	[sflag:s14] =	ssyncadd.s32 $0xFFFFF800  }
0x382: {  	[tilespmem:s17], [sflag:$0x1] =	stream.indirect.gather [hbm4b:s4+s16], $0x80, s3, s16, $0xb8;
	[tilespmem:$0x1D000] =	vst v63  }
0x383: {  	_ =	swait.ge [sflag:s18], $0x4000  }
0x384: {  	[sflag:s18] =	ssyncset.done $0x0  }
0x385: {  	[sflag:s18] =	ssyncadd.s32 $0xFFFFC000  }
0x386: {  	[tilespmem:s19], [sflag:$0x2] =	stream.indirect.gather [hbm4b:s4+s16], $0x80, s16, s16, $0xb8;
	[tilespmem:$0x1D000] =	vst v63  }
0x387: {  	_ = 	snop  }
0x388: {  	[spmem:s2] =	stream.indirect.scatter.add.f32 [tilespmem:s17], [sflag:$0x3], $0x80, s15, s16, $0xb8;
	[tilespmem:$0x1D000] =	vst v63  }
0x389: {  	_ =	swait.ge [sflag:s14], $0x4000  }
0x38a: {  	[sflag:s14] =	ssyncset.done $0x0  }
0x38b: {  	[sflag:s14] =	ssyncadd.s32 $0xFFFFC000  }
0x38c: {  	_ =	swait.ge [sflag:s20], $0x4000  }
0x38d: {  	[sflag:s20] =	ssyncset.done $0x0  }
0x38e: {  	[sflag:s20] =	ssyncadd.s32 $0xFFFFC000  }
0x38f: {  	[tilespmem:s17], [sflag:$0x1] =	stream.indirect.gather [hbm4b:s4+s16], $0x80, s9, s16, $0xb8;
	[tilespmem:$0x1D000] =	vst v63  }
0x390: {  	_ = 	snop  }
0x391: {  	[spmem:s2] =	stream.indirect.scatter.add.f32 [tilespmem:s19], [sflag:$0x3], $0x80, s10, s16, $0xb8;
	[tilespmem:$0x1D000] =	vst v63  }
0x392: {  	_ =	swait.ge [sflag:s14], $0x4000  }
0x393: {  	[sflag:s14] =	ssyncset.done $0x0  }
0x394: {  	[sflag:s14] =	ssyncadd.s32 $0xFFFFC000  }
0x395: {  	_ =	swait.ge [sflag:s18], $0x4000  }
0x396: {  	[sflag:s18] =	ssyncset.done $0x0  }
0x397: {  	[sflag:s18] =	ssyncadd.s32 $0xFFFFC000  }
0x398: {  	[tilespmem:s19], [sflag:$0x2] =	stream.indirect.gather [hbm4b:s4+s16], $0x80, s11, s16, $0xb8;
	[tilespmem:$0x1D000] =	vst v63  }
0x399: {  	_ = 	snop  }
0x39a: {  	[spmem:s2] =	stream.indirect.scatter.add.f32 [tilespmem:s17], [sflag:$0x3], $0x80, s12, s16, $0xb8;
	[tilespmem:$0x1D000] =	vst v63  }
0x39b: {  	_ =	swait.ge [sflag:s14], $0x4000  }
0x39c: {  	[sflag:s14] =	ssyncset.done $0x0  }
0x39d: {  	[sflag:s14] =	ssyncadd.s32 $0xFFFFC000  }
0x39e: {  	_ =	swait.ge [sflag:s20], $0x4000  }
0x39f: {  	[sflag:s20] =	ssyncset.done $0x0  }
0x3a0: {  	[sflag:s20] =	ssyncadd.s32 $0xFFFFC000  }
0x3a1: {  	[tilespmem:s17], [sflag:$0x1] =	stream.indirect.gather [hbm4b:s4+s16], $0x80, s21, s16, $0xb8;
	[tilespmem:$0x1D000] =	vst v63  }
0x3a2: {  	_ = 	snop  }
0x3a3: {  	[spmem:s2] =	stream.indirect.scatter.add.f32 [tilespmem:s19], [sflag:$0x3], $0x80, s22, s16, $0xb8;
	[tilespmem:$0x1D000] =	vst v63  }
0x3a4: {  	_ =	swait.ge [sflag:s14], $0x4000  }
0x3a5: {  	[sflag:s14] =	ssyncset.done $0x0  }
0x3a6: {  	[sflag:s14] =	ssyncadd.s32 $0xFFFFC000  }
0x3a7: {  	_ =	swait.ge [sflag:s18], $0x4000  }
0x3a8: {  	[sflag:s18] =	ssyncset.done $0x0  }
0x3a9: {  	[sflag:s18] =	ssyncadd.s32 $0xFFFFC000  }
0x3aa: {  	[tilespmem:s19], [sflag:$0x2] =	stream.indirect.gather [hbm4b:s4+s16], $0x80, s23, s16, $0xb8;
	[tilespmem:$0x1D000] =	vst v63  }
0x3ab: {  	_ = 	snop  }
0x3ac: {  	[spmem:s2] =	stream.indirect.scatter.add.f32 [tilespmem:s17], [sflag:$0x3], $0x80, s24, s16, $0xb8;
	[tilespmem:$0x1D000] =	vst v63  }
0x3ad: {  	_ =	swait.ge [sflag:s14], $0x4000  }
0x3ae: {  	[sflag:s14] =	ssyncset.done $0x0  }
0x3af: {  	[sflag:s14] =	ssyncadd.s32 $0xFFFFC000  }
0x3b0: {  	_ =	swait.ge [sflag:s20], $0x4000  }
0x3b1: {  	[sflag:s20] =	ssyncset.done $0x0  }
0x3b2: {  	[sflag:s20] =	ssyncadd.s32 $0xFFFFC000  }
0x3b3: {  	[tilespmem:s17], [sflag:$0x1] =	stream.indirect.gather [hbm4b:s4+s16], $0x80, s25, s16, $0xb8;
	[tilespmem:$0x1D000] =	vst v63  }
0x3b4: {  	_ = 	snop  }
0x3b5: {  	[spmem:s2] =	stream.indirect.scatter.add.f32 [tilespmem:s19], [sflag:$0x3], $0x80, s26, s16, $0xb8;
	[tilespmem:$0x1D000] =	vst v63  }
0x3b6: {  	_ =	swait.ge [sflag:s14], $0x4000  }
0x3b7: {  	[sflag:s14] =	ssyncset.done $0x0  }
0x3b8: {  	[sflag:s14] =	ssyncadd.s32 $0xFFFFC000  }
0x3b9: {  	_ =	swait.ge [sflag:s18], $0x4000  }
0x3ba: {  	[sflag:s18] =	ssyncset.done $0x0  }
0x3bb: {  	[sflag:s18] =	ssyncadd.s32 $0xFFFFC000  }
0x3bc: {  	[tilespmem:s19], [sflag:$0x2] =	stream.indirect.gather [hbm4b:s4+s16], $0x80, s28, s16, $0xb8;
	[tilespmem:$0x1D000] =	vst v63  }
0x3bd: {  	_ = 	snop  }
0x3be: {  	[spmem:s2] =	stream.indirect.scatter.add.f32 [tilespmem:s17], [sflag:$0x3], $0x80, s29, s16, $0xb8;
	[tilespmem:$0x1D000] =	vst v63  }
0x3bf: {  	_ =	swait.ge [sflag:s14], $0x4000  }
0x3c0: {  	[sflag:s14] =	ssyncset.done $0x0  }
0x3c1: {  	[sflag:s14] =	ssyncadd.s32 $0xFFFFC000  }
0x3c2: {  	_ =	swait.ge [sflag:s20], $0x4000  }
0x3c3: {  	[sflag:s20] =	ssyncset.done $0x0  }
0x3c4: {  	[sflag:s20] =	ssyncadd.s32 $0xFFFFC000  }
0x3c5: {  	[tilespmem:s17], [sflag:$0x1] =	stream.indirect.gather [hbm4b:s4+s16], $0x80, s30, s16, $0xb8;
	[tilespmem:$0x1D000] =	vst v63  }
0x3c6: {  	_ = 	snop  }
0x3c7: {  	[spmem:s2] =	stream.indirect.scatter.add.f32 [tilespmem:s19], [sflag:$0x3], $0x80, s31, s16, $0xb8;
	[tilespmem:$0x1D000] =	vst v63  }
0x3c8: {  	_ =	swait.ge [sflag:s14], $0x4000  }
0x3c9: {  	[sflag:s14] =	ssyncset.done $0x0  }
0x3ca: {  	[sflag:s14] =	ssyncadd.s32 $0xFFFFC000  }
0x3cb: {  	_ =	swait.ge [sflag:s18], $0x4000  }
0x3cc: {  	[sflag:s18] =	ssyncset.done $0x0  }
0x3cd: {  	[sflag:s18] =	ssyncadd.s32 $0xFFFFC000  }
0x3ce: {  	[tilespmem:s19], [sflag:$0x2] =	stream.indirect.gather [hbm4b:s4+s16], $0x80, s0, s16, $0xb8;
	[tilespmem:$0x1D000] =	vst v63  }
0x3cf: {  	s31 =	simm.s32 $0xC00  }
0x3d0: {  	[spmem:s2] =	stream.indirect.scatter.add.f32 [tilespmem:s17], [sflag:$0x3], $0x80, s31, s16, $0xb8;
	[tilespmem:$0x1D000] =	vst v63  }
0x3d1: {  	_ =	swait.ge [sflag:s14], $0x4000  }
0x3d2: {  	[sflag:s14] =	ssyncset.done $0x0  }
0x3d3: {  	[sflag:s14] =	ssyncadd.s32 $0xFFFFC000  }
0x3d4: {  	_ =	swait.ge [sflag:s20], $0x4000  }
0x3d5: {  	[sflag:s20] =	ssyncset.done $0x0  }
0x3d6: {  	s1 =	simm.s32 $0x500;
	[sflag:s20] =	ssyncadd.s32 $0xFFFFC000  }
0x3d7: {  	[tilespmem:s17], [sflag:$0x1] =	stream.indirect.gather [hbm4b:s4+s16], $0x80, s1, s16, $0xb8;
	[tilespmem:$0x1D000] =	vst v63  }
0x3d8: {  	s6 =	simm.s32 $0xC80  }
0x3d9: {  	[spmem:s2] =	stream.indirect.scatter.add.f32 [tilespmem:s19], [sflag:$0x3], $0x80, s6, s16, $0xb8;
	[tilespmem:$0x1D000] =	vst v63  }
0x3da: {  	_ =	swait.ge [sflag:s14], $0x4000  }
0x3db: {  	[sflag:s14] =	ssyncset.done $0x0  }
0x3dc: {  	[sflag:s14] =	ssyncadd.s32 $0xFFFFC000  }
0x3dd: {  	_ =	swait.ge [sflag:s18], $0x4000  }
0x3de: {  	[sflag:s18] =	ssyncset.done $0x0  }
0x3df: {  	s7 =	simm.s32 $0x580;
	[sflag:s18] =	ssyncadd.s32 $0xFFFFC000  }
0x3e0: {  	[tilespmem:s19], [sflag:$0x2] =	stream.indirect.gather [hbm4b:s4+s16], $0x80, s7, s16, $0xb8;
	[tilespmem:$0x1D000] =	vst v63  }
0x3e1: {  	s11 =	simm.s32 $0xD00  }
0x3e2: {  	[spmem:s2] =	stream.indirect.scatter.add.f32 [tilespmem:s17], [sflag:$0x3], $0x80, s11, s16, $0xb8;
	[tilespmem:$0x1D000] =	vst v63  }
0x3e3: {  	_ =	swait.ge [sflag:s14], $0x4000  }
0x3e4: {  	[sflag:s14] =	ssyncset.done $0x0  }
0x3e5: {  	[sflag:s14] =	ssyncadd.s32 $0xFFFFC000  }
0x3e6: {  	_ =	swait.ge [sflag:s20], $0x4000  }
0x3e7: {  	[sflag:s20] =	ssyncset.done $0x0  }
0x3e8: {  	s12 =	simm.s32 $0x600;
	[sflag:s20] =	ssyncadd.s32 $0xFFFFC000  }
0x3e9: {  	[tilespmem:s17], [sflag:$0x1] =	stream.indirect.gather [hbm4b:s4+s16], $0x80, s12, s16, $0xb8;
	[tilespmem:$0x1D000] =	vst v63  }
0x3ea: {  	s21 =	simm.s32 $0xD80  }
0x3eb: {  	[spmem:s2] =	stream.indirect.scatter.add.f32 [tilespmem:s19], [sflag:$0x3], $0x80, s21, s16, $0xb8;
	[tilespmem:$0x1D000] =	vst v63  }
0x3ec: {  	_ =	swait.ge [sflag:s14], $0x4000  }
0x3ed: {  	[sflag:s14] =	ssyncset.done $0x0  }
0x3ee: {  	[sflag:s14] =	ssyncadd.s32 $0xFFFFC000  }
0x3ef: {  	_ =	swait.ge [sflag:s18], $0x4000  }
0x3f0: {  	[sflag:s18] =	ssyncset.done $0x0  }
0x3f1: {  	s22 =	simm.s32 $0x680;
	[sflag:s18] =	ssyncadd.s32 $0xFFFFC000  }
0x3f2: {  	[tilespmem:s19], [sflag:$0x2] =	stream.indirect.gather [hbm4b:s4+s16], $0x80, s22, s16, $0xb8;
	[tilespmem:$0x1D000] =	vst v63  }
0x3f3: {  	s23 =	simm.s32 $0xE00  }
0x3f4: {  	[spmem:s2] =	stream.indirect.scatter.add.f32 [tilespmem:s17], [sflag:$0x3], $0x80, s23, s16, $0xb8;
	[tilespmem:$0x1D000] =	vst v63  }
0x3f5: {  	_ =	swait.ge [sflag:s14], $0x4000  }
0x3f6: {  	[sflag:s14] =	ssyncset.done $0x0  }
0x3f7: {  	[sflag:s14] =	ssyncadd.s32 $0xFFFFC000  }
0x3f8: {  	_ =	swait.ge [sflag:s20], $0x4000  }
0x3f9: {  	[sflag:s20] =	ssyncset.done $0x0  }
0x3fa: {  	s24 =	simm.s32 $0x700;
	[sflag:s20] =	ssyncadd.s32 $0xFFFFC000  }
0x3fb: {  	[tilespmem:s17], [sflag:$0x1] =	stream.indirect.gather [hbm4b:s4+s16], $0x80, s24, s16, $0xb8;
	[tilespmem:$0x1D000] =	vst v63  }
0x3fc: {  	s25 =	simm.s32 $0xE80  }
0x3fd: {  	[spmem:s2] =	stream.indirect.scatter.add.f32 [tilespmem:s19], [sflag:$0x3], $0x80, s25, s16, $0xb8;
	[tilespmem:$0x1D000] =	vst v63  }
0x3fe: {  	_ =	swait.ge [sflag:s14], $0x4000  }
0x3ff: {  	[sflag:s14] =	ssyncset.done $0x0  }
0x400: {  	[sflag:s14] =	ssyncadd.s32 $0xFFFFC000  }
0x401: {  	_ =	swait.ge [sflag:s18], $0x4000  }
0x402: {  	[sflag:s18] =	ssyncset.done $0x0  }
0x403: {  	s26 =	simm.s32 $0x780;
	[sflag:s18] =	ssyncadd.s32 $0xFFFFC000  }
0x404: {  	[tilespmem:s19], [sflag:$0x2] =	stream.indirect.gather [hbm4b:s4+s16], $0x80, s26, s16, $0xb8;
	[tilespmem:$0x1D000] =	vst v63  }
0x405: {  	s31 =	simm.s32 $0xF00  }
0x406: {  	[spmem:s2] =	stream.indirect.scatter.add.f32 [tilespmem:s17], [sflag:$0x3], $0x80, s31, s16, $0xb8;
	[tilespmem:$0x1D000] =	vst v63  }
0x407: {  	_ =	swait.ge [sflag:s14], $0x4000  }
0x408: {  	[sflag:s14] =	ssyncset.done $0x0  }
0x409: {  	[sflag:s14] =	ssyncadd.s32 $0xFFFFC000  }
0x40a: {  	_ =	swait.ge [sflag:s20], $0x4000  }
0x40b: {  	[sflag:s20] =	ssyncset.done $0x0  }
0x40c: {  	s1 =	simm.s32 $0xF80;
	[sflag:s20] =	ssyncadd.s32 $0xFFFFC000  }
0x40d: {  	[spmem:s2] =	stream.indirect.scatter.add.f32 [tilespmem:s19], [sflag:$0x3], $0x80, s1, s16, $0xb8;
	[tilespmem:$0x1D000] =	vst v63  }
0x40e: {  	_ =	swait.ge [sflag:s14], $0x4000  }
0x40f: {  	[sflag:s14] =	ssyncset.done $0x0  }
0x410: {  	[sflag:s14] =	ssyncadd.s32 $0xFFFFC000  }
0x411: {  	[bflag:$0x0] =	sbarrier.arrive $0xFFFF  }
0x412: {  	s6 =	rddreg [dreg:$0xa]  }
0x413: {  	s7 =	rddreg [dreg:$0x1e]  }
0x414: {  	s11 =	rddreg [dreg:$0x1f]  }
0x415: {  	[hbm:s6], [sflag:s7] =	dma.local [spmem:s11], $0x800  }
0x416: {  	_ =	swait.ge [sflag:s14], $0x800  }
0x417: {  	s21 =	sld [smem:$0x7FA]  }
0x418: {  	[sflag:s14] =	ssyncset.done $0x0  }
0x419: {  	s12 =	rddreg [dreg:$0xb];
	[sflag:s14] =	ssyncadd.s32 $0xFFFFF800  }
0x41a: {  	[hbm:s12], [sflag:s7] =	dma.local [spmem:s21], $0x800  }
0x41b: {  	_ =	swait.ge [sflag:s14], $0x800  }
0x41c: {  	s23 =	sld [smem:$0x7FB]  }
0x41d: {  	[sflag:s14] =	ssyncset.done $0x0  }
0x41e: {  	s22 =	rddreg [dreg:$0xc];
	[sflag:s14] =	ssyncadd.s32 $0xFFFFF800  }
0x41f: {  	[hbm:s22], [sflag:s7] =	dma.local [spmem:s23], $0x800  }
0x420: {  	_ =	swait.ge [sflag:s14], $0x800  }
0x421: {  	s28 =	simm.s32 $0xB00;
	s29 =	simm.s32 $0x400;
	s25 =	sld [smem:$0x7FC]  }
0x422: {  	s30 =	simm.s32 $0xB80;
	s0 =	simm.s32 $0x480;
	[sflag:s14] =	ssyncset.done $0x0  }
0x423: {  	s11 =	simm.s32 $0x900;
	s24 =	rddreg [dreg:$0xd];
	[sflag:s14] =	ssyncadd.s32 $0xFFFFF800  }
0x424: {  	[hbm:s24], [sflag:s7] =	dma.local [spmem:s25], $0x800  }
0x425: {  	s12 =	simm.s32 $0x200;
	s21 =	simm.s32 $0x980;
	_ =	swait.ge [sflag:s14], $0x800  }
.Ltmp6:
0x426: {  	s22 =	simm.s32 $0x280;
	s31 =	sld [smem:$0x7FD];
	(pc) =	sbr.rel .LBB2_8-.Ltmp6, $4  }
0x427: {  	s23 =	simm.s32 $0xA00;
	s24 =	simm.s32 $0x300;
	[sflag:s14] =	ssyncset.done $0x0  }
0x428: {  	s25 =	simm.s32 $0xA80;
	s26 =	rddreg [dreg:$0xe];
	[sflag:s14] =	ssyncadd.s32 $0xFFFFF800  }
0x429: {  	[hbm:s26], [sflag:s7] =	dma.local [spmem:s31], $0x800  }
0x42a: {  	s7 =	simm.s32 $0x180;
	s26 =	simm.s32 $0x380;
	s6 =	rddreg [dreg:$0x1d]  }
.LBB2_9:
0x42b: {  	_ =	sfence.sel $0x180000  }
0x42c: {  	[bflag:$0x0] =	sbarrier.arrive $0xFFFF  }
0x42d: {  	_ =	strace $0x9000004A  }
0x42e: {  	s0 =	stileid.u32;
	[bflag:$0x2] =	sbarrier.arrive $0xFFFF  }
0x42f: {  	p0 =	sne.s32 s0, $0x0;
	s0 =	rddreg [dreg:$0x2]  }
0x430: {  	s0 =	sadd.s32 @!p0 $0x100000, s0  }
0x431: {  	[sflag:s0] =	ssyncadd.tile.s32 @!p0 $0x1;
	_ =	shalt  }
.Lfunc_end2:
_tile_overlayer_lowered:
.L_overlay_start_2:
0x432: {  	(tag) =	ssettag $0x2  }
0x433: {  	s0 =	rddreg [dreg:$0x0];
	s2 =	stileid.u32  }
0x434: {  	s1 =	rddreg [dreg:$0x1];
	p0 =	sne.s32 s2, $0x0  }
0x435: {  	s3 =	rddreg [dreg:$0x2];
	[bflag:$0x3] =	sbarrier.arrive $0xFFFF;
	s2 =	simm.s32 @!p0 $0x1C03  }
0x436: {  	[timem:s3], [sflag:s2] =	dma.local @!p0 [hbm:s0], s1  }
0x437: {  	s0 =	simm.s32 @!p0 $0x3  }
0x438: {  	_ =	swait.ge @!p0 [sflag:s0], s1  }
0x439: {  	s1 =	ssub.s32 @!p0 $0x0, s1;
	[sflag:s0] =	ssyncset.done @!p0 $0x0  }
0x43a: {  	[sflag:s0] =	ssyncadd.s32 @!p0 s1  }
0x43b: {  	[bflag:$0x3] =	sbarrier.arrive $0xFFFF  }
0x43c: {  	_ =	shalt  }

</sc_bundles>
